<compile_context>
chip_gen: v7x
topology: tpu7x:2x2x1
jax: 0.10.2.dev20260603
libtpu: 0.0.44.dev20260713+nightly
codegen_flags: <defaults>
</compile_context>

<pallas_src>
import functools

import jax
import jax.numpy as jnp
from jax import lax
from jax.experimental import pallas as pl
from jax.experimental.pallas import tpu as pltpu
from jax.experimental.pallas import tpu_sc as plsc

_VOCAB = 1000000
_MAXLEN = 200
_EMBED = 64
_BATCH = 1024

_INFO = plsc.get_sparse_core_info()
_NC, _NS, _L = _INFO.num_cores, _INFO.num_subcores, _INFO.num_lanes
_NW = _NC * _NS
_GPB = 8
_NB = 4
_UPW = _MAXLEN * 8 // _NW
_ROUNDS = 12
_FT = _VOCAB // 128
_FROUNDS = (_FT // _NW + 2 + 3) // 4
_TAIL0 = _FT * 128
_PTAIL = _TAIL0 // 2


def _fmt_body(tokT_hbm, tail_hbm, outP_hbm, fbufs, pbufs, tb, fsem, psem):
    wid = lax.axis_index("s") * _NC + lax.axis_index("c")
    iot = lax.iota(jnp.int32, _L)

    def in_copy(c, slot):
        return pltpu.make_async_copy(
            tokT_hbm.at[:, pl.ds(c * 128, 128)], fbufs[slot], fsem.at[slot])

    def out_copy(c, slot):
        return pltpu.make_async_copy(
            pbufs[slot], outP_hbm.at[pl.ds(c * 64, 64)], psem.at[slot])

    def transpose(slot):
        fbuf = fbufs[slot]
        pbuf = pbufs[slot]

        @plsc.parallel_loop(0, _L, unroll=8)
        def _d(d):
            rot = jnp.bitwise_and(iot + d, _L - 1)
            for R0 in range(0, 64, _L):
                rr = rot + R0
                for g in range(_GPB):
                    row_idx = iot + 16 * (g & 3)
                    col_idx = 2 * rr + (g >> 2)
                    vals = plsc.load_gather(fbuf, [row_idx, col_idx])
                    plsc.store_scatter(pbuf, [rr, iot + 16 * g], vals)

    for j in range(4):
        in_copy(wid + j * _NW, j).start()

    def round_body(i, carry):
        for slot in range(4):
            c = wid + (4 * i + slot) * _NW

            @pl.when(c < _FT)
            def _():
                in_copy(c, slot).wait()

                @pl.when(i >= 1)
                def _():
                    out_copy(c - 4 * _NW, slot).wait()

                transpose(slot)
                out_copy(c, slot).start()

                @pl.when(c + 4 * _NW < _FT)
                def _():
                    in_copy(c + 4 * _NW, slot).start()
        return carry

    lax.fori_loop(0, _FROUNDS, round_body, 0)

    for j in range(4):
        out_copy(0, j).wait()

    @pl.when(wid == _NW - 1)
    def _():
        pltpu.sync_copy(tail_hbm, tb)

        @plsc.parallel_loop(0, 32)
        def _r(r):
            for g in range(_GPB):
                pbufs[0][r, pl.ds(16 * g, _L)] = (
                    tb[2 * r + (g >> 2), pl.ds(16 * (g & 3), _L)])

        pltpu.sync_copy(pbufs[0].at[pl.ds(0, 32), :],
                        outP_hbm.at[pl.ds(_PTAIL, 32)])


@jax.jit
def _fmt(tokT, tail):
    mesh = plsc.VectorSubcoreMesh(core_axis_name="c", subcore_axis_name="s")

    def wrapped(tokT_hbm, tail_hbm, outP_hbm, fb0, fb1, fb2, fb3,
                pb0, pb1, pb2, pb3, tb, fsem, psem):
        _fmt_body(tokT_hbm, tail_hbm, outP_hbm, (fb0, fb1, fb2, fb3),
                  (pb0, pb1, pb2, pb3), tb, fsem, psem)

    k = functools.partial(
        pl.kernel,
        mesh=mesh,
        out_type=jax.ShapeDtypeStruct((_VOCAB // 2, 128), jnp.float32),
        scratch_types=[
            pltpu.VMEM((_EMBED, 128), jnp.float32),
            pltpu.VMEM((_EMBED, 128), jnp.float32),
            pltpu.VMEM((_EMBED, 128), jnp.float32),
            pltpu.VMEM((_EMBED, 128), jnp.float32),
            pltpu.VMEM((_EMBED, 128), jnp.float32),
            pltpu.VMEM((_EMBED, 128), jnp.float32),
            pltpu.VMEM((_EMBED, 128), jnp.float32),
            pltpu.VMEM((_EMBED, 128), jnp.float32),
            pltpu.VMEM((_EMBED, _EMBED), jnp.float32),
            pltpu.SemaphoreType.DMA((4,)),
            pltpu.SemaphoreType.DMA((4,)),
        ],
        compiler_params=pltpu.CompilerParams(
            needs_layout_passes=False, use_tc_tiling_on_sc=True),
    )(wrapped)
    return k(tokT, tail)


def _run_body(xt_hbm, tok_hbm, pos_hbm, out_hbm,
              pos_v, ids_v, idx_v, par_v, bufs, slabs, isem, gsem, osem):
    wid = lax.axis_index("s") * _NC + lax.axis_index("c")
    ubase = wid * _UPW

    pltpu.sync_copy(pos_hbm, pos_v)

    def i_copy(ul, slot):
        return pltpu.make_async_copy(
            xt_hbm.at[pl.ds((ubase + ul) * 128, 128)],
            ids_v.at[slot], isem.at[slot])

    def prep(slot):
        for g in range(_GPB):
            sl = pl.ds(g * _L, _L)
            ids = ids_v[slot, sl]
            idx_v[slot, sl] = lax.shift_right_logical(ids, 1)
            par_v[slot, sl] = lax.shift_left(jnp.bitwise_and(ids, 1), 6)

    def g_copy(ul, slot):
        return pltpu.make_async_copy(
            tok_hbm.at[idx_v.at[slot]], bufs[slot], gsem.at[slot])

    def o_copy(ul, sslot):
        u = ubase + ul
        s = u >> 3
        bb = u & 7
        return pltpu.make_async_copy(
            slabs[sslot], out_hbm.at[s, :, pl.ds(bb * 128, 128)],
            osem.at[sslot])

    def transpose_add(ul, slot, sslot):
        u = ubase + ul
        s = u >> 3
        buf = bufs[slot]
        slab = slabs[sslot]
        zs = jnp.zeros((_L,), jnp.int32)
        iot = lax.iota(jnp.int32, _L)
        pars = [par_v[slot, pl.ds(g * _L, _L)] for g in range(_GPB)]

        @plsc.parallel_loop(0, _L, unroll=4)
        def _diag(d):
            rot = jnp.bitwise_and(iot + d, _L - 1)
            for E0 in range(0, _EMBED, _L):
                e_lanes = rot + E0
                p = plsc.load_gather(pos_v, [zs + s, e_lanes])
                for g in range(_GPB):
                    row_idx = iot + g * _L
                    col_idx = pars[g] + e_lanes
                    vals = plsc.load_gather(buf, [row_idx, col_idx])
                    plsc.store_scatter(slab, [e_lanes, row_idx], vals + p)

    for j in range(_NB):
        i_copy(j, j).start()
        i_copy(j, j).wait()
        prep(j)
        g_copy(j, j).start()
        i_copy(j + _NB, j).start()

    def step(i, j):
        ul = i * _NB + j
        g_copy(ul, j).wait()

        @pl.when(ul >= 2)
        def _():
            o_copy(ul - 2, j % 2).wait()

        transpose_add(ul, j, j % 2)
        o_copy(ul, j % 2).start()

        @pl.when(ul + _NB < _UPW)
        def _():
            i_copy(ul + _NB, j).wait()
            prep(j)
            g_copy(ul + _NB, j).start()

            @pl.when(ul + 2 * _NB < _UPW)
            def _():
                i_copy(ul + 2 * _NB, j).start()

    def round_body(i, carry):
        for j in range(_NB):
            step(i, j)
        return carry

    lax.fori_loop(0, _ROUNDS, round_body, 0)

    for j in range(2):
        step(_ROUNDS, j)

    o_copy(_UPW - 2, 0).wait()
    o_copy(_UPW - 1, 1).wait()


@jax.jit
def _run(xt_flat, tok_r, pos_e):
    mesh = plsc.VectorSubcoreMesh(core_axis_name="c", subcore_axis_name="s")

    def wrapped(xt_hbm, tok_hbm, pos_hbm, out_hbm, pos_v, ids_v, idx_v,
                par_v, b0, b1, b2, b3, s0, s1, isem, gsem, osem):
        _run_body(xt_hbm, tok_hbm, pos_hbm, out_hbm, pos_v, ids_v, idx_v,
                  par_v, (b0, b1, b2, b3), (s0, s1), isem, gsem, osem)

    k = functools.partial(
        pl.kernel,
        mesh=mesh,
        out_type=jax.ShapeDtypeStruct((_MAXLEN, _EMBED, _BATCH), jnp.float32),
        scratch_types=[
            pltpu.VMEM((_MAXLEN, _EMBED), jnp.float32),
            pltpu.VMEM((_NB, 128), jnp.int32),
            pltpu.VMEM((_NB, 128), jnp.int32),
            pltpu.VMEM((_NB, 128), jnp.int32),
            pltpu.VMEM((128, 128), jnp.float32),
            pltpu.VMEM((128, 128), jnp.float32),
            pltpu.VMEM((128, 128), jnp.float32),
            pltpu.VMEM((128, 128), jnp.float32),
            pltpu.VMEM((_EMBED, 128), jnp.float32),
            pltpu.VMEM((_EMBED, 128), jnp.float32),
            pltpu.SemaphoreType.DMA((_NB,)),
            pltpu.SemaphoreType.DMA((_NB,)),
            pltpu.SemaphoreType.DMA((2,)),
        ],
        compiler_params=pltpu.CompilerParams(
            needs_layout_passes=False, use_tc_tiling_on_sc=True),
    )(wrapped)
    return k(xt_flat, tok_r, pos_e)


def kernel(x, token_emb, pos_emb):
    xt_flat = x.T.reshape(-1).astype(jnp.int32)
    tok_r = _fmt(token_emb.T, token_emb[_TAIL0:, :])
    out6 = _run(xt_flat, tok_r, pos_emb)
    return out6.transpose(2, 0, 1)

# --- scband reference (transcript-rebuilt; emitter-appended) ---
"""Pipeline reference for scband-token-and-position-embedding-18700287607195 (READ-ONLY COPY).

The authoritative reference and input builder live on the scoring server;
editing this copy changes nothing except your own understanding.
"""

import jax, jax.numpy as jnp
import numpy as np

VOCAB = 1000000
MAXLEN = 200
EMBED = 64
BATCH = 1024

def setup_inputs(seed: int = 0) -> dict:
    key = jax.random.key(seed)
    k1, k2, k3 = jax.random.split(key, 3)
    x = jax.random.randint(k1, (BATCH, MAXLEN), 0, VOCAB, dtype=jnp.int64 if jax.config.jax_enable_x64 else jnp.int32)
    token_emb = jax.random.normal(k2, (VOCAB, EMBED), dtype=jnp.float32) * 0.02
    pos_emb = jax.random.normal(k3, (MAXLEN, EMBED), dtype=jnp.float32) * 0.02
    return {"x": x, "token_emb": token_emb, "pos_emb": pos_emb}

def reference(x, token_emb, pos_emb):
    maxlen = x.shape[-1]
    positions = jnp.arange(0, maxlen)
    pos = jnp.take(pos_emb, positions, axis=0)           # [maxlen, embed]
    tok = jnp.take(token_emb, x, axis=0)                 # [batch, maxlen, embed]
    return tok + pos[None, :, :]

if __name__ == "__main__":
    import jax
    _d = setup_inputs()
    print(jax.jit(kernel)(*tuple(_d.values())))

</pallas_src>

<mosaic_0001>
#map = affine_map<(d0, d1) -> (0, 0)>
module attributes {stable_mosaic.version = 14 : i64} {
  func.func @wrapped(%arg0: i32, %arg1: i32, %arg2: memref<64x1000000xf32, #tpu.memory_space<hbm>>, %arg3: memref<64x64xf32, #tpu.memory_space<hbm>>, %arg4: memref<500000x128xf32, #tpu.memory_space<hbm>>, %arg5: memref<64x128xf32, #tpu.memory_space<vmem>>, %arg6: memref<64x128xf32, #tpu.memory_space<vmem>>, %arg7: memref<64x128xf32, #tpu.memory_space<vmem>>, %arg8: memref<64x128xf32, #tpu.memory_space<vmem>>, %arg9: memref<64x128xf32, #tpu.memory_space<vmem>>, %arg10: memref<64x128xf32, #tpu.memory_space<vmem>>, %arg11: memref<64x128xf32, #tpu.memory_space<vmem>>, %arg12: memref<64x128xf32, #tpu.memory_space<vmem>>, %arg13: memref<64x64xf32, #tpu.memory_space<vmem>>, %arg14: memref<4x!tpu.dma_semaphore, #tpu.memory_space<semaphore_mem>>, %arg15: memref<4x!tpu.dma_semaphore, #tpu.memory_space<semaphore_mem>>) attributes {dimension_semantics = [#tpu.dimension_semantics<core_parallel>, #tpu.dimension_semantics<subcore_parallel>], iteration_bounds = array<i64: 2, 16>, scalar_prefetch = 0 : i64, scratch_operands = 11 : i64, tpu.core_type = #tpu.core_type<sc_vector_subcore>, window_params = [{transform_indices = #map}, {transform_indices = #map}, {transform_indices = #map}]} {
    %mul3A = arith.constant 2 : i32
    %mul3A_0 = arith.muli %arg1, %mul3A : i32
    %add3A = arith.addi %mul3A_0, %arg0 : i32
    %iota3A = tpu.iota {dimensions = array<i32: 0>} : vector<16xi32>
    %add3A_1 = arith.constant 0 : i32
    %add3A_2 = arith.addi %add3A, %add3A_1 : i32
    %mul3A_3 = arith.constant 128 : i32
    %mul3A_4 = arith.muli %add3A_2, %mul3A_3 : i32
    %dma_start3A = arith.constant 0 : i32
    %dma_start3A_5 = arith.constant 0 : i32
    %dma_start3A_6 = tpu.memref_slice %arg2[%dma_start3A_5, %mul3A_4] : memref<64x1000000xf32, #tpu.memory_space<hbm>> -> memref<64x128xf32, #tpu.memory_space<hbm>>
    %dma_start3A_7 = tpu.memref_slice %arg14[%dma_start3A] : memref<4x!tpu.dma_semaphore, #tpu.memory_space<semaphore_mem>> -> memref<1x!tpu.dma_semaphore, #tpu.memory_space<semaphore_mem>>
    %dma_start3A_8 = tpu.memref_squeeze %dma_start3A_7 : memref<1x!tpu.dma_semaphore, #tpu.memory_space<semaphore_mem>> -> memref<!tpu.dma_semaphore, #tpu.memory_space<semaphore_mem>>
    %dma_start3A_9 = arith.constant 0 : i32
    %dma_start3A_10 = tpu.memref_slice %arg2[%dma_start3A_9, %mul3A_4] : memref<64x1000000xf32, #tpu.memory_space<hbm>> -> memref<64x128xf32, #tpu.memory_space<hbm>>
    tpu.enqueue_dma source(%dma_start3A_10 : memref<64x128xf32, #tpu.memory_space<hbm>>) target(%arg5 : memref<64x128xf32, #tpu.memory_space<vmem>>) target_semaphore(%dma_start3A_8 : memref<!tpu.dma_semaphore, #tpu.memory_space<semaphore_mem>>)
    %add3A_11 = arith.constant 32 : i32
    %add3A_12 = arith.addi %add3A, %add3A_11 : i32
    %mul3A_13 = arith.constant 128 : i32
    %mul3A_14 = arith.muli %add3A_12, %mul3A_13 : i32
    %dma_start3A_15 = arith.constant 1 : i32
    %dma_start3A_16 = arith.constant 0 : i32
    %dma_start3A_17 = tpu.memref_slice %arg2[%dma_start3A_16, %mul3A_14] : memref<64x1000000xf32, #tpu.memory_space<hbm>> -> memref<64x128xf32, #tpu.memory_space<hbm>>
    %dma_start3A_18 = tpu.memref_slice %arg14[%dma_start3A_15] : memref<4x!tpu.dma_semaphore, #tpu.memory_space<semaphore_mem>> -> memref<1x!tpu.dma_semaphore, #tpu.memory_space<semaphore_mem>>
    %dma_start3A_19 = tpu.memref_squeeze %dma_start3A_18 : memref<1x!tpu.dma_semaphore, #tpu.memory_space<semaphore_mem>> -> memref<!tpu.dma_semaphore, #tpu.memory_space<semaphore_mem>>
    %dma_start3A_20 = arith.constant 0 : i32
    %dma_start3A_21 = tpu.memref_slice %arg2[%dma_start3A_20, %mul3A_14] : memref<64x1000000xf32, #tpu.memory_space<hbm>> -> memref<64x128xf32, #tpu.memory_space<hbm>>
    tpu.enqueue_dma source(%dma_start3A_21 : memref<64x128xf32, #tpu.memory_space<hbm>>) target(%arg6 : memref<64x128xf32, #tpu.memory_space<vmem>>) target_semaphore(%dma_start3A_19 : memref<!tpu.dma_semaphore, #tpu.memory_space<semaphore_mem>>)
    %add3A_22 = arith.constant 64 : i32
    %add3A_23 = arith.addi %add3A, %add3A_22 : i32
    %mul3A_24 = arith.constant 128 : i32
    %mul3A_25 = arith.muli %add3A_23, %mul3A_24 : i32
    %dma_start3A_26 = arith.constant 2 : i32
    %dma_start3A_27 = arith.constant 0 : i32
    %dma_start3A_28 = tpu.memref_slice %arg2[%dma_start3A_27, %mul3A_25] : memref<64x1000000xf32, #tpu.memory_space<hbm>> -> memref<64x128xf32, #tpu.memory_space<hbm>>
    %dma_start3A_29 = tpu.memref_slice %arg14[%dma_start3A_26] : memref<4x!tpu.dma_semaphore, #tpu.memory_space<semaphore_mem>> -> memref<1x!tpu.dma_semaphore, #tpu.memory_space<semaphore_mem>>
    %dma_start3A_30 = tpu.memref_squeeze %dma_start3A_29 : memref<1x!tpu.dma_semaphore, #tpu.memory_space<semaphore_mem>> -> memref<!tpu.dma_semaphore, #tpu.memory_space<semaphore_mem>>
    %dma_start3A_31 = arith.constant 0 : i32
    %dma_start3A_32 = tpu.memref_slice %arg2[%dma_start3A_31, %mul3A_25] : memref<64x1000000xf32, #tpu.memory_space<hbm>> -> memref<64x128xf32, #tpu.memory_space<hbm>>
    tpu.enqueue_dma source(%dma_start3A_32 : memref<64x128xf32, #tpu.memory_space<hbm>>) target(%arg7 : memref<64x128xf32, #tpu.memory_space<vmem>>) target_semaphore(%dma_start3A_30 : memref<!tpu.dma_semaphore, #tpu.memory_space<semaphore_mem>>)
    %add3A_33 = arith.constant 96 : i32
    %add3A_34 = arith.addi %add3A, %add3A_33 : i32
    %mul3A_35 = arith.constant 128 : i32
    %mul3A_36 = arith.muli %add3A_34, %mul3A_35 : i32
    %dma_start3A_37 = arith.constant 3 : i32
    %dma_start3A_38 = arith.constant 0 : i32
    %dma_start3A_39 = tpu.memref_slice %arg2[%dma_start3A_38, %mul3A_36] : memref<64x1000000xf32, #tpu.memory_space<hbm>> -> memref<64x128xf32, #tpu.memory_space<hbm>>
    %dma_start3A_40 = tpu.memref_slice %arg14[%dma_start3A_37] : memref<4x!tpu.dma_semaphore, #tpu.memory_space<semaphore_mem>> -> memref<1x!tpu.dma_semaphore, #tpu.memory_space<semaphore_mem>>
    %dma_start3A_41 = tpu.memref_squeeze %dma_start3A_40 : memref<1x!tpu.dma_semaphore, #tpu.memory_space<semaphore_mem>> -> memref<!tpu.dma_semaphore, #tpu.memory_space<semaphore_mem>>
    %dma_start3A_42 = arith.constant 0 : i32
    %dma_start3A_43 = tpu.memref_slice %arg2[%dma_start3A_42, %mul3A_36] : memref<64x1000000xf32, #tpu.memory_space<hbm>> -> memref<64x128xf32, #tpu.memory_space<hbm>>
    tpu.enqueue_dma source(%dma_start3A_43 : memref<64x128xf32, #tpu.memory_space<hbm>>) target(%arg8 : memref<64x128xf32, #tpu.memory_space<vmem>>) target_semaphore(%dma_start3A_41 : memref<!tpu.dma_semaphore, #tpu.memory_space<semaphore_mem>>)
    %scan3A = arith.constant 0 : i32
    %scan3A_44 = arith.constant 0 : i32
    %scan3A_45 = arith.constant 62 : i32
    %scan3A_46 = arith.addi %scan3A_44, %scan3A_45 : i32
    %scan3A_47 = arith.constant 1 : i32
    scf.for %scan3A_86 = %scan3A_44 to %scan3A_46 step %scan3A_47  : i32 {
      %mul3A_87 = arith.constant 4 : i32
      %mul3A_88 = arith.muli %mul3A_87, %scan3A_86 : i32
      %add3A_89 = arith.constant 0 : i32
      %add3A_90 = arith.addi %mul3A_88, %add3A_89 : i32
      %mul3A_91 = arith.constant 32 : i32
      %mul3A_92 = arith.muli %add3A_90, %mul3A_91 : i32
      %add3A_93 = arith.addi %add3A, %mul3A_92 : i32
      %lt3A = arith.constant 7812 : i32
      %lt3A_94 = arith.cmpi slt, %add3A_93, %lt3A : i32
      %convert_element_type3A_95 = arith.extui %lt3A_94 : i1 to i32
      %cond3A_96 = arith.constant 0 : i32
      %cond3A_97 = arith.cmpi ne, %convert_element_type3A_95, %cond3A_96 : i32
      scf.if %cond3A_97 {
        %mul3A_134 = arith.constant 128 : i32
        %mul3A_135 = arith.muli %add3A_93, %mul3A_134 : i32
        %dma_wait3A_136 = arith.constant 0 : i32
        %dma_wait3A_137 = arith.constant 0 : i32
        %dma_wait3A_138 = tpu.memref_slice %arg2[%dma_wait3A_137, %mul3A_135] : memref<64x1000000xf32, #tpu.memory_space<hbm>> -> memref<64x128xf32, #tpu.memory_space<hbm>>
        %dma_wait3A_139 = tpu.memref_slice %arg14[%dma_wait3A_136] : memref<4x!tpu.dma_semaphore, #tpu.memory_space<semaphore_mem>> -> memref<1x!tpu.dma_semaphore, #tpu.memory_space<semaphore_mem>>
        %dma_wait3A_140 = tpu.memref_squeeze %dma_wait3A_139 : memref<1x!tpu.dma_semaphore, #tpu.memory_space<semaphore_mem>> -> memref<!tpu.dma_semaphore, #tpu.memory_space<semaphore_mem>>
        %dma_wait3A_141 = arith.constant 0 : i32
        %dma_wait3A_142 = tpu.memref_slice %arg2[%dma_wait3A_141, %mul3A_135] : memref<64x1000000xf32, #tpu.memory_space<hbm>> -> memref<64x128xf32, #tpu.memory_space<hbm>>
        tpu.wait_dma2 semaphore(%dma_wait3A_140 : memref<!tpu.dma_semaphore, #tpu.memory_space<semaphore_mem>>) src(%dma_wait3A_142 : memref<64x128xf32, #tpu.memory_space<hbm>>) dst(%arg5 : memref<64x128xf32, #tpu.memory_space<vmem>>)
        %ge3A = arith.constant 1 : i32
        %ge3A_143 = arith.cmpi sge, %scan3A_86, %ge3A : i32
        %convert_element_type3A_144 = arith.extui %ge3A_143 : i1 to i32
        %cond3A_145 = arith.constant 0 : i32
        %cond3A_146 = arith.cmpi ne, %convert_element_type3A_144, %cond3A_145 : i32
        scf.if %cond3A_146 {
          %sub3A = arith.constant 128 : i32
          %sub3A_165 = arith.subi %add3A_93, %sub3A : i32
          %mul3A_166 = arith.constant 64 : i32
          %mul3A_167 = arith.muli %sub3A_165, %mul3A_166 : i32
          %dma_wait3A_168 = arith.constant 0 : i32
          %dma_wait3A_169 = arith.constant 0 : i32
          %dma_wait3A_170 = tpu.memref_slice %arg4[%mul3A_167, %dma_wait3A_169] : memref<500000x128xf32, #tpu.memory_space<hbm>> -> memref<64x128xf32, #tpu.memory_space<hbm>>
          %dma_wait3A_171 = tpu.memref_slice %arg15[%dma_wait3A_168] : memref<4x!tpu.dma_semaphore, #tpu.memory_space<semaphore_mem>> -> memref<1x!tpu.dma_semaphore, #tpu.memory_space<semaphore_mem>>
          %dma_wait3A_172 = tpu.memref_squeeze %dma_wait3A_171 : memref<1x!tpu.dma_semaphore, #tpu.memory_space<semaphore_mem>> -> memref<!tpu.dma_semaphore, #tpu.memory_space<semaphore_mem>>
          %dma_wait3A_173 = arith.constant 0 : i32
          %dma_wait3A_174 = tpu.memref_slice %arg4[%mul3A_167, %dma_wait3A_173] : memref<500000x128xf32, #tpu.memory_space<hbm>> -> memref<64x128xf32, #tpu.memory_space<hbm>>
          tpu.wait_dma2 semaphore(%dma_wait3A_172 : memref<!tpu.dma_semaphore, #tpu.memory_space<semaphore_mem>>) src(%arg9 : memref<64x128xf32, #tpu.memory_space<vmem>>) dst(%dma_wait3A_174 : memref<64x128xf32, #tpu.memory_space<hbm>>)
        } else {
        }
        %parallel_loop3A = arith.constant 0 : i32
        %parallel_loop3A_147 = arith.constant 16 : i32
        %parallel_loop3A_148 = arith.constant 1 : i32
        scf.for %parallel_loop3A_165 = %parallel_loop3A to %parallel_loop3A_147 step %parallel_loop3A_148  : i32 {
          %parallel_loop3A_166 = vector.broadcast %parallel_loop3A_165 : i32 to vector<16xi32>
          %parallel_loop3A_167 = arith.addi %iota3A, %parallel_loop3A_166 : vector<16xi32>
          %parallel_loop3A_168 = arith.constant 15 : i32
          %parallel_loop3A_169 = vector.broadcast %parallel_loop3A_168 : i32 to vector<16xi32>
          %parallel_loop3A_170 = arith.andi %parallel_loop3A_167, %parallel_loop3A_169 : vector<16xi32>
          %parallel_loop3A_171 = arith.constant 0 : i32
          %parallel_loop3A_172 = vector.broadcast %parallel_loop3A_171 : i32 to vector<16xi32>
          %parallel_loop3A_173 = arith.addi %parallel_loop3A_170, %parallel_loop3A_172 : vector<16xi32>
          %parallel_loop3A_174 = arith.constant 0 : i32
          %parallel_loop3A_175 = vector.broadcast %parallel_loop3A_174 : i32 to vector<16xi32>
          %parallel_loop3A_176 = arith.addi %iota3A, %parallel_loop3A_175 : vector<16xi32>
          %parallel_loop3A_177 = arith.constant 2 : i32
          %parallel_loop3A_178 = vector.broadcast %parallel_loop3A_177 : i32 to vector<16xi32>
          %parallel_loop3A_179 = arith.muli %parallel_loop3A_178, %parallel_loop3A_173 : vector<16xi32>
          %parallel_loop3A_180 = arith.constant 0 : i32
          %parallel_loop3A_181 = vector.broadcast %parallel_loop3A_180 : i32 to vector<16xi32>
          %parallel_loop3A_182 = arith.addi %parallel_loop3A_179, %parallel_loop3A_181 : vector<16xi32>
          %parallel_loop3A_183 = tpu.vector_load_idx %arg5[%parallel_loop3A_176, %parallel_loop3A_182] : memref<64x128xf32, #tpu.memory_space<vmem>>[vector<16xi32>, vector<16xi32>], vector<16xf32>,
          %parallel_loop3A_184 = arith.constant 0 : i32
          %parallel_loop3A_185 = vector.broadcast %parallel_loop3A_184 : i32 to vector<16xi32>
          %parallel_loop3A_186 = arith.addi %iota3A, %parallel_loop3A_185 : vector<16xi32>
          tpu.vector_store_idx %arg9[%parallel_loop3A_173, %parallel_loop3A_186], %parallel_loop3A_183 : memref<64x128xf32, #tpu.memory_space<vmem>>[vector<16xi32>, vector<16xi32>], vector<16xf32>,
          %parallel_loop3A_187 = arith.constant 16 : i32
          %parallel_loop3A_188 = vector.broadcast %parallel_loop3A_187 : i32 to vector<16xi32>
          %parallel_loop3A_189 = arith.addi %iota3A, %parallel_loop3A_188 : vector<16xi32>
          %parallel_loop3A_190 = arith.constant 2 : i32
          %parallel_loop3A_191 = vector.broadcast %parallel_loop3A_190 : i32 to vector<16xi32>
          %parallel_loop3A_192 = arith.muli %parallel_loop3A_191, %parallel_loop3A_173 : vector<16xi32>
          %parallel_loop3A_193 = arith.constant 0 : i32
          %parallel_loop3A_194 = vector.broadcast %parallel_loop3A_193 : i32 to vector<16xi32>
          %parallel_loop3A_195 = arith.addi %parallel_loop3A_192, %parallel_loop3A_194 : vector<16xi32>
          %parallel_loop3A_196 = tpu.vector_load_idx %arg5[%parallel_loop3A_189, %parallel_loop3A_195] : memref<64x128xf32, #tpu.memory_space<vmem>>[vector<16xi32>, vector<16xi32>], vector<16xf32>,
          %parallel_loop3A_197 = arith.constant 16 : i32
          %parallel_loop3A_198 = vector.broadcast %parallel_loop3A_197 : i32 to vector<16xi32>
          %parallel_loop3A_199 = arith.addi %iota3A, %parallel_loop3A_198 : vector<16xi32>
          tpu.vector_store_idx %arg9[%parallel_loop3A_173, %parallel_loop3A_199], %parallel_loop3A_196 : memref<64x128xf32, #tpu.memory_space<vmem>>[vector<16xi32>, vector<16xi32>], vector<16xf32>,
          %parallel_loop3A_200 = arith.constant 32 : i32
          %parallel_loop3A_201 = vector.broadcast %parallel_loop3A_200 : i32 to vector<16xi32>
          %parallel_loop3A_202 = arith.addi %iota3A, %parallel_loop3A_201 : vector<16xi32>
          %parallel_loop3A_203 = arith.constant 2 : i32
          %parallel_loop3A_204 = vector.broadcast %parallel_loop3A_203 : i32 to vector<16xi32>
          %parallel_loop3A_205 = arith.muli %parallel_loop3A_204, %parallel_loop3A_173 : vector<16xi32>
          %parallel_loop3A_206 = arith.constant 0 : i32
          %parallel_loop3A_207 = vector.broadcast %parallel_loop3A_206 : i32 to vector<16xi32>
          %parallel_loop3A_208 = arith.addi %parallel_loop3A_205, %parallel_loop3A_207 : vector<16xi32>
          %parallel_loop3A_209 = tpu.vector_load_idx %arg5[%parallel_loop3A_202, %parallel_loop3A_208] : memref<64x128xf32, #tpu.memory_space<vmem>>[vector<16xi32>, vector<16xi32>], vector<16xf32>,
          %parallel_loop3A_210 = arith.constant 32 : i32
          %parallel_loop3A_211 = vector.broadcast %parallel_loop3A_210 : i32 to vector<16xi32>
          %parallel_loop3A_212 = arith.addi %iota3A, %parallel_loop3A_211 : vector<16xi32>
          tpu.vector_store_idx %arg9[%parallel_loop3A_173, %parallel_loop3A_212], %parallel_loop3A_209 : memref<64x128xf32, #tpu.memory_space<vmem>>[vector<16xi32>, vector<16xi32>], vector<16xf32>,
          %parallel_loop3A_213 = arith.constant 48 : i32
          %parallel_loop3A_214 = vector.broadcast %parallel_loop3A_213 : i32 to vector<16xi32>
          %parallel_loop3A_215 = arith.addi %iota3A, %parallel_loop3A_214 : vector<16xi32>
          %parallel_loop3A_216 = arith.constant 2 : i32
          %parallel_loop3A_217 = vector.broadcast %parallel_loop3A_216 : i32 to vector<16xi32>
          %parallel_loop3A_218 = arith.muli %parallel_loop3A_217, %parallel_loop3A_173 : vector<16xi32>
          %parallel_loop3A_219 = arith.constant 0 : i32
          %parallel_loop3A_220 = vector.broadcast %parallel_loop3A_219 : i32 to vector<16xi32>
          %parallel_loop3A_221 = arith.addi %parallel_loop3A_218, %parallel_loop3A_220 : vector<16xi32>
          %parallel_loop3A_222 = tpu.vector_load_idx %arg5[%parallel_loop3A_215, %parallel_loop3A_221] : memref<64x128xf32, #tpu.memory_space<vmem>>[vector<16xi32>, vector<16xi32>], vector<16xf32>,
          %parallel_loop3A_223 = arith.constant 48 : i32
          %parallel_loop3A_224 = vector.broadcast %parallel_loop3A_223 : i32 to vector<16xi32>
          %parallel_loop3A_225 = arith.addi %iota3A, %parallel_loop3A_224 : vector<16xi32>
          tpu.vector_store_idx %arg9[%parallel_loop3A_173, %parallel_loop3A_225], %parallel_loop3A_222 : memref<64x128xf32, #tpu.memory_space<vmem>>[vector<16xi32>, vector<16xi32>], vector<16xf32>,
          %parallel_loop3A_226 = arith.constant 0 : i32
          %parallel_loop3A_227 = vector.broadcast %parallel_loop3A_226 : i32 to vector<16xi32>
          %parallel_loop3A_228 = arith.addi %iota3A, %parallel_loop3A_227 : vector<16xi32>
          %parallel_loop3A_229 = arith.constant 2 : i32
          %parallel_loop3A_230 = vector.broadcast %parallel_loop3A_229 : i32 to vector<16xi32>
          %parallel_loop3A_231 = arith.muli %parallel_loop3A_230, %parallel_loop3A_173 : vector<16xi32>
          %parallel_loop3A_232 = arith.constant 1 : i32
          %parallel_loop3A_233 = vector.broadcast %parallel_loop3A_232 : i32 to vector<16xi32>
          %parallel_loop3A_234 = arith.addi %parallel_loop3A_231, %parallel_loop3A_233 : vector<16xi32>
          %parallel_loop3A_235 = tpu.vector_load_idx %arg5[%parallel_loop3A_228, %parallel_loop3A_234] : memref<64x128xf32, #tpu.memory_space<vmem>>[vector<16xi32>, vector<16xi32>], vector<16xf32>,
          %parallel_loop3A_236 = arith.constant 64 : i32
          %parallel_loop3A_237 = vector.broadcast %parallel_loop3A_236 : i32 to vector<16xi32>
          %parallel_loop3A_238 = arith.addi %iota3A, %parallel_loop3A_237 : vector<16xi32>
          tpu.vector_store_idx %arg9[%parallel_loop3A_173, %parallel_loop3A_238], %parallel_loop3A_235 : memref<64x128xf32, #tpu.memory_space<vmem>>[vector<16xi32>, vector<16xi32>], vector<16xf32>,
          %parallel_loop3A_239 = arith.constant 16 : i32
          %parallel_loop3A_240 = vector.broadcast %parallel_loop3A_239 : i32 to vector<16xi32>
          %parallel_loop3A_241 = arith.addi %iota3A, %parallel_loop3A_240 : vector<16xi32>
          %parallel_loop3A_242 = arith.constant 2 : i32
          %parallel_loop3A_243 = vector.broadcast %parallel_loop3A_242 : i32 to vector<16xi32>
          %parallel_loop3A_244 = arith.muli %parallel_loop3A_243, %parallel_loop3A_173 : vector<16xi32>
          %parallel_loop3A_245 = arith.constant 1 : i32
          %parallel_loop3A_246 = vector.broadcast %parallel_loop3A_245 : i32 to vector<16xi32>
          %parallel_loop3A_247 = arith.addi %parallel_loop3A_244, %parallel_loop3A_246 : vector<16xi32>
          %parallel_loop3A_248 = tpu.vector_load_idx %arg5[%parallel_loop3A_241, %parallel_loop3A_247] : memref<64x128xf32, #tpu.memory_space<vmem>>[vector<16xi32>, vector<16xi32>], vector<16xf32>,
          %parallel_loop3A_249 = arith.constant 80 : i32
          %parallel_loop3A_250 = vector.broadcast %parallel_loop3A_249 : i32 to vector<16xi32>
          %parallel_loop3A_251 = arith.addi %iota3A, %parallel_loop3A_250 : vector<16xi32>
          tpu.vector_store_idx %arg9[%parallel_loop3A_173, %parallel_loop3A_251], %parallel_loop3A_248 : memref<64x128xf32, #tpu.memory_space<vmem>>[vector<16xi32>, vector<16xi32>], vector<16xf32>,
          %parallel_loop3A_252 = arith.constant 32 : i32
          %parallel_loop3A_253 = vector.broadcast %parallel_loop3A_252 : i32 to vector<16xi32>
          %parallel_loop3A_254 = arith.addi %iota3A, %parallel_loop3A_253 : vector<16xi32>
          %parallel_loop3A_255 = arith.constant 2 : i32
          %parallel_loop3A_256 = vector.broadcast %parallel_loop3A_255 : i32 to vector<16xi32>
          %parallel_loop3A_257 = arith.muli %parallel_loop3A_256, %parallel_loop3A_173 : vector<16xi32>
          %parallel_loop3A_258 = arith.constant 1 : i32
          %parallel_loop3A_259 = vector.broadcast %parallel_loop3A_258 : i32 to vector<16xi32>
          %parallel_loop3A_260 = arith.addi %parallel_loop3A_257, %parallel_loop3A_259 : vector<16xi32>
          %parallel_loop3A_261 = tpu.vector_load_idx %arg5[%parallel_loop3A_254, %parallel_loop3A_260] : memref<64x128xf32, #tpu.memory_space<vmem>>[vector<16xi32>, vector<16xi32>], vector<16xf32>,
          %parallel_loop3A_262 = arith.constant 96 : i32
          %parallel_loop3A_263 = vector.broadcast %parallel_loop3A_262 : i32 to vector<16xi32>
          %parallel_loop3A_264 = arith.addi %iota3A, %parallel_loop3A_263 : vector<16xi32>
          tpu.vector_store_idx %arg9[%parallel_loop3A_173, %parallel_loop3A_264], %parallel_loop3A_261 : memref<64x128xf32, #tpu.memory_space<vmem>>[vector<16xi32>, vector<16xi32>], vector<16xf32>,
          %parallel_loop3A_265 = arith.constant 48 : i32
          %parallel_loop3A_266 = vector.broadcast %parallel_loop3A_265 : i32 to vector<16xi32>
          %parallel_loop3A_267 = arith.addi %iota3A, %parallel_loop3A_266 : vector<16xi32>
          %parallel_loop3A_268 = arith.constant 2 : i32
          %parallel_loop3A_269 = vector.broadcast %parallel_loop3A_268 : i32 to vector<16xi32>
          %parallel_loop3A_270 = arith.muli %parallel_loop3A_269, %parallel_loop3A_173 : vector<16xi32>
          %parallel_loop3A_271 = arith.constant 1 : i32
          %parallel_loop3A_272 = vector.broadcast %parallel_loop3A_271 : i32 to vector<16xi32>
          %parallel_loop3A_273 = arith.addi %parallel_loop3A_270, %parallel_loop3A_272 : vector<16xi32>
          %parallel_loop3A_274 = tpu.vector_load_idx %arg5[%parallel_loop3A_267, %parallel_loop3A_273] : memref<64x128xf32, #tpu.memory_space<vmem>>[vector<16xi32>, vector<16xi32>], vector<16xf32>,
          %parallel_loop3A_275 = arith.constant 112 : i32
          %parallel_loop3A_276 = vector.broadcast %parallel_loop3A_275 : i32 to vector<16xi32>
          %parallel_loop3A_277 = arith.addi %iota3A, %parallel_loop3A_276 : vector<16xi32>
          tpu.vector_store_idx %arg9[%parallel_loop3A_173, %parallel_loop3A_277], %parallel_loop3A_274 : memref<64x128xf32, #tpu.memory_space<vmem>>[vector<16xi32>, vector<16xi32>], vector<16xf32>,
          %parallel_loop3A_278 = arith.constant 16 : i32
          %parallel_loop3A_279 = vector.broadcast %parallel_loop3A_278 : i32 to vector<16xi32>
          %parallel_loop3A_280 = arith.addi %parallel_loop3A_170, %parallel_loop3A_279 : vector<16xi32>
          %parallel_loop3A_281 = arith.constant 0 : i32
          %parallel_loop3A_282 = vector.broadcast %parallel_loop3A_281 : i32 to vector<16xi32>
          %parallel_loop3A_283 = arith.addi %iota3A, %parallel_loop3A_282 : vector<16xi32>
          %parallel_loop3A_284 = arith.constant 2 : i32
          %parallel_loop3A_285 = vector.broadcast %parallel_loop3A_284 : i32 to vector<16xi32>
          %parallel_loop3A_286 = arith.muli %parallel_loop3A_285, %parallel_loop3A_280 : vector<16xi32>
          %parallel_loop3A_287 = arith.constant 0 : i32
          %parallel_loop3A_288 = vector.broadcast %parallel_loop3A_287 : i32 to vector<16xi32>
          %parallel_loop3A_289 = arith.addi %parallel_loop3A_286, %parallel_loop3A_288 : vector<16xi32>
          %parallel_loop3A_290 = tpu.vector_load_idx %arg5[%parallel_loop3A_283, %parallel_loop3A_289] : memref<64x128xf32, #tpu.memory_space<vmem>>[vector<16xi32>, vector<16xi32>], vector<16xf32>,
          %parallel_loop3A_291 = arith.constant 0 : i32
          %parallel_loop3A_292 = vector.broadcast %parallel_loop3A_291 : i32 to vector<16xi32>
          %parallel_loop3A_293 = arith.addi %iota3A, %parallel_loop3A_292 : vector<16xi32>
          tpu.vector_store_idx %arg9[%parallel_loop3A_280, %parallel_loop3A_293], %parallel_loop3A_290 : memref<64x128xf32, #tpu.memory_space<vmem>>[vector<16xi32>, vector<16xi32>], vector<16xf32>,
          %parallel_loop3A_294 = arith.constant 16 : i32
          %parallel_loop3A_295 = vector.broadcast %parallel_loop3A_294 : i32 to vector<16xi32>
          %parallel_loop3A_296 = arith.addi %iota3A, %parallel_loop3A_295 : vector<16xi32>
          %parallel_loop3A_297 = arith.constant 2 : i32
          %parallel_loop3A_298 = vector.broadcast %parallel_loop3A_297 : i32 to vector<16xi32>
          %parallel_loop3A_299 = arith.muli %parallel_loop3A_298, %parallel_loop3A_280 : vector<16xi32>
          %parallel_loop3A_300 = arith.constant 0 : i32
          %parallel_loop3A_301 = vector.broadcast %parallel_loop3A_300 : i32 to vector<16xi32>
          %parallel_loop3A_302 = arith.addi %parallel_loop3A_299, %parallel_loop3A_301 : vector<16xi32>
          %parallel_loop3A_303 = tpu.vector_load_idx %arg5[%parallel_loop3A_296, %parallel_loop3A_302] : memref<64x128xf32, #tpu.memory_space<vmem>>[vector<16xi32>, vector<16xi32>], vector<16xf32>,
          %parallel_loop3A_304 = arith.constant 16 : i32
          %parallel_loop3A_305 = vector.broadcast %parallel_loop3A_304 : i32 to vector<16xi32>
          %parallel_loop3A_306 = arith.addi %iota3A, %parallel_loop3A_305 : vector<16xi32>
          tpu.vector_store_idx %arg9[%parallel_loop3A_280, %parallel_loop3A_306], %parallel_loop3A_303 : memref<64x128xf32, #tpu.memory_space<vmem>>[vector<16xi32>, vector<16xi32>], vector<16xf32>,
          %parallel_loop3A_307 = arith.constant 32 : i32
          %parallel_loop3A_308 = vector.broadcast %parallel_loop3A_307 : i32 to vector<16xi32>
          %parallel_loop3A_309 = arith.addi %iota3A, %parallel_loop3A_308 : vector<16xi32>
          %parallel_loop3A_310 = arith.constant 2 : i32
          %parallel_loop3A_311 = vector.broadcast %parallel_loop3A_310 : i32 to vector<16xi32>
          %parallel_loop3A_312 = arith.muli %parallel_loop3A_311, %parallel_loop3A_280 : vector<16xi32>
          %parallel_loop3A_313 = arith.constant 0 : i32
          %parallel_loop3A_314 = vector.broadcast %parallel_loop3A_313 : i32 to vector<16xi32>
          %parallel_loop3A_315 = arith.addi %parallel_loop3A_312, %parallel_loop3A_314 : vector<16xi32>
          %parallel_loop3A_316 = tpu.vector_load_idx %arg5[%parallel_loop3A_309, %parallel_loop3A_315] : memref<64x128xf32, #tpu.memory_space<vmem>>[vector<16xi32>, vector<16xi32>], vector<16xf32>,
          %parallel_loop3A_317 = arith.constant 32 : i32
          %parallel_loop3A_318 = vector.broadcast %parallel_loop3A_317 : i32 to vector<16xi32>
          %parallel_loop3A_319 = arith.addi %iota3A, %parallel_loop3A_318 : vector<16xi32>
          tpu.vector_store_idx %arg9[%parallel_loop3A_280, %parallel_loop3A_319], %parallel_loop3A_316 : memref<64x128xf32, #tpu.memory_space<vmem>>[vector<16xi32>, vector<16xi32>], vector<16xf32>,
          %parallel_loop3A_320 = arith.constant 48 : i32
          %parallel_loop3A_321 = vector.broadcast %parallel_loop3A_320 : i32 to vector<16xi32>
          %parallel_loop3A_322 = arith.addi %iota3A, %parallel_loop3A_321 : vector<16xi32>
          %parallel_loop3A_323 = arith.constant 2 : i32
          %parallel_loop3A_324 = vector.broadcast %parallel_loop3A_323 : i32 to vector<16xi32>
          %parallel_loop3A_325 = arith.muli %parallel_loop3A_324, %parallel_loop3A_280 : vector<16xi32>
          %parallel_loop3A_326 = arith.constant 0 : i32
          %parallel_loop3A_327 = vector.broadcast %parallel_loop3A_326 : i32 to vector<16xi32>
          %parallel_loop3A_328 = arith.addi %parallel_loop3A_325, %parallel_loop3A_327 : vector<16xi32>
          %parallel_loop3A_329 = tpu.vector_load_idx %arg5[%parallel_loop3A_322, %parallel_loop3A_328] : memref<64x128xf32, #tpu.memory_space<vmem>>[vector<16xi32>, vector<16xi32>], vector<16xf32>,
          %parallel_loop3A_330 = arith.constant 48 : i32
          %parallel_loop3A_331 = vector.broadcast %parallel_loop3A_330 : i32 to vector<16xi32>
          %parallel_loop3A_332 = arith.addi %iota3A, %parallel_loop3A_331 : vector<16xi32>
          tpu.vector_store_idx %arg9[%parallel_loop3A_280, %parallel_loop3A_332], %parallel_loop3A_329 : memref<64x128xf32, #tpu.memory_space<vmem>>[vector<16xi32>, vector<16xi32>], vector<16xf32>,
          %parallel_loop3A_333 = arith.constant 0 : i32
          %parallel_loop3A_334 = vector.broadcast %parallel_loop3A_333 : i32 to vector<16xi32>
          %parallel_loop3A_335 = arith.addi %iota3A, %parallel_loop3A_334 : vector<16xi32>
          %parallel_loop3A_336 = arith.constant 2 : i32
          %parallel_loop3A_337 = vector.broadcast %parallel_loop3A_336 : i32 to vector<16xi32>
          %parallel_loop3A_338 = arith.muli %parallel_loop3A_337, %parallel_loop3A_280 : vector<16xi32>
          %parallel_loop3A_339 = arith.constant 1 : i32
          %parallel_loop3A_340 = vector.broadcast %parallel_loop3A_339 : i32 to vector<16xi32>
          %parallel_loop3A_341 = arith.addi %parallel_loop3A_338, %parallel_loop3A_340 : vector<16xi32>
          %parallel_loop3A_342 = tpu.vector_load_idx %arg5[%parallel_loop3A_335, %parallel_loop3A_341] : memref<64x128xf32, #tpu.memory_space<vmem>>[vector<16xi32>, vector<16xi32>], vector<16xf32>,
          %parallel_loop3A_343 = arith.constant 64 : i32
          %parallel_loop3A_344 = vector.broadcast %parallel_loop3A_343 : i32 to vector<16xi32>
          %parallel_loop3A_345 = arith.addi %iota3A, %parallel_loop3A_344 : vector<16xi32>
          tpu.vector_store_idx %arg9[%parallel_loop3A_280, %parallel_loop3A_345], %parallel_loop3A_342 : memref<64x128xf32, #tpu.memory_space<vmem>>[vector<16xi32>, vector<16xi32>], vector<16xf32>,
          %parallel_loop3A_346 = arith.constant 16 : i32
          %parallel_loop3A_347 = vector.broadcast %parallel_loop3A_346 : i32 to vector<16xi32>
          %parallel_loop3A_348 = arith.addi %iota3A, %parallel_loop3A_347 : vector<16xi32>
          %parallel_loop3A_349 = arith.constant 2 : i32
          %parallel_loop3A_350 = vector.broadcast %parallel_loop3A_349 : i32 to vector<16xi32>
          %parallel_loop3A_351 = arith.muli %parallel_loop3A_350, %parallel_loop3A_280 : vector<16xi32>
          %parallel_loop3A_352 = arith.constant 1 : i32
          %parallel_loop3A_353 = vector.broadcast %parallel_loop3A_352 : i32 to vector<16xi32>
          %parallel_loop3A_354 = arith.addi %parallel_loop3A_351, %parallel_loop3A_353 : vector<16xi32>
          %parallel_loop3A_355 = tpu.vector_load_idx %arg5[%parallel_loop3A_348, %parallel_loop3A_354] : memref<64x128xf32, #tpu.memory_space<vmem>>[vector<16xi32>, vector<16xi32>], vector<16xf32>,
          %parallel_loop3A_356 = arith.constant 80 : i32
          %parallel_loop3A_357 = vector.broadcast %parallel_loop3A_356 : i32 to vector<16xi32>
          %parallel_loop3A_358 = arith.addi %iota3A, %parallel_loop3A_357 : vector<16xi32>
          tpu.vector_store_idx %arg9[%parallel_loop3A_280, %parallel_loop3A_358], %parallel_loop3A_355 : memref<64x128xf32, #tpu.memory_space<vmem>>[vector<16xi32>, vector<16xi32>], vector<16xf32>,
          %parallel_loop3A_359 = arith.constant 32 : i32
          %parallel_loop3A_360 = vector.broadcast %parallel_loop3A_359 : i32 to vector<16xi32>
          %parallel_loop3A_361 = arith.addi %iota3A, %parallel_loop3A_360 : vector<16xi32>
          %parallel_loop3A_362 = arith.constant 2 : i32
          %parallel_loop3A_363 = vector.broadcast %parallel_loop3A_362 : i32 to vector<16xi32>
          %parallel_loop3A_364 = arith.muli %parallel_loop3A_363, %parallel_loop3A_280 : vector<16xi32>
          %parallel_loop3A_365 = arith.constant 1 : i32
          %parallel_loop3A_366 = vector.broadcast %parallel_loop3A_365 : i32 to vector<16xi32>
          %parallel_loop3A_367 = arith.addi %parallel_loop3A_364, %parallel_loop3A_366 : vector<16xi32>
          %parallel_loop3A_368 = tpu.vector_load_idx %arg5[%parallel_loop3A_361, %parallel_loop3A_367] : memref<64x128xf32, #tpu.memory_space<vmem>>[vector<16xi32>, vector<16xi32>], vector<16xf32>,
          %parallel_loop3A_369 = arith.constant 96 : i32
          %parallel_loop3A_370 = vector.broadcast %parallel_loop3A_369 : i32 to vector<16xi32>
          %parallel_loop3A_371 = arith.addi %iota3A, %parallel_loop3A_370 : vector<16xi32>
          tpu.vector_store_idx %arg9[%parallel_loop3A_280, %parallel_loop3A_371], %parallel_loop3A_368 : memref<64x128xf32, #tpu.memory_space<vmem>>[vector<16xi32>, vector<16xi32>], vector<16xf32>,
          %parallel_loop3A_372 = arith.constant 48 : i32
          %parallel_loop3A_373 = vector.broadcast %parallel_loop3A_372 : i32 to vector<16xi32>
          %parallel_loop3A_374 = arith.addi %iota3A, %parallel_loop3A_373 : vector<16xi32>
          %parallel_loop3A_375 = arith.constant 2 : i32
          %parallel_loop3A_376 = vector.broadcast %parallel_loop3A_375 : i32 to vector<16xi32>
          %parallel_loop3A_377 = arith.muli %parallel_loop3A_376, %parallel_loop3A_280 : vector<16xi32>
          %parallel_loop3A_378 = arith.constant 1 : i32
          %parallel_loop3A_379 = vector.broadcast %parallel_loop3A_378 : i32 to vector<16xi32>
          %parallel_loop3A_380 = arith.addi %parallel_loop3A_377, %parallel_loop3A_379 : vector<16xi32>
          %parallel_loop3A_381 = tpu.vector_load_idx %arg5[%parallel_loop3A_374, %parallel_loop3A_380] : memref<64x128xf32, #tpu.memory_space<vmem>>[vector<16xi32>, vector<16xi32>], vector<16xf32>,
          %parallel_loop3A_382 = arith.constant 112 : i32
          %parallel_loop3A_383 = vector.broadcast %parallel_loop3A_382 : i32 to vector<16xi32>
          %parallel_loop3A_384 = arith.addi %iota3A, %parallel_loop3A_383 : vector<16xi32>
          tpu.vector_store_idx %arg9[%parallel_loop3A_280, %parallel_loop3A_384], %parallel_loop3A_381 : memref<64x128xf32, #tpu.memory_space<vmem>>[vector<16xi32>, vector<16xi32>], vector<16xf32>,
          %parallel_loop3A_385 = arith.constant 32 : i32
          %parallel_loop3A_386 = vector.broadcast %parallel_loop3A_385 : i32 to vector<16xi32>
          %parallel_loop3A_387 = arith.addi %parallel_loop3A_170, %parallel_loop3A_386 : vector<16xi32>
          %parallel_loop3A_388 = arith.constant 0 : i32
          %parallel_loop3A_389 = vector.broadcast %parallel_loop3A_388 : i32 to vector<16xi32>
          %parallel_loop3A_390 = arith.addi %iota3A, %parallel_loop3A_389 : vector<16xi32>
          %parallel_loop3A_391 = arith.constant 2 : i32
          %parallel_loop3A_392 = vector.broadcast %parallel_loop3A_391 : i32 to vector<16xi32>
          %parallel_loop3A_393 = arith.muli %parallel_loop3A_392, %parallel_loop3A_387 : vector<16xi32>
          %parallel_loop3A_394 = arith.constant 0 : i32
          %parallel_loop3A_395 = vector.broadcast %parallel_loop3A_394 : i32 to vector<16xi32>
          %parallel_loop3A_396 = arith.addi %parallel_loop3A_393, %parallel_loop3A_395 : vector<16xi32>
          %parallel_loop3A_397 = tpu.vector_load_idx %arg5[%parallel_loop3A_390, %parallel_loop3A_396] : memref<64x128xf32, #tpu.memory_space<vmem>>[vector<16xi32>, vector<16xi32>], vector<16xf32>,
          %parallel_loop3A_398 = arith.constant 0 : i32
          %parallel_loop3A_399 = vector.broadcast %parallel_loop3A_398 : i32 to vector<16xi32>
          %parallel_loop3A_400 = arith.addi %iota3A, %parallel_loop3A_399 : vector<16xi32>
          tpu.vector_store_idx %arg9[%parallel_loop3A_387, %parallel_loop3A_400], %parallel_loop3A_397 : memref<64x128xf32, #tpu.memory_space<vmem>>[vector<16xi32>, vector<16xi32>], vector<16xf32>,
          %parallel_loop3A_401 = arith.constant 16 : i32
          %parallel_loop3A_402 = vector.broadcast %parallel_loop3A_401 : i32 to vector<16xi32>
          %parallel_loop3A_403 = arith.addi %iota3A, %parallel_loop3A_402 : vector<16xi32>
          %parallel_loop3A_404 = arith.constant 2 : i32
          %parallel_loop3A_405 = vector.broadcast %parallel_loop3A_404 : i32 to vector<16xi32>
          %parallel_loop3A_406 = arith.muli %parallel_loop3A_405, %parallel_loop3A_387 : vector<16xi32>
          %parallel_loop3A_407 = arith.constant 0 : i32
          %parallel_loop3A_408 = vector.broadcast %parallel_loop3A_407 : i32 to vector<16xi32>
          %parallel_loop3A_409 = arith.addi %parallel_loop3A_406, %parallel_loop3A_408 : vector<16xi32>
          %parallel_loop3A_410 = tpu.vector_load_idx %arg5[%parallel_loop3A_403, %parallel_loop3A_409] : memref<64x128xf32, #tpu.memory_space<vmem>>[vector<16xi32>, vector<16xi32>], vector<16xf32>,
          %parallel_loop3A_411 = arith.constant 16 : i32
          %parallel_loop3A_412 = vector.broadcast %parallel_loop3A_411 : i32 to vector<16xi32>
          %parallel_loop3A_413 = arith.addi %iota3A, %parallel_loop3A_412 : vector<16xi32>
          tpu.vector_store_idx %arg9[%parallel_loop3A_387, %parallel_loop3A_413], %parallel_loop3A_410 : memref<64x128xf32, #tpu.memory_space<vmem>>[vector<16xi32>, vector<16xi32>], vector<16xf32>,
          %parallel_loop3A_414 = arith.constant 32 : i32
          %parallel_loop3A_415 = vector.broadcast %parallel_loop3A_414 : i32 to vector<16xi32>
          %parallel_loop3A_416 = arith.addi %iota3A, %parallel_loop3A_415 : vector<16xi32>
          %parallel_loop3A_417 = arith.constant 2 : i32
          %parallel_loop3A_418 = vector.broadcast %parallel_loop3A_417 : i32 to vector<16xi32>
          %parallel_loop3A_419 = arith.muli %parallel_loop3A_418, %parallel_loop3A_387 : vector<16xi32>
          %parallel_loop3A_420 = arith.constant 0 : i32
          %parallel_loop3A_421 = vector.broadcast %parallel_loop3A_420 : i32 to vector<16xi32>
          %parallel_loop3A_422 = arith.addi %parallel_loop3A_419, %parallel_loop3A_421 : vector<16xi32>
          %parallel_loop3A_423 = tpu.vector_load_idx %arg5[%parallel_loop3A_416, %parallel_loop3A_422] : memref<64x128xf32, #tpu.memory_space<vmem>>[vector<16xi32>, vector<16xi32>], vector<16xf32>,
          %parallel_loop3A_424 = arith.constant 32 : i32
          %parallel_loop3A_425 = vector.broadcast %parallel_loop3A_424 : i32 to vector<16xi32>
          %parallel_loop3A_426 = arith.addi %iota3A, %parallel_loop3A_425 : vector<16xi32>
          tpu.vector_store_idx %arg9[%parallel_loop3A_387, %parallel_loop3A_426], %parallel_loop3A_423 : memref<64x128xf32, #tpu.memory_space<vmem>>[vector<16xi32>, vector<16xi32>], vector<16xf32>,
          %parallel_loop3A_427 = arith.constant 48 : i32
          %parallel_loop3A_428 = vector.broadcast %parallel_loop3A_427 : i32 to vector<16xi32>
          %parallel_loop3A_429 = arith.addi %iota3A, %parallel_loop3A_428 : vector<16xi32>
          %parallel_loop3A_430 = arith.constant 2 : i32
          %parallel_loop3A_431 = vector.broadcast %parallel_loop3A_430 : i32 to vector<16xi32>
          %parallel_loop3A_432 = arith.muli %parallel_loop3A_431, %parallel_loop3A_387 : vector<16xi32>
          %parallel_loop3A_433 = arith.constant 0 : i32
          %parallel_loop3A_434 = vector.broadcast %parallel_loop3A_433 : i32 to vector<16xi32>
          %parallel_loop3A_435 = arith.addi %parallel_loop3A_432, %parallel_loop3A_434 : vector<16xi32>
          %parallel_loop3A_436 = tpu.vector_load_idx %arg5[%parallel_loop3A_429, %parallel_loop3A_435] : memref<64x128xf32, #tpu.memory_space<vmem>>[vector<16xi32>, vector<16xi32>], vector<16xf32>,
          %parallel_loop3A_437 = arith.constant 48 : i32
          %parallel_loop3A_438 = vector.broadcast %parallel_loop3A_437 : i32 to vector<16xi32>
          %parallel_loop3A_439 = arith.addi %iota3A, %parallel_loop3A_438 : vector<16xi32>
          tpu.vector_store_idx %arg9[%parallel_loop3A_387, %parallel_loop3A_439], %parallel_loop3A_436 : memref<64x128xf32, #tpu.memory_space<vmem>>[vector<16xi32>, vector<16xi32>], vector<16xf32>,
          %parallel_loop3A_440 = arith.constant 0 : i32
          %parallel_loop3A_441 = vector.broadcast %parallel_loop3A_440 : i32 to vector<16xi32>
          %parallel_loop3A_442 = arith.addi %iota3A, %parallel_loop3A_441 : vector<16xi32>
          %parallel_loop3A_443 = arith.constant 2 : i32
          %parallel_loop3A_444 = vector.broadcast %parallel_loop3A_443 : i32 to vector<16xi32>
          %parallel_loop3A_445 = arith.muli %parallel_loop3A_444, %parallel_loop3A_387 : vector<16xi32>
          %parallel_loop3A_446 = arith.constant 1 : i32
          %parallel_loop3A_447 = vector.broadcast %parallel_loop3A_446 : i32 to vector<16xi32>
          %parallel_loop3A_448 = arith.addi %parallel_loop3A_445, %parallel_loop3A_447 : vector<16xi32>
          %parallel_loop3A_449 = tpu.vector_load_idx %arg5[%parallel_loop3A_442, %parallel_loop3A_448] : memref<64x128xf32, #tpu.memory_space<vmem>>[vector<16xi32>, vector<16xi32>], vector<16xf32>,
          %parallel_loop3A_450 = arith.constant 64 : i32
          %parallel_loop3A_451 = vector.broadcast %parallel_loop3A_450 : i32 to vector<16xi32>
          %parallel_loop3A_452 = arith.addi %iota3A, %parallel_loop3A_451 : vector<16xi32>
          tpu.vector_store_idx %arg9[%parallel_loop3A_387, %parallel_loop3A_452], %parallel_loop3A_449 : memref<64x128xf32, #tpu.memory_space<vmem>>[vector<16xi32>, vector<16xi32>], vector<16xf32>,
          %parallel_loop3A_453 = arith.constant 16 : i32
          %parallel_loop3A_454 = vector.broadcast %parallel_loop3A_453 : i32 to vector<16xi32>
          %parallel_loop3A_455 = arith.addi %iota3A, %parallel_loop3A_454 : vector<16xi32>
          %parallel_loop3A_456 = arith.constant 2 : i32
          %parallel_loop3A_457 = vector.broadcast %parallel_loop3A_456 : i32 to vector<16xi32>
          %parallel_loop3A_458 = arith.muli %parallel_loop3A_457, %parallel_loop3A_387 : vector<16xi32>
          %parallel_loop3A_459 = arith.constant 1 : i32
          %parallel_loop3A_460 = vector.broadcast %parallel_loop3A_459 : i32 to vector<16xi32>
          %parallel_loop3A_461 = arith.addi %parallel_loop3A_458, %parallel_loop3A_460 : vector<16xi32>
          %parallel_loop3A_462 = tpu.vector_load_idx %arg5[%parallel_loop3A_455, %parallel_loop3A_461] : memref<64x128xf32, #tpu.memory_space<vmem>>[vector<16xi32>, vector<16xi32>], vector<16xf32>,
          %parallel_loop3A_463 = arith.constant 80 : i32
          %parallel_loop3A_464 = vector.broadcast %parallel_loop3A_463 : i32 to vector<16xi32>
          %parallel_loop3A_465 = arith.addi %iota3A, %parallel_loop3A_464 : vector<16xi32>
          tpu.vector_store_idx %arg9[%parallel_loop3A_387, %parallel_loop3A_465], %parallel_loop3A_462 : memref<64x128xf32, #tpu.memory_space<vmem>>[vector<16xi32>, vector<16xi32>], vector<16xf32>,
          %parallel_loop3A_466 = arith.constant 32 : i32
          %parallel_loop3A_467 = vector.broadcast %parallel_loop3A_466 : i32 to vector<16xi32>
          %parallel_loop3A_468 = arith.addi %iota3A, %parallel_loop3A_467 : vector<16xi32>
          %parallel_loop3A_469 = arith.constant 2 : i32
          %parallel_loop3A_470 = vector.broadcast %parallel_loop3A_469 : i32 to vector<16xi32>
          %parallel_loop3A_471 = arith.muli %parallel_loop3A_470, %parallel_loop3A_387 : vector<16xi32>
          %parallel_loop3A_472 = arith.constant 1 : i32
          %parallel_loop3A_473 = vector.broadcast %parallel_loop3A_472 : i32 to vector<16xi32>
          %parallel_loop3A_474 = arith.addi %parallel_loop3A_471, %parallel_loop3A_473 : vector<16xi32>
          %parallel_loop3A_475 = tpu.vector_load_idx %arg5[%parallel_loop3A_468, %parallel_loop3A_474] : memref<64x128xf32, #tpu.memory_space<vmem>>[vector<16xi32>, vector<16xi32>], vector<16xf32>,
          %parallel_loop3A_476 = arith.constant 96 : i32
          %parallel_loop3A_477 = vector.broadcast %parallel_loop3A_476 : i32 to vector<16xi32>
          %parallel_loop3A_478 = arith.addi %iota3A, %parallel_loop3A_477 : vector<16xi32>
          tpu.vector_store_idx %arg9[%parallel_loop3A_387, %parallel_loop3A_478], %parallel_loop3A_475 : memref<64x128xf32, #tpu.memory_space<vmem>>[vector<16xi32>, vector<16xi32>], vector<16xf32>,
          %parallel_loop3A_479 = arith.constant 48 : i32
          %parallel_loop3A_480 = vector.broadcast %parallel_loop3A_479 : i32 to vector<16xi32>
          %parallel_loop3A_481 = arith.addi %iota3A, %parallel_loop3A_480 : vector<16xi32>
          %parallel_loop3A_482 = arith.constant 2 : i32
          %parallel_loop3A_483 = vector.broadcast %parallel_loop3A_482 : i32 to vector<16xi32>
          %parallel_loop3A_484 = arith.muli %parallel_loop3A_483, %parallel_loop3A_387 : vector<16xi32>
          %parallel_loop3A_485 = arith.constant 1 : i32
          %parallel_loop3A_486 = vector.broadcast %parallel_loop3A_485 : i32 to vector<16xi32>
          %parallel_loop3A_487 = arith.addi %parallel_loop3A_484, %parallel_loop3A_486 : vector<16xi32>
          %parallel_loop3A_488 = tpu.vector_load_idx %arg5[%parallel_loop3A_481, %parallel_loop3A_487] : memref<64x128xf32, #tpu.memory_space<vmem>>[vector<16xi32>, vector<16xi32>], vector<16xf32>,
          %parallel_loop3A_489 = arith.constant 112 : i32
          %parallel_loop3A_490 = vector.broadcast %parallel_loop3A_489 : i32 to vector<16xi32>
          %parallel_loop3A_491 = arith.addi %iota3A, %parallel_loop3A_490 : vector<16xi32>
          tpu.vector_store_idx %arg9[%parallel_loop3A_387, %parallel_loop3A_491], %parallel_loop3A_488 : memref<64x128xf32, #tpu.memory_space<vmem>>[vector<16xi32>, vector<16xi32>], vector<16xf32>,
          %parallel_loop3A_492 = arith.constant 48 : i32
          %parallel_loop3A_493 = vector.broadcast %parallel_loop3A_492 : i32 to vector<16xi32>
          %parallel_loop3A_494 = arith.addi %parallel_loop3A_170, %parallel_loop3A_493 : vector<16xi32>
          %parallel_loop3A_495 = arith.constant 0 : i32
          %parallel_loop3A_496 = vector.broadcast %parallel_loop3A_495 : i32 to vector<16xi32>
          %parallel_loop3A_497 = arith.addi %iota3A, %parallel_loop3A_496 : vector<16xi32>
          %parallel_loop3A_498 = arith.constant 2 : i32
          %parallel_loop3A_499 = vector.broadcast %parallel_loop3A_498 : i32 to vector<16xi32>
          %parallel_loop3A_500 = arith.muli %parallel_loop3A_499, %parallel_loop3A_494 : vector<16xi32>
          %parallel_loop3A_501 = arith.constant 0 : i32
          %parallel_loop3A_502 = vector.broadcast %parallel_loop3A_501 : i32 to vector<16xi32>
          %parallel_loop3A_503 = arith.addi %parallel_loop3A_500, %parallel_loop3A_502 : vector<16xi32>
          %parallel_loop3A_504 = tpu.vector_load_idx %arg5[%parallel_loop3A_497, %parallel_loop3A_503] : memref<64x128xf32, #tpu.memory_space<vmem>>[vector<16xi32>, vector<16xi32>], vector<16xf32>,
          %parallel_loop3A_505 = arith.constant 0 : i32
          %parallel_loop3A_506 = vector.broadcast %parallel_loop3A_505 : i32 to vector<16xi32>
          %parallel_loop3A_507 = arith.addi %iota3A, %parallel_loop3A_506 : vector<16xi32>
          tpu.vector_store_idx %arg9[%parallel_loop3A_494, %parallel_loop3A_507], %parallel_loop3A_504 : memref<64x128xf32, #tpu.memory_space<vmem>>[vector<16xi32>, vector<16xi32>], vector<16xf32>,
          %parallel_loop3A_508 = arith.constant 16 : i32
          %parallel_loop3A_509 = vector.broadcast %parallel_loop3A_508 : i32 to vector<16xi32>
          %parallel_loop3A_510 = arith.addi %iota3A, %parallel_loop3A_509 : vector<16xi32>
          %parallel_loop3A_511 = arith.constant 2 : i32
          %parallel_loop3A_512 = vector.broadcast %parallel_loop3A_511 : i32 to vector<16xi32>
          %parallel_loop3A_513 = arith.muli %parallel_loop3A_512, %parallel_loop3A_494 : vector<16xi32>
          %parallel_loop3A_514 = arith.constant 0 : i32
          %parallel_loop3A_515 = vector.broadcast %parallel_loop3A_514 : i32 to vector<16xi32>
          %parallel_loop3A_516 = arith.addi %parallel_loop3A_513, %parallel_loop3A_515 : vector<16xi32>
          %parallel_loop3A_517 = tpu.vector_load_idx %arg5[%parallel_loop3A_510, %parallel_loop3A_516] : memref<64x128xf32, #tpu.memory_space<vmem>>[vector<16xi32>, vector<16xi32>], vector<16xf32>,
          %parallel_loop3A_518 = arith.constant 16 : i32
          %parallel_loop3A_519 = vector.broadcast %parallel_loop3A_518 : i32 to vector<16xi32>
          %parallel_loop3A_520 = arith.addi %iota3A, %parallel_loop3A_519 : vector<16xi32>
          tpu.vector_store_idx %arg9[%parallel_loop3A_494, %parallel_loop3A_520], %parallel_loop3A_517 : memref<64x128xf32, #tpu.memory_space<vmem>>[vector<16xi32>, vector<16xi32>], vector<16xf32>,
          %parallel_loop3A_521 = arith.constant 32 : i32
          %parallel_loop3A_522 = vector.broadcast %parallel_loop3A_521 : i32 to vector<16xi32>
          %parallel_loop3A_523 = arith.addi %iota3A, %parallel_loop3A_522 : vector<16xi32>
          %parallel_loop3A_524 = arith.constant 2 : i32
          %parallel_loop3A_525 = vector.broadcast %parallel_loop3A_524 : i32 to vector<16xi32>
          %parallel_loop3A_526 = arith.muli %parallel_loop3A_525, %parallel_loop3A_494 : vector<16xi32>
          %parallel_loop3A_527 = arith.constant 0 : i32
          %parallel_loop3A_528 = vector.broadcast %parallel_loop3A_527 : i32 to vector<16xi32>
          %parallel_loop3A_529 = arith.addi %parallel_loop3A_526, %parallel_loop3A_528 : vector<16xi32>
          %parallel_loop3A_530 = tpu.vector_load_idx %arg5[%parallel_loop3A_523, %parallel_loop3A_529] : memref<64x128xf32, #tpu.memory_space<vmem>>[vector<16xi32>, vector<16xi32>], vector<16xf32>,
          %parallel_loop3A_531 = arith.constant 32 : i32
          %parallel_loop3A_532 = vector.broadcast %parallel_loop3A_531 : i32 to vector<16xi32>
          %parallel_loop3A_533 = arith.addi %iota3A, %parallel_loop3A_532 : vector<16xi32>
          tpu.vector_store_idx %arg9[%parallel_loop3A_494, %parallel_loop3A_533], %parallel_loop3A_530 : memref<64x128xf32, #tpu.memory_space<vmem>>[vector<16xi32>, vector<16xi32>], vector<16xf32>,
          %parallel_loop3A_534 = arith.constant 48 : i32
          %parallel_loop3A_535 = vector.broadcast %parallel_loop3A_534 : i32 to vector<16xi32>
          %parallel_loop3A_536 = arith.addi %iota3A, %parallel_loop3A_535 : vector<16xi32>
          %parallel_loop3A_537 = arith.constant 2 : i32
          %parallel_loop3A_538 = vector.broadcast %parallel_loop3A_537 : i32 to vector<16xi32>
          %parallel_loop3A_539 = arith.muli %parallel_loop3A_538, %parallel_loop3A_494 : vector<16xi32>
          %parallel_loop3A_540 = arith.constant 0 : i32
          %parallel_loop3A_541 = vector.broadcast %parallel_loop3A_540 : i32 to vector<16xi32>
          %parallel_loop3A_542 = arith.addi %parallel_loop3A_539, %parallel_loop3A_541 : vector<16xi32>
          %parallel_loop3A_543 = tpu.vector_load_idx %arg5[%parallel_loop3A_536, %parallel_loop3A_542] : memref<64x128xf32, #tpu.memory_space<vmem>>[vector<16xi32>, vector<16xi32>], vector<16xf32>,
          %parallel_loop3A_544 = arith.constant 48 : i32
          %parallel_loop3A_545 = vector.broadcast %parallel_loop3A_544 : i32 to vector<16xi32>
          %parallel_loop3A_546 = arith.addi %iota3A, %parallel_loop3A_545 : vector<16xi32>
          tpu.vector_store_idx %arg9[%parallel_loop3A_494, %parallel_loop3A_546], %parallel_loop3A_543 : memref<64x128xf32, #tpu.memory_space<vmem>>[vector<16xi32>, vector<16xi32>], vector<16xf32>,
          %parallel_loop3A_547 = arith.constant 0 : i32
          %parallel_loop3A_548 = vector.broadcast %parallel_loop3A_547 : i32 to vector<16xi32>
          %parallel_loop3A_549 = arith.addi %iota3A, %parallel_loop3A_548 : vector<16xi32>
          %parallel_loop3A_550 = arith.constant 2 : i32
          %parallel_loop3A_551 = vector.broadcast %parallel_loop3A_550 : i32 to vector<16xi32>
          %parallel_loop3A_552 = arith.muli %parallel_loop3A_551, %parallel_loop3A_494 : vector<16xi32>
          %parallel_loop3A_553 = arith.constant 1 : i32
          %parallel_loop3A_554 = vector.broadcast %parallel_loop3A_553 : i32 to vector<16xi32>
          %parallel_loop3A_555 = arith.addi %parallel_loop3A_552, %parallel_loop3A_554 : vector<16xi32>
          %parallel_loop3A_556 = tpu.vector_load_idx %arg5[%parallel_loop3A_549, %parallel_loop3A_555] : memref<64x128xf32, #tpu.memory_space<vmem>>[vector<16xi32>, vector<16xi32>], vector<16xf32>,
          %parallel_loop3A_557 = arith.constant 64 : i32
          %parallel_loop3A_558 = vector.broadcast %parallel_loop3A_557 : i32 to vector<16xi32>
          %parallel_loop3A_559 = arith.addi %iota3A, %parallel_loop3A_558 : vector<16xi32>
          tpu.vector_store_idx %arg9[%parallel_loop3A_494, %parallel_loop3A_559], %parallel_loop3A_556 : memref<64x128xf32, #tpu.memory_space<vmem>>[vector<16xi32>, vector<16xi32>], vector<16xf32>,
          %parallel_loop3A_560 = arith.constant 16 : i32
          %parallel_loop3A_561 = vector.broadcast %parallel_loop3A_560 : i32 to vector<16xi32>
          %parallel_loop3A_562 = arith.addi %iota3A, %parallel_loop3A_561 : vector<16xi32>
          %parallel_loop3A_563 = arith.constant 2 : i32
          %parallel_loop3A_564 = vector.broadcast %parallel_loop3A_563 : i32 to vector<16xi32>
          %parallel_loop3A_565 = arith.muli %parallel_loop3A_564, %parallel_loop3A_494 : vector<16xi32>
          %parallel_loop3A_566 = arith.constant 1 : i32
          %parallel_loop3A_567 = vector.broadcast %parallel_loop3A_566 : i32 to vector<16xi32>
          %parallel_loop3A_568 = arith.addi %parallel_loop3A_565, %parallel_loop3A_567 : vector<16xi32>
          %parallel_loop3A_569 = tpu.vector_load_idx %arg5[%parallel_loop3A_562, %parallel_loop3A_568] : memref<64x128xf32, #tpu.memory_space<vmem>>[vector<16xi32>, vector<16xi32>], vector<16xf32>,
          %parallel_loop3A_570 = arith.constant 80 : i32
          %parallel_loop3A_571 = vector.broadcast %parallel_loop3A_570 : i32 to vector<16xi32>
          %parallel_loop3A_572 = arith.addi %iota3A, %parallel_loop3A_571 : vector<16xi32>
          tpu.vector_store_idx %arg9[%parallel_loop3A_494, %parallel_loop3A_572], %parallel_loop3A_569 : memref<64x128xf32, #tpu.memory_space<vmem>>[vector<16xi32>, vector<16xi32>], vector<16xf32>,
          %parallel_loop3A_573 = arith.constant 32 : i32
          %parallel_loop3A_574 = vector.broadcast %parallel_loop3A_573 : i32 to vector<16xi32>
          %parallel_loop3A_575 = arith.addi %iota3A, %parallel_loop3A_574 : vector<16xi32>
          %parallel_loop3A_576 = arith.constant 2 : i32
          %parallel_loop3A_577 = vector.broadcast %parallel_loop3A_576 : i32 to vector<16xi32>
          %parallel_loop3A_578 = arith.muli %parallel_loop3A_577, %parallel_loop3A_494 : vector<16xi32>
          %parallel_loop3A_579 = arith.constant 1 : i32
          %parallel_loop3A_580 = vector.broadcast %parallel_loop3A_579 : i32 to vector<16xi32>
          %parallel_loop3A_581 = arith.addi %parallel_loop3A_578, %parallel_loop3A_580 : vector<16xi32>
          %parallel_loop3A_582 = tpu.vector_load_idx %arg5[%parallel_loop3A_575, %parallel_loop3A_581] : memref<64x128xf32, #tpu.memory_space<vmem>>[vector<16xi32>, vector<16xi32>], vector<16xf32>,
          %parallel_loop3A_583 = arith.constant 96 : i32
          %parallel_loop3A_584 = vector.broadcast %parallel_loop3A_583 : i32 to vector<16xi32>
          %parallel_loop3A_585 = arith.addi %iota3A, %parallel_loop3A_584 : vector<16xi32>
          tpu.vector_store_idx %arg9[%parallel_loop3A_494, %parallel_loop3A_585], %parallel_loop3A_582 : memref<64x128xf32, #tpu.memory_space<vmem>>[vector<16xi32>, vector<16xi32>], vector<16xf32>,
          %parallel_loop3A_586 = arith.constant 48 : i32
          %parallel_loop3A_587 = vector.broadcast %parallel_loop3A_586 : i32 to vector<16xi32>
          %parallel_loop3A_588 = arith.addi %iota3A, %parallel_loop3A_587 : vector<16xi32>
          %parallel_loop3A_589 = arith.constant 2 : i32
          %parallel_loop3A_590 = vector.broadcast %parallel_loop3A_589 : i32 to vector<16xi32>
          %parallel_loop3A_591 = arith.muli %parallel_loop3A_590, %parallel_loop3A_494 : vector<16xi32>
          %parallel_loop3A_592 = arith.constant 1 : i32
          %parallel_loop3A_593 = vector.broadcast %parallel_loop3A_592 : i32 to vector<16xi32>
          %parallel_loop3A_594 = arith.addi %parallel_loop3A_591, %parallel_loop3A_593 : vector<16xi32>
          %parallel_loop3A_595 = tpu.vector_load_idx %arg5[%parallel_loop3A_588, %parallel_loop3A_594] : memref<64x128xf32, #tpu.memory_space<vmem>>[vector<16xi32>, vector<16xi32>], vector<16xf32>,
          %parallel_loop3A_596 = arith.constant 112 : i32
          %parallel_loop3A_597 = vector.broadcast %parallel_loop3A_596 : i32 to vector<16xi32>
          %parallel_loop3A_598 = arith.addi %iota3A, %parallel_loop3A_597 : vector<16xi32>
          tpu.vector_store_idx %arg9[%parallel_loop3A_494, %parallel_loop3A_598], %parallel_loop3A_595 : memref<64x128xf32, #tpu.memory_space<vmem>>[vector<16xi32>, vector<16xi32>], vector<16xf32>,
        } {sc.loop_unroll_factor = 8 : i64, sc.parallel_access}
        %mul3A_149 = arith.constant 64 : i32
        %mul3A_150 = arith.muli %add3A_93, %mul3A_149 : i32
        %dma_start3A_151 = arith.constant 0 : i32
        %dma_start3A_152 = arith.constant 0 : i32
        %dma_start3A_153 = tpu.memref_slice %arg4[%mul3A_150, %dma_start3A_152] : memref<500000x128xf32, #tpu.memory_space<hbm>> -> memref<64x128xf32, #tpu.memory_space<hbm>>
        %dma_start3A_154 = tpu.memref_slice %arg15[%dma_start3A_151] : memref<4x!tpu.dma_semaphore, #tpu.memory_space<semaphore_mem>> -> memref<1x!tpu.dma_semaphore, #tpu.memory_space<semaphore_mem>>
        %dma_start3A_155 = tpu.memref_squeeze %dma_start3A_154 : memref<1x!tpu.dma_semaphore, #tpu.memory_space<semaphore_mem>> -> memref<!tpu.dma_semaphore, #tpu.memory_space<semaphore_mem>>
        %dma_start3A_156 = arith.constant 0 : i32
        %dma_start3A_157 = tpu.memref_slice %arg4[%mul3A_150, %dma_start3A_156] : memref<500000x128xf32, #tpu.memory_space<hbm>> -> memref<64x128xf32, #tpu.memory_space<hbm>>
        tpu.enqueue_dma source(%arg9 : memref<64x128xf32, #tpu.memory_space<vmem>>) target(%dma_start3A_157 : memref<64x128xf32, #tpu.memory_space<hbm>>) target_semaphore(%dma_start3A_155 : memref<!tpu.dma_semaphore, #tpu.memory_space<semaphore_mem>>)
        %add3A_158 = arith.constant 128 : i32
        %add3A_159 = arith.addi %add3A_93, %add3A_158 : i32
        %lt3A_160 = arith.constant 7812 : i32
        %lt3A_161 = arith.cmpi slt, %add3A_159, %lt3A_160 : i32
        %convert_element_type3A_162 = arith.extui %lt3A_161 : i1 to i32
        %cond3A_163 = arith.constant 0 : i32
        %cond3A_164 = arith.cmpi ne, %convert_element_type3A_162, %cond3A_163 : i32
        scf.if %cond3A_164 {
          %add3A_165 = arith.constant 128 : i32
          %add3A_166 = arith.addi %add3A_93, %add3A_165 : i32
          %mul3A_167 = arith.constant 128 : i32
          %mul3A_168 = arith.muli %add3A_166, %mul3A_167 : i32
          %dma_start3A_169 = arith.constant 0 : i32
          %dma_start3A_170 = arith.constant 0 : i32
          %dma_start3A_171 = tpu.memref_slice %arg2[%dma_start3A_170, %mul3A_168] : memref<64x1000000xf32, #tpu.memory_space<hbm>> -> memref<64x128xf32, #tpu.memory_space<hbm>>
          %dma_start3A_172 = tpu.memref_slice %arg14[%dma_start3A_169] : memref<4x!tpu.dma_semaphore, #tpu.memory_space<semaphore_mem>> -> memref<1x!tpu.dma_semaphore, #tpu.memory_space<semaphore_mem>>
          %dma_start3A_173 = tpu.memref_squeeze %dma_start3A_172 : memref<1x!tpu.dma_semaphore, #tpu.memory_space<semaphore_mem>> -> memref<!tpu.dma_semaphore, #tpu.memory_space<semaphore_mem>>
          %dma_start3A_174 = arith.constant 0 : i32
          %dma_start3A_175 = tpu.memref_slice %arg2[%dma_start3A_174, %mul3A_168] : memref<64x1000000xf32, #tpu.memory_space<hbm>> -> memref<64x128xf32, #tpu.memory_space<hbm>>
          tpu.enqueue_dma source(%dma_start3A_175 : memref<64x128xf32, #tpu.memory_space<hbm>>) target(%arg5 : memref<64x128xf32, #tpu.memory_space<vmem>>) target_semaphore(%dma_start3A_173 : memref<!tpu.dma_semaphore, #tpu.memory_space<semaphore_mem>>)
        } else {
        }
      } else {
      }
      %mul3A_98 = arith.constant 4 : i32
      %mul3A_99 = arith.muli %mul3A_98, %scan3A_86 : i32
      %add3A_100 = arith.constant 1 : i32
      %add3A_101 = arith.addi %mul3A_99, %add3A_100 : i32
      %mul3A_102 = arith.constant 32 : i32
      %mul3A_103 = arith.muli %add3A_101, %mul3A_102 : i32
      %add3A_104 = arith.addi %add3A, %mul3A_103 : i32
      %lt3A_105 = arith.constant 7812 : i32
      %lt3A_106 = arith.cmpi slt, %add3A_104, %lt3A_105 : i32
      %convert_element_type3A_107 = arith.extui %lt3A_106 : i1 to i32
      %cond3A_108 = arith.constant 0 : i32
      %cond3A_109 = arith.cmpi ne, %convert_element_type3A_107, %cond3A_108 : i32
      scf.if %cond3A_109 {
        %mul3A_134 = arith.constant 128 : i32
        %mul3A_135 = arith.muli %add3A_104, %mul3A_134 : i32
        %dma_wait3A_136 = arith.constant 1 : i32
        %dma_wait3A_137 = arith.constant 0 : i32
        %dma_wait3A_138 = tpu.memref_slice %arg2[%dma_wait3A_137, %mul3A_135] : memref<64x1000000xf32, #tpu.memory_space<hbm>> -> memref<64x128xf32, #tpu.memory_space<hbm>>
        %dma_wait3A_139 = tpu.memref_slice %arg14[%dma_wait3A_136] : memref<4x!tpu.dma_semaphore, #tpu.memory_space<semaphore_mem>> -> memref<1x!tpu.dma_semaphore, #tpu.memory_space<semaphore_mem>>
        %dma_wait3A_140 = tpu.memref_squeeze %dma_wait3A_139 : memref<1x!tpu.dma_semaphore, #tpu.memory_space<semaphore_mem>> -> memref<!tpu.dma_semaphore, #tpu.memory_space<semaphore_mem>>
        %dma_wait3A_141 = arith.constant 0 : i32
        %dma_wait3A_142 = tpu.memref_slice %arg2[%dma_wait3A_141, %mul3A_135] : memref<64x1000000xf32, #tpu.memory_space<hbm>> -> memref<64x128xf32, #tpu.memory_space<hbm>>
        tpu.wait_dma2 semaphore(%dma_wait3A_140 : memref<!tpu.dma_semaphore, #tpu.memory_space<semaphore_mem>>) src(%dma_wait3A_142 : memref<64x128xf32, #tpu.memory_space<hbm>>) dst(%arg6 : memref<64x128xf32, #tpu.memory_space<vmem>>)
        %ge3A = arith.constant 1 : i32
        %ge3A_143 = arith.cmpi sge, %scan3A_86, %ge3A : i32
        %convert_element_type3A_144 = arith.extui %ge3A_143 : i1 to i32
        %cond3A_145 = arith.constant 0 : i32
        %cond3A_146 = arith.cmpi ne, %convert_element_type3A_144, %cond3A_145 : i32
        scf.if %cond3A_146 {
          %sub3A = arith.constant 128 : i32
          %sub3A_165 = arith.subi %add3A_104, %sub3A : i32
          %mul3A_166 = arith.constant 64 : i32
          %mul3A_167 = arith.muli %sub3A_165, %mul3A_166 : i32
          %dma_wait3A_168 = arith.constant 1 : i32
          %dma_wait3A_169 = arith.constant 0 : i32
          %dma_wait3A_170 = tpu.memref_slice %arg4[%mul3A_167, %dma_wait3A_169] : memref<500000x128xf32, #tpu.memory_space<hbm>> -> memref<64x128xf32, #tpu.memory_space<hbm>>
          %dma_wait3A_171 = tpu.memref_slice %arg15[%dma_wait3A_168] : memref<4x!tpu.dma_semaphore, #tpu.memory_space<semaphore_mem>> -> memref<1x!tpu.dma_semaphore, #tpu.memory_space<semaphore_mem>>
          %dma_wait3A_172 = tpu.memref_squeeze %dma_wait3A_171 : memref<1x!tpu.dma_semaphore, #tpu.memory_space<semaphore_mem>> -> memref<!tpu.dma_semaphore, #tpu.memory_space<semaphore_mem>>
          %dma_wait3A_173 = arith.constant 0 : i32
          %dma_wait3A_174 = tpu.memref_slice %arg4[%mul3A_167, %dma_wait3A_173] : memref<500000x128xf32, #tpu.memory_space<hbm>> -> memref<64x128xf32, #tpu.memory_space<hbm>>
          tpu.wait_dma2 semaphore(%dma_wait3A_172 : memref<!tpu.dma_semaphore, #tpu.memory_space<semaphore_mem>>) src(%arg10 : memref<64x128xf32, #tpu.memory_space<vmem>>) dst(%dma_wait3A_174 : memref<64x128xf32, #tpu.memory_space<hbm>>)
        } else {
        }
        %parallel_loop3A = arith.constant 0 : i32
        %parallel_loop3A_147 = arith.constant 16 : i32
        %parallel_loop3A_148 = arith.constant 1 : i32
        scf.for %parallel_loop3A_165 = %parallel_loop3A to %parallel_loop3A_147 step %parallel_loop3A_148  : i32 {
          %parallel_loop3A_166 = vector.broadcast %parallel_loop3A_165 : i32 to vector<16xi32>
          %parallel_loop3A_167 = arith.addi %iota3A, %parallel_loop3A_166 : vector<16xi32>
          %parallel_loop3A_168 = arith.constant 15 : i32
          %parallel_loop3A_169 = vector.broadcast %parallel_loop3A_168 : i32 to vector<16xi32>
          %parallel_loop3A_170 = arith.andi %parallel_loop3A_167, %parallel_loop3A_169 : vector<16xi32>
          %parallel_loop3A_171 = arith.constant 0 : i32
          %parallel_loop3A_172 = vector.broadcast %parallel_loop3A_171 : i32 to vector<16xi32>
          %parallel_loop3A_173 = arith.addi %parallel_loop3A_170, %parallel_loop3A_172 : vector<16xi32>
          %parallel_loop3A_174 = arith.constant 0 : i32
          %parallel_loop3A_175 = vector.broadcast %parallel_loop3A_174 : i32 to vector<16xi32>
          %parallel_loop3A_176 = arith.addi %iota3A, %parallel_loop3A_175 : vector<16xi32>
          %parallel_loop3A_177 = arith.constant 2 : i32
          %parallel_loop3A_178 = vector.broadcast %parallel_loop3A_177 : i32 to vector<16xi32>
          %parallel_loop3A_179 = arith.muli %parallel_loop3A_178, %parallel_loop3A_173 : vector<16xi32>
          %parallel_loop3A_180 = arith.constant 0 : i32
          %parallel_loop3A_181 = vector.broadcast %parallel_loop3A_180 : i32 to vector<16xi32>
          %parallel_loop3A_182 = arith.addi %parallel_loop3A_179, %parallel_loop3A_181 : vector<16xi32>
          %parallel_loop3A_183 = tpu.vector_load_idx %arg6[%parallel_loop3A_176, %parallel_loop3A_182] : memref<64x128xf32, #tpu.memory_space<vmem>>[vector<16xi32>, vector<16xi32>], vector<16xf32>,
          %parallel_loop3A_184 = arith.constant 0 : i32
          %parallel_loop3A_185 = vector.broadcast %parallel_loop3A_184 : i32 to vector<16xi32>
          %parallel_loop3A_186 = arith.addi %iota3A, %parallel_loop3A_185 : vector<16xi32>
          tpu.vector_store_idx %arg10[%parallel_loop3A_173, %parallel_loop3A_186], %parallel_loop3A_183 : memref<64x128xf32, #tpu.memory_space<vmem>>[vector<16xi32>, vector<16xi32>], vector<16xf32>,
          %parallel_loop3A_187 = arith.constant 16 : i32
          %parallel_loop3A_188 = vector.broadcast %parallel_loop3A_187 : i32 to vector<16xi32>
          %parallel_loop3A_189 = arith.addi %iota3A, %parallel_loop3A_188 : vector<16xi32>
          %parallel_loop3A_190 = arith.constant 2 : i32
          %parallel_loop3A_191 = vector.broadcast %parallel_loop3A_190 : i32 to vector<16xi32>
          %parallel_loop3A_192 = arith.muli %parallel_loop3A_191, %parallel_loop3A_173 : vector<16xi32>
          %parallel_loop3A_193 = arith.constant 0 : i32
          %parallel_loop3A_194 = vector.broadcast %parallel_loop3A_193 : i32 to vector<16xi32>
          %parallel_loop3A_195 = arith.addi %parallel_loop3A_192, %parallel_loop3A_194 : vector<16xi32>
          %parallel_loop3A_196 = tpu.vector_load_idx %arg6[%parallel_loop3A_189, %parallel_loop3A_195] : memref<64x128xf32, #tpu.memory_space<vmem>>[vector<16xi32>, vector<16xi32>], vector<16xf32>,
          %parallel_loop3A_197 = arith.constant 16 : i32
          %parallel_loop3A_198 = vector.broadcast %parallel_loop3A_197 : i32 to vector<16xi32>
          %parallel_loop3A_199 = arith.addi %iota3A, %parallel_loop3A_198 : vector<16xi32>
          tpu.vector_store_idx %arg10[%parallel_loop3A_173, %parallel_loop3A_199], %parallel_loop3A_196 : memref<64x128xf32, #tpu.memory_space<vmem>>[vector<16xi32>, vector<16xi32>], vector<16xf32>,
          %parallel_loop3A_200 = arith.constant 32 : i32
          %parallel_loop3A_201 = vector.broadcast %parallel_loop3A_200 : i32 to vector<16xi32>
          %parallel_loop3A_202 = arith.addi %iota3A, %parallel_loop3A_201 : vector<16xi32>
          %parallel_loop3A_203 = arith.constant 2 : i32
          %parallel_loop3A_204 = vector.broadcast %parallel_loop3A_203 : i32 to vector<16xi32>
          %parallel_loop3A_205 = arith.muli %parallel_loop3A_204, %parallel_loop3A_173 : vector<16xi32>
          %parallel_loop3A_206 = arith.constant 0 : i32
          %parallel_loop3A_207 = vector.broadcast %parallel_loop3A_206 : i32 to vector<16xi32>
          %parallel_loop3A_208 = arith.addi %parallel_loop3A_205, %parallel_loop3A_207 : vector<16xi32>
          %parallel_loop3A_209 = tpu.vector_load_idx %arg6[%parallel_loop3A_202, %parallel_loop3A_208] : memref<64x128xf32, #tpu.memory_space<vmem>>[vector<16xi32>, vector<16xi32>], vector<16xf32>,
          %parallel_loop3A_210 = arith.constant 32 : i32
          %parallel_loop3A_211 = vector.broadcast %parallel_loop3A_210 : i32 to vector<16xi32>
          %parallel_loop3A_212 = arith.addi %iota3A, %parallel_loop3A_211 : vector<16xi32>
          tpu.vector_store_idx %arg10[%parallel_loop3A_173, %parallel_loop3A_212], %parallel_loop3A_209 : memref<64x128xf32, #tpu.memory_space<vmem>>[vector<16xi32>, vector<16xi32>], vector<16xf32>,
          %parallel_loop3A_213 = arith.constant 48 : i32
          %parallel_loop3A_214 = vector.broadcast %parallel_loop3A_213 : i32 to vector<16xi32>
          %parallel_loop3A_215 = arith.addi %iota3A, %parallel_loop3A_214 : vector<16xi32>
          %parallel_loop3A_216 = arith.constant 2 : i32
          %parallel_loop3A_217 = vector.broadcast %parallel_loop3A_216 : i32 to vector<16xi32>
          %parallel_loop3A_218 = arith.muli %parallel_loop3A_217, %parallel_loop3A_173 : vector<16xi32>
          %parallel_loop3A_219 = arith.constant 0 : i32
          %parallel_loop3A_220 = vector.broadcast %parallel_loop3A_219 : i32 to vector<16xi32>
          %parallel_loop3A_221 = arith.addi %parallel_loop3A_218, %parallel_loop3A_220 : vector<16xi32>
          %parallel_loop3A_222 = tpu.vector_load_idx %arg6[%parallel_loop3A_215, %parallel_loop3A_221] : memref<64x128xf32, #tpu.memory_space<vmem>>[vector<16xi32>, vector<16xi32>], vector<16xf32>,
          %parallel_loop3A_223 = arith.constant 48 : i32
          %parallel_loop3A_224 = vector.broadcast %parallel_loop3A_223 : i32 to vector<16xi32>
          %parallel_loop3A_225 = arith.addi %iota3A, %parallel_loop3A_224 : vector<16xi32>
          tpu.vector_store_idx %arg10[%parallel_loop3A_173, %parallel_loop3A_225], %parallel_loop3A_222 : memref<64x128xf32, #tpu.memory_space<vmem>>[vector<16xi32>, vector<16xi32>], vector<16xf32>,
          %parallel_loop3A_226 = arith.constant 0 : i32
          %parallel_loop3A_227 = vector.broadcast %parallel_loop3A_226 : i32 to vector<16xi32>
          %parallel_loop3A_228 = arith.addi %iota3A, %parallel_loop3A_227 : vector<16xi32>
          %parallel_loop3A_229 = arith.constant 2 : i32
          %parallel_loop3A_230 = vector.broadcast %parallel_loop3A_229 : i32 to vector<16xi32>
          %parallel_loop3A_231 = arith.muli %parallel_loop3A_230, %parallel_loop3A_173 : vector<16xi32>
          %parallel_loop3A_232 = arith.constant 1 : i32
          %parallel_loop3A_233 = vector.broadcast %parallel_loop3A_232 : i32 to vector<16xi32>
          %parallel_loop3A_234 = arith.addi %parallel_loop3A_231, %parallel_loop3A_233 : vector<16xi32>
          %parallel_loop3A_235 = tpu.vector_load_idx %arg6[%parallel_loop3A_228, %parallel_loop3A_234] : memref<64x128xf32, #tpu.memory_space<vmem>>[vector<16xi32>, vector<16xi32>], vector<16xf32>,
          %parallel_loop3A_236 = arith.constant 64 : i32
          %parallel_loop3A_237 = vector.broadcast %parallel_loop3A_236 : i32 to vector<16xi32>
          %parallel_loop3A_238 = arith.addi %iota3A, %parallel_loop3A_237 : vector<16xi32>
          tpu.vector_store_idx %arg10[%parallel_loop3A_173, %parallel_loop3A_238], %parallel_loop3A_235 : memref<64x128xf32, #tpu.memory_space<vmem>>[vector<16xi32>, vector<16xi32>], vector<16xf32>,
          %parallel_loop3A_239 = arith.constant 16 : i32
          %parallel_loop3A_240 = vector.broadcast %parallel_loop3A_239 : i32 to vector<16xi32>
          %parallel_loop3A_241 = arith.addi %iota3A, %parallel_loop3A_240 : vector<16xi32>
          %parallel_loop3A_242 = arith.constant 2 : i32
          %parallel_loop3A_243 = vector.broadcast %parallel_loop3A_242 : i32 to vector<16xi32>
          %parallel_loop3A_244 = arith.muli %parallel_loop3A_243, %parallel_loop3A_173 : vector<16xi32>
          %parallel_loop3A_245 = arith.constant 1 : i32
          %parallel_loop3A_246 = vector.broadcast %parallel_loop3A_245 : i32 to vector<16xi32>
          %parallel_loop3A_247 = arith.addi %parallel_loop3A_244, %parallel_loop3A_246 : vector<16xi32>
          %parallel_loop3A_248 = tpu.vector_load_idx %arg6[%parallel_loop3A_241, %parallel_loop3A_247] : memref<64x128xf32, #tpu.memory_space<vmem>>[vector<16xi32>, vector<16xi32>], vector<16xf32>,
          %parallel_loop3A_249 = arith.constant 80 : i32
          %parallel_loop3A_250 = vector.broadcast %parallel_loop3A_249 : i32 to vector<16xi32>
          %parallel_loop3A_251 = arith.addi %iota3A, %parallel_loop3A_250 : vector<16xi32>
          tpu.vector_store_idx %arg10[%parallel_loop3A_173, %parallel_loop3A_251], %parallel_loop3A_248 : memref<64x128xf32, #tpu.memory_space<vmem>>[vector<16xi32>, vector<16xi32>], vector<16xf32>,
          %parallel_loop3A_252 = arith.constant 32 : i32
          %parallel_loop3A_253 = vector.broadcast %parallel_loop3A_252 : i32 to vector<16xi32>
          %parallel_loop3A_254 = arith.addi %iota3A, %parallel_loop3A_253 : vector<16xi32>
          %parallel_loop3A_255 = arith.constant 2 : i32
          %parallel_loop3A_256 = vector.broadcast %parallel_loop3A_255 : i32 to vector<16xi32>
          %parallel_loop3A_257 = arith.muli %parallel_loop3A_256, %parallel_loop3A_173 : vector<16xi32>
          %parallel_loop3A_258 = arith.constant 1 : i32
          %parallel_loop3A_259 = vector.broadcast %parallel_loop3A_258 : i32 to vector<16xi32>
          %parallel_loop3A_260 = arith.addi %parallel_loop3A_257, %parallel_loop3A_259 : vector<16xi32>
          %parallel_loop3A_261 = tpu.vector_load_idx %arg6[%parallel_loop3A_254, %parallel_loop3A_260] : memref<64x128xf32, #tpu.memory_space<vmem>>[vector<16xi32>, vector<16xi32>], vector<16xf32>,
          %parallel_loop3A_262 = arith.constant 96 : i32
          %parallel_loop3A_263 = vector.broadcast %parallel_loop3A_262 : i32 to vector<16xi32>
          %parallel_loop3A_264 = arith.addi %iota3A, %parallel_loop3A_263 : vector<16xi32>
          tpu.vector_store_idx %arg10[%parallel_loop3A_173, %parallel_loop3A_264], %parallel_loop3A_261 : memref<64x128xf32, #tpu.memory_space<vmem>>[vector<16xi32>, vector<16xi32>], vector<16xf32>,
          %parallel_loop3A_265 = arith.constant 48 : i32
          %parallel_loop3A_266 = vector.broadcast %parallel_loop3A_265 : i32 to vector<16xi32>
          %parallel_loop3A_267 = arith.addi %iota3A, %parallel_loop3A_266 : vector<16xi32>
          %parallel_loop3A_268 = arith.constant 2 : i32
          %parallel_loop3A_269 = vector.broadcast %parallel_loop3A_268 : i32 to vector<16xi32>
          %parallel_loop3A_270 = arith.muli %parallel_loop3A_269, %parallel_loop3A_173 : vector<16xi32>
          %parallel_loop3A_271 = arith.constant 1 : i32
          %parallel_loop3A_272 = vector.broadcast %parallel_loop3A_271 : i32 to vector<16xi32>
          %parallel_loop3A_273 = arith.addi %parallel_loop3A_270, %parallel_loop3A_272 : vector<16xi32>
          %parallel_loop3A_274 = tpu.vector_load_idx %arg6[%parallel_loop3A_267, %parallel_loop3A_273] : memref<64x128xf32, #tpu.memory_space<vmem>>[vector<16xi32>, vector<16xi32>], vector<16xf32>,
          %parallel_loop3A_275 = arith.constant 112 : i32
          %parallel_loop3A_276 = vector.broadcast %parallel_loop3A_275 : i32 to vector<16xi32>
          %parallel_loop3A_277 = arith.addi %iota3A, %parallel_loop3A_276 : vector<16xi32>
          tpu.vector_store_idx %arg10[%parallel_loop3A_173, %parallel_loop3A_277], %parallel_loop3A_274 : memref<64x128xf32, #tpu.memory_space<vmem>>[vector<16xi32>, vector<16xi32>], vector<16xf32>,
          %parallel_loop3A_278 = arith.constant 16 : i32
          %parallel_loop3A_279 = vector.broadcast %parallel_loop3A_278 : i32 to vector<16xi32>
          %parallel_loop3A_280 = arith.addi %parallel_loop3A_170, %parallel_loop3A_279 : vector<16xi32>
          %parallel_loop3A_281 = arith.constant 0 : i32
          %parallel_loop3A_282 = vector.broadcast %parallel_loop3A_281 : i32 to vector<16xi32>
          %parallel_loop3A_283 = arith.addi %iota3A, %parallel_loop3A_282 : vector<16xi32>
          %parallel_loop3A_284 = arith.constant 2 : i32
          %parallel_loop3A_285 = vector.broadcast %parallel_loop3A_284 : i32 to vector<16xi32>
          %parallel_loop3A_286 = arith.muli %parallel_loop3A_285, %parallel_loop3A_280 : vector<16xi32>
          %parallel_loop3A_287 = arith.constant 0 : i32
          %parallel_loop3A_288 = vector.broadcast %parallel_loop3A_287 : i32 to vector<16xi32>
          %parallel_loop3A_289 = arith.addi %parallel_loop3A_286, %parallel_loop3A_288 : vector<16xi32>
          %parallel_loop3A_290 = tpu.vector_load_idx %arg6[%parallel_loop3A_283, %parallel_loop3A_289] : memref<64x128xf32, #tpu.memory_space<vmem>>[vector<16xi32>, vector<16xi32>], vector<16xf32>,
          %parallel_loop3A_291 = arith.constant 0 : i32
          %parallel_loop3A_292 = vector.broadcast %parallel_loop3A_291 : i32 to vector<16xi32>
          %parallel_loop3A_293 = arith.addi %iota3A, %parallel_loop3A_292 : vector<16xi32>
          tpu.vector_store_idx %arg10[%parallel_loop3A_280, %parallel_loop3A_293], %parallel_loop3A_290 : memref<64x128xf32, #tpu.memory_space<vmem>>[vector<16xi32>, vector<16xi32>], vector<16xf32>,
          %parallel_loop3A_294 = arith.constant 16 : i32
          %parallel_loop3A_295 = vector.broadcast %parallel_loop3A_294 : i32 to vector<16xi32>
          %parallel_loop3A_296 = arith.addi %iota3A, %parallel_loop3A_295 : vector<16xi32>
          %parallel_loop3A_297 = arith.constant 2 : i32
          %parallel_loop3A_298 = vector.broadcast %parallel_loop3A_297 : i32 to vector<16xi32>
          %parallel_loop3A_299 = arith.muli %parallel_loop3A_298, %parallel_loop3A_280 : vector<16xi32>
          %parallel_loop3A_300 = arith.constant 0 : i32
          %parallel_loop3A_301 = vector.broadcast %parallel_loop3A_300 : i32 to vector<16xi32>
          %parallel_loop3A_302 = arith.addi %parallel_loop3A_299, %parallel_loop3A_301 : vector<16xi32>
          %parallel_loop3A_303 = tpu.vector_load_idx %arg6[%parallel_loop3A_296, %parallel_loop3A_302] : memref<64x128xf32, #tpu.memory_space<vmem>>[vector<16xi32>, vector<16xi32>], vector<16xf32>,
          %parallel_loop3A_304 = arith.constant 16 : i32
          %parallel_loop3A_305 = vector.broadcast %parallel_loop3A_304 : i32 to vector<16xi32>
          %parallel_loop3A_306 = arith.addi %iota3A, %parallel_loop3A_305 : vector<16xi32>
          tpu.vector_store_idx %arg10[%parallel_loop3A_280, %parallel_loop3A_306], %parallel_loop3A_303 : memref<64x128xf32, #tpu.memory_space<vmem>>[vector<16xi32>, vector<16xi32>], vector<16xf32>,
          %parallel_loop3A_307 = arith.constant 32 : i32
          %parallel_loop3A_308 = vector.broadcast %parallel_loop3A_307 : i32 to vector<16xi32>
          %parallel_loop3A_309 = arith.addi %iota3A, %parallel_loop3A_308 : vector<16xi32>
          %parallel_loop3A_310 = arith.constant 2 : i32
          %parallel_loop3A_311 = vector.broadcast %parallel_loop3A_310 : i32 to vector<16xi32>
          %parallel_loop3A_312 = arith.muli %parallel_loop3A_311, %parallel_loop3A_280 : vector<16xi32>
          %parallel_loop3A_313 = arith.constant 0 : i32
          %parallel_loop3A_314 = vector.broadcast %parallel_loop3A_313 : i32 to vector<16xi32>
          %parallel_loop3A_315 = arith.addi %parallel_loop3A_312, %parallel_loop3A_314 : vector<16xi32>
          %parallel_loop3A_316 = tpu.vector_load_idx %arg6[%parallel_loop3A_309, %parallel_loop3A_315] : memref<64x128xf32, #tpu.memory_space<vmem>>[vector<16xi32>, vector<16xi32>], vector<16xf32>,
          %parallel_loop3A_317 = arith.constant 32 : i32
          %parallel_loop3A_318 = vector.broadcast %parallel_loop3A_317 : i32 to vector<16xi32>
          %parallel_loop3A_319 = arith.addi %iota3A, %parallel_loop3A_318 : vector<16xi32>
          tpu.vector_store_idx %arg10[%parallel_loop3A_280, %parallel_loop3A_319], %parallel_loop3A_316 : memref<64x128xf32, #tpu.memory_space<vmem>>[vector<16xi32>, vector<16xi32>], vector<16xf32>,
          %parallel_loop3A_320 = arith.constant 48 : i32
          %parallel_loop3A_321 = vector.broadcast %parallel_loop3A_320 : i32 to vector<16xi32>
          %parallel_loop3A_322 = arith.addi %iota3A, %parallel_loop3A_321 : vector<16xi32>
          %parallel_loop3A_323 = arith.constant 2 : i32
          %parallel_loop3A_324 = vector.broadcast %parallel_loop3A_323 : i32 to vector<16xi32>
          %parallel_loop3A_325 = arith.muli %parallel_loop3A_324, %parallel_loop3A_280 : vector<16xi32>
          %parallel_loop3A_326 = arith.constant 0 : i32
          %parallel_loop3A_327 = vector.broadcast %parallel_loop3A_326 : i32 to vector<16xi32>
          %parallel_loop3A_328 = arith.addi %parallel_loop3A_325, %parallel_loop3A_327 : vector<16xi32>
          %parallel_loop3A_329 = tpu.vector_load_idx %arg6[%parallel_loop3A_322, %parallel_loop3A_328] : memref<64x128xf32, #tpu.memory_space<vmem>>[vector<16xi32>, vector<16xi32>], vector<16xf32>,
          %parallel_loop3A_330 = arith.constant 48 : i32
          %parallel_loop3A_331 = vector.broadcast %parallel_loop3A_330 : i32 to vector<16xi32>
          %parallel_loop3A_332 = arith.addi %iota3A, %parallel_loop3A_331 : vector<16xi32>
          tpu.vector_store_idx %arg10[%parallel_loop3A_280, %parallel_loop3A_332], %parallel_loop3A_329 : memref<64x128xf32, #tpu.memory_space<vmem>>[vector<16xi32>, vector<16xi32>], vector<16xf32>,
          %parallel_loop3A_333 = arith.constant 0 : i32
          %parallel_loop3A_334 = vector.broadcast %parallel_loop3A_333 : i32 to vector<16xi32>
          %parallel_loop3A_335 = arith.addi %iota3A, %parallel_loop3A_334 : vector<16xi32>
          %parallel_loop3A_336 = arith.constant 2 : i32
          %parallel_loop3A_337 = vector.broadcast %parallel_loop3A_336 : i32 to vector<16xi32>
          %parallel_loop3A_338 = arith.muli %parallel_loop3A_337, %parallel_loop3A_280 : vector<16xi32>
          %parallel_loop3A_339 = arith.constant 1 : i32
          %parallel_loop3A_340 = vector.broadcast %parallel_loop3A_339 : i32 to vector<16xi32>
          %parallel_loop3A_341 = arith.addi %parallel_loop3A_338, %parallel_loop3A_340 : vector<16xi32>
          %parallel_loop3A_342 = tpu.vector_load_idx %arg6[%parallel_loop3A_335, %parallel_loop3A_341] : memref<64x128xf32, #tpu.memory_space<vmem>>[vector<16xi32>, vector<16xi32>], vector<16xf32>,
          %parallel_loop3A_343 = arith.constant 64 : i32
          %parallel_loop3A_344 = vector.broadcast %parallel_loop3A_343 : i32 to vector<16xi32>
          %parallel_loop3A_345 = arith.addi %iota3A, %parallel_loop3A_344 : vector<16xi32>
          tpu.vector_store_idx %arg10[%parallel_loop3A_280, %parallel_loop3A_345], %parallel_loop3A_342 : memref<64x128xf32, #tpu.memory_space<vmem>>[vector<16xi32>, vector<16xi32>], vector<16xf32>,
          %parallel_loop3A_346 = arith.constant 16 : i32
          %parallel_loop3A_347 = vector.broadcast %parallel_loop3A_346 : i32 to vector<16xi32>
          %parallel_loop3A_348 = arith.addi %iota3A, %parallel_loop3A_347 : vector<16xi32>
          %parallel_loop3A_349 = arith.constant 2 : i32
          %parallel_loop3A_350 = vector.broadcast %parallel_loop3A_349 : i32 to vector<16xi32>
          %parallel_loop3A_351 = arith.muli %parallel_loop3A_350, %parallel_loop3A_280 : vector<16xi32>
          %parallel_loop3A_352 = arith.constant 1 : i32
          %parallel_loop3A_353 = vector.broadcast %parallel_loop3A_352 : i32 to vector<16xi32>
          %parallel_loop3A_354 = arith.addi %parallel_loop3A_351, %parallel_loop3A_353 : vector<16xi32>
          %parallel_loop3A_355 = tpu.vector_load_idx %arg6[%parallel_loop3A_348, %parallel_loop3A_354] : memref<64x128xf32, #tpu.memory_space<vmem>>[vector<16xi32>, vector<16xi32>], vector<16xf32>,
          %parallel_loop3A_356 = arith.constant 80 : i32
          %parallel_loop3A_357 = vector.broadcast %parallel_loop3A_356 : i32 to vector<16xi32>
          %parallel_loop3A_358 = arith.addi %iota3A, %parallel_loop3A_357 : vector<16xi32>
          tpu.vector_store_idx %arg10[%parallel_loop3A_280, %parallel_loop3A_358], %parallel_loop3A_355 : memref<64x128xf32, #tpu.memory_space<vmem>>[vector<16xi32>, vector<16xi32>], vector<16xf32>,
          %parallel_loop3A_359 = arith.constant 32 : i32
          %parallel_loop3A_360 = vector.broadcast %parallel_loop3A_359 : i32 to vector<16xi32>
          %parallel_loop3A_361 = arith.addi %iota3A, %parallel_loop3A_360 : vector<16xi32>
          %parallel_loop3A_362 = arith.constant 2 : i32
          %parallel_loop3A_363 = vector.broadcast %parallel_loop3A_362 : i32 to vector<16xi32>
          %parallel_loop3A_364 = arith.muli %parallel_loop3A_363, %parallel_loop3A_280 : vector<16xi32>
          %parallel_loop3A_365 = arith.constant 1 : i32
          %parallel_loop3A_366 = vector.broadcast %parallel_loop3A_365 : i32 to vector<16xi32>
          %parallel_loop3A_367 = arith.addi %parallel_loop3A_364, %parallel_loop3A_366 : vector<16xi32>
          %parallel_loop3A_368 = tpu.vector_load_idx %arg6[%parallel_loop3A_361, %parallel_loop3A_367] : memref<64x128xf32, #tpu.memory_space<vmem>>[vector<16xi32>, vector<16xi32>], vector<16xf32>,
          %parallel_loop3A_369 = arith.constant 96 : i32
          %parallel_loop3A_370 = vector.broadcast %parallel_loop3A_369 : i32 to vector<16xi32>
          %parallel_loop3A_371 = arith.addi %iota3A, %parallel_loop3A_370 : vector<16xi32>
          tpu.vector_store_idx %arg10[%parallel_loop3A_280, %parallel_loop3A_371], %parallel_loop3A_368 : memref<64x128xf32, #tpu.memory_space<vmem>>[vector<16xi32>, vector<16xi32>], vector<16xf32>,
          %parallel_loop3A_372 = arith.constant 48 : i32
          %parallel_loop3A_373 = vector.broadcast %parallel_loop3A_372 : i32 to vector<16xi32>
          %parallel_loop3A_374 = arith.addi %iota3A, %parallel_loop3A_373 : vector<16xi32>
          %parallel_loop3A_375 = arith.constant 2 : i32
          %parallel_loop3A_376 = vector.broadcast %parallel_loop3A_375 : i32 to vector<16xi32>
          %parallel_loop3A_377 = arith.muli %parallel_loop3A_376, %parallel_loop3A_280 : vector<16xi32>
          %parallel_loop3A_378 = arith.constant 1 : i32
          %parallel_loop3A_379 = vector.broadcast %parallel_loop3A_378 : i32 to vector<16xi32>
          %parallel_loop3A_380 = arith.addi %parallel_loop3A_377, %parallel_loop3A_379 : vector<16xi32>
          %parallel_loop3A_381 = tpu.vector_load_idx %arg6[%parallel_loop3A_374, %parallel_loop3A_380] : memref<64x128xf32, #tpu.memory_space<vmem>>[vector<16xi32>, vector<16xi32>], vector<16xf32>,
          %parallel_loop3A_382 = arith.constant 112 : i32
          %parallel_loop3A_383 = vector.broadcast %parallel_loop3A_382 : i32 to vector<16xi32>
          %parallel_loop3A_384 = arith.addi %iota3A, %parallel_loop3A_383 : vector<16xi32>
          tpu.vector_store_idx %arg10[%parallel_loop3A_280, %parallel_loop3A_384], %parallel_loop3A_381 : memref<64x128xf32, #tpu.memory_space<vmem>>[vector<16xi32>, vector<16xi32>], vector<16xf32>,
          %parallel_loop3A_385 = arith.constant 32 : i32
          %parallel_loop3A_386 = vector.broadcast %parallel_loop3A_385 : i32 to vector<16xi32>
          %parallel_loop3A_387 = arith.addi %parallel_loop3A_170, %parallel_loop3A_386 : vector<16xi32>
          %parallel_loop3A_388 = arith.constant 0 : i32
          %parallel_loop3A_389 = vector.broadcast %parallel_loop3A_388 : i32 to vector<16xi32>
          %parallel_loop3A_390 = arith.addi %iota3A, %parallel_loop3A_389 : vector<16xi32>
          %parallel_loop3A_391 = arith.constant 2 : i32
          %parallel_loop3A_392 = vector.broadcast %parallel_loop3A_391 : i32 to vector<16xi32>
          %parallel_loop3A_393 = arith.muli %parallel_loop3A_392, %parallel_loop3A_387 : vector<16xi32>
          %parallel_loop3A_394 = arith.constant 0 : i32
          %parallel_loop3A_395 = vector.broadcast %parallel_loop3A_394 : i32 to vector<16xi32>
          %parallel_loop3A_396 = arith.addi %parallel_loop3A_393, %parallel_loop3A_395 : vector<16xi32>
          %parallel_loop3A_397 = tpu.vector_load_idx %arg6[%parallel_loop3A_390, %parallel_loop3A_396] : memref<64x128xf32, #tpu.memory_space<vmem>>[vector<16xi32>, vector<16xi32>], vector<16xf32>,
          %parallel_loop3A_398 = arith.constant 0 : i32
          %parallel_loop3A_399 = vector.broadcast %parallel_loop3A_398 : i32 to vector<16xi32>
          %parallel_loop3A_400 = arith.addi %iota3A, %parallel_loop3A_399 : vector<16xi32>
          tpu.vector_store_idx %arg10[%parallel_loop3A_387, %parallel_loop3A_400], %parallel_loop3A_397 : memref<64x128xf32, #tpu.memory_space<vmem>>[vector<16xi32>, vector<16xi32>], vector<16xf32>,
          %parallel_loop3A_401 = arith.constant 16 : i32
          %parallel_loop3A_402 = vector.broadcast %parallel_loop3A_401 : i32 to vector<16xi32>
          %parallel_loop3A_403 = arith.addi %iota3A, %parallel_loop3A_402 : vector<16xi32>
          %parallel_loop3A_404 = arith.constant 2 : i32
          %parallel_loop3A_405 = vector.broadcast %parallel_loop3A_404 : i32 to vector<16xi32>
          %parallel_loop3A_406 = arith.muli %parallel_loop3A_405, %parallel_loop3A_387 : vector<16xi32>
          %parallel_loop3A_407 = arith.constant 0 : i32
          %parallel_loop3A_408 = vector.broadcast %parallel_loop3A_407 : i32 to vector<16xi32>
          %parallel_loop3A_409 = arith.addi %parallel_loop3A_406, %parallel_loop3A_408 : vector<16xi32>
          %parallel_loop3A_410 = tpu.vector_load_idx %arg6[%parallel_loop3A_403, %parallel_loop3A_409] : memref<64x128xf32, #tpu.memory_space<vmem>>[vector<16xi32>, vector<16xi32>], vector<16xf32>,
          %parallel_loop3A_411 = arith.constant 16 : i32
          %parallel_loop3A_412 = vector.broadcast %parallel_loop3A_411 : i32 to vector<16xi32>
          %parallel_loop3A_413 = arith.addi %iota3A, %parallel_loop3A_412 : vector<16xi32>
          tpu.vector_store_idx %arg10[%parallel_loop3A_387, %parallel_loop3A_413], %parallel_loop3A_410 : memref<64x128xf32, #tpu.memory_space<vmem>>[vector<16xi32>, vector<16xi32>], vector<16xf32>,
          %parallel_loop3A_414 = arith.constant 32 : i32
          %parallel_loop3A_415 = vector.broadcast %parallel_loop3A_414 : i32 to vector<16xi32>
          %parallel_loop3A_416 = arith.addi %iota3A, %parallel_loop3A_415 : vector<16xi32>
          %parallel_loop3A_417 = arith.constant 2 : i32
          %parallel_loop3A_418 = vector.broadcast %parallel_loop3A_417 : i32 to vector<16xi32>
          %parallel_loop3A_419 = arith.muli %parallel_loop3A_418, %parallel_loop3A_387 : vector<16xi32>
          %parallel_loop3A_420 = arith.constant 0 : i32
          %parallel_loop3A_421 = vector.broadcast %parallel_loop3A_420 : i32 to vector<16xi32>
          %parallel_loop3A_422 = arith.addi %parallel_loop3A_419, %parallel_loop3A_421 : vector<16xi32>
          %parallel_loop3A_423 = tpu.vector_load_idx %arg6[%parallel_loop3A_416, %parallel_loop3A_422] : memref<64x128xf32, #tpu.memory_space<vmem>>[vector<16xi32>, vector<16xi32>], vector<16xf32>,
          %parallel_loop3A_424 = arith.constant 32 : i32
          %parallel_loop3A_425 = vector.broadcast %parallel_loop3A_424 : i32 to vector<16xi32>
          %parallel_loop3A_426 = arith.addi %iota3A, %parallel_loop3A_425 : vector<16xi32>
          tpu.vector_store_idx %arg10[%parallel_loop3A_387, %parallel_loop3A_426], %parallel_loop3A_423 : memref<64x128xf32, #tpu.memory_space<vmem>>[vector<16xi32>, vector<16xi32>], vector<16xf32>,
          %parallel_loop3A_427 = arith.constant 48 : i32
          %parallel_loop3A_428 = vector.broadcast %parallel_loop3A_427 : i32 to vector<16xi32>
          %parallel_loop3A_429 = arith.addi %iota3A, %parallel_loop3A_428 : vector<16xi32>
          %parallel_loop3A_430 = arith.constant 2 : i32
          %parallel_loop3A_431 = vector.broadcast %parallel_loop3A_430 : i32 to vector<16xi32>
          %parallel_loop3A_432 = arith.muli %parallel_loop3A_431, %parallel_loop3A_387 : vector<16xi32>
          %parallel_loop3A_433 = arith.constant 0 : i32
          %parallel_loop3A_434 = vector.broadcast %parallel_loop3A_433 : i32 to vector<16xi32>
          %parallel_loop3A_435 = arith.addi %parallel_loop3A_432, %parallel_loop3A_434 : vector<16xi32>
          %parallel_loop3A_436 = tpu.vector_load_idx %arg6[%parallel_loop3A_429, %parallel_loop3A_435] : memref<64x128xf32, #tpu.memory_space<vmem>>[vector<16xi32>, vector<16xi32>], vector<16xf32>,
          %parallel_loop3A_437 = arith.constant 48 : i32
          %parallel_loop3A_438 = vector.broadcast %parallel_loop3A_437 : i32 to vector<16xi32>
          %parallel_loop3A_439 = arith.addi %iota3A, %parallel_loop3A_438 : vector<16xi32>
          tpu.vector_store_idx %arg10[%parallel_loop3A_387, %parallel_loop3A_439], %parallel_loop3A_436 : memref<64x128xf32, #tpu.memory_space<vmem>>[vector<16xi32>, vector<16xi32>], vector<16xf32>,
          %parallel_loop3A_440 = arith.constant 0 : i32
          %parallel_loop3A_441 = vector.broadcast %parallel_loop3A_440 : i32 to vector<16xi32>
          %parallel_loop3A_442 = arith.addi %iota3A, %parallel_loop3A_441 : vector<16xi32>
          %parallel_loop3A_443 = arith.constant 2 : i32
          %parallel_loop3A_444 = vector.broadcast %parallel_loop3A_443 : i32 to vector<16xi32>
          %parallel_loop3A_445 = arith.muli %parallel_loop3A_444, %parallel_loop3A_387 : vector<16xi32>
          %parallel_loop3A_446 = arith.constant 1 : i32
          %parallel_loop3A_447 = vector.broadcast %parallel_loop3A_446 : i32 to vector<16xi32>
          %parallel_loop3A_448 = arith.addi %parallel_loop3A_445, %parallel_loop3A_447 : vector<16xi32>
          %parallel_loop3A_449 = tpu.vector_load_idx %arg6[%parallel_loop3A_442, %parallel_loop3A_448] : memref<64x128xf32, #tpu.memory_space<vmem>>[vector<16xi32>, vector<16xi32>], vector<16xf32>,
          %parallel_loop3A_450 = arith.constant 64 : i32
          %parallel_loop3A_451 = vector.broadcast %parallel_loop3A_450 : i32 to vector<16xi32>
          %parallel_loop3A_452 = arith.addi %iota3A, %parallel_loop3A_451 : vector<16xi32>
          tpu.vector_store_idx %arg10[%parallel_loop3A_387, %parallel_loop3A_452], %parallel_loop3A_449 : memref<64x128xf32, #tpu.memory_space<vmem>>[vector<16xi32>, vector<16xi32>], vector<16xf32>,
          %parallel_loop3A_453 = arith.constant 16 : i32
          %parallel_loop3A_454 = vector.broadcast %parallel_loop3A_453 : i32 to vector<16xi32>
          %parallel_loop3A_455 = arith.addi %iota3A, %parallel_loop3A_454 : vector<16xi32>
          %parallel_loop3A_456 = arith.constant 2 : i32
          %parallel_loop3A_457 = vector.broadcast %parallel_loop3A_456 : i32 to vector<16xi32>
          %parallel_loop3A_458 = arith.muli %parallel_loop3A_457, %parallel_loop3A_387 : vector<16xi32>
          %parallel_loop3A_459 = arith.constant 1 : i32
          %parallel_loop3A_460 = vector.broadcast %parallel_loop3A_459 : i32 to vector<16xi32>
          %parallel_loop3A_461 = arith.addi %parallel_loop3A_458, %parallel_loop3A_460 : vector<16xi32>
          %parallel_loop3A_462 = tpu.vector_load_idx %arg6[%parallel_loop3A_455, %parallel_loop3A_461] : memref<64x128xf32, #tpu.memory_space<vmem>>[vector<16xi32>, vector<16xi32>], vector<16xf32>,
          %parallel_loop3A_463 = arith.constant 80 : i32
          %parallel_loop3A_464 = vector.broadcast %parallel_loop3A_463 : i32 to vector<16xi32>
          %parallel_loop3A_465 = arith.addi %iota3A, %parallel_loop3A_464 : vector<16xi32>
          tpu.vector_store_idx %arg10[%parallel_loop3A_387, %parallel_loop3A_465], %parallel_loop3A_462 : memref<64x128xf32, #tpu.memory_space<vmem>>[vector<16xi32>, vector<16xi32>], vector<16xf32>,
          %parallel_loop3A_466 = arith.constant 32 : i32
          %parallel_loop3A_467 = vector.broadcast %parallel_loop3A_466 : i32 to vector<16xi32>
          %parallel_loop3A_468 = arith.addi %iota3A, %parallel_loop3A_467 : vector<16xi32>
          %parallel_loop3A_469 = arith.constant 2 : i32
          %parallel_loop3A_470 = vector.broadcast %parallel_loop3A_469 : i32 to vector<16xi32>
          %parallel_loop3A_471 = arith.muli %parallel_loop3A_470, %parallel_loop3A_387 : vector<16xi32>
          %parallel_loop3A_472 = arith.constant 1 : i32
          %parallel_loop3A_473 = vector.broadcast %parallel_loop3A_472 : i32 to vector<16xi32>
          %parallel_loop3A_474 = arith.addi %parallel_loop3A_471, %parallel_loop3A_473 : vector<16xi32>
          %parallel_loop3A_475 = tpu.vector_load_idx %arg6[%parallel_loop3A_468, %parallel_loop3A_474] : memref<64x128xf32, #tpu.memory_space<vmem>>[vector<16xi32>, vector<16xi32>], vector<16xf32>,
          %parallel_loop3A_476 = arith.constant 96 : i32
          %parallel_loop3A_477 = vector.broadcast %parallel_loop3A_476 : i32 to vector<16xi32>
          %parallel_loop3A_478 = arith.addi %iota3A, %parallel_loop3A_477 : vector<16xi32>
          tpu.vector_store_idx %arg10[%parallel_loop3A_387, %parallel_loop3A_478], %parallel_loop3A_475 : memref<64x128xf32, #tpu.memory_space<vmem>>[vector<16xi32>, vector<16xi32>], vector<16xf32>,
          %parallel_loop3A_479 = arith.constant 48 : i32
          %parallel_loop3A_480 = vector.broadcast %parallel_loop3A_479 : i32 to vector<16xi32>
          %parallel_loop3A_481 = arith.addi %iota3A, %parallel_loop3A_480 : vector<16xi32>
          %parallel_loop3A_482 = arith.constant 2 : i32
          %parallel_loop3A_483 = vector.broadcast %parallel_loop3A_482 : i32 to vector<16xi32>
          %parallel_loop3A_484 = arith.muli %parallel_loop3A_483, %parallel_loop3A_387 : vector<16xi32>
          %parallel_loop3A_485 = arith.constant 1 : i32
          %parallel_loop3A_486 = vector.broadcast %parallel_loop3A_485 : i32 to vector<16xi32>
          %parallel_loop3A_487 = arith.addi %parallel_loop3A_484, %parallel_loop3A_486 : vector<16xi32>
          %parallel_loop3A_488 = tpu.vector_load_idx %arg6[%parallel_loop3A_481, %parallel_loop3A_487] : memref<64x128xf32, #tpu.memory_space<vmem>>[vector<16xi32>, vector<16xi32>], vector<16xf32>,
          %parallel_loop3A_489 = arith.constant 112 : i32
          %parallel_loop3A_490 = vector.broadcast %parallel_loop3A_489 : i32 to vector<16xi32>
          %parallel_loop3A_491 = arith.addi %iota3A, %parallel_loop3A_490 : vector<16xi32>
          tpu.vector_store_idx %arg10[%parallel_loop3A_387, %parallel_loop3A_491], %parallel_loop3A_488 : memref<64x128xf32, #tpu.memory_space<vmem>>[vector<16xi32>, vector<16xi32>], vector<16xf32>,
          %parallel_loop3A_492 = arith.constant 48 : i32
          %parallel_loop3A_493 = vector.broadcast %parallel_loop3A_492 : i32 to vector<16xi32>
          %parallel_loop3A_494 = arith.addi %parallel_loop3A_170, %parallel_loop3A_493 : vector<16xi32>
          %parallel_loop3A_495 = arith.constant 0 : i32
          %parallel_loop3A_496 = vector.broadcast %parallel_loop3A_495 : i32 to vector<16xi32>
          %parallel_loop3A_497 = arith.addi %iota3A, %parallel_loop3A_496 : vector<16xi32>
          %parallel_loop3A_498 = arith.constant 2 : i32
          %parallel_loop3A_499 = vector.broadcast %parallel_loop3A_498 : i32 to vector<16xi32>
          %parallel_loop3A_500 = arith.muli %parallel_loop3A_499, %parallel_loop3A_494 : vector<16xi32>
          %parallel_loop3A_501 = arith.constant 0 : i32
          %parallel_loop3A_502 = vector.broadcast %parallel_loop3A_501 : i32 to vector<16xi32>
          %parallel_loop3A_503 = arith.addi %parallel_loop3A_500, %parallel_loop3A_502 : vector<16xi32>
          %parallel_loop3A_504 = tpu.vector_load_idx %arg6[%parallel_loop3A_497, %parallel_loop3A_503] : memref<64x128xf32, #tpu.memory_space<vmem>>[vector<16xi32>, vector<16xi32>], vector<16xf32>,
          %parallel_loop3A_505 = arith.constant 0 : i32
          %parallel_loop3A_506 = vector.broadcast %parallel_loop3A_505 : i32 to vector<16xi32>
          %parallel_loop3A_507 = arith.addi %iota3A, %parallel_loop3A_506 : vector<16xi32>
          tpu.vector_store_idx %arg10[%parallel_loop3A_494, %parallel_loop3A_507], %parallel_loop3A_504 : memref<64x128xf32, #tpu.memory_space<vmem>>[vector<16xi32>, vector<16xi32>], vector<16xf32>,
          %parallel_loop3A_508 = arith.constant 16 : i32
          %parallel_loop3A_509 = vector.broadcast %parallel_loop3A_508 : i32 to vector<16xi32>
          %parallel_loop3A_510 = arith.addi %iota3A, %parallel_loop3A_509 : vector<16xi32>
          %parallel_loop3A_511 = arith.constant 2 : i32
          %parallel_loop3A_512 = vector.broadcast %parallel_loop3A_511 : i32 to vector<16xi32>
          %parallel_loop3A_513 = arith.muli %parallel_loop3A_512, %parallel_loop3A_494 : vector<16xi32>
          %parallel_loop3A_514 = arith.constant 0 : i32
          %parallel_loop3A_515 = vector.broadcast %parallel_loop3A_514 : i32 to vector<16xi32>
          %parallel_loop3A_516 = arith.addi %parallel_loop3A_513, %parallel_loop3A_515 : vector<16xi32>
          %parallel_loop3A_517 = tpu.vector_load_idx %arg6[%parallel_loop3A_510, %parallel_loop3A_516] : memref<64x128xf32, #tpu.memory_space<vmem>>[vector<16xi32>, vector<16xi32>], vector<16xf32>,
          %parallel_loop3A_518 = arith.constant 16 : i32
          %parallel_loop3A_519 = vector.broadcast %parallel_loop3A_518 : i32 to vector<16xi32>
          %parallel_loop3A_520 = arith.addi %iota3A, %parallel_loop3A_519 : vector<16xi32>
          tpu.vector_store_idx %arg10[%parallel_loop3A_494, %parallel_loop3A_520], %parallel_loop3A_517 : memref<64x128xf32, #tpu.memory_space<vmem>>[vector<16xi32>, vector<16xi32>], vector<16xf32>,
          %parallel_loop3A_521 = arith.constant 32 : i32
          %parallel_loop3A_522 = vector.broadcast %parallel_loop3A_521 : i32 to vector<16xi32>
          %parallel_loop3A_523 = arith.addi %iota3A, %parallel_loop3A_522 : vector<16xi32>
          %parallel_loop3A_524 = arith.constant 2 : i32
          %parallel_loop3A_525 = vector.broadcast %parallel_loop3A_524 : i32 to vector<16xi32>
          %parallel_loop3A_526 = arith.muli %parallel_loop3A_525, %parallel_loop3A_494 : vector<16xi32>
          %parallel_loop3A_527 = arith.constant 0 : i32
          %parallel_loop3A_528 = vector.broadcast %parallel_loop3A_527 : i32 to vector<16xi32>
          %parallel_loop3A_529 = arith.addi %parallel_loop3A_526, %parallel_loop3A_528 : vector<16xi32>
          %parallel_loop3A_530 = tpu.vector_load_idx %arg6[%parallel_loop3A_523, %parallel_loop3A_529] : memref<64x128xf32, #tpu.memory_space<vmem>>[vector<16xi32>, vector<16xi32>], vector<16xf32>,
          %parallel_loop3A_531 = arith.constant 32 : i32
          %parallel_loop3A_532 = vector.broadcast %parallel_loop3A_531 : i32 to vector<16xi32>
          %parallel_loop3A_533 = arith.addi %iota3A, %parallel_loop3A_532 : vector<16xi32>
          tpu.vector_store_idx %arg10[%parallel_loop3A_494, %parallel_loop3A_533], %parallel_loop3A_530 : memref<64x128xf32, #tpu.memory_space<vmem>>[vector<16xi32>, vector<16xi32>], vector<16xf32>,
          %parallel_loop3A_534 = arith.constant 48 : i32
          %parallel_loop3A_535 = vector.broadcast %parallel_loop3A_534 : i32 to vector<16xi32>
          %parallel_loop3A_536 = arith.addi %iota3A, %parallel_loop3A_535 : vector<16xi32>
          %parallel_loop3A_537 = arith.constant 2 : i32
          %parallel_loop3A_538 = vector.broadcast %parallel_loop3A_537 : i32 to vector<16xi32>
          %parallel_loop3A_539 = arith.muli %parallel_loop3A_538, %parallel_loop3A_494 : vector<16xi32>
          %parallel_loop3A_540 = arith.constant 0 : i32
          %parallel_loop3A_541 = vector.broadcast %parallel_loop3A_540 : i32 to vector<16xi32>
          %parallel_loop3A_542 = arith.addi %parallel_loop3A_539, %parallel_loop3A_541 : vector<16xi32>
          %parallel_loop3A_543 = tpu.vector_load_idx %arg6[%parallel_loop3A_536, %parallel_loop3A_542] : memref<64x128xf32, #tpu.memory_space<vmem>>[vector<16xi32>, vector<16xi32>], vector<16xf32>,
          %parallel_loop3A_544 = arith.constant 48 : i32
          %parallel_loop3A_545 = vector.broadcast %parallel_loop3A_544 : i32 to vector<16xi32>
          %parallel_loop3A_546 = arith.addi %iota3A, %parallel_loop3A_545 : vector<16xi32>
          tpu.vector_store_idx %arg10[%parallel_loop3A_494, %parallel_loop3A_546], %parallel_loop3A_543 : memref<64x128xf32, #tpu.memory_space<vmem>>[vector<16xi32>, vector<16xi32>], vector<16xf32>,
          %parallel_loop3A_547 = arith.constant 0 : i32
          %parallel_loop3A_548 = vector.broadcast %parallel_loop3A_547 : i32 to vector<16xi32>
          %parallel_loop3A_549 = arith.addi %iota3A, %parallel_loop3A_548 : vector<16xi32>
          %parallel_loop3A_550 = arith.constant 2 : i32
          %parallel_loop3A_551 = vector.broadcast %parallel_loop3A_550 : i32 to vector<16xi32>
          %parallel_loop3A_552 = arith.muli %parallel_loop3A_551, %parallel_loop3A_494 : vector<16xi32>
          %parallel_loop3A_553 = arith.constant 1 : i32
          %parallel_loop3A_554 = vector.broadcast %parallel_loop3A_553 : i32 to vector<16xi32>
          %parallel_loop3A_555 = arith.addi %parallel_loop3A_552, %parallel_loop3A_554 : vector<16xi32>
          %parallel_loop3A_556 = tpu.vector_load_idx %arg6[%parallel_loop3A_549, %parallel_loop3A_555] : memref<64x128xf32, #tpu.memory_space<vmem>>[vector<16xi32>, vector<16xi32>], vector<16xf32>,
          %parallel_loop3A_557 = arith.constant 64 : i32
          %parallel_loop3A_558 = vector.broadcast %parallel_loop3A_557 : i32 to vector<16xi32>
          %parallel_loop3A_559 = arith.addi %iota3A, %parallel_loop3A_558 : vector<16xi32>
          tpu.vector_store_idx %arg10[%parallel_loop3A_494, %parallel_loop3A_559], %parallel_loop3A_556 : memref<64x128xf32, #tpu.memory_space<vmem>>[vector<16xi32>, vector<16xi32>], vector<16xf32>,
          %parallel_loop3A_560 = arith.constant 16 : i32
          %parallel_loop3A_561 = vector.broadcast %parallel_loop3A_560 : i32 to vector<16xi32>
          %parallel_loop3A_562 = arith.addi %iota3A, %parallel_loop3A_561 : vector<16xi32>
          %parallel_loop3A_563 = arith.constant 2 : i32
          %parallel_loop3A_564 = vector.broadcast %parallel_loop3A_563 : i32 to vector<16xi32>
          %parallel_loop3A_565 = arith.muli %parallel_loop3A_564, %parallel_loop3A_494 : vector<16xi32>
          %parallel_loop3A_566 = arith.constant 1 : i32
          %parallel_loop3A_567 = vector.broadcast %parallel_loop3A_566 : i32 to vector<16xi32>
          %parallel_loop3A_568 = arith.addi %parallel_loop3A_565, %parallel_loop3A_567 : vector<16xi32>
          %parallel_loop3A_569 = tpu.vector_load_idx %arg6[%parallel_loop3A_562, %parallel_loop3A_568] : memref<64x128xf32, #tpu.memory_space<vmem>>[vector<16xi32>, vector<16xi32>], vector<16xf32>,
          %parallel_loop3A_570 = arith.constant 80 : i32
          %parallel_loop3A_571 = vector.broadcast %parallel_loop3A_570 : i32 to vector<16xi32>
          %parallel_loop3A_572 = arith.addi %iota3A, %parallel_loop3A_571 : vector<16xi32>
          tpu.vector_store_idx %arg10[%parallel_loop3A_494, %parallel_loop3A_572], %parallel_loop3A_569 : memref<64x128xf32, #tpu.memory_space<vmem>>[vector<16xi32>, vector<16xi32>], vector<16xf32>,
          %parallel_loop3A_573 = arith.constant 32 : i32
          %parallel_loop3A_574 = vector.broadcast %parallel_loop3A_573 : i32 to vector<16xi32>
          %parallel_loop3A_575 = arith.addi %iota3A, %parallel_loop3A_574 : vector<16xi32>
          %parallel_loop3A_576 = arith.constant 2 : i32
          %parallel_loop3A_577 = vector.broadcast %parallel_loop3A_576 : i32 to vector<16xi32>
          %parallel_loop3A_578 = arith.muli %parallel_loop3A_577, %parallel_loop3A_494 : vector<16xi32>
          %parallel_loop3A_579 = arith.constant 1 : i32
          %parallel_loop3A_580 = vector.broadcast %parallel_loop3A_579 : i32 to vector<16xi32>
          %parallel_loop3A_581 = arith.addi %parallel_loop3A_578, %parallel_loop3A_580 : vector<16xi32>
          %parallel_loop3A_582 = tpu.vector_load_idx %arg6[%parallel_loop3A_575, %parallel_loop3A_581] : memref<64x128xf32, #tpu.memory_space<vmem>>[vector<16xi32>, vector<16xi32>], vector<16xf32>,
          %parallel_loop3A_583 = arith.constant 96 : i32
          %parallel_loop3A_584 = vector.broadcast %parallel_loop3A_583 : i32 to vector<16xi32>
          %parallel_loop3A_585 = arith.addi %iota3A, %parallel_loop3A_584 : vector<16xi32>
          tpu.vector_store_idx %arg10[%parallel_loop3A_494, %parallel_loop3A_585], %parallel_loop3A_582 : memref<64x128xf32, #tpu.memory_space<vmem>>[vector<16xi32>, vector<16xi32>], vector<16xf32>,
          %parallel_loop3A_586 = arith.constant 48 : i32
          %parallel_loop3A_587 = vector.broadcast %parallel_loop3A_586 : i32 to vector<16xi32>
          %parallel_loop3A_588 = arith.addi %iota3A, %parallel_loop3A_587 : vector<16xi32>
          %parallel_loop3A_589 = arith.constant 2 : i32
          %parallel_loop3A_590 = vector.broadcast %parallel_loop3A_589 : i32 to vector<16xi32>
          %parallel_loop3A_591 = arith.muli %parallel_loop3A_590, %parallel_loop3A_494 : vector<16xi32>
          %parallel_loop3A_592 = arith.constant 1 : i32
          %parallel_loop3A_593 = vector.broadcast %parallel_loop3A_592 : i32 to vector<16xi32>
          %parallel_loop3A_594 = arith.addi %parallel_loop3A_591, %parallel_loop3A_593 : vector<16xi32>
          %parallel_loop3A_595 = tpu.vector_load_idx %arg6[%parallel_loop3A_588, %parallel_loop3A_594] : memref<64x128xf32, #tpu.memory_space<vmem>>[vector<16xi32>, vector<16xi32>], vector<16xf32>,
          %parallel_loop3A_596 = arith.constant 112 : i32
          %parallel_loop3A_597 = vector.broadcast %parallel_loop3A_596 : i32 to vector<16xi32>
          %parallel_loop3A_598 = arith.addi %iota3A, %parallel_loop3A_597 : vector<16xi32>
          tpu.vector_store_idx %arg10[%parallel_loop3A_494, %parallel_loop3A_598], %parallel_loop3A_595 : memref<64x128xf32, #tpu.memory_space<vmem>>[vector<16xi32>, vector<16xi32>], vector<16xf32>,
        } {sc.loop_unroll_factor = 8 : i64, sc.parallel_access}
        %mul3A_149 = arith.constant 64 : i32
        %mul3A_150 = arith.muli %add3A_104, %mul3A_149 : i32
        %dma_start3A_151 = arith.constant 1 : i32
        %dma_start3A_152 = arith.constant 0 : i32
        %dma_start3A_153 = tpu.memref_slice %arg4[%mul3A_150, %dma_start3A_152] : memref<500000x128xf32, #tpu.memory_space<hbm>> -> memref<64x128xf32, #tpu.memory_space<hbm>>
        %dma_start3A_154 = tpu.memref_slice %arg15[%dma_start3A_151] : memref<4x!tpu.dma_semaphore, #tpu.memory_space<semaphore_mem>> -> memref<1x!tpu.dma_semaphore, #tpu.memory_space<semaphore_mem>>
        %dma_start3A_155 = tpu.memref_squeeze %dma_start3A_154 : memref<1x!tpu.dma_semaphore, #tpu.memory_space<semaphore_mem>> -> memref<!tpu.dma_semaphore, #tpu.memory_space<semaphore_mem>>
        %dma_start3A_156 = arith.constant 0 : i32
        %dma_start3A_157 = tpu.memref_slice %arg4[%mul3A_150, %dma_start3A_156] : memref<500000x128xf32, #tpu.memory_space<hbm>> -> memref<64x128xf32, #tpu.memory_space<hbm>>
        tpu.enqueue_dma source(%arg10 : memref<64x128xf32, #tpu.memory_space<vmem>>) target(%dma_start3A_157 : memref<64x128xf32, #tpu.memory_space<hbm>>) target_semaphore(%dma_start3A_155 : memref<!tpu.dma_semaphore, #tpu.memory_space<semaphore_mem>>)
        %add3A_158 = arith.constant 128 : i32
        %add3A_159 = arith.addi %add3A_104, %add3A_158 : i32
        %lt3A_160 = arith.constant 7812 : i32
        %lt3A_161 = arith.cmpi slt, %add3A_159, %lt3A_160 : i32
        %convert_element_type3A_162 = arith.extui %lt3A_161 : i1 to i32
        %cond3A_163 = arith.constant 0 : i32
        %cond3A_164 = arith.cmpi ne, %convert_element_type3A_162, %cond3A_163 : i32
        scf.if %cond3A_164 {
          %add3A_165 = arith.constant 128 : i32
          %add3A_166 = arith.addi %add3A_104, %add3A_165 : i32
          %mul3A_167 = arith.constant 128 : i32
          %mul3A_168 = arith.muli %add3A_166, %mul3A_167 : i32
          %dma_start3A_169 = arith.constant 1 : i32
          %dma_start3A_170 = arith.constant 0 : i32
          %dma_start3A_171 = tpu.memref_slice %arg2[%dma_start3A_170, %mul3A_168] : memref<64x1000000xf32, #tpu.memory_space<hbm>> -> memref<64x128xf32, #tpu.memory_space<hbm>>
          %dma_start3A_172 = tpu.memref_slice %arg14[%dma_start3A_169] : memref<4x!tpu.dma_semaphore, #tpu.memory_space<semaphore_mem>> -> memref<1x!tpu.dma_semaphore, #tpu.memory_space<semaphore_mem>>
          %dma_start3A_173 = tpu.memref_squeeze %dma_start3A_172 : memref<1x!tpu.dma_semaphore, #tpu.memory_space<semaphore_mem>> -> memref<!tpu.dma_semaphore, #tpu.memory_space<semaphore_mem>>
          %dma_start3A_174 = arith.constant 0 : i32
          %dma_start3A_175 = tpu.memref_slice %arg2[%dma_start3A_174, %mul3A_168] : memref<64x1000000xf32, #tpu.memory_space<hbm>> -> memref<64x128xf32, #tpu.memory_space<hbm>>
          tpu.enqueue_dma source(%dma_start3A_175 : memref<64x128xf32, #tpu.memory_space<hbm>>) target(%arg6 : memref<64x128xf32, #tpu.memory_space<vmem>>) target_semaphore(%dma_start3A_173 : memref<!tpu.dma_semaphore, #tpu.memory_space<semaphore_mem>>)
        } else {
        }
      } else {
      }
      %mul3A_110 = arith.constant 4 : i32
      %mul3A_111 = arith.muli %mul3A_110, %scan3A_86 : i32
      %add3A_112 = arith.constant 2 : i32
      %add3A_113 = arith.addi %mul3A_111, %add3A_112 : i32
      %mul3A_114 = arith.constant 32 : i32
      %mul3A_115 = arith.muli %add3A_113, %mul3A_114 : i32
      %add3A_116 = arith.addi %add3A, %mul3A_115 : i32
      %lt3A_117 = arith.constant 7812 : i32
      %lt3A_118 = arith.cmpi slt, %add3A_116, %lt3A_117 : i32
      %convert_element_type3A_119 = arith.extui %lt3A_118 : i1 to i32
      %cond3A_120 = arith.constant 0 : i32
      %cond3A_121 = arith.cmpi ne, %convert_element_type3A_119, %cond3A_120 : i32
      scf.if %cond3A_121 {
        %mul3A_134 = arith.constant 128 : i32
        %mul3A_135 = arith.muli %add3A_116, %mul3A_134 : i32
        %dma_wait3A_136 = arith.constant 2 : i32
        %dma_wait3A_137 = arith.constant 0 : i32
        %dma_wait3A_138 = tpu.memref_slice %arg2[%dma_wait3A_137, %mul3A_135] : memref<64x1000000xf32, #tpu.memory_space<hbm>> -> memref<64x128xf32, #tpu.memory_space<hbm>>
        %dma_wait3A_139 = tpu.memref_slice %arg14[%dma_wait3A_136] : memref<4x!tpu.dma_semaphore, #tpu.memory_space<semaphore_mem>> -> memref<1x!tpu.dma_semaphore, #tpu.memory_space<semaphore_mem>>
        %dma_wait3A_140 = tpu.memref_squeeze %dma_wait3A_139 : memref<1x!tpu.dma_semaphore, #tpu.memory_space<semaphore_mem>> -> memref<!tpu.dma_semaphore, #tpu.memory_space<semaphore_mem>>
        %dma_wait3A_141 = arith.constant 0 : i32
        %dma_wait3A_142 = tpu.memref_slice %arg2[%dma_wait3A_141, %mul3A_135] : memref<64x1000000xf32, #tpu.memory_space<hbm>> -> memref<64x128xf32, #tpu.memory_space<hbm>>
        tpu.wait_dma2 semaphore(%dma_wait3A_140 : memref<!tpu.dma_semaphore, #tpu.memory_space<semaphore_mem>>) src(%dma_wait3A_142 : memref<64x128xf32, #tpu.memory_space<hbm>>) dst(%arg7 : memref<64x128xf32, #tpu.memory_space<vmem>>)
        %ge3A = arith.constant 1 : i32
        %ge3A_143 = arith.cmpi sge, %scan3A_86, %ge3A : i32
        %convert_element_type3A_144 = arith.extui %ge3A_143 : i1 to i32
        %cond3A_145 = arith.constant 0 : i32
        %cond3A_146 = arith.cmpi ne, %convert_element_type3A_144, %cond3A_145 : i32
        scf.if %cond3A_146 {
          %sub3A = arith.constant 128 : i32
          %sub3A_165 = arith.subi %add3A_116, %sub3A : i32
          %mul3A_166 = arith.constant 64 : i32
          %mul3A_167 = arith.muli %sub3A_165, %mul3A_166 : i32
          %dma_wait3A_168 = arith.constant 2 : i32
          %dma_wait3A_169 = arith.constant 0 : i32
          %dma_wait3A_170 = tpu.memref_slice %arg4[%mul3A_167, %dma_wait3A_169] : memref<500000x128xf32, #tpu.memory_space<hbm>> -> memref<64x128xf32, #tpu.memory_space<hbm>>
          %dma_wait3A_171 = tpu.memref_slice %arg15[%dma_wait3A_168] : memref<4x!tpu.dma_semaphore, #tpu.memory_space<semaphore_mem>> -> memref<1x!tpu.dma_semaphore, #tpu.memory_space<semaphore_mem>>
          %dma_wait3A_172 = tpu.memref_squeeze %dma_wait3A_171 : memref<1x!tpu.dma_semaphore, #tpu.memory_space<semaphore_mem>> -> memref<!tpu.dma_semaphore, #tpu.memory_space<semaphore_mem>>
          %dma_wait3A_173 = arith.constant 0 : i32
          %dma_wait3A_174 = tpu.memref_slice %arg4[%mul3A_167, %dma_wait3A_173] : memref<500000x128xf32, #tpu.memory_space<hbm>> -> memref<64x128xf32, #tpu.memory_space<hbm>>
          tpu.wait_dma2 semaphore(%dma_wait3A_172 : memref<!tpu.dma_semaphore, #tpu.memory_space<semaphore_mem>>) src(%arg11 : memref<64x128xf32, #tpu.memory_space<vmem>>) dst(%dma_wait3A_174 : memref<64x128xf32, #tpu.memory_space<hbm>>)
        } else {
        }
        %parallel_loop3A = arith.constant 0 : i32
        %parallel_loop3A_147 = arith.constant 16 : i32
        %parallel_loop3A_148 = arith.constant 1 : i32
        scf.for %parallel_loop3A_165 = %parallel_loop3A to %parallel_loop3A_147 step %parallel_loop3A_148  : i32 {
          %parallel_loop3A_166 = vector.broadcast %parallel_loop3A_165 : i32 to vector<16xi32>
          %parallel_loop3A_167 = arith.addi %iota3A, %parallel_loop3A_166 : vector<16xi32>
          %parallel_loop3A_168 = arith.constant 15 : i32
          %parallel_loop3A_169 = vector.broadcast %parallel_loop3A_168 : i32 to vector<16xi32>
          %parallel_loop3A_170 = arith.andi %parallel_loop3A_167, %parallel_loop3A_169 : vector<16xi32>
          %parallel_loop3A_171 = arith.constant 0 : i32
          %parallel_loop3A_172 = vector.broadcast %parallel_loop3A_171 : i32 to vector<16xi32>
          %parallel_loop3A_173 = arith.addi %parallel_loop3A_170, %parallel_loop3A_172 : vector<16xi32>
          %parallel_loop3A_174 = arith.constant 0 : i32
          %parallel_loop3A_175 = vector.broadcast %parallel_loop3A_174 : i32 to vector<16xi32>
          %parallel_loop3A_176 = arith.addi %iota3A, %parallel_loop3A_175 : vector<16xi32>
          %parallel_loop3A_177 = arith.constant 2 : i32
          %parallel_loop3A_178 = vector.broadcast %parallel_loop3A_177 : i32 to vector<16xi32>
          %parallel_loop3A_179 = arith.muli %parallel_loop3A_178, %parallel_loop3A_173 : vector<16xi32>
          %parallel_loop3A_180 = arith.constant 0 : i32
          %parallel_loop3A_181 = vector.broadcast %parallel_loop3A_180 : i32 to vector<16xi32>
          %parallel_loop3A_182 = arith.addi %parallel_loop3A_179, %parallel_loop3A_181 : vector<16xi32>
          %parallel_loop3A_183 = tpu.vector_load_idx %arg7[%parallel_loop3A_176, %parallel_loop3A_182] : memref<64x128xf32, #tpu.memory_space<vmem>>[vector<16xi32>, vector<16xi32>], vector<16xf32>,
          %parallel_loop3A_184 = arith.constant 0 : i32
          %parallel_loop3A_185 = vector.broadcast %parallel_loop3A_184 : i32 to vector<16xi32>
          %parallel_loop3A_186 = arith.addi %iota3A, %parallel_loop3A_185 : vector<16xi32>
          tpu.vector_store_idx %arg11[%parallel_loop3A_173, %parallel_loop3A_186], %parallel_loop3A_183 : memref<64x128xf32, #tpu.memory_space<vmem>>[vector<16xi32>, vector<16xi32>], vector<16xf32>,
          %parallel_loop3A_187 = arith.constant 16 : i32
          %parallel_loop3A_188 = vector.broadcast %parallel_loop3A_187 : i32 to vector<16xi32>
          %parallel_loop3A_189 = arith.addi %iota3A, %parallel_loop3A_188 : vector<16xi32>
          %parallel_loop3A_190 = arith.constant 2 : i32
          %parallel_loop3A_191 = vector.broadcast %parallel_loop3A_190 : i32 to vector<16xi32>
          %parallel_loop3A_192 = arith.muli %parallel_loop3A_191, %parallel_loop3A_173 : vector<16xi32>
          %parallel_loop3A_193 = arith.constant 0 : i32
          %parallel_loop3A_194 = vector.broadcast %parallel_loop3A_193 : i32 to vector<16xi32>
          %parallel_loop3A_195 = arith.addi %parallel_loop3A_192, %parallel_loop3A_194 : vector<16xi32>
          %parallel_loop3A_196 = tpu.vector_load_idx %arg7[%parallel_loop3A_189, %parallel_loop3A_195] : memref<64x128xf32, #tpu.memory_space<vmem>>[vector<16xi32>, vector<16xi32>], vector<16xf32>,
          %parallel_loop3A_197 = arith.constant 16 : i32
          %parallel_loop3A_198 = vector.broadcast %parallel_loop3A_197 : i32 to vector<16xi32>
          %parallel_loop3A_199 = arith.addi %iota3A, %parallel_loop3A_198 : vector<16xi32>
          tpu.vector_store_idx %arg11[%parallel_loop3A_173, %parallel_loop3A_199], %parallel_loop3A_196 : memref<64x128xf32, #tpu.memory_space<vmem>>[vector<16xi32>, vector<16xi32>], vector<16xf32>,
          %parallel_loop3A_200 = arith.constant 32 : i32
          %parallel_loop3A_201 = vector.broadcast %parallel_loop3A_200 : i32 to vector<16xi32>
          %parallel_loop3A_202 = arith.addi %iota3A, %parallel_loop3A_201 : vector<16xi32>
          %parallel_loop3A_203 = arith.constant 2 : i32
          %parallel_loop3A_204 = vector.broadcast %parallel_loop3A_203 : i32 to vector<16xi32>
          %parallel_loop3A_205 = arith.muli %parallel_loop3A_204, %parallel_loop3A_173 : vector<16xi32>
          %parallel_loop3A_206 = arith.constant 0 : i32
          %parallel_loop3A_207 = vector.broadcast %parallel_loop3A_206 : i32 to vector<16xi32>
          %parallel_loop3A_208 = arith.addi %parallel_loop3A_205, %parallel_loop3A_207 : vector<16xi32>
          %parallel_loop3A_209 = tpu.vector_load_idx %arg7[%parallel_loop3A_202, %parallel_loop3A_208] : memref<64x128xf32, #tpu.memory_space<vmem>>[vector<16xi32>, vector<16xi32>], vector<16xf32>,
          %parallel_loop3A_210 = arith.constant 32 : i32
          %parallel_loop3A_211 = vector.broadcast %parallel_loop3A_210 : i32 to vector<16xi32>
          %parallel_loop3A_212 = arith.addi %iota3A, %parallel_loop3A_211 : vector<16xi32>
          tpu.vector_store_idx %arg11[%parallel_loop3A_173, %parallel_loop3A_212], %parallel_loop3A_209 : memref<64x128xf32, #tpu.memory_space<vmem>>[vector<16xi32>, vector<16xi32>], vector<16xf32>,
          %parallel_loop3A_213 = arith.constant 48 : i32
          %parallel_loop3A_214 = vector.broadcast %parallel_loop3A_213 : i32 to vector<16xi32>
          %parallel_loop3A_215 = arith.addi %iota3A, %parallel_loop3A_214 : vector<16xi32>
          %parallel_loop3A_216 = arith.constant 2 : i32
          %parallel_loop3A_217 = vector.broadcast %parallel_loop3A_216 : i32 to vector<16xi32>
          %parallel_loop3A_218 = arith.muli %parallel_loop3A_217, %parallel_loop3A_173 : vector<16xi32>
          %parallel_loop3A_219 = arith.constant 0 : i32
          %parallel_loop3A_220 = vector.broadcast %parallel_loop3A_219 : i32 to vector<16xi32>
          %parallel_loop3A_221 = arith.addi %parallel_loop3A_218, %parallel_loop3A_220 : vector<16xi32>
          %parallel_loop3A_222 = tpu.vector_load_idx %arg7[%parallel_loop3A_215, %parallel_loop3A_221] : memref<64x128xf32, #tpu.memory_space<vmem>>[vector<16xi32>, vector<16xi32>], vector<16xf32>,
          %parallel_loop3A_223 = arith.constant 48 : i32
          %parallel_loop3A_224 = vector.broadcast %parallel_loop3A_223 : i32 to vector<16xi32>
          %parallel_loop3A_225 = arith.addi %iota3A, %parallel_loop3A_224 : vector<16xi32>
          tpu.vector_store_idx %arg11[%parallel_loop3A_173, %parallel_loop3A_225], %parallel_loop3A_222 : memref<64x128xf32, #tpu.memory_space<vmem>>[vector<16xi32>, vector<16xi32>], vector<16xf32>,
          %parallel_loop3A_226 = arith.constant 0 : i32
          %parallel_loop3A_227 = vector.broadcast %parallel_loop3A_226 : i32 to vector<16xi32>
          %parallel_loop3A_228 = arith.addi %iota3A, %parallel_loop3A_227 : vector<16xi32>
          %parallel_loop3A_229 = arith.constant 2 : i32
          %parallel_loop3A_230 = vector.broadcast %parallel_loop3A_229 : i32 to vector<16xi32>
          %parallel_loop3A_231 = arith.muli %parallel_loop3A_230, %parallel_loop3A_173 : vector<16xi32>
          %parallel_loop3A_232 = arith.constant 1 : i32
          %parallel_loop3A_233 = vector.broadcast %parallel_loop3A_232 : i32 to vector<16xi32>
          %parallel_loop3A_234 = arith.addi %parallel_loop3A_231, %parallel_loop3A_233 : vector<16xi32>
          %parallel_loop3A_235 = tpu.vector_load_idx %arg7[%parallel_loop3A_228, %parallel_loop3A_234] : memref<64x128xf32, #tpu.memory_space<vmem>>[vector<16xi32>, vector<16xi32>], vector<16xf32>,
          %parallel_loop3A_236 = arith.constant 64 : i32
          %parallel_loop3A_237 = vector.broadcast %parallel_loop3A_236 : i32 to vector<16xi32>
          %parallel_loop3A_238 = arith.addi %iota3A, %parallel_loop3A_237 : vector<16xi32>
          tpu.vector_store_idx %arg11[%parallel_loop3A_173, %parallel_loop3A_238], %parallel_loop3A_235 : memref<64x128xf32, #tpu.memory_space<vmem>>[vector<16xi32>, vector<16xi32>], vector<16xf32>,
          %parallel_loop3A_239 = arith.constant 16 : i32
          %parallel_loop3A_240 = vector.broadcast %parallel_loop3A_239 : i32 to vector<16xi32>
          %parallel_loop3A_241 = arith.addi %iota3A, %parallel_loop3A_240 : vector<16xi32>
          %parallel_loop3A_242 = arith.constant 2 : i32
          %parallel_loop3A_243 = vector.broadcast %parallel_loop3A_242 : i32 to vector<16xi32>
          %parallel_loop3A_244 = arith.muli %parallel_loop3A_243, %parallel_loop3A_173 : vector<16xi32>
          %parallel_loop3A_245 = arith.constant 1 : i32
          %parallel_loop3A_246 = vector.broadcast %parallel_loop3A_245 : i32 to vector<16xi32>
          %parallel_loop3A_247 = arith.addi %parallel_loop3A_244, %parallel_loop3A_246 : vector<16xi32>
          %parallel_loop3A_248 = tpu.vector_load_idx %arg7[%parallel_loop3A_241, %parallel_loop3A_247] : memref<64x128xf32, #tpu.memory_space<vmem>>[vector<16xi32>, vector<16xi32>], vector<16xf32>,
          %parallel_loop3A_249 = arith.constant 80 : i32
          %parallel_loop3A_250 = vector.broadcast %parallel_loop3A_249 : i32 to vector<16xi32>
          %parallel_loop3A_251 = arith.addi %iota3A, %parallel_loop3A_250 : vector<16xi32>
          tpu.vector_store_idx %arg11[%parallel_loop3A_173, %parallel_loop3A_251], %parallel_loop3A_248 : memref<64x128xf32, #tpu.memory_space<vmem>>[vector<16xi32>, vector<16xi32>], vector<16xf32>,
          %parallel_loop3A_252 = arith.constant 32 : i32
          %parallel_loop3A_253 = vector.broadcast %parallel_loop3A_252 : i32 to vector<16xi32>
          %parallel_loop3A_254 = arith.addi %iota3A, %parallel_loop3A_253 : vector<16xi32>
          %parallel_loop3A_255 = arith.constant 2 : i32
          %parallel_loop3A_256 = vector.broadcast %parallel_loop3A_255 : i32 to vector<16xi32>
          %parallel_loop3A_257 = arith.muli %parallel_loop3A_256, %parallel_loop3A_173 : vector<16xi32>
          %parallel_loop3A_258 = arith.constant 1 : i32
          %parallel_loop3A_259 = vector.broadcast %parallel_loop3A_258 : i32 to vector<16xi32>
          %parallel_loop3A_260 = arith.addi %parallel_loop3A_257, %parallel_loop3A_259 : vector<16xi32>
          %parallel_loop3A_261 = tpu.vector_load_idx %arg7[%parallel_loop3A_254, %parallel_loop3A_260] : memref<64x128xf32, #tpu.memory_space<vmem>>[vector<16xi32>, vector<16xi32>], vector<16xf32>,
          %parallel_loop3A_262 = arith.constant 96 : i32
          %parallel_loop3A_263 = vector.broadcast %parallel_loop3A_262 : i32 to vector<16xi32>
          %parallel_loop3A_264 = arith.addi %iota3A, %parallel_loop3A_263 : vector<16xi32>
          tpu.vector_store_idx %arg11[%parallel_loop3A_173, %parallel_loop3A_264], %parallel_loop3A_261 : memref<64x128xf32, #tpu.memory_space<vmem>>[vector<16xi32>, vector<16xi32>], vector<16xf32>,
          %parallel_loop3A_265 = arith.constant 48 : i32
          %parallel_loop3A_266 = vector.broadcast %parallel_loop3A_265 : i32 to vector<16xi32>
          %parallel_loop3A_267 = arith.addi %iota3A, %parallel_loop3A_266 : vector<16xi32>
          %parallel_loop3A_268 = arith.constant 2 : i32
          %parallel_loop3A_269 = vector.broadcast %parallel_loop3A_268 : i32 to vector<16xi32>
          %parallel_loop3A_270 = arith.muli %parallel_loop3A_269, %parallel_loop3A_173 : vector<16xi32>
          %parallel_loop3A_271 = arith.constant 1 : i32
          %parallel_loop3A_272 = vector.broadcast %parallel_loop3A_271 : i32 to vector<16xi32>
          %parallel_loop3A_273 = arith.addi %parallel_loop3A_270, %parallel_loop3A_272 : vector<16xi32>
          %parallel_loop3A_274 = tpu.vector_load_idx %arg7[%parallel_loop3A_267, %parallel_loop3A_273] : memref<64x128xf32, #tpu.memory_space<vmem>>[vector<16xi32>, vector<16xi32>], vector<16xf32>,
          %parallel_loop3A_275 = arith.constant 112 : i32
          %parallel_loop3A_276 = vector.broadcast %parallel_loop3A_275 : i32 to vector<16xi32>
          %parallel_loop3A_277 = arith.addi %iota3A, %parallel_loop3A_276 : vector<16xi32>
          tpu.vector_store_idx %arg11[%parallel_loop3A_173, %parallel_loop3A_277], %parallel_loop3A_274 : memref<64x128xf32, #tpu.memory_space<vmem>>[vector<16xi32>, vector<16xi32>], vector<16xf32>,
          %parallel_loop3A_278 = arith.constant 16 : i32
          %parallel_loop3A_279 = vector.broadcast %parallel_loop3A_278 : i32 to vector<16xi32>
          %parallel_loop3A_280 = arith.addi %parallel_loop3A_170, %parallel_loop3A_279 : vector<16xi32>
          %parallel_loop3A_281 = arith.constant 0 : i32
          %parallel_loop3A_282 = vector.broadcast %parallel_loop3A_281 : i32 to vector<16xi32>
          %parallel_loop3A_283 = arith.addi %iota3A, %parallel_loop3A_282 : vector<16xi32>
          %parallel_loop3A_284 = arith.constant 2 : i32
          %parallel_loop3A_285 = vector.broadcast %parallel_loop3A_284 : i32 to vector<16xi32>
          %parallel_loop3A_286 = arith.muli %parallel_loop3A_285, %parallel_loop3A_280 : vector<16xi32>
          %parallel_loop3A_287 = arith.constant 0 : i32
          %parallel_loop3A_288 = vector.broadcast %parallel_loop3A_287 : i32 to vector<16xi32>
          %parallel_loop3A_289 = arith.addi %parallel_loop3A_286, %parallel_loop3A_288 : vector<16xi32>
          %parallel_loop3A_290 = tpu.vector_load_idx %arg7[%parallel_loop3A_283, %parallel_loop3A_289] : memref<64x128xf32, #tpu.memory_space<vmem>>[vector<16xi32>, vector<16xi32>], vector<16xf32>,
          %parallel_loop3A_291 = arith.constant 0 : i32
          %parallel_loop3A_292 = vector.broadcast %parallel_loop3A_291 : i32 to vector<16xi32>
          %parallel_loop3A_293 = arith.addi %iota3A, %parallel_loop3A_292 : vector<16xi32>
          tpu.vector_store_idx %arg11[%parallel_loop3A_280, %parallel_loop3A_293], %parallel_loop3A_290 : memref<64x128xf32, #tpu.memory_space<vmem>>[vector<16xi32>, vector<16xi32>], vector<16xf32>,
          %parallel_loop3A_294 = arith.constant 16 : i32
          %parallel_loop3A_295 = vector.broadcast %parallel_loop3A_294 : i32 to vector<16xi32>
          %parallel_loop3A_296 = arith.addi %iota3A, %parallel_loop3A_295 : vector<16xi32>
          %parallel_loop3A_297 = arith.constant 2 : i32
          %parallel_loop3A_298 = vector.broadcast %parallel_loop3A_297 : i32 to vector<16xi32>
          %parallel_loop3A_299 = arith.muli %parallel_loop3A_298, %parallel_loop3A_280 : vector<16xi32>
          %parallel_loop3A_300 = arith.constant 0 : i32
          %parallel_loop3A_301 = vector.broadcast %parallel_loop3A_300 : i32 to vector<16xi32>
          %parallel_loop3A_302 = arith.addi %parallel_loop3A_299, %parallel_loop3A_301 : vector<16xi32>
          %parallel_loop3A_303 = tpu.vector_load_idx %arg7[%parallel_loop3A_296, %parallel_loop3A_302] : memref<64x128xf32, #tpu.memory_space<vmem>>[vector<16xi32>, vector<16xi32>], vector<16xf32>,
          %parallel_loop3A_304 = arith.constant 16 : i32
          %parallel_loop3A_305 = vector.broadcast %parallel_loop3A_304 : i32 to vector<16xi32>
          %parallel_loop3A_306 = arith.addi %iota3A, %parallel_loop3A_305 : vector<16xi32>
          tpu.vector_store_idx %arg11[%parallel_loop3A_280, %parallel_loop3A_306], %parallel_loop3A_303 : memref<64x128xf32, #tpu.memory_space<vmem>>[vector<16xi32>, vector<16xi32>], vector<16xf32>,
          %parallel_loop3A_307 = arith.constant 32 : i32
          %parallel_loop3A_308 = vector.broadcast %parallel_loop3A_307 : i32 to vector<16xi32>
          %parallel_loop3A_309 = arith.addi %iota3A, %parallel_loop3A_308 : vector<16xi32>
          %parallel_loop3A_310 = arith.constant 2 : i32
          %parallel_loop3A_311 = vector.broadcast %parallel_loop3A_310 : i32 to vector<16xi32>
          %parallel_loop3A_312 = arith.muli %parallel_loop3A_311, %parallel_loop3A_280 : vector<16xi32>
          %parallel_loop3A_313 = arith.constant 0 : i32
          %parallel_loop3A_314 = vector.broadcast %parallel_loop3A_313 : i32 to vector<16xi32>
          %parallel_loop3A_315 = arith.addi %parallel_loop3A_312, %parallel_loop3A_314 : vector<16xi32>
          %parallel_loop3A_316 = tpu.vector_load_idx %arg7[%parallel_loop3A_309, %parallel_loop3A_315] : memref<64x128xf32, #tpu.memory_space<vmem>>[vector<16xi32>, vector<16xi32>], vector<16xf32>,
          %parallel_loop3A_317 = arith.constant 32 : i32
          %parallel_loop3A_318 = vector.broadcast %parallel_loop3A_317 : i32 to vector<16xi32>
          %parallel_loop3A_319 = arith.addi %iota3A, %parallel_loop3A_318 : vector<16xi32>
          tpu.vector_store_idx %arg11[%parallel_loop3A_280, %parallel_loop3A_319], %parallel_loop3A_316 : memref<64x128xf32, #tpu.memory_space<vmem>>[vector<16xi32>, vector<16xi32>], vector<16xf32>,
          %parallel_loop3A_320 = arith.constant 48 : i32
          %parallel_loop3A_321 = vector.broadcast %parallel_loop3A_320 : i32 to vector<16xi32>
          %parallel_loop3A_322 = arith.addi %iota3A, %parallel_loop3A_321 : vector<16xi32>
          %parallel_loop3A_323 = arith.constant 2 : i32
          %parallel_loop3A_324 = vector.broadcast %parallel_loop3A_323 : i32 to vector<16xi32>
          %parallel_loop3A_325 = arith.muli %parallel_loop3A_324, %parallel_loop3A_280 : vector<16xi32>
          %parallel_loop3A_326 = arith.constant 0 : i32
          %parallel_loop3A_327 = vector.broadcast %parallel_loop3A_326 : i32 to vector<16xi32>
          %parallel_loop3A_328 = arith.addi %parallel_loop3A_325, %parallel_loop3A_327 : vector<16xi32>
          %parallel_loop3A_329 = tpu.vector_load_idx %arg7[%parallel_loop3A_322, %parallel_loop3A_328] : memref<64x128xf32, #tpu.memory_space<vmem>>[vector<16xi32>, vector<16xi32>], vector<16xf32>,
          %parallel_loop3A_330 = arith.constant 48 : i32
          %parallel_loop3A_331 = vector.broadcast %parallel_loop3A_330 : i32 to vector<16xi32>
          %parallel_loop3A_332 = arith.addi %iota3A, %parallel_loop3A_331 : vector<16xi32>
          tpu.vector_store_idx %arg11[%parallel_loop3A_280, %parallel_loop3A_332], %parallel_loop3A_329 : memref<64x128xf32, #tpu.memory_space<vmem>>[vector<16xi32>, vector<16xi32>], vector<16xf32>,
          %parallel_loop3A_333 = arith.constant 0 : i32
          %parallel_loop3A_334 = vector.broadcast %parallel_loop3A_333 : i32 to vector<16xi32>
          %parallel_loop3A_335 = arith.addi %iota3A, %parallel_loop3A_334 : vector<16xi32>
          %parallel_loop3A_336 = arith.constant 2 : i32
          %parallel_loop3A_337 = vector.broadcast %parallel_loop3A_336 : i32 to vector<16xi32>
          %parallel_loop3A_338 = arith.muli %parallel_loop3A_337, %parallel_loop3A_280 : vector<16xi32>
          %parallel_loop3A_339 = arith.constant 1 : i32
          %parallel_loop3A_340 = vector.broadcast %parallel_loop3A_339 : i32 to vector<16xi32>
          %parallel_loop3A_341 = arith.addi %parallel_loop3A_338, %parallel_loop3A_340 : vector<16xi32>
          %parallel_loop3A_342 = tpu.vector_load_idx %arg7[%parallel_loop3A_335, %parallel_loop3A_341] : memref<64x128xf32, #tpu.memory_space<vmem>>[vector<16xi32>, vector<16xi32>], vector<16xf32>,
          %parallel_loop3A_343 = arith.constant 64 : i32
          %parallel_loop3A_344 = vector.broadcast %parallel_loop3A_343 : i32 to vector<16xi32>
          %parallel_loop3A_345 = arith.addi %iota3A, %parallel_loop3A_344 : vector<16xi32>
          tpu.vector_store_idx %arg11[%parallel_loop3A_280, %parallel_loop3A_345], %parallel_loop3A_342 : memref<64x128xf32, #tpu.memory_space<vmem>>[vector<16xi32>, vector<16xi32>], vector<16xf32>,
          %parallel_loop3A_346 = arith.constant 16 : i32
          %parallel_loop3A_347 = vector.broadcast %parallel_loop3A_346 : i32 to vector<16xi32>
          %parallel_loop3A_348 = arith.addi %iota3A, %parallel_loop3A_347 : vector<16xi32>
          %parallel_loop3A_349 = arith.constant 2 : i32
          %parallel_loop3A_350 = vector.broadcast %parallel_loop3A_349 : i32 to vector<16xi32>
          %parallel_loop3A_351 = arith.muli %parallel_loop3A_350, %parallel_loop3A_280 : vector<16xi32>
          %parallel_loop3A_352 = arith.constant 1 : i32
          %parallel_loop3A_353 = vector.broadcast %parallel_loop3A_352 : i32 to vector<16xi32>
          %parallel_loop3A_354 = arith.addi %parallel_loop3A_351, %parallel_loop3A_353 : vector<16xi32>
          %parallel_loop3A_355 = tpu.vector_load_idx %arg7[%parallel_loop3A_348, %parallel_loop3A_354] : memref<64x128xf32, #tpu.memory_space<vmem>>[vector<16xi32>, vector<16xi32>], vector<16xf32>,
          %parallel_loop3A_356 = arith.constant 80 : i32
          %parallel_loop3A_357 = vector.broadcast %parallel_loop3A_356 : i32 to vector<16xi32>
          %parallel_loop3A_358 = arith.addi %iota3A, %parallel_loop3A_357 : vector<16xi32>
          tpu.vector_store_idx %arg11[%parallel_loop3A_280, %parallel_loop3A_358], %parallel_loop3A_355 : memref<64x128xf32, #tpu.memory_space<vmem>>[vector<16xi32>, vector<16xi32>], vector<16xf32>,
          %parallel_loop3A_359 = arith.constant 32 : i32
          %parallel_loop3A_360 = vector.broadcast %parallel_loop3A_359 : i32 to vector<16xi32>
          %parallel_loop3A_361 = arith.addi %iota3A, %parallel_loop3A_360 : vector<16xi32>
          %parallel_loop3A_362 = arith.constant 2 : i32
          %parallel_loop3A_363 = vector.broadcast %parallel_loop3A_362 : i32 to vector<16xi32>
          %parallel_loop3A_364 = arith.muli %parallel_loop3A_363, %parallel_loop3A_280 : vector<16xi32>
          %parallel_loop3A_365 = arith.constant 1 : i32
          %parallel_loop3A_366 = vector.broadcast %parallel_loop3A_365 : i32 to vector<16xi32>
          %parallel_loop3A_367 = arith.addi %parallel_loop3A_364, %parallel_loop3A_366 : vector<16xi32>
          %parallel_loop3A_368 = tpu.vector_load_idx %arg7[%parallel_loop3A_361, %parallel_loop3A_367] : memref<64x128xf32, #tpu.memory_space<vmem>>[vector<16xi32>, vector<16xi32>], vector<16xf32>,
          %parallel_loop3A_369 = arith.constant 96 : i32
          %parallel_loop3A_370 = vector.broadcast %parallel_loop3A_369 : i32 to vector<16xi32>
          %parallel_loop3A_371 = arith.addi %iota3A, %parallel_loop3A_370 : vector<16xi32>
          tpu.vector_store_idx %arg11[%parallel_loop3A_280, %parallel_loop3A_371], %parallel_loop3A_368 : memref<64x128xf32, #tpu.memory_space<vmem>>[vector<16xi32>, vector<16xi32>], vector<16xf32>,
          %parallel_loop3A_372 = arith.constant 48 : i32
          %parallel_loop3A_373 = vector.broadcast %parallel_loop3A_372 : i32 to vector<16xi32>
          %parallel_loop3A_374 = arith.addi %iota3A, %parallel_loop3A_373 : vector<16xi32>
          %parallel_loop3A_375 = arith.constant 2 : i32
          %parallel_loop3A_376 = vector.broadcast %parallel_loop3A_375 : i32 to vector<16xi32>
          %parallel_loop3A_377 = arith.muli %parallel_loop3A_376, %parallel_loop3A_280 : vector<16xi32>
          %parallel_loop3A_378 = arith.constant 1 : i32
          %parallel_loop3A_379 = vector.broadcast %parallel_loop3A_378 : i32 to vector<16xi32>
          %parallel_loop3A_380 = arith.addi %parallel_loop3A_377, %parallel_loop3A_379 : vector<16xi32>
          %parallel_loop3A_381 = tpu.vector_load_idx %arg7[%parallel_loop3A_374, %parallel_loop3A_380] : memref<64x128xf32, #tpu.memory_space<vmem>>[vector<16xi32>, vector<16xi32>], vector<16xf32>,
          %parallel_loop3A_382 = arith.constant 112 : i32
          %parallel_loop3A_383 = vector.broadcast %parallel_loop3A_382 : i32 to vector<16xi32>
          %parallel_loop3A_384 = arith.addi %iota3A, %parallel_loop3A_383 : vector<16xi32>
          tpu.vector_store_idx %arg11[%parallel_loop3A_280, %parallel_loop3A_384], %parallel_loop3A_381 : memref<64x128xf32, #tpu.memory_space<vmem>>[vector<16xi32>, vector<16xi32>], vector<16xf32>,
          %parallel_loop3A_385 = arith.constant 32 : i32
          %parallel_loop3A_386 = vector.broadcast %parallel_loop3A_385 : i32 to vector<16xi32>
          %parallel_loop3A_387 = arith.addi %parallel_loop3A_170, %parallel_loop3A_386 : vector<16xi32>
          %parallel_loop3A_388 = arith.constant 0 : i32
          %parallel_loop3A_389 = vector.broadcast %parallel_loop3A_388 : i32 to vector<16xi32>
          %parallel_loop3A_390 = arith.addi %iota3A, %parallel_loop3A_389 : vector<16xi32>
          %parallel_loop3A_391 = arith.constant 2 : i32
          %parallel_loop3A_392 = vector.broadcast %parallel_loop3A_391 : i32 to vector<16xi32>
          %parallel_loop3A_393 = arith.muli %parallel_loop3A_392, %parallel_loop3A_387 : vector<16xi32>
          %parallel_loop3A_394 = arith.constant 0 : i32
          %parallel_loop3A_395 = vector.broadcast %parallel_loop3A_394 : i32 to vector<16xi32>
          %parallel_loop3A_396 = arith.addi %parallel_loop3A_393, %parallel_loop3A_395 : vector<16xi32>
          %parallel_loop3A_397 = tpu.vector_load_idx %arg7[%parallel_loop3A_390, %parallel_loop3A_396] : memref<64x128xf32, #tpu.memory_space<vmem>>[vector<16xi32>, vector<16xi32>], vector<16xf32>,
          %parallel_loop3A_398 = arith.constant 0 : i32
          %parallel_loop3A_399 = vector.broadcast %parallel_loop3A_398 : i32 to vector<16xi32>
          %parallel_loop3A_400 = arith.addi %iota3A, %parallel_loop3A_399 : vector<16xi32>
          tpu.vector_store_idx %arg11[%parallel_loop3A_387, %parallel_loop3A_400], %parallel_loop3A_397 : memref<64x128xf32, #tpu.memory_space<vmem>>[vector<16xi32>, vector<16xi32>], vector<16xf32>,
          %parallel_loop3A_401 = arith.constant 16 : i32
          %parallel_loop3A_402 = vector.broadcast %parallel_loop3A_401 : i32 to vector<16xi32>
          %parallel_loop3A_403 = arith.addi %iota3A, %parallel_loop3A_402 : vector<16xi32>
          %parallel_loop3A_404 = arith.constant 2 : i32
          %parallel_loop3A_405 = vector.broadcast %parallel_loop3A_404 : i32 to vector<16xi32>
          %parallel_loop3A_406 = arith.muli %parallel_loop3A_405, %parallel_loop3A_387 : vector<16xi32>
          %parallel_loop3A_407 = arith.constant 0 : i32
          %parallel_loop3A_408 = vector.broadcast %parallel_loop3A_407 : i32 to vector<16xi32>
          %parallel_loop3A_409 = arith.addi %parallel_loop3A_406, %parallel_loop3A_408 : vector<16xi32>
          %parallel_loop3A_410 = tpu.vector_load_idx %arg7[%parallel_loop3A_403, %parallel_loop3A_409] : memref<64x128xf32, #tpu.memory_space<vmem>>[vector<16xi32>, vector<16xi32>], vector<16xf32>,
          %parallel_loop3A_411 = arith.constant 16 : i32
          %parallel_loop3A_412 = vector.broadcast %parallel_loop3A_411 : i32 to vector<16xi32>
          %parallel_loop3A_413 = arith.addi %iota3A, %parallel_loop3A_412 : vector<16xi32>
          tpu.vector_store_idx %arg11[%parallel_loop3A_387, %parallel_loop3A_413], %parallel_loop3A_410 : memref<64x128xf32, #tpu.memory_space<vmem>>[vector<16xi32>, vector<16xi32>], vector<16xf32>,
          %parallel_loop3A_414 = arith.constant 32 : i32
          %parallel_loop3A_415 = vector.broadcast %parallel_loop3A_414 : i32 to vector<16xi32>
          %parallel_loop3A_416 = arith.addi %iota3A, %parallel_loop3A_415 : vector<16xi32>
          %parallel_loop3A_417 = arith.constant 2 : i32
          %parallel_loop3A_418 = vector.broadcast %parallel_loop3A_417 : i32 to vector<16xi32>
          %parallel_loop3A_419 = arith.muli %parallel_loop3A_418, %parallel_loop3A_387 : vector<16xi32>
          %parallel_loop3A_420 = arith.constant 0 : i32
          %parallel_loop3A_421 = vector.broadcast %parallel_loop3A_420 : i32 to vector<16xi32>
          %parallel_loop3A_422 = arith.addi %parallel_loop3A_419, %parallel_loop3A_421 : vector<16xi32>
          %parallel_loop3A_423 = tpu.vector_load_idx %arg7[%parallel_loop3A_416, %parallel_loop3A_422] : memref<64x128xf32, #tpu.memory_space<vmem>>[vector<16xi32>, vector<16xi32>], vector<16xf32>,
          %parallel_loop3A_424 = arith.constant 32 : i32
          %parallel_loop3A_425 = vector.broadcast %parallel_loop3A_424 : i32 to vector<16xi32>
          %parallel_loop3A_426 = arith.addi %iota3A, %parallel_loop3A_425 : vector<16xi32>
          tpu.vector_store_idx %arg11[%parallel_loop3A_387, %parallel_loop3A_426], %parallel_loop3A_423 : memref<64x128xf32, #tpu.memory_space<vmem>>[vector<16xi32>, vector<16xi32>], vector<16xf32>,
          %parallel_loop3A_427 = arith.constant 48 : i32
          %parallel_loop3A_428 = vector.broadcast %parallel_loop3A_427 : i32 to vector<16xi32>
          %parallel_loop3A_429 = arith.addi %iota3A, %parallel_loop3A_428 : vector<16xi32>
          %parallel_loop3A_430 = arith.constant 2 : i32
          %parallel_loop3A_431 = vector.broadcast %parallel_loop3A_430 : i32 to vector<16xi32>
          %parallel_loop3A_432 = arith.muli %parallel_loop3A_431, %parallel_loop3A_387 : vector<16xi32>
          %parallel_loop3A_433 = arith.constant 0 : i32
          %parallel_loop3A_434 = vector.broadcast %parallel_loop3A_433 : i32 to vector<16xi32>
          %parallel_loop3A_435 = arith.addi %parallel_loop3A_432, %parallel_loop3A_434 : vector<16xi32>
          %parallel_loop3A_436 = tpu.vector_load_idx %arg7[%parallel_loop3A_429, %parallel_loop3A_435] : memref<64x128xf32, #tpu.memory_space<vmem>>[vector<16xi32>, vector<16xi32>], vector<16xf32>,
          %parallel_loop3A_437 = arith.constant 48 : i32
          %parallel_loop3A_438 = vector.broadcast %parallel_loop3A_437 : i32 to vector<16xi32>
          %parallel_loop3A_439 = arith.addi %iota3A, %parallel_loop3A_438 : vector<16xi32>
          tpu.vector_store_idx %arg11[%parallel_loop3A_387, %parallel_loop3A_439], %parallel_loop3A_436 : memref<64x128xf32, #tpu.memory_space<vmem>>[vector<16xi32>, vector<16xi32>], vector<16xf32>,
          %parallel_loop3A_440 = arith.constant 0 : i32
          %parallel_loop3A_441 = vector.broadcast %parallel_loop3A_440 : i32 to vector<16xi32>
          %parallel_loop3A_442 = arith.addi %iota3A, %parallel_loop3A_441 : vector<16xi32>
          %parallel_loop3A_443 = arith.constant 2 : i32
          %parallel_loop3A_444 = vector.broadcast %parallel_loop3A_443 : i32 to vector<16xi32>
          %parallel_loop3A_445 = arith.muli %parallel_loop3A_444, %parallel_loop3A_387 : vector<16xi32>
          %parallel_loop3A_446 = arith.constant 1 : i32
          %parallel_loop3A_447 = vector.broadcast %parallel_loop3A_446 : i32 to vector<16xi32>
          %parallel_loop3A_448 = arith.addi %parallel_loop3A_445, %parallel_loop3A_447 : vector<16xi32>
          %parallel_loop3A_449 = tpu.vector_load_idx %arg7[%parallel_loop3A_442, %parallel_loop3A_448] : memref<64x128xf32, #tpu.memory_space<vmem>>[vector<16xi32>, vector<16xi32>], vector<16xf32>,
          %parallel_loop3A_450 = arith.constant 64 : i32
          %parallel_loop3A_451 = vector.broadcast %parallel_loop3A_450 : i32 to vector<16xi32>
          %parallel_loop3A_452 = arith.addi %iota3A, %parallel_loop3A_451 : vector<16xi32>
          tpu.vector_store_idx %arg11[%parallel_loop3A_387, %parallel_loop3A_452], %parallel_loop3A_449 : memref<64x128xf32, #tpu.memory_space<vmem>>[vector<16xi32>, vector<16xi32>], vector<16xf32>,
          %parallel_loop3A_453 = arith.constant 16 : i32
          %parallel_loop3A_454 = vector.broadcast %parallel_loop3A_453 : i32 to vector<16xi32>
          %parallel_loop3A_455 = arith.addi %iota3A, %parallel_loop3A_454 : vector<16xi32>
          %parallel_loop3A_456 = arith.constant 2 : i32
          %parallel_loop3A_457 = vector.broadcast %parallel_loop3A_456 : i32 to vector<16xi32>
          %parallel_loop3A_458 = arith.muli %parallel_loop3A_457, %parallel_loop3A_387 : vector<16xi32>
          %parallel_loop3A_459 = arith.constant 1 : i32
          %parallel_loop3A_460 = vector.broadcast %parallel_loop3A_459 : i32 to vector<16xi32>
          %parallel_loop3A_461 = arith.addi %parallel_loop3A_458, %parallel_loop3A_460 : vector<16xi32>
          %parallel_loop3A_462 = tpu.vector_load_idx %arg7[%parallel_loop3A_455, %parallel_loop3A_461] : memref<64x128xf32, #tpu.memory_space<vmem>>[vector<16xi32>, vector<16xi32>], vector<16xf32>,
          %parallel_loop3A_463 = arith.constant 80 : i32
          %parallel_loop3A_464 = vector.broadcast %parallel_loop3A_463 : i32 to vector<16xi32>
          %parallel_loop3A_465 = arith.addi %iota3A, %parallel_loop3A_464 : vector<16xi32>
          tpu.vector_store_idx %arg11[%parallel_loop3A_387, %parallel_loop3A_465], %parallel_loop3A_462 : memref<64x128xf32, #tpu.memory_space<vmem>>[vector<16xi32>, vector<16xi32>], vector<16xf32>,
          %parallel_loop3A_466 = arith.constant 32 : i32
          %parallel_loop3A_467 = vector.broadcast %parallel_loop3A_466 : i32 to vector<16xi32>
          %parallel_loop3A_468 = arith.addi %iota3A, %parallel_loop3A_467 : vector<16xi32>
          %parallel_loop3A_469 = arith.constant 2 : i32
          %parallel_loop3A_470 = vector.broadcast %parallel_loop3A_469 : i32 to vector<16xi32>
          %parallel_loop3A_471 = arith.muli %parallel_loop3A_470, %parallel_loop3A_387 : vector<16xi32>
          %parallel_loop3A_472 = arith.constant 1 : i32
          %parallel_loop3A_473 = vector.broadcast %parallel_loop3A_472 : i32 to vector<16xi32>
          %parallel_loop3A_474 = arith.addi %parallel_loop3A_471, %parallel_loop3A_473 : vector<16xi32>
          %parallel_loop3A_475 = tpu.vector_load_idx %arg7[%parallel_loop3A_468, %parallel_loop3A_474] : memref<64x128xf32, #tpu.memory_space<vmem>>[vector<16xi32>, vector<16xi32>], vector<16xf32>,
          %parallel_loop3A_476 = arith.constant 96 : i32
          %parallel_loop3A_477 = vector.broadcast %parallel_loop3A_476 : i32 to vector<16xi32>
          %parallel_loop3A_478 = arith.addi %iota3A, %parallel_loop3A_477 : vector<16xi32>
          tpu.vector_store_idx %arg11[%parallel_loop3A_387, %parallel_loop3A_478], %parallel_loop3A_475 : memref<64x128xf32, #tpu.memory_space<vmem>>[vector<16xi32>, vector<16xi32>], vector<16xf32>,
          %parallel_loop3A_479 = arith.constant 48 : i32
          %parallel_loop3A_480 = vector.broadcast %parallel_loop3A_479 : i32 to vector<16xi32>
          %parallel_loop3A_481 = arith.addi %iota3A, %parallel_loop3A_480 : vector<16xi32>
          %parallel_loop3A_482 = arith.constant 2 : i32
          %parallel_loop3A_483 = vector.broadcast %parallel_loop3A_482 : i32 to vector<16xi32>
          %parallel_loop3A_484 = arith.muli %parallel_loop3A_483, %parallel_loop3A_387 : vector<16xi32>
          %parallel_loop3A_485 = arith.constant 1 : i32
          %parallel_loop3A_486 = vector.broadcast %parallel_loop3A_485 : i32 to vector<16xi32>
          %parallel_loop3A_487 = arith.addi %parallel_loop3A_484, %parallel_loop3A_486 : vector<16xi32>
          %parallel_loop3A_488 = tpu.vector_load_idx %arg7[%parallel_loop3A_481, %parallel_loop3A_487] : memref<64x128xf32, #tpu.memory_space<vmem>>[vector<16xi32>, vector<16xi32>], vector<16xf32>,
          %parallel_loop3A_489 = arith.constant 112 : i32
          %parallel_loop3A_490 = vector.broadcast %parallel_loop3A_489 : i32 to vector<16xi32>
          %parallel_loop3A_491 = arith.addi %iota3A, %parallel_loop3A_490 : vector<16xi32>
          tpu.vector_store_idx %arg11[%parallel_loop3A_387, %parallel_loop3A_491], %parallel_loop3A_488 : memref<64x128xf32, #tpu.memory_space<vmem>>[vector<16xi32>, vector<16xi32>], vector<16xf32>,
          %parallel_loop3A_492 = arith.constant 48 : i32
          %parallel_loop3A_493 = vector.broadcast %parallel_loop3A_492 : i32 to vector<16xi32>
          %parallel_loop3A_494 = arith.addi %parallel_loop3A_170, %parallel_loop3A_493 : vector<16xi32>
          %parallel_loop3A_495 = arith.constant 0 : i32
          %parallel_loop3A_496 = vector.broadcast %parallel_loop3A_495 : i32 to vector<16xi32>
          %parallel_loop3A_497 = arith.addi %iota3A, %parallel_loop3A_496 : vector<16xi32>
          %parallel_loop3A_498 = arith.constant 2 : i32
          %parallel_loop3A_499 = vector.broadcast %parallel_loop3A_498 : i32 to vector<16xi32>
          %parallel_loop3A_500 = arith.muli %parallel_loop3A_499, %parallel_loop3A_494 : vector<16xi32>
          %parallel_loop3A_501 = arith.constant 0 : i32
          %parallel_loop3A_502 = vector.broadcast %parallel_loop3A_501 : i32 to vector<16xi32>
          %parallel_loop3A_503 = arith.addi %parallel_loop3A_500, %parallel_loop3A_502 : vector<16xi32>
          %parallel_loop3A_504 = tpu.vector_load_idx %arg7[%parallel_loop3A_497, %parallel_loop3A_503] : memref<64x128xf32, #tpu.memory_space<vmem>>[vector<16xi32>, vector<16xi32>], vector<16xf32>,
          %parallel_loop3A_505 = arith.constant 0 : i32
          %parallel_loop3A_506 = vector.broadcast %parallel_loop3A_505 : i32 to vector<16xi32>
          %parallel_loop3A_507 = arith.addi %iota3A, %parallel_loop3A_506 : vector<16xi32>
          tpu.vector_store_idx %arg11[%parallel_loop3A_494, %parallel_loop3A_507], %parallel_loop3A_504 : memref<64x128xf32, #tpu.memory_space<vmem>>[vector<16xi32>, vector<16xi32>], vector<16xf32>,
          %parallel_loop3A_508 = arith.constant 16 : i32
          %parallel_loop3A_509 = vector.broadcast %parallel_loop3A_508 : i32 to vector<16xi32>
          %parallel_loop3A_510 = arith.addi %iota3A, %parallel_loop3A_509 : vector<16xi32>
          %parallel_loop3A_511 = arith.constant 2 : i32
          %parallel_loop3A_512 = vector.broadcast %parallel_loop3A_511 : i32 to vector<16xi32>
          %parallel_loop3A_513 = arith.muli %parallel_loop3A_512, %parallel_loop3A_494 : vector<16xi32>
          %parallel_loop3A_514 = arith.constant 0 : i32
          %parallel_loop3A_515 = vector.broadcast %parallel_loop3A_514 : i32 to vector<16xi32>
          %parallel_loop3A_516 = arith.addi %parallel_loop3A_513, %parallel_loop3A_515 : vector<16xi32>
          %parallel_loop3A_517 = tpu.vector_load_idx %arg7[%parallel_loop3A_510, %parallel_loop3A_516] : memref<64x128xf32, #tpu.memory_space<vmem>>[vector<16xi32>, vector<16xi32>], vector<16xf32>,
          %parallel_loop3A_518 = arith.constant 16 : i32
          %parallel_loop3A_519 = vector.broadcast %parallel_loop3A_518 : i32 to vector<16xi32>
          %parallel_loop3A_520 = arith.addi %iota3A, %parallel_loop3A_519 : vector<16xi32>
          tpu.vector_store_idx %arg11[%parallel_loop3A_494, %parallel_loop3A_520], %parallel_loop3A_517 : memref<64x128xf32, #tpu.memory_space<vmem>>[vector<16xi32>, vector<16xi32>], vector<16xf32>,
          %parallel_loop3A_521 = arith.constant 32 : i32
          %parallel_loop3A_522 = vector.broadcast %parallel_loop3A_521 : i32 to vector<16xi32>
          %parallel_loop3A_523 = arith.addi %iota3A, %parallel_loop3A_522 : vector<16xi32>
          %parallel_loop3A_524 = arith.constant 2 : i32
          %parallel_loop3A_525 = vector.broadcast %parallel_loop3A_524 : i32 to vector<16xi32>
          %parallel_loop3A_526 = arith.muli %parallel_loop3A_525, %parallel_loop3A_494 : vector<16xi32>
          %parallel_loop3A_527 = arith.constant 0 : i32
          %parallel_loop3A_528 = vector.broadcast %parallel_loop3A_527 : i32 to vector<16xi32>
          %parallel_loop3A_529 = arith.addi %parallel_loop3A_526, %parallel_loop3A_528 : vector<16xi32>
          %parallel_loop3A_530 = tpu.vector_load_idx %arg7[%parallel_loop3A_523, %parallel_loop3A_529] : memref<64x128xf32, #tpu.memory_space<vmem>>[vector<16xi32>, vector<16xi32>], vector<16xf32>,
          %parallel_loop3A_531 = arith.constant 32 : i32
          %parallel_loop3A_532 = vector.broadcast %parallel_loop3A_531 : i32 to vector<16xi32>
          %parallel_loop3A_533 = arith.addi %iota3A, %parallel_loop3A_532 : vector<16xi32>
          tpu.vector_store_idx %arg11[%parallel_loop3A_494, %parallel_loop3A_533], %parallel_loop3A_530 : memref<64x128xf32, #tpu.memory_space<vmem>>[vector<16xi32>, vector<16xi32>], vector<16xf32>,
          %parallel_loop3A_534 = arith.constant 48 : i32
          %parallel_loop3A_535 = vector.broadcast %parallel_loop3A_534 : i32 to vector<16xi32>
          %parallel_loop3A_536 = arith.addi %iota3A, %parallel_loop3A_535 : vector<16xi32>
          %parallel_loop3A_537 = arith.constant 2 : i32
          %parallel_loop3A_538 = vector.broadcast %parallel_loop3A_537 : i32 to vector<16xi32>
          %parallel_loop3A_539 = arith.muli %parallel_loop3A_538, %parallel_loop3A_494 : vector<16xi32>
          %parallel_loop3A_540 = arith.constant 0 : i32
          %parallel_loop3A_541 = vector.broadcast %parallel_loop3A_540 : i32 to vector<16xi32>
          %parallel_loop3A_542 = arith.addi %parallel_loop3A_539, %parallel_loop3A_541 : vector<16xi32>
          %parallel_loop3A_543 = tpu.vector_load_idx %arg7[%parallel_loop3A_536, %parallel_loop3A_542] : memref<64x128xf32, #tpu.memory_space<vmem>>[vector<16xi32>, vector<16xi32>], vector<16xf32>,
          %parallel_loop3A_544 = arith.constant 48 : i32
          %parallel_loop3A_545 = vector.broadcast %parallel_loop3A_544 : i32 to vector<16xi32>
          %parallel_loop3A_546 = arith.addi %iota3A, %parallel_loop3A_545 : vector<16xi32>
          tpu.vector_store_idx %arg11[%parallel_loop3A_494, %parallel_loop3A_546], %parallel_loop3A_543 : memref<64x128xf32, #tpu.memory_space<vmem>>[vector<16xi32>, vector<16xi32>], vector<16xf32>,
          %parallel_loop3A_547 = arith.constant 0 : i32
          %parallel_loop3A_548 = vector.broadcast %parallel_loop3A_547 : i32 to vector<16xi32>
          %parallel_loop3A_549 = arith.addi %iota3A, %parallel_loop3A_548 : vector<16xi32>
          %parallel_loop3A_550 = arith.constant 2 : i32
          %parallel_loop3A_551 = vector.broadcast %parallel_loop3A_550 : i32 to vector<16xi32>
          %parallel_loop3A_552 = arith.muli %parallel_loop3A_551, %parallel_loop3A_494 : vector<16xi32>
          %parallel_loop3A_553 = arith.constant 1 : i32
          %parallel_loop3A_554 = vector.broadcast %parallel_loop3A_553 : i32 to vector<16xi32>
          %parallel_loop3A_555 = arith.addi %parallel_loop3A_552, %parallel_loop3A_554 : vector<16xi32>
          %parallel_loop3A_556 = tpu.vector_load_idx %arg7[%parallel_loop3A_549, %parallel_loop3A_555] : memref<64x128xf32, #tpu.memory_space<vmem>>[vector<16xi32>, vector<16xi32>], vector<16xf32>,
          %parallel_loop3A_557 = arith.constant 64 : i32
          %parallel_loop3A_558 = vector.broadcast %parallel_loop3A_557 : i32 to vector<16xi32>
          %parallel_loop3A_559 = arith.addi %iota3A, %parallel_loop3A_558 : vector<16xi32>
          tpu.vector_store_idx %arg11[%parallel_loop3A_494, %parallel_loop3A_559], %parallel_loop3A_556 : memref<64x128xf32, #tpu.memory_space<vmem>>[vector<16xi32>, vector<16xi32>], vector<16xf32>,
          %parallel_loop3A_560 = arith.constant 16 : i32
          %parallel_loop3A_561 = vector.broadcast %parallel_loop3A_560 : i32 to vector<16xi32>
          %parallel_loop3A_562 = arith.addi %iota3A, %parallel_loop3A_561 : vector<16xi32>
          %parallel_loop3A_563 = arith.constant 2 : i32
          %parallel_loop3A_564 = vector.broadcast %parallel_loop3A_563 : i32 to vector<16xi32>
          %parallel_loop3A_565 = arith.muli %parallel_loop3A_564, %parallel_loop3A_494 : vector<16xi32>
          %parallel_loop3A_566 = arith.constant 1 : i32
          %parallel_loop3A_567 = vector.broadcast %parallel_loop3A_566 : i32 to vector<16xi32>
          %parallel_loop3A_568 = arith.addi %parallel_loop3A_565, %parallel_loop3A_567 : vector<16xi32>
          %parallel_loop3A_569 = tpu.vector_load_idx %arg7[%parallel_loop3A_562, %parallel_loop3A_568] : memref<64x128xf32, #tpu.memory_space<vmem>>[vector<16xi32>, vector<16xi32>], vector<16xf32>,
          %parallel_loop3A_570 = arith.constant 80 : i32
          %parallel_loop3A_571 = vector.broadcast %parallel_loop3A_570 : i32 to vector<16xi32>
          %parallel_loop3A_572 = arith.addi %iota3A, %parallel_loop3A_571 : vector<16xi32>
          tpu.vector_store_idx %arg11[%parallel_loop3A_494, %parallel_loop3A_572], %parallel_loop3A_569 : memref<64x128xf32, #tpu.memory_space<vmem>>[vector<16xi32>, vector<16xi32>], vector<16xf32>,
          %parallel_loop3A_573 = arith.constant 32 : i32
          %parallel_loop3A_574 = vector.broadcast %parallel_loop3A_573 : i32 to vector<16xi32>
          %parallel_loop3A_575 = arith.addi %iota3A, %parallel_loop3A_574 : vector<16xi32>
          %parallel_loop3A_576 = arith.constant 2 : i32
          %parallel_loop3A_577 = vector.broadcast %parallel_loop3A_576 : i32 to vector<16xi32>
          %parallel_loop3A_578 = arith.muli %parallel_loop3A_577, %parallel_loop3A_494 : vector<16xi32>
          %parallel_loop3A_579 = arith.constant 1 : i32
          %parallel_loop3A_580 = vector.broadcast %parallel_loop3A_579 : i32 to vector<16xi32>
          %parallel_loop3A_581 = arith.addi %parallel_loop3A_578, %parallel_loop3A_580 : vector<16xi32>
          %parallel_loop3A_582 = tpu.vector_load_idx %arg7[%parallel_loop3A_575, %parallel_loop3A_581] : memref<64x128xf32, #tpu.memory_space<vmem>>[vector<16xi32>, vector<16xi32>], vector<16xf32>,
          %parallel_loop3A_583 = arith.constant 96 : i32
          %parallel_loop3A_584 = vector.broadcast %parallel_loop3A_583 : i32 to vector<16xi32>
          %parallel_loop3A_585 = arith.addi %iota3A, %parallel_loop3A_584 : vector<16xi32>
          tpu.vector_store_idx %arg11[%parallel_loop3A_494, %parallel_loop3A_585], %parallel_loop3A_582 : memref<64x128xf32, #tpu.memory_space<vmem>>[vector<16xi32>, vector<16xi32>], vector<16xf32>,
          %parallel_loop3A_586 = arith.constant 48 : i32
          %parallel_loop3A_587 = vector.broadcast %parallel_loop3A_586 : i32 to vector<16xi32>
          %parallel_loop3A_588 = arith.addi %iota3A, %parallel_loop3A_587 : vector<16xi32>
          %parallel_loop3A_589 = arith.constant 2 : i32
          %parallel_loop3A_590 = vector.broadcast %parallel_loop3A_589 : i32 to vector<16xi32>
          %parallel_loop3A_591 = arith.muli %parallel_loop3A_590, %parallel_loop3A_494 : vector<16xi32>
          %parallel_loop3A_592 = arith.constant 1 : i32
          %parallel_loop3A_593 = vector.broadcast %parallel_loop3A_592 : i32 to vector<16xi32>
          %parallel_loop3A_594 = arith.addi %parallel_loop3A_591, %parallel_loop3A_593 : vector<16xi32>
          %parallel_loop3A_595 = tpu.vector_load_idx %arg7[%parallel_loop3A_588, %parallel_loop3A_594] : memref<64x128xf32, #tpu.memory_space<vmem>>[vector<16xi32>, vector<16xi32>], vector<16xf32>,
          %parallel_loop3A_596 = arith.constant 112 : i32
          %parallel_loop3A_597 = vector.broadcast %parallel_loop3A_596 : i32 to vector<16xi32>
          %parallel_loop3A_598 = arith.addi %iota3A, %parallel_loop3A_597 : vector<16xi32>
          tpu.vector_store_idx %arg11[%parallel_loop3A_494, %parallel_loop3A_598], %parallel_loop3A_595 : memref<64x128xf32, #tpu.memory_space<vmem>>[vector<16xi32>, vector<16xi32>], vector<16xf32>,
        } {sc.loop_unroll_factor = 8 : i64, sc.parallel_access}
        %mul3A_149 = arith.constant 64 : i32
        %mul3A_150 = arith.muli %add3A_116, %mul3A_149 : i32
        %dma_start3A_151 = arith.constant 2 : i32
        %dma_start3A_152 = arith.constant 0 : i32
        %dma_start3A_153 = tpu.memref_slice %arg4[%mul3A_150, %dma_start3A_152] : memref<500000x128xf32, #tpu.memory_space<hbm>> -> memref<64x128xf32, #tpu.memory_space<hbm>>
        %dma_start3A_154 = tpu.memref_slice %arg15[%dma_start3A_151] : memref<4x!tpu.dma_semaphore, #tpu.memory_space<semaphore_mem>> -> memref<1x!tpu.dma_semaphore, #tpu.memory_space<semaphore_mem>>
        %dma_start3A_155 = tpu.memref_squeeze %dma_start3A_154 : memref<1x!tpu.dma_semaphore, #tpu.memory_space<semaphore_mem>> -> memref<!tpu.dma_semaphore, #tpu.memory_space<semaphore_mem>>
        %dma_start3A_156 = arith.constant 0 : i32
        %dma_start3A_157 = tpu.memref_slice %arg4[%mul3A_150, %dma_start3A_156] : memref<500000x128xf32, #tpu.memory_space<hbm>> -> memref<64x128xf32, #tpu.memory_space<hbm>>
        tpu.enqueue_dma source(%arg11 : memref<64x128xf32, #tpu.memory_space<vmem>>) target(%dma_start3A_157 : memref<64x128xf32, #tpu.memory_space<hbm>>) target_semaphore(%dma_start3A_155 : memref<!tpu.dma_semaphore, #tpu.memory_space<semaphore_mem>>)
        %add3A_158 = arith.constant 128 : i32
        %add3A_159 = arith.addi %add3A_116, %add3A_158 : i32
        %lt3A_160 = arith.constant 7812 : i32
        %lt3A_161 = arith.cmpi slt, %add3A_159, %lt3A_160 : i32
        %convert_element_type3A_162 = arith.extui %lt3A_161 : i1 to i32
        %cond3A_163 = arith.constant 0 : i32
        %cond3A_164 = arith.cmpi ne, %convert_element_type3A_162, %cond3A_163 : i32
        scf.if %cond3A_164 {
          %add3A_165 = arith.constant 128 : i32
          %add3A_166 = arith.addi %add3A_116, %add3A_165 : i32
          %mul3A_167 = arith.constant 128 : i32
          %mul3A_168 = arith.muli %add3A_166, %mul3A_167 : i32
          %dma_start3A_169 = arith.constant 2 : i32
          %dma_start3A_170 = arith.constant 0 : i32
          %dma_start3A_171 = tpu.memref_slice %arg2[%dma_start3A_170, %mul3A_168] : memref<64x1000000xf32, #tpu.memory_space<hbm>> -> memref<64x128xf32, #tpu.memory_space<hbm>>
          %dma_start3A_172 = tpu.memref_slice %arg14[%dma_start3A_169] : memref<4x!tpu.dma_semaphore, #tpu.memory_space<semaphore_mem>> -> memref<1x!tpu.dma_semaphore, #tpu.memory_space<semaphore_mem>>
          %dma_start3A_173 = tpu.memref_squeeze %dma_start3A_172 : memref<1x!tpu.dma_semaphore, #tpu.memory_space<semaphore_mem>> -> memref<!tpu.dma_semaphore, #tpu.memory_space<semaphore_mem>>
          %dma_start3A_174 = arith.constant 0 : i32
          %dma_start3A_175 = tpu.memref_slice %arg2[%dma_start3A_174, %mul3A_168] : memref<64x1000000xf32, #tpu.memory_space<hbm>> -> memref<64x128xf32, #tpu.memory_space<hbm>>
          tpu.enqueue_dma source(%dma_start3A_175 : memref<64x128xf32, #tpu.memory_space<hbm>>) target(%arg7 : memref<64x128xf32, #tpu.memory_space<vmem>>) target_semaphore(%dma_start3A_173 : memref<!tpu.dma_semaphore, #tpu.memory_space<semaphore_mem>>)
        } else {
        }
      } else {
      }
      %mul3A_122 = arith.constant 4 : i32
      %mul3A_123 = arith.muli %mul3A_122, %scan3A_86 : i32
      %add3A_124 = arith.constant 3 : i32
      %add3A_125 = arith.addi %mul3A_123, %add3A_124 : i32
      %mul3A_126 = arith.constant 32 : i32
      %mul3A_127 = arith.muli %add3A_125, %mul3A_126 : i32
      %add3A_128 = arith.addi %add3A, %mul3A_127 : i32
      %lt3A_129 = arith.constant 7812 : i32
      %lt3A_130 = arith.cmpi slt, %add3A_128, %lt3A_129 : i32
      %convert_element_type3A_131 = arith.extui %lt3A_130 : i1 to i32
      %cond3A_132 = arith.constant 0 : i32
      %cond3A_133 = arith.cmpi ne, %convert_element_type3A_131, %cond3A_132 : i32
      scf.if %cond3A_133 {
        %mul3A_134 = arith.constant 128 : i32
        %mul3A_135 = arith.muli %add3A_128, %mul3A_134 : i32
        %dma_wait3A_136 = arith.constant 3 : i32
        %dma_wait3A_137 = arith.constant 0 : i32
        %dma_wait3A_138 = tpu.memref_slice %arg2[%dma_wait3A_137, %mul3A_135] : memref<64x1000000xf32, #tpu.memory_space<hbm>> -> memref<64x128xf32, #tpu.memory_space<hbm>>
        %dma_wait3A_139 = tpu.memref_slice %arg14[%dma_wait3A_136] : memref<4x!tpu.dma_semaphore, #tpu.memory_space<semaphore_mem>> -> memref<1x!tpu.dma_semaphore, #tpu.memory_space<semaphore_mem>>
        %dma_wait3A_140 = tpu.memref_squeeze %dma_wait3A_139 : memref<1x!tpu.dma_semaphore, #tpu.memory_space<semaphore_mem>> -> memref<!tpu.dma_semaphore, #tpu.memory_space<semaphore_mem>>
        %dma_wait3A_141 = arith.constant 0 : i32
        %dma_wait3A_142 = tpu.memref_slice %arg2[%dma_wait3A_141, %mul3A_135] : memref<64x1000000xf32, #tpu.memory_space<hbm>> -> memref<64x128xf32, #tpu.memory_space<hbm>>
        tpu.wait_dma2 semaphore(%dma_wait3A_140 : memref<!tpu.dma_semaphore, #tpu.memory_space<semaphore_mem>>) src(%dma_wait3A_142 : memref<64x128xf32, #tpu.memory_space<hbm>>) dst(%arg8 : memref<64x128xf32, #tpu.memory_space<vmem>>)
        %ge3A = arith.constant 1 : i32
        %ge3A_143 = arith.cmpi sge, %scan3A_86, %ge3A : i32
        %convert_element_type3A_144 = arith.extui %ge3A_143 : i1 to i32
        %cond3A_145 = arith.constant 0 : i32
        %cond3A_146 = arith.cmpi ne, %convert_element_type3A_144, %cond3A_145 : i32
        scf.if %cond3A_146 {
          %sub3A = arith.constant 128 : i32
          %sub3A_165 = arith.subi %add3A_128, %sub3A : i32
          %mul3A_166 = arith.constant 64 : i32
          %mul3A_167 = arith.muli %sub3A_165, %mul3A_166 : i32
          %dma_wait3A_168 = arith.constant 3 : i32
          %dma_wait3A_169 = arith.constant 0 : i32
          %dma_wait3A_170 = tpu.memref_slice %arg4[%mul3A_167, %dma_wait3A_169] : memref<500000x128xf32, #tpu.memory_space<hbm>> -> memref<64x128xf32, #tpu.memory_space<hbm>>
          %dma_wait3A_171 = tpu.memref_slice %arg15[%dma_wait3A_168] : memref<4x!tpu.dma_semaphore, #tpu.memory_space<semaphore_mem>> -> memref<1x!tpu.dma_semaphore, #tpu.memory_space<semaphore_mem>>
          %dma_wait3A_172 = tpu.memref_squeeze %dma_wait3A_171 : memref<1x!tpu.dma_semaphore, #tpu.memory_space<semaphore_mem>> -> memref<!tpu.dma_semaphore, #tpu.memory_space<semaphore_mem>>
          %dma_wait3A_173 = arith.constant 0 : i32
          %dma_wait3A_174 = tpu.memref_slice %arg4[%mul3A_167, %dma_wait3A_173] : memref<500000x128xf32, #tpu.memory_space<hbm>> -> memref<64x128xf32, #tpu.memory_space<hbm>>
          tpu.wait_dma2 semaphore(%dma_wait3A_172 : memref<!tpu.dma_semaphore, #tpu.memory_space<semaphore_mem>>) src(%arg12 : memref<64x128xf32, #tpu.memory_space<vmem>>) dst(%dma_wait3A_174 : memref<64x128xf32, #tpu.memory_space<hbm>>)
        } else {
        }
        %parallel_loop3A = arith.constant 0 : i32
        %parallel_loop3A_147 = arith.constant 16 : i32
        %parallel_loop3A_148 = arith.constant 1 : i32
        scf.for %parallel_loop3A_165 = %parallel_loop3A to %parallel_loop3A_147 step %parallel_loop3A_148  : i32 {
          %parallel_loop3A_166 = vector.broadcast %parallel_loop3A_165 : i32 to vector<16xi32>
          %parallel_loop3A_167 = arith.addi %iota3A, %parallel_loop3A_166 : vector<16xi32>
          %parallel_loop3A_168 = arith.constant 15 : i32
          %parallel_loop3A_169 = vector.broadcast %parallel_loop3A_168 : i32 to vector<16xi32>
          %parallel_loop3A_170 = arith.andi %parallel_loop3A_167, %parallel_loop3A_169 : vector<16xi32>
          %parallel_loop3A_171 = arith.constant 0 : i32
          %parallel_loop3A_172 = vector.broadcast %parallel_loop3A_171 : i32 to vector<16xi32>
          %parallel_loop3A_173 = arith.addi %parallel_loop3A_170, %parallel_loop3A_172 : vector<16xi32>
          %parallel_loop3A_174 = arith.constant 0 : i32
          %parallel_loop3A_175 = vector.broadcast %parallel_loop3A_174 : i32 to vector<16xi32>
          %parallel_loop3A_176 = arith.addi %iota3A, %parallel_loop3A_175 : vector<16xi32>
          %parallel_loop3A_177 = arith.constant 2 : i32
          %parallel_loop3A_178 = vector.broadcast %parallel_loop3A_177 : i32 to vector<16xi32>
          %parallel_loop3A_179 = arith.muli %parallel_loop3A_178, %parallel_loop3A_173 : vector<16xi32>
          %parallel_loop3A_180 = arith.constant 0 : i32
          %parallel_loop3A_181 = vector.broadcast %parallel_loop3A_180 : i32 to vector<16xi32>
          %parallel_loop3A_182 = arith.addi %parallel_loop3A_179, %parallel_loop3A_181 : vector<16xi32>
          %parallel_loop3A_183 = tpu.vector_load_idx %arg8[%parallel_loop3A_176, %parallel_loop3A_182] : memref<64x128xf32, #tpu.memory_space<vmem>>[vector<16xi32>, vector<16xi32>], vector<16xf32>,
          %parallel_loop3A_184 = arith.constant 0 : i32
          %parallel_loop3A_185 = vector.broadcast %parallel_loop3A_184 : i32 to vector<16xi32>
          %parallel_loop3A_186 = arith.addi %iota3A, %parallel_loop3A_185 : vector<16xi32>
          tpu.vector_store_idx %arg12[%parallel_loop3A_173, %parallel_loop3A_186], %parallel_loop3A_183 : memref<64x128xf32, #tpu.memory_space<vmem>>[vector<16xi32>, vector<16xi32>], vector<16xf32>,
          %parallel_loop3A_187 = arith.constant 16 : i32
          %parallel_loop3A_188 = vector.broadcast %parallel_loop3A_187 : i32 to vector<16xi32>
          %parallel_loop3A_189 = arith.addi %iota3A, %parallel_loop3A_188 : vector<16xi32>
          %parallel_loop3A_190 = arith.constant 2 : i32
          %parallel_loop3A_191 = vector.broadcast %parallel_loop3A_190 : i32 to vector<16xi32>
          %parallel_loop3A_192 = arith.muli %parallel_loop3A_191, %parallel_loop3A_173 : vector<16xi32>
          %parallel_loop3A_193 = arith.constant 0 : i32
          %parallel_loop3A_194 = vector.broadcast %parallel_loop3A_193 : i32 to vector<16xi32>
          %parallel_loop3A_195 = arith.addi %parallel_loop3A_192, %parallel_loop3A_194 : vector<16xi32>
          %parallel_loop3A_196 = tpu.vector_load_idx %arg8[%parallel_loop3A_189, %parallel_loop3A_195] : memref<64x128xf32, #tpu.memory_space<vmem>>[vector<16xi32>, vector<16xi32>], vector<16xf32>,
          %parallel_loop3A_197 = arith.constant 16 : i32
          %parallel_loop3A_198 = vector.broadcast %parallel_loop3A_197 : i32 to vector<16xi32>
          %parallel_loop3A_199 = arith.addi %iota3A, %parallel_loop3A_198 : vector<16xi32>
          tpu.vector_store_idx %arg12[%parallel_loop3A_173, %parallel_loop3A_199], %parallel_loop3A_196 : memref<64x128xf32, #tpu.memory_space<vmem>>[vector<16xi32>, vector<16xi32>], vector<16xf32>,
          %parallel_loop3A_200 = arith.constant 32 : i32
          %parallel_loop3A_201 = vector.broadcast %parallel_loop3A_200 : i32 to vector<16xi32>
          %parallel_loop3A_202 = arith.addi %iota3A, %parallel_loop3A_201 : vector<16xi32>
          %parallel_loop3A_203 = arith.constant 2 : i32
          %parallel_loop3A_204 = vector.broadcast %parallel_loop3A_203 : i32 to vector<16xi32>
          %parallel_loop3A_205 = arith.muli %parallel_loop3A_204, %parallel_loop3A_173 : vector<16xi32>
          %parallel_loop3A_206 = arith.constant 0 : i32
          %parallel_loop3A_207 = vector.broadcast %parallel_loop3A_206 : i32 to vector<16xi32>
          %parallel_loop3A_208 = arith.addi %parallel_loop3A_205, %parallel_loop3A_207 : vector<16xi32>
          %parallel_loop3A_209 = tpu.vector_load_idx %arg8[%parallel_loop3A_202, %parallel_loop3A_208] : memref<64x128xf32, #tpu.memory_space<vmem>>[vector<16xi32>, vector<16xi32>], vector<16xf32>,
          %parallel_loop3A_210 = arith.constant 32 : i32
          %parallel_loop3A_211 = vector.broadcast %parallel_loop3A_210 : i32 to vector<16xi32>
          %parallel_loop3A_212 = arith.addi %iota3A, %parallel_loop3A_211 : vector<16xi32>
          tpu.vector_store_idx %arg12[%parallel_loop3A_173, %parallel_loop3A_212], %parallel_loop3A_209 : memref<64x128xf32, #tpu.memory_space<vmem>>[vector<16xi32>, vector<16xi32>], vector<16xf32>,
          %parallel_loop3A_213 = arith.constant 48 : i32
          %parallel_loop3A_214 = vector.broadcast %parallel_loop3A_213 : i32 to vector<16xi32>
          %parallel_loop3A_215 = arith.addi %iota3A, %parallel_loop3A_214 : vector<16xi32>
          %parallel_loop3A_216 = arith.constant 2 : i32
          %parallel_loop3A_217 = vector.broadcast %parallel_loop3A_216 : i32 to vector<16xi32>
          %parallel_loop3A_218 = arith.muli %parallel_loop3A_217, %parallel_loop3A_173 : vector<16xi32>
          %parallel_loop3A_219 = arith.constant 0 : i32
          %parallel_loop3A_220 = vector.broadcast %parallel_loop3A_219 : i32 to vector<16xi32>
          %parallel_loop3A_221 = arith.addi %parallel_loop3A_218, %parallel_loop3A_220 : vector<16xi32>
          %parallel_loop3A_222 = tpu.vector_load_idx %arg8[%parallel_loop3A_215, %parallel_loop3A_221] : memref<64x128xf32, #tpu.memory_space<vmem>>[vector<16xi32>, vector<16xi32>], vector<16xf32>,
          %parallel_loop3A_223 = arith.constant 48 : i32
          %parallel_loop3A_224 = vector.broadcast %parallel_loop3A_223 : i32 to vector<16xi32>
          %parallel_loop3A_225 = arith.addi %iota3A, %parallel_loop3A_224 : vector<16xi32>
          tpu.vector_store_idx %arg12[%parallel_loop3A_173, %parallel_loop3A_225], %parallel_loop3A_222 : memref<64x128xf32, #tpu.memory_space<vmem>>[vector<16xi32>, vector<16xi32>], vector<16xf32>,
          %parallel_loop3A_226 = arith.constant 0 : i32
          %parallel_loop3A_227 = vector.broadcast %parallel_loop3A_226 : i32 to vector<16xi32>
          %parallel_loop3A_228 = arith.addi %iota3A, %parallel_loop3A_227 : vector<16xi32>
          %parallel_loop3A_229 = arith.constant 2 : i32
          %parallel_loop3A_230 = vector.broadcast %parallel_loop3A_229 : i32 to vector<16xi32>
          %parallel_loop3A_231 = arith.muli %parallel_loop3A_230, %parallel_loop3A_173 : vector<16xi32>
          %parallel_loop3A_232 = arith.constant 1 : i32
          %parallel_loop3A_233 = vector.broadcast %parallel_loop3A_232 : i32 to vector<16xi32>
          %parallel_loop3A_234 = arith.addi %parallel_loop3A_231, %parallel_loop3A_233 : vector<16xi32>
          %parallel_loop3A_235 = tpu.vector_load_idx %arg8[%parallel_loop3A_228, %parallel_loop3A_234] : memref<64x128xf32, #tpu.memory_space<vmem>>[vector<16xi32>, vector<16xi32>], vector<16xf32>,
          %parallel_loop3A_236 = arith.constant 64 : i32
          %parallel_loop3A_237 = vector.broadcast %parallel_loop3A_236 : i32 to vector<16xi32>
          %parallel_loop3A_238 = arith.addi %iota3A, %parallel_loop3A_237 : vector<16xi32>
          tpu.vector_store_idx %arg12[%parallel_loop3A_173, %parallel_loop3A_238], %parallel_loop3A_235 : memref<64x128xf32, #tpu.memory_space<vmem>>[vector<16xi32>, vector<16xi32>], vector<16xf32>,
          %parallel_loop3A_239 = arith.constant 16 : i32
          %parallel_loop3A_240 = vector.broadcast %parallel_loop3A_239 : i32 to vector<16xi32>
          %parallel_loop3A_241 = arith.addi %iota3A, %parallel_loop3A_240 : vector<16xi32>
          %parallel_loop3A_242 = arith.constant 2 : i32
          %parallel_loop3A_243 = vector.broadcast %parallel_loop3A_242 : i32 to vector<16xi32>
          %parallel_loop3A_244 = arith.muli %parallel_loop3A_243, %parallel_loop3A_173 : vector<16xi32>
          %parallel_loop3A_245 = arith.constant 1 : i32
          %parallel_loop3A_246 = vector.broadcast %parallel_loop3A_245 : i32 to vector<16xi32>
          %parallel_loop3A_247 = arith.addi %parallel_loop3A_244, %parallel_loop3A_246 : vector<16xi32>
          %parallel_loop3A_248 = tpu.vector_load_idx %arg8[%parallel_loop3A_241, %parallel_loop3A_247] : memref<64x128xf32, #tpu.memory_space<vmem>>[vector<16xi32>, vector<16xi32>], vector<16xf32>,
          %parallel_loop3A_249 = arith.constant 80 : i32
          %parallel_loop3A_250 = vector.broadcast %parallel_loop3A_249 : i32 to vector<16xi32>
          %parallel_loop3A_251 = arith.addi %iota3A, %parallel_loop3A_250 : vector<16xi32>
          tpu.vector_store_idx %arg12[%parallel_loop3A_173, %parallel_loop3A_251], %parallel_loop3A_248 : memref<64x128xf32, #tpu.memory_space<vmem>>[vector<16xi32>, vector<16xi32>], vector<16xf32>,
          %parallel_loop3A_252 = arith.constant 32 : i32
          %parallel_loop3A_253 = vector.broadcast %parallel_loop3A_252 : i32 to vector<16xi32>
          %parallel_loop3A_254 = arith.addi %iota3A, %parallel_loop3A_253 : vector<16xi32>
          %parallel_loop3A_255 = arith.constant 2 : i32
          %parallel_loop3A_256 = vector.broadcast %parallel_loop3A_255 : i32 to vector<16xi32>
          %parallel_loop3A_257 = arith.muli %parallel_loop3A_256, %parallel_loop3A_173 : vector<16xi32>
          %parallel_loop3A_258 = arith.constant 1 : i32
          %parallel_loop3A_259 = vector.broadcast %parallel_loop3A_258 : i32 to vector<16xi32>
          %parallel_loop3A_260 = arith.addi %parallel_loop3A_257, %parallel_loop3A_259 : vector<16xi32>
          %parallel_loop3A_261 = tpu.vector_load_idx %arg8[%parallel_loop3A_254, %parallel_loop3A_260] : memref<64x128xf32, #tpu.memory_space<vmem>>[vector<16xi32>, vector<16xi32>], vector<16xf32>,
          %parallel_loop3A_262 = arith.constant 96 : i32
          %parallel_loop3A_263 = vector.broadcast %parallel_loop3A_262 : i32 to vector<16xi32>
          %parallel_loop3A_264 = arith.addi %iota3A, %parallel_loop3A_263 : vector<16xi32>
          tpu.vector_store_idx %arg12[%parallel_loop3A_173, %parallel_loop3A_264], %parallel_loop3A_261 : memref<64x128xf32, #tpu.memory_space<vmem>>[vector<16xi32>, vector<16xi32>], vector<16xf32>,
          %parallel_loop3A_265 = arith.constant 48 : i32
          %parallel_loop3A_266 = vector.broadcast %parallel_loop3A_265 : i32 to vector<16xi32>
          %parallel_loop3A_267 = arith.addi %iota3A, %parallel_loop3A_266 : vector<16xi32>
          %parallel_loop3A_268 = arith.constant 2 : i32
          %parallel_loop3A_269 = vector.broadcast %parallel_loop3A_268 : i32 to vector<16xi32>
          %parallel_loop3A_270 = arith.muli %parallel_loop3A_269, %parallel_loop3A_173 : vector<16xi32>
          %parallel_loop3A_271 = arith.constant 1 : i32
          %parallel_loop3A_272 = vector.broadcast %parallel_loop3A_271 : i32 to vector<16xi32>
          %parallel_loop3A_273 = arith.addi %parallel_loop3A_270, %parallel_loop3A_272 : vector<16xi32>
          %parallel_loop3A_274 = tpu.vector_load_idx %arg8[%parallel_loop3A_267, %parallel_loop3A_273] : memref<64x128xf32, #tpu.memory_space<vmem>>[vector<16xi32>, vector<16xi32>], vector<16xf32>,
          %parallel_loop3A_275 = arith.constant 112 : i32
          %parallel_loop3A_276 = vector.broadcast %parallel_loop3A_275 : i32 to vector<16xi32>
          %parallel_loop3A_277 = arith.addi %iota3A, %parallel_loop3A_276 : vector<16xi32>
          tpu.vector_store_idx %arg12[%parallel_loop3A_173, %parallel_loop3A_277], %parallel_loop3A_274 : memref<64x128xf32, #tpu.memory_space<vmem>>[vector<16xi32>, vector<16xi32>], vector<16xf32>,
          %parallel_loop3A_278 = arith.constant 16 : i32
          %parallel_loop3A_279 = vector.broadcast %parallel_loop3A_278 : i32 to vector<16xi32>
          %parallel_loop3A_280 = arith.addi %parallel_loop3A_170, %parallel_loop3A_279 : vector<16xi32>
          %parallel_loop3A_281 = arith.constant 0 : i32
          %parallel_loop3A_282 = vector.broadcast %parallel_loop3A_281 : i32 to vector<16xi32>
          %parallel_loop3A_283 = arith.addi %iota3A, %parallel_loop3A_282 : vector<16xi32>
          %parallel_loop3A_284 = arith.constant 2 : i32
          %parallel_loop3A_285 = vector.broadcast %parallel_loop3A_284 : i32 to vector<16xi32>
          %parallel_loop3A_286 = arith.muli %parallel_loop3A_285, %parallel_loop3A_280 : vector<16xi32>
          %parallel_loop3A_287 = arith.constant 0 : i32
          %parallel_loop3A_288 = vector.broadcast %parallel_loop3A_287 : i32 to vector<16xi32>
          %parallel_loop3A_289 = arith.addi %parallel_loop3A_286, %parallel_loop3A_288 : vector<16xi32>
          %parallel_loop3A_290 = tpu.vector_load_idx %arg8[%parallel_loop3A_283, %parallel_loop3A_289] : memref<64x128xf32, #tpu.memory_space<vmem>>[vector<16xi32>, vector<16xi32>], vector<16xf32>,
          %parallel_loop3A_291 = arith.constant 0 : i32
          %parallel_loop3A_292 = vector.broadcast %parallel_loop3A_291 : i32 to vector<16xi32>
          %parallel_loop3A_293 = arith.addi %iota3A, %parallel_loop3A_292 : vector<16xi32>
          tpu.vector_store_idx %arg12[%parallel_loop3A_280, %parallel_loop3A_293], %parallel_loop3A_290 : memref<64x128xf32, #tpu.memory_space<vmem>>[vector<16xi32>, vector<16xi32>], vector<16xf32>,
          %parallel_loop3A_294 = arith.constant 16 : i32
          %parallel_loop3A_295 = vector.broadcast %parallel_loop3A_294 : i32 to vector<16xi32>
          %parallel_loop3A_296 = arith.addi %iota3A, %parallel_loop3A_295 : vector<16xi32>
          %parallel_loop3A_297 = arith.constant 2 : i32
          %parallel_loop3A_298 = vector.broadcast %parallel_loop3A_297 : i32 to vector<16xi32>
          %parallel_loop3A_299 = arith.muli %parallel_loop3A_298, %parallel_loop3A_280 : vector<16xi32>
          %parallel_loop3A_300 = arith.constant 0 : i32
          %parallel_loop3A_301 = vector.broadcast %parallel_loop3A_300 : i32 to vector<16xi32>
          %parallel_loop3A_302 = arith.addi %parallel_loop3A_299, %parallel_loop3A_301 : vector<16xi32>
          %parallel_loop3A_303 = tpu.vector_load_idx %arg8[%parallel_loop3A_296, %parallel_loop3A_302] : memref<64x128xf32, #tpu.memory_space<vmem>>[vector<16xi32>, vector<16xi32>], vector<16xf32>,
          %parallel_loop3A_304 = arith.constant 16 : i32
          %parallel_loop3A_305 = vector.broadcast %parallel_loop3A_304 : i32 to vector<16xi32>
          %parallel_loop3A_306 = arith.addi %iota3A, %parallel_loop3A_305 : vector<16xi32>
          tpu.vector_store_idx %arg12[%parallel_loop3A_280, %parallel_loop3A_306], %parallel_loop3A_303 : memref<64x128xf32, #tpu.memory_space<vmem>>[vector<16xi32>, vector<16xi32>], vector<16xf32>,
          %parallel_loop3A_307 = arith.constant 32 : i32
          %parallel_loop3A_308 = vector.broadcast %parallel_loop3A_307 : i32 to vector<16xi32>
          %parallel_loop3A_309 = arith.addi %iota3A, %parallel_loop3A_308 : vector<16xi32>
          %parallel_loop3A_310 = arith.constant 2 : i32
          %parallel_loop3A_311 = vector.broadcast %parallel_loop3A_310 : i32 to vector<16xi32>
          %parallel_loop3A_312 = arith.muli %parallel_loop3A_311, %parallel_loop3A_280 : vector<16xi32>
          %parallel_loop3A_313 = arith.constant 0 : i32
          %parallel_loop3A_314 = vector.broadcast %parallel_loop3A_313 : i32 to vector<16xi32>
          %parallel_loop3A_315 = arith.addi %parallel_loop3A_312, %parallel_loop3A_314 : vector<16xi32>
          %parallel_loop3A_316 = tpu.vector_load_idx %arg8[%parallel_loop3A_309, %parallel_loop3A_315] : memref<64x128xf32, #tpu.memory_space<vmem>>[vector<16xi32>, vector<16xi32>], vector<16xf32>,
          %parallel_loop3A_317 = arith.constant 32 : i32
          %parallel_loop3A_318 = vector.broadcast %parallel_loop3A_317 : i32 to vector<16xi32>
          %parallel_loop3A_319 = arith.addi %iota3A, %parallel_loop3A_318 : vector<16xi32>
          tpu.vector_store_idx %arg12[%parallel_loop3A_280, %parallel_loop3A_319], %parallel_loop3A_316 : memref<64x128xf32, #tpu.memory_space<vmem>>[vector<16xi32>, vector<16xi32>], vector<16xf32>,
          %parallel_loop3A_320 = arith.constant 48 : i32
          %parallel_loop3A_321 = vector.broadcast %parallel_loop3A_320 : i32 to vector<16xi32>
          %parallel_loop3A_322 = arith.addi %iota3A, %parallel_loop3A_321 : vector<16xi32>
          %parallel_loop3A_323 = arith.constant 2 : i32
          %parallel_loop3A_324 = vector.broadcast %parallel_loop3A_323 : i32 to vector<16xi32>
          %parallel_loop3A_325 = arith.muli %parallel_loop3A_324, %parallel_loop3A_280 : vector<16xi32>
          %parallel_loop3A_326 = arith.constant 0 : i32
          %parallel_loop3A_327 = vector.broadcast %parallel_loop3A_326 : i32 to vector<16xi32>
          %parallel_loop3A_328 = arith.addi %parallel_loop3A_325, %parallel_loop3A_327 : vector<16xi32>
          %parallel_loop3A_329 = tpu.vector_load_idx %arg8[%parallel_loop3A_322, %parallel_loop3A_328] : memref<64x128xf32, #tpu.memory_space<vmem>>[vector<16xi32>, vector<16xi32>], vector<16xf32>,
          %parallel_loop3A_330 = arith.constant 48 : i32
          %parallel_loop3A_331 = vector.broadcast %parallel_loop3A_330 : i32 to vector<16xi32>
          %parallel_loop3A_332 = arith.addi %iota3A, %parallel_loop3A_331 : vector<16xi32>
          tpu.vector_store_idx %arg12[%parallel_loop3A_280, %parallel_loop3A_332], %parallel_loop3A_329 : memref<64x128xf32, #tpu.memory_space<vmem>>[vector<16xi32>, vector<16xi32>], vector<16xf32>,
          %parallel_loop3A_333 = arith.constant 0 : i32
          %parallel_loop3A_334 = vector.broadcast %parallel_loop3A_333 : i32 to vector<16xi32>
          %parallel_loop3A_335 = arith.addi %iota3A, %parallel_loop3A_334 : vector<16xi32>
          %parallel_loop3A_336 = arith.constant 2 : i32
          %parallel_loop3A_337 = vector.broadcast %parallel_loop3A_336 : i32 to vector<16xi32>
          %parallel_loop3A_338 = arith.muli %parallel_loop3A_337, %parallel_loop3A_280 : vector<16xi32>
          %parallel_loop3A_339 = arith.constant 1 : i32
          %parallel_loop3A_340 = vector.broadcast %parallel_loop3A_339 : i32 to vector<16xi32>
          %parallel_loop3A_341 = arith.addi %parallel_loop3A_338, %parallel_loop3A_340 : vector<16xi32>
          %parallel_loop3A_342 = tpu.vector_load_idx %arg8[%parallel_loop3A_335, %parallel_loop3A_341] : memref<64x128xf32, #tpu.memory_space<vmem>>[vector<16xi32>, vector<16xi32>], vector<16xf32>,
          %parallel_loop3A_343 = arith.constant 64 : i32
          %parallel_loop3A_344 = vector.broadcast %parallel_loop3A_343 : i32 to vector<16xi32>
          %parallel_loop3A_345 = arith.addi %iota3A, %parallel_loop3A_344 : vector<16xi32>
          tpu.vector_store_idx %arg12[%parallel_loop3A_280, %parallel_loop3A_345], %parallel_loop3A_342 : memref<64x128xf32, #tpu.memory_space<vmem>>[vector<16xi32>, vector<16xi32>], vector<16xf32>,
          %parallel_loop3A_346 = arith.constant 16 : i32
          %parallel_loop3A_347 = vector.broadcast %parallel_loop3A_346 : i32 to vector<16xi32>
          %parallel_loop3A_348 = arith.addi %iota3A, %parallel_loop3A_347 : vector<16xi32>
          %parallel_loop3A_349 = arith.constant 2 : i32
          %parallel_loop3A_350 = vector.broadcast %parallel_loop3A_349 : i32 to vector<16xi32>
          %parallel_loop3A_351 = arith.muli %parallel_loop3A_350, %parallel_loop3A_280 : vector<16xi32>
          %parallel_loop3A_352 = arith.constant 1 : i32
          %parallel_loop3A_353 = vector.broadcast %parallel_loop3A_352 : i32 to vector<16xi32>
          %parallel_loop3A_354 = arith.addi %parallel_loop3A_351, %parallel_loop3A_353 : vector<16xi32>
          %parallel_loop3A_355 = tpu.vector_load_idx %arg8[%parallel_loop3A_348, %parallel_loop3A_354] : memref<64x128xf32, #tpu.memory_space<vmem>>[vector<16xi32>, vector<16xi32>], vector<16xf32>,
          %parallel_loop3A_356 = arith.constant 80 : i32
          %parallel_loop3A_357 = vector.broadcast %parallel_loop3A_356 : i32 to vector<16xi32>
          %parallel_loop3A_358 = arith.addi %iota3A, %parallel_loop3A_357 : vector<16xi32>
          tpu.vector_store_idx %arg12[%parallel_loop3A_280, %parallel_loop3A_358], %parallel_loop3A_355 : memref<64x128xf32, #tpu.memory_space<vmem>>[vector<16xi32>, vector<16xi32>], vector<16xf32>,
          %parallel_loop3A_359 = arith.constant 32 : i32
          %parallel_loop3A_360 = vector.broadcast %parallel_loop3A_359 : i32 to vector<16xi32>
          %parallel_loop3A_361 = arith.addi %iota3A, %parallel_loop3A_360 : vector<16xi32>
          %parallel_loop3A_362 = arith.constant 2 : i32
          %parallel_loop3A_363 = vector.broadcast %parallel_loop3A_362 : i32 to vector<16xi32>
          %parallel_loop3A_364 = arith.muli %parallel_loop3A_363, %parallel_loop3A_280 : vector<16xi32>
          %parallel_loop3A_365 = arith.constant 1 : i32
          %parallel_loop3A_366 = vector.broadcast %parallel_loop3A_365 : i32 to vector<16xi32>
          %parallel_loop3A_367 = arith.addi %parallel_loop3A_364, %parallel_loop3A_366 : vector<16xi32>
          %parallel_loop3A_368 = tpu.vector_load_idx %arg8[%parallel_loop3A_361, %parallel_loop3A_367] : memref<64x128xf32, #tpu.memory_space<vmem>>[vector<16xi32>, vector<16xi32>], vector<16xf32>,
          %parallel_loop3A_369 = arith.constant 96 : i32
          %parallel_loop3A_370 = vector.broadcast %parallel_loop3A_369 : i32 to vector<16xi32>
          %parallel_loop3A_371 = arith.addi %iota3A, %parallel_loop3A_370 : vector<16xi32>
          tpu.vector_store_idx %arg12[%parallel_loop3A_280, %parallel_loop3A_371], %parallel_loop3A_368 : memref<64x128xf32, #tpu.memory_space<vmem>>[vector<16xi32>, vector<16xi32>], vector<16xf32>,
          %parallel_loop3A_372 = arith.constant 48 : i32
          %parallel_loop3A_373 = vector.broadcast %parallel_loop3A_372 : i32 to vector<16xi32>
          %parallel_loop3A_374 = arith.addi %iota3A, %parallel_loop3A_373 : vector<16xi32>
          %parallel_loop3A_375 = arith.constant 2 : i32
          %parallel_loop3A_376 = vector.broadcast %parallel_loop3A_375 : i32 to vector<16xi32>
          %parallel_loop3A_377 = arith.muli %parallel_loop3A_376, %parallel_loop3A_280 : vector<16xi32>
          %parallel_loop3A_378 = arith.constant 1 : i32
          %parallel_loop3A_379 = vector.broadcast %parallel_loop3A_378 : i32 to vector<16xi32>
          %parallel_loop3A_380 = arith.addi %parallel_loop3A_377, %parallel_loop3A_379 : vector<16xi32>
          %parallel_loop3A_381 = tpu.vector_load_idx %arg8[%parallel_loop3A_374, %parallel_loop3A_380] : memref<64x128xf32, #tpu.memory_space<vmem>>[vector<16xi32>, vector<16xi32>], vector<16xf32>,
          %parallel_loop3A_382 = arith.constant 112 : i32
          %parallel_loop3A_383 = vector.broadcast %parallel_loop3A_382 : i32 to vector<16xi32>
          %parallel_loop3A_384 = arith.addi %iota3A, %parallel_loop3A_383 : vector<16xi32>
          tpu.vector_store_idx %arg12[%parallel_loop3A_280, %parallel_loop3A_384], %parallel_loop3A_381 : memref<64x128xf32, #tpu.memory_space<vmem>>[vector<16xi32>, vector<16xi32>], vector<16xf32>,
          %parallel_loop3A_385 = arith.constant 32 : i32
          %parallel_loop3A_386 = vector.broadcast %parallel_loop3A_385 : i32 to vector<16xi32>
          %parallel_loop3A_387 = arith.addi %parallel_loop3A_170, %parallel_loop3A_386 : vector<16xi32>
          %parallel_loop3A_388 = arith.constant 0 : i32
          %parallel_loop3A_389 = vector.broadcast %parallel_loop3A_388 : i32 to vector<16xi32>
          %parallel_loop3A_390 = arith.addi %iota3A, %parallel_loop3A_389 : vector<16xi32>
          %parallel_loop3A_391 = arith.constant 2 : i32
          %parallel_loop3A_392 = vector.broadcast %parallel_loop3A_391 : i32 to vector<16xi32>
          %parallel_loop3A_393 = arith.muli %parallel_loop3A_392, %parallel_loop3A_387 : vector<16xi32>
          %parallel_loop3A_394 = arith.constant 0 : i32
          %parallel_loop3A_395 = vector.broadcast %parallel_loop3A_394 : i32 to vector<16xi32>
          %parallel_loop3A_396 = arith.addi %parallel_loop3A_393, %parallel_loop3A_395 : vector<16xi32>
          %parallel_loop3A_397 = tpu.vector_load_idx %arg8[%parallel_loop3A_390, %parallel_loop3A_396] : memref<64x128xf32, #tpu.memory_space<vmem>>[vector<16xi32>, vector<16xi32>], vector<16xf32>,
          %parallel_loop3A_398 = arith.constant 0 : i32
          %parallel_loop3A_399 = vector.broadcast %parallel_loop3A_398 : i32 to vector<16xi32>
          %parallel_loop3A_400 = arith.addi %iota3A, %parallel_loop3A_399 : vector<16xi32>
          tpu.vector_store_idx %arg12[%parallel_loop3A_387, %parallel_loop3A_400], %parallel_loop3A_397 : memref<64x128xf32, #tpu.memory_space<vmem>>[vector<16xi32>, vector<16xi32>], vector<16xf32>,
          %parallel_loop3A_401 = arith.constant 16 : i32
          %parallel_loop3A_402 = vector.broadcast %parallel_loop3A_401 : i32 to vector<16xi32>
          %parallel_loop3A_403 = arith.addi %iota3A, %parallel_loop3A_402 : vector<16xi32>
          %parallel_loop3A_404 = arith.constant 2 : i32
          %parallel_loop3A_405 = vector.broadcast %parallel_loop3A_404 : i32 to vector<16xi32>
          %parallel_loop3A_406 = arith.muli %parallel_loop3A_405, %parallel_loop3A_387 : vector<16xi32>
          %parallel_loop3A_407 = arith.constant 0 : i32
          %parallel_loop3A_408 = vector.broadcast %parallel_loop3A_407 : i32 to vector<16xi32>
          %parallel_loop3A_409 = arith.addi %parallel_loop3A_406, %parallel_loop3A_408 : vector<16xi32>
          %parallel_loop3A_410 = tpu.vector_load_idx %arg8[%parallel_loop3A_403, %parallel_loop3A_409] : memref<64x128xf32, #tpu.memory_space<vmem>>[vector<16xi32>, vector<16xi32>], vector<16xf32>,
          %parallel_loop3A_411 = arith.constant 16 : i32
          %parallel_loop3A_412 = vector.broadcast %parallel_loop3A_411 : i32 to vector<16xi32>
          %parallel_loop3A_413 = arith.addi %iota3A, %parallel_loop3A_412 : vector<16xi32>
          tpu.vector_store_idx %arg12[%parallel_loop3A_387, %parallel_loop3A_413], %parallel_loop3A_410 : memref<64x128xf32, #tpu.memory_space<vmem>>[vector<16xi32>, vector<16xi32>], vector<16xf32>,
          %parallel_loop3A_414 = arith.constant 32 : i32
          %parallel_loop3A_415 = vector.broadcast %parallel_loop3A_414 : i32 to vector<16xi32>
          %parallel_loop3A_416 = arith.addi %iota3A, %parallel_loop3A_415 : vector<16xi32>
          %parallel_loop3A_417 = arith.constant 2 : i32
          %parallel_loop3A_418 = vector.broadcast %parallel_loop3A_417 : i32 to vector<16xi32>
          %parallel_loop3A_419 = arith.muli %parallel_loop3A_418, %parallel_loop3A_387 : vector<16xi32>
          %parallel_loop3A_420 = arith.constant 0 : i32
          %parallel_loop3A_421 = vector.broadcast %parallel_loop3A_420 : i32 to vector<16xi32>
          %parallel_loop3A_422 = arith.addi %parallel_loop3A_419, %parallel_loop3A_421 : vector<16xi32>
          %parallel_loop3A_423 = tpu.vector_load_idx %arg8[%parallel_loop3A_416, %parallel_loop3A_422] : memref<64x128xf32, #tpu.memory_space<vmem>>[vector<16xi32>, vector<16xi32>], vector<16xf32>,
          %parallel_loop3A_424 = arith.constant 32 : i32
          %parallel_loop3A_425 = vector.broadcast %parallel_loop3A_424 : i32 to vector<16xi32>
          %parallel_loop3A_426 = arith.addi %iota3A, %parallel_loop3A_425 : vector<16xi32>
          tpu.vector_store_idx %arg12[%parallel_loop3A_387, %parallel_loop3A_426], %parallel_loop3A_423 : memref<64x128xf32, #tpu.memory_space<vmem>>[vector<16xi32>, vector<16xi32>], vector<16xf32>,
          %parallel_loop3A_427 = arith.constant 48 : i32
          %parallel_loop3A_428 = vector.broadcast %parallel_loop3A_427 : i32 to vector<16xi32>
          %parallel_loop3A_429 = arith.addi %iota3A, %parallel_loop3A_428 : vector<16xi32>
          %parallel_loop3A_430 = arith.constant 2 : i32
          %parallel_loop3A_431 = vector.broadcast %parallel_loop3A_430 : i32 to vector<16xi32>
          %parallel_loop3A_432 = arith.muli %parallel_loop3A_431, %parallel_loop3A_387 : vector<16xi32>
          %parallel_loop3A_433 = arith.constant 0 : i32
          %parallel_loop3A_434 = vector.broadcast %parallel_loop3A_433 : i32 to vector<16xi32>
          %parallel_loop3A_435 = arith.addi %parallel_loop3A_432, %parallel_loop3A_434 : vector<16xi32>
          %parallel_loop3A_436 = tpu.vector_load_idx %arg8[%parallel_loop3A_429, %parallel_loop3A_435] : memref<64x128xf32, #tpu.memory_space<vmem>>[vector<16xi32>, vector<16xi32>], vector<16xf32>,
          %parallel_loop3A_437 = arith.constant 48 : i32
          %parallel_loop3A_438 = vector.broadcast %parallel_loop3A_437 : i32 to vector<16xi32>
          %parallel_loop3A_439 = arith.addi %iota3A, %parallel_loop3A_438 : vector<16xi32>
          tpu.vector_store_idx %arg12[%parallel_loop3A_387, %parallel_loop3A_439], %parallel_loop3A_436 : memref<64x128xf32, #tpu.memory_space<vmem>>[vector<16xi32>, vector<16xi32>], vector<16xf32>,
          %parallel_loop3A_440 = arith.constant 0 : i32
          %parallel_loop3A_441 = vector.broadcast %parallel_loop3A_440 : i32 to vector<16xi32>
          %parallel_loop3A_442 = arith.addi %iota3A, %parallel_loop3A_441 : vector<16xi32>
          %parallel_loop3A_443 = arith.constant 2 : i32
          %parallel_loop3A_444 = vector.broadcast %parallel_loop3A_443 : i32 to vector<16xi32>
          %parallel_loop3A_445 = arith.muli %parallel_loop3A_444, %parallel_loop3A_387 : vector<16xi32>
          %parallel_loop3A_446 = arith.constant 1 : i32
          %parallel_loop3A_447 = vector.broadcast %parallel_loop3A_446 : i32 to vector<16xi32>
          %parallel_loop3A_448 = arith.addi %parallel_loop3A_445, %parallel_loop3A_447 : vector<16xi32>
          %parallel_loop3A_449 = tpu.vector_load_idx %arg8[%parallel_loop3A_442, %parallel_loop3A_448] : memref<64x128xf32, #tpu.memory_space<vmem>>[vector<16xi32>, vector<16xi32>], vector<16xf32>,
          %parallel_loop3A_450 = arith.constant 64 : i32
          %parallel_loop3A_451 = vector.broadcast %parallel_loop3A_450 : i32 to vector<16xi32>
          %parallel_loop3A_452 = arith.addi %iota3A, %parallel_loop3A_451 : vector<16xi32>
          tpu.vector_store_idx %arg12[%parallel_loop3A_387, %parallel_loop3A_452], %parallel_loop3A_449 : memref<64x128xf32, #tpu.memory_space<vmem>>[vector<16xi32>, vector<16xi32>], vector<16xf32>,
          %parallel_loop3A_453 = arith.constant 16 : i32
          %parallel_loop3A_454 = vector.broadcast %parallel_loop3A_453 : i32 to vector<16xi32>
          %parallel_loop3A_455 = arith.addi %iota3A, %parallel_loop3A_454 : vector<16xi32>
          %parallel_loop3A_456 = arith.constant 2 : i32
          %parallel_loop3A_457 = vector.broadcast %parallel_loop3A_456 : i32 to vector<16xi32>
          %parallel_loop3A_458 = arith.muli %parallel_loop3A_457, %parallel_loop3A_387 : vector<16xi32>
          %parallel_loop3A_459 = arith.constant 1 : i32
          %parallel_loop3A_460 = vector.broadcast %parallel_loop3A_459 : i32 to vector<16xi32>
          %parallel_loop3A_461 = arith.addi %parallel_loop3A_458, %parallel_loop3A_460 : vector<16xi32>
          %parallel_loop3A_462 = tpu.vector_load_idx %arg8[%parallel_loop3A_455, %parallel_loop3A_461] : memref<64x128xf32, #tpu.memory_space<vmem>>[vector<16xi32>, vector<16xi32>], vector<16xf32>,
          %parallel_loop3A_463 = arith.constant 80 : i32
          %parallel_loop3A_464 = vector.broadcast %parallel_loop3A_463 : i32 to vector<16xi32>
          %parallel_loop3A_465 = arith.addi %iota3A, %parallel_loop3A_464 : vector<16xi32>
          tpu.vector_store_idx %arg12[%parallel_loop3A_387, %parallel_loop3A_465], %parallel_loop3A_462 : memref<64x128xf32, #tpu.memory_space<vmem>>[vector<16xi32>, vector<16xi32>], vector<16xf32>,
          %parallel_loop3A_466 = arith.constant 32 : i32
          %parallel_loop3A_467 = vector.broadcast %parallel_loop3A_466 : i32 to vector<16xi32>
          %parallel_loop3A_468 = arith.addi %iota3A, %parallel_loop3A_467 : vector<16xi32>
          %parallel_loop3A_469 = arith.constant 2 : i32
          %parallel_loop3A_470 = vector.broadcast %parallel_loop3A_469 : i32 to vector<16xi32>
          %parallel_loop3A_471 = arith.muli %parallel_loop3A_470, %parallel_loop3A_387 : vector<16xi32>
          %parallel_loop3A_472 = arith.constant 1 : i32
          %parallel_loop3A_473 = vector.broadcast %parallel_loop3A_472 : i32 to vector<16xi32>
          %parallel_loop3A_474 = arith.addi %parallel_loop3A_471, %parallel_loop3A_473 : vector<16xi32>
          %parallel_loop3A_475 = tpu.vector_load_idx %arg8[%parallel_loop3A_468, %parallel_loop3A_474] : memref<64x128xf32, #tpu.memory_space<vmem>>[vector<16xi32>, vector<16xi32>], vector<16xf32>,
          %parallel_loop3A_476 = arith.constant 96 : i32
          %parallel_loop3A_477 = vector.broadcast %parallel_loop3A_476 : i32 to vector<16xi32>
          %parallel_loop3A_478 = arith.addi %iota3A, %parallel_loop3A_477 : vector<16xi32>
          tpu.vector_store_idx %arg12[%parallel_loop3A_387, %parallel_loop3A_478], %parallel_loop3A_475 : memref<64x128xf32, #tpu.memory_space<vmem>>[vector<16xi32>, vector<16xi32>], vector<16xf32>,
          %parallel_loop3A_479 = arith.constant 48 : i32
          %parallel_loop3A_480 = vector.broadcast %parallel_loop3A_479 : i32 to vector<16xi32>
          %parallel_loop3A_481 = arith.addi %iota3A, %parallel_loop3A_480 : vector<16xi32>
          %parallel_loop3A_482 = arith.constant 2 : i32
          %parallel_loop3A_483 = vector.broadcast %parallel_loop3A_482 : i32 to vector<16xi32>
          %parallel_loop3A_484 = arith.muli %parallel_loop3A_483, %parallel_loop3A_387 : vector<16xi32>
          %parallel_loop3A_485 = arith.constant 1 : i32
          %parallel_loop3A_486 = vector.broadcast %parallel_loop3A_485 : i32 to vector<16xi32>
          %parallel_loop3A_487 = arith.addi %parallel_loop3A_484, %parallel_loop3A_486 : vector<16xi32>
          %parallel_loop3A_488 = tpu.vector_load_idx %arg8[%parallel_loop3A_481, %parallel_loop3A_487] : memref<64x128xf32, #tpu.memory_space<vmem>>[vector<16xi32>, vector<16xi32>], vector<16xf32>,
          %parallel_loop3A_489 = arith.constant 112 : i32
          %parallel_loop3A_490 = vector.broadcast %parallel_loop3A_489 : i32 to vector<16xi32>
          %parallel_loop3A_491 = arith.addi %iota3A, %parallel_loop3A_490 : vector<16xi32>
          tpu.vector_store_idx %arg12[%parallel_loop3A_387, %parallel_loop3A_491], %parallel_loop3A_488 : memref<64x128xf32, #tpu.memory_space<vmem>>[vector<16xi32>, vector<16xi32>], vector<16xf32>,
          %parallel_loop3A_492 = arith.constant 48 : i32
          %parallel_loop3A_493 = vector.broadcast %parallel_loop3A_492 : i32 to vector<16xi32>
          %parallel_loop3A_494 = arith.addi %parallel_loop3A_170, %parallel_loop3A_493 : vector<16xi32>
          %parallel_loop3A_495 = arith.constant 0 : i32
          %parallel_loop3A_496 = vector.broadcast %parallel_loop3A_495 : i32 to vector<16xi32>
          %parallel_loop3A_497 = arith.addi %iota3A, %parallel_loop3A_496 : vector<16xi32>
          %parallel_loop3A_498 = arith.constant 2 : i32
          %parallel_loop3A_499 = vector.broadcast %parallel_loop3A_498 : i32 to vector<16xi32>
          %parallel_loop3A_500 = arith.muli %parallel_loop3A_499, %parallel_loop3A_494 : vector<16xi32>
          %parallel_loop3A_501 = arith.constant 0 : i32
          %parallel_loop3A_502 = vector.broadcast %parallel_loop3A_501 : i32 to vector<16xi32>
          %parallel_loop3A_503 = arith.addi %parallel_loop3A_500, %parallel_loop3A_502 : vector<16xi32>
          %parallel_loop3A_504 = tpu.vector_load_idx %arg8[%parallel_loop3A_497, %parallel_loop3A_503] : memref<64x128xf32, #tpu.memory_space<vmem>>[vector<16xi32>, vector<16xi32>], vector<16xf32>,
          %parallel_loop3A_505 = arith.constant 0 : i32
          %parallel_loop3A_506 = vector.broadcast %parallel_loop3A_505 : i32 to vector<16xi32>
          %parallel_loop3A_507 = arith.addi %iota3A, %parallel_loop3A_506 : vector<16xi32>
          tpu.vector_store_idx %arg12[%parallel_loop3A_494, %parallel_loop3A_507], %parallel_loop3A_504 : memref<64x128xf32, #tpu.memory_space<vmem>>[vector<16xi32>, vector<16xi32>], vector<16xf32>,
          %parallel_loop3A_508 = arith.constant 16 : i32
          %parallel_loop3A_509 = vector.broadcast %parallel_loop3A_508 : i32 to vector<16xi32>
          %parallel_loop3A_510 = arith.addi %iota3A, %parallel_loop3A_509 : vector<16xi32>
          %parallel_loop3A_511 = arith.constant 2 : i32
          %parallel_loop3A_512 = vector.broadcast %parallel_loop3A_511 : i32 to vector<16xi32>
          %parallel_loop3A_513 = arith.muli %parallel_loop3A_512, %parallel_loop3A_494 : vector<16xi32>
          %parallel_loop3A_514 = arith.constant 0 : i32
          %parallel_loop3A_515 = vector.broadcast %parallel_loop3A_514 : i32 to vector<16xi32>
          %parallel_loop3A_516 = arith.addi %parallel_loop3A_513, %parallel_loop3A_515 : vector<16xi32>
          %parallel_loop3A_517 = tpu.vector_load_idx %arg8[%parallel_loop3A_510, %parallel_loop3A_516] : memref<64x128xf32, #tpu.memory_space<vmem>>[vector<16xi32>, vector<16xi32>], vector<16xf32>,
          %parallel_loop3A_518 = arith.constant 16 : i32
          %parallel_loop3A_519 = vector.broadcast %parallel_loop3A_518 : i32 to vector<16xi32>
          %parallel_loop3A_520 = arith.addi %iota3A, %parallel_loop3A_519 : vector<16xi32>
          tpu.vector_store_idx %arg12[%parallel_loop3A_494, %parallel_loop3A_520], %parallel_loop3A_517 : memref<64x128xf32, #tpu.memory_space<vmem>>[vector<16xi32>, vector<16xi32>], vector<16xf32>,
          %parallel_loop3A_521 = arith.constant 32 : i32
          %parallel_loop3A_522 = vector.broadcast %parallel_loop3A_521 : i32 to vector<16xi32>
          %parallel_loop3A_523 = arith.addi %iota3A, %parallel_loop3A_522 : vector<16xi32>
          %parallel_loop3A_524 = arith.constant 2 : i32
          %parallel_loop3A_525 = vector.broadcast %parallel_loop3A_524 : i32 to vector<16xi32>
          %parallel_loop3A_526 = arith.muli %parallel_loop3A_525, %parallel_loop3A_494 : vector<16xi32>
          %parallel_loop3A_527 = arith.constant 0 : i32
          %parallel_loop3A_528 = vector.broadcast %parallel_loop3A_527 : i32 to vector<16xi32>
          %parallel_loop3A_529 = arith.addi %parallel_loop3A_526, %parallel_loop3A_528 : vector<16xi32>
          %parallel_loop3A_530 = tpu.vector_load_idx %arg8[%parallel_loop3A_523, %parallel_loop3A_529] : memref<64x128xf32, #tpu.memory_space<vmem>>[vector<16xi32>, vector<16xi32>], vector<16xf32>,
          %parallel_loop3A_531 = arith.constant 32 : i32
          %parallel_loop3A_532 = vector.broadcast %parallel_loop3A_531 : i32 to vector<16xi32>
          %parallel_loop3A_533 = arith.addi %iota3A, %parallel_loop3A_532 : vector<16xi32>
          tpu.vector_store_idx %arg12[%parallel_loop3A_494, %parallel_loop3A_533], %parallel_loop3A_530 : memref<64x128xf32, #tpu.memory_space<vmem>>[vector<16xi32>, vector<16xi32>], vector<16xf32>,
          %parallel_loop3A_534 = arith.constant 48 : i32
          %parallel_loop3A_535 = vector.broadcast %parallel_loop3A_534 : i32 to vector<16xi32>
          %parallel_loop3A_536 = arith.addi %iota3A, %parallel_loop3A_535 : vector<16xi32>
          %parallel_loop3A_537 = arith.constant 2 : i32
          %parallel_loop3A_538 = vector.broadcast %parallel_loop3A_537 : i32 to vector<16xi32>
          %parallel_loop3A_539 = arith.muli %parallel_loop3A_538, %parallel_loop3A_494 : vector<16xi32>
          %parallel_loop3A_540 = arith.constant 0 : i32
          %parallel_loop3A_541 = vector.broadcast %parallel_loop3A_540 : i32 to vector<16xi32>
          %parallel_loop3A_542 = arith.addi %parallel_loop3A_539, %parallel_loop3A_541 : vector<16xi32>
          %parallel_loop3A_543 = tpu.vector_load_idx %arg8[%parallel_loop3A_536, %parallel_loop3A_542] : memref<64x128xf32, #tpu.memory_space<vmem>>[vector<16xi32>, vector<16xi32>], vector<16xf32>,
          %parallel_loop3A_544 = arith.constant 48 : i32
          %parallel_loop3A_545 = vector.broadcast %parallel_loop3A_544 : i32 to vector<16xi32>
          %parallel_loop3A_546 = arith.addi %iota3A, %parallel_loop3A_545 : vector<16xi32>
          tpu.vector_store_idx %arg12[%parallel_loop3A_494, %parallel_loop3A_546], %parallel_loop3A_543 : memref<64x128xf32, #tpu.memory_space<vmem>>[vector<16xi32>, vector<16xi32>], vector<16xf32>,
          %parallel_loop3A_547 = arith.constant 0 : i32
          %parallel_loop3A_548 = vector.broadcast %parallel_loop3A_547 : i32 to vector<16xi32>
          %parallel_loop3A_549 = arith.addi %iota3A, %parallel_loop3A_548 : vector<16xi32>
          %parallel_loop3A_550 = arith.constant 2 : i32
          %parallel_loop3A_551 = vector.broadcast %parallel_loop3A_550 : i32 to vector<16xi32>
          %parallel_loop3A_552 = arith.muli %parallel_loop3A_551, %parallel_loop3A_494 : vector<16xi32>
          %parallel_loop3A_553 = arith.constant 1 : i32
          %parallel_loop3A_554 = vector.broadcast %parallel_loop3A_553 : i32 to vector<16xi32>
          %parallel_loop3A_555 = arith.addi %parallel_loop3A_552, %parallel_loop3A_554 : vector<16xi32>
          %parallel_loop3A_556 = tpu.vector_load_idx %arg8[%parallel_loop3A_549, %parallel_loop3A_555] : memref<64x128xf32, #tpu.memory_space<vmem>>[vector<16xi32>, vector<16xi32>], vector<16xf32>,
          %parallel_loop3A_557 = arith.constant 64 : i32
          %parallel_loop3A_558 = vector.broadcast %parallel_loop3A_557 : i32 to vector<16xi32>
          %parallel_loop3A_559 = arith.addi %iota3A, %parallel_loop3A_558 : vector<16xi32>
          tpu.vector_store_idx %arg12[%parallel_loop3A_494, %parallel_loop3A_559], %parallel_loop3A_556 : memref<64x128xf32, #tpu.memory_space<vmem>>[vector<16xi32>, vector<16xi32>], vector<16xf32>,
          %parallel_loop3A_560 = arith.constant 16 : i32
          %parallel_loop3A_561 = vector.broadcast %parallel_loop3A_560 : i32 to vector<16xi32>
          %parallel_loop3A_562 = arith.addi %iota3A, %parallel_loop3A_561 : vector<16xi32>
          %parallel_loop3A_563 = arith.constant 2 : i32
          %parallel_loop3A_564 = vector.broadcast %parallel_loop3A_563 : i32 to vector<16xi32>
          %parallel_loop3A_565 = arith.muli %parallel_loop3A_564, %parallel_loop3A_494 : vector<16xi32>
          %parallel_loop3A_566 = arith.constant 1 : i32
          %parallel_loop3A_567 = vector.broadcast %parallel_loop3A_566 : i32 to vector<16xi32>
          %parallel_loop3A_568 = arith.addi %parallel_loop3A_565, %parallel_loop3A_567 : vector<16xi32>
          %parallel_loop3A_569 = tpu.vector_load_idx %arg8[%parallel_loop3A_562, %parallel_loop3A_568] : memref<64x128xf32, #tpu.memory_space<vmem>>[vector<16xi32>, vector<16xi32>], vector<16xf32>,
          %parallel_loop3A_570 = arith.constant 80 : i32
          %parallel_loop3A_571 = vector.broadcast %parallel_loop3A_570 : i32 to vector<16xi32>
          %parallel_loop3A_572 = arith.addi %iota3A, %parallel_loop3A_571 : vector<16xi32>
          tpu.vector_store_idx %arg12[%parallel_loop3A_494, %parallel_loop3A_572], %parallel_loop3A_569 : memref<64x128xf32, #tpu.memory_space<vmem>>[vector<16xi32>, vector<16xi32>], vector<16xf32>,
          %parallel_loop3A_573 = arith.constant 32 : i32
          %parallel_loop3A_574 = vector.broadcast %parallel_loop3A_573 : i32 to vector<16xi32>
          %parallel_loop3A_575 = arith.addi %iota3A, %parallel_loop3A_574 : vector<16xi32>
          %parallel_loop3A_576 = arith.constant 2 : i32
          %parallel_loop3A_577 = vector.broadcast %parallel_loop3A_576 : i32 to vector<16xi32>
          %parallel_loop3A_578 = arith.muli %parallel_loop3A_577, %parallel_loop3A_494 : vector<16xi32>
          %parallel_loop3A_579 = arith.constant 1 : i32
          %parallel_loop3A_580 = vector.broadcast %parallel_loop3A_579 : i32 to vector<16xi32>
          %parallel_loop3A_581 = arith.addi %parallel_loop3A_578, %parallel_loop3A_580 : vector<16xi32>
          %parallel_loop3A_582 = tpu.vector_load_idx %arg8[%parallel_loop3A_575, %parallel_loop3A_581] : memref<64x128xf32, #tpu.memory_space<vmem>>[vector<16xi32>, vector<16xi32>], vector<16xf32>,
          %parallel_loop3A_583 = arith.constant 96 : i32
          %parallel_loop3A_584 = vector.broadcast %parallel_loop3A_583 : i32 to vector<16xi32>
          %parallel_loop3A_585 = arith.addi %iota3A, %parallel_loop3A_584 : vector<16xi32>
          tpu.vector_store_idx %arg12[%parallel_loop3A_494, %parallel_loop3A_585], %parallel_loop3A_582 : memref<64x128xf32, #tpu.memory_space<vmem>>[vector<16xi32>, vector<16xi32>], vector<16xf32>,
          %parallel_loop3A_586 = arith.constant 48 : i32
          %parallel_loop3A_587 = vector.broadcast %parallel_loop3A_586 : i32 to vector<16xi32>
          %parallel_loop3A_588 = arith.addi %iota3A, %parallel_loop3A_587 : vector<16xi32>
          %parallel_loop3A_589 = arith.constant 2 : i32
          %parallel_loop3A_590 = vector.broadcast %parallel_loop3A_589 : i32 to vector<16xi32>
          %parallel_loop3A_591 = arith.muli %parallel_loop3A_590, %parallel_loop3A_494 : vector<16xi32>
          %parallel_loop3A_592 = arith.constant 1 : i32
          %parallel_loop3A_593 = vector.broadcast %parallel_loop3A_592 : i32 to vector<16xi32>
          %parallel_loop3A_594 = arith.addi %parallel_loop3A_591, %parallel_loop3A_593 : vector<16xi32>
          %parallel_loop3A_595 = tpu.vector_load_idx %arg8[%parallel_loop3A_588, %parallel_loop3A_594] : memref<64x128xf32, #tpu.memory_space<vmem>>[vector<16xi32>, vector<16xi32>], vector<16xf32>,
          %parallel_loop3A_596 = arith.constant 112 : i32
          %parallel_loop3A_597 = vector.broadcast %parallel_loop3A_596 : i32 to vector<16xi32>
          %parallel_loop3A_598 = arith.addi %iota3A, %parallel_loop3A_597 : vector<16xi32>
          tpu.vector_store_idx %arg12[%parallel_loop3A_494, %parallel_loop3A_598], %parallel_loop3A_595 : memref<64x128xf32, #tpu.memory_space<vmem>>[vector<16xi32>, vector<16xi32>], vector<16xf32>,
        } {sc.loop_unroll_factor = 8 : i64, sc.parallel_access}
        %mul3A_149 = arith.constant 64 : i32
        %mul3A_150 = arith.muli %add3A_128, %mul3A_149 : i32
        %dma_start3A_151 = arith.constant 3 : i32
        %dma_start3A_152 = arith.constant 0 : i32
        %dma_start3A_153 = tpu.memref_slice %arg4[%mul3A_150, %dma_start3A_152] : memref<500000x128xf32, #tpu.memory_space<hbm>> -> memref<64x128xf32, #tpu.memory_space<hbm>>
        %dma_start3A_154 = tpu.memref_slice %arg15[%dma_start3A_151] : memref<4x!tpu.dma_semaphore, #tpu.memory_space<semaphore_mem>> -> memref<1x!tpu.dma_semaphore, #tpu.memory_space<semaphore_mem>>
        %dma_start3A_155 = tpu.memref_squeeze %dma_start3A_154 : memref<1x!tpu.dma_semaphore, #tpu.memory_space<semaphore_mem>> -> memref<!tpu.dma_semaphore, #tpu.memory_space<semaphore_mem>>
        %dma_start3A_156 = arith.constant 0 : i32
        %dma_start3A_157 = tpu.memref_slice %arg4[%mul3A_150, %dma_start3A_156] : memref<500000x128xf32, #tpu.memory_space<hbm>> -> memref<64x128xf32, #tpu.memory_space<hbm>>
        tpu.enqueue_dma source(%arg12 : memref<64x128xf32, #tpu.memory_space<vmem>>) target(%dma_start3A_157 : memref<64x128xf32, #tpu.memory_space<hbm>>) target_semaphore(%dma_start3A_155 : memref<!tpu.dma_semaphore, #tpu.memory_space<semaphore_mem>>)
        %add3A_158 = arith.constant 128 : i32
        %add3A_159 = arith.addi %add3A_128, %add3A_158 : i32
        %lt3A_160 = arith.constant 7812 : i32
        %lt3A_161 = arith.cmpi slt, %add3A_159, %lt3A_160 : i32
        %convert_element_type3A_162 = arith.extui %lt3A_161 : i1 to i32
        %cond3A_163 = arith.constant 0 : i32
        %cond3A_164 = arith.cmpi ne, %convert_element_type3A_162, %cond3A_163 : i32
        scf.if %cond3A_164 {
          %add3A_165 = arith.constant 128 : i32
          %add3A_166 = arith.addi %add3A_128, %add3A_165 : i32
          %mul3A_167 = arith.constant 128 : i32
          %mul3A_168 = arith.muli %add3A_166, %mul3A_167 : i32
          %dma_start3A_169 = arith.constant 3 : i32
          %dma_start3A_170 = arith.constant 0 : i32
          %dma_start3A_171 = tpu.memref_slice %arg2[%dma_start3A_170, %mul3A_168] : memref<64x1000000xf32, #tpu.memory_space<hbm>> -> memref<64x128xf32, #tpu.memory_space<hbm>>
          %dma_start3A_172 = tpu.memref_slice %arg14[%dma_start3A_169] : memref<4x!tpu.dma_semaphore, #tpu.memory_space<semaphore_mem>> -> memref<1x!tpu.dma_semaphore, #tpu.memory_space<semaphore_mem>>
          %dma_start3A_173 = tpu.memref_squeeze %dma_start3A_172 : memref<1x!tpu.dma_semaphore, #tpu.memory_space<semaphore_mem>> -> memref<!tpu.dma_semaphore, #tpu.memory_space<semaphore_mem>>
          %dma_start3A_174 = arith.constant 0 : i32
          %dma_start3A_175 = tpu.memref_slice %arg2[%dma_start3A_174, %mul3A_168] : memref<64x1000000xf32, #tpu.memory_space<hbm>> -> memref<64x128xf32, #tpu.memory_space<hbm>>
          tpu.enqueue_dma source(%dma_start3A_175 : memref<64x128xf32, #tpu.memory_space<hbm>>) target(%arg8 : memref<64x128xf32, #tpu.memory_space<vmem>>) target_semaphore(%dma_start3A_173 : memref<!tpu.dma_semaphore, #tpu.memory_space<semaphore_mem>>)
        } else {
        }
      } else {
      }
    }
    %scan3A_48 = arith.constant 62 : i32
    %dma_wait3A = arith.constant 0 : i32
    %dma_wait3A_49 = arith.constant 0 : i32
    %dma_wait3A_50 = arith.constant 0 : i32
    %dma_wait3A_51 = tpu.memref_slice %arg4[%dma_wait3A_49, %dma_wait3A_50] : memref<500000x128xf32, #tpu.memory_space<hbm>> -> memref<64x128xf32, #tpu.memory_space<hbm>>
    %dma_wait3A_52 = tpu.memref_slice %arg15[%dma_wait3A] : memref<4x!tpu.dma_semaphore, #tpu.memory_space<semaphore_mem>> -> memref<1x!tpu.dma_semaphore, #tpu.memory_space<semaphore_mem>>
    %dma_wait3A_53 = tpu.memref_squeeze %dma_wait3A_52 : memref<1x!tpu.dma_semaphore, #tpu.memory_space<semaphore_mem>> -> memref<!tpu.dma_semaphore, #tpu.memory_space<semaphore_mem>>
    %dma_wait3A_54 = arith.constant 0 : i32
    %dma_wait3A_55 = arith.constant 0 : i32
    %dma_wait3A_56 = tpu.memref_slice %arg4[%dma_wait3A_54, %dma_wait3A_55] : memref<500000x128xf32, #tpu.memory_space<hbm>> -> memref<64x128xf32, #tpu.memory_space<hbm>>
    tpu.wait_dma2 semaphore(%dma_wait3A_53 : memref<!tpu.dma_semaphore, #tpu.memory_space<semaphore_mem>>) src(%arg9 : memref<64x128xf32, #tpu.memory_space<vmem>>) dst(%dma_wait3A_56 : memref<64x128xf32, #tpu.memory_space<hbm>>)
    %dma_wait3A_57 = arith.constant 1 : i32
    %dma_wait3A_58 = arith.constant 0 : i32
    %dma_wait3A_59 = arith.constant 0 : i32
    %dma_wait3A_60 = tpu.memref_slice %arg4[%dma_wait3A_58, %dma_wait3A_59] : memref<500000x128xf32, #tpu.memory_space<hbm>> -> memref<64x128xf32, #tpu.memory_space<hbm>>
    %dma_wait3A_61 = tpu.memref_slice %arg15[%dma_wait3A_57] : memref<4x!tpu.dma_semaphore, #tpu.memory_space<semaphore_mem>> -> memref<1x!tpu.dma_semaphore, #tpu.memory_space<semaphore_mem>>
    %dma_wait3A_62 = tpu.memref_squeeze %dma_wait3A_61 : memref<1x!tpu.dma_semaphore, #tpu.memory_space<semaphore_mem>> -> memref<!tpu.dma_semaphore, #tpu.memory_space<semaphore_mem>>
    %dma_wait3A_63 = arith.constant 0 : i32
    %dma_wait3A_64 = arith.constant 0 : i32
    %dma_wait3A_65 = tpu.memref_slice %arg4[%dma_wait3A_63, %dma_wait3A_64] : memref<500000x128xf32, #tpu.memory_space<hbm>> -> memref<64x128xf32, #tpu.memory_space<hbm>>
    tpu.wait_dma2 semaphore(%dma_wait3A_62 : memref<!tpu.dma_semaphore, #tpu.memory_space<semaphore_mem>>) src(%arg10 : memref<64x128xf32, #tpu.memory_space<vmem>>) dst(%dma_wait3A_65 : memref<64x128xf32, #tpu.memory_space<hbm>>)
    %dma_wait3A_66 = arith.constant 2 : i32
    %dma_wait3A_67 = arith.constant 0 : i32
    %dma_wait3A_68 = arith.constant 0 : i32
    %dma_wait3A_69 = tpu.memref_slice %arg4[%dma_wait3A_67, %dma_wait3A_68] : memref<500000x128xf32, #tpu.memory_space<hbm>> -> memref<64x128xf32, #tpu.memory_space<hbm>>
    %dma_wait3A_70 = tpu.memref_slice %arg15[%dma_wait3A_66] : memref<4x!tpu.dma_semaphore, #tpu.memory_space<semaphore_mem>> -> memref<1x!tpu.dma_semaphore, #tpu.memory_space<semaphore_mem>>
    %dma_wait3A_71 = tpu.memref_squeeze %dma_wait3A_70 : memref<1x!tpu.dma_semaphore, #tpu.memory_space<semaphore_mem>> -> memref<!tpu.dma_semaphore, #tpu.memory_space<semaphore_mem>>
    %dma_wait3A_72 = arith.constant 0 : i32
    %dma_wait3A_73 = arith.constant 0 : i32
    %dma_wait3A_74 = tpu.memref_slice %arg4[%dma_wait3A_72, %dma_wait3A_73] : memref<500000x128xf32, #tpu.memory_space<hbm>> -> memref<64x128xf32, #tpu.memory_space<hbm>>
    tpu.wait_dma2 semaphore(%dma_wait3A_71 : memref<!tpu.dma_semaphore, #tpu.memory_space<semaphore_mem>>) src(%arg11 : memref<64x128xf32, #tpu.memory_space<vmem>>) dst(%dma_wait3A_74 : memref<64x128xf32, #tpu.memory_space<hbm>>)
    %dma_wait3A_75 = arith.constant 3 : i32
    %dma_wait3A_76 = arith.constant 0 : i32
    %dma_wait3A_77 = arith.constant 0 : i32
    %dma_wait3A_78 = tpu.memref_slice %arg4[%dma_wait3A_76, %dma_wait3A_77] : memref<500000x128xf32, #tpu.memory_space<hbm>> -> memref<64x128xf32, #tpu.memory_space<hbm>>
    %dma_wait3A_79 = tpu.memref_slice %arg15[%dma_wait3A_75] : memref<4x!tpu.dma_semaphore, #tpu.memory_space<semaphore_mem>> -> memref<1x!tpu.dma_semaphore, #tpu.memory_space<semaphore_mem>>
    %dma_wait3A_80 = tpu.memref_squeeze %dma_wait3A_79 : memref<1x!tpu.dma_semaphore, #tpu.memory_space<semaphore_mem>> -> memref<!tpu.dma_semaphore, #tpu.memory_space<semaphore_mem>>
    %dma_wait3A_81 = arith.constant 0 : i32
    %dma_wait3A_82 = arith.constant 0 : i32
    %dma_wait3A_83 = tpu.memref_slice %arg4[%dma_wait3A_81, %dma_wait3A_82] : memref<500000x128xf32, #tpu.memory_space<hbm>> -> memref<64x128xf32, #tpu.memory_space<hbm>>
    tpu.wait_dma2 semaphore(%dma_wait3A_80 : memref<!tpu.dma_semaphore, #tpu.memory_space<semaphore_mem>>) src(%arg12 : memref<64x128xf32, #tpu.memory_space<vmem>>) dst(%dma_wait3A_83 : memref<64x128xf32, #tpu.memory_space<hbm>>)
    %eq3A = arith.constant 31 : i32
    %eq3A_84 = arith.cmpi eq, %add3A, %eq3A : i32
    %convert_element_type3A = arith.extui %eq3A_84 : i1 to i32
    %cond3A = arith.constant 0 : i32
    %cond3A_85 = arith.cmpi ne, %convert_element_type3A, %cond3A : i32
    scf.if %cond3A_85 {
      "tpu.region"() ({
        %run_scoped3A = tpu.sem_alloc : memref<!tpu.dma_semaphore, #tpu.memory_space<semaphore_mem>>
        tpu.enqueue_dma source(%arg3 : memref<64x64xf32, #tpu.memory_space<hbm>>) target(%arg13 : memref<64x64xf32, #tpu.memory_space<vmem>>) target_semaphore(%run_scoped3A : memref<!tpu.dma_semaphore, #tpu.memory_space<semaphore_mem>>)
        tpu.wait_dma2 semaphore(%run_scoped3A : memref<!tpu.dma_semaphore, #tpu.memory_space<semaphore_mem>>) src(%arg3 : memref<64x64xf32, #tpu.memory_space<hbm>>) dst(%arg13 : memref<64x64xf32, #tpu.memory_space<vmem>>)
        tpu.yield
      }) : () -> ()
      %parallel_loop3A = arith.constant 0 : i32
      %parallel_loop3A_86 = arith.constant 32 : i32
      %parallel_loop3A_87 = arith.constant 1 : i32
      scf.for %parallel_loop3A_88 = %parallel_loop3A to %parallel_loop3A_86 step %parallel_loop3A_87  : i32 {
        %parallel_loop3A_89 = arith.constant 2 : i32
        %parallel_loop3A_90 = arith.muli %parallel_loop3A_89, %parallel_loop3A_88 : i32
        %parallel_loop3A_91 = arith.constant 0 : i32
        %parallel_loop3A_92 = arith.addi %parallel_loop3A_90, %parallel_loop3A_91 : i32
        %parallel_loop3A_93 = arith.index_cast %parallel_loop3A_92 : i32 to index
        %parallel_loop3A_94 = arith.constant 0 : index
        %parallel_loop3A_95 = tpu.vector_load %arg13[%parallel_loop3A_93, %parallel_loop3A_94] {strides = array<i32>} : memref<64x64xf32, #tpu.memory_space<vmem>>, vector<16xf32>,
        %parallel_loop3A_96 = arith.index_cast %parallel_loop3A_88 : i32 to index
        %parallel_loop3A_97 = arith.constant 0 : index
        %parallel_loop3A_98 = tpu.vector_load %arg9[%parallel_loop3A_96, %parallel_loop3A_97] {strides = array<i32>} : memref<64x128xf32, #tpu.memory_space<vmem>>, vector<16xf32>,
        tpu.vector_store %arg9[%parallel_loop3A_96, %parallel_loop3A_97], %parallel_loop3A_95 {strides = array<i32>} : memref<64x128xf32, #tpu.memory_space<vmem>>, vector<16xf32>,
        %parallel_loop3A_99 = arith.constant 2 : i32
        %parallel_loop3A_100 = arith.muli %parallel_loop3A_99, %parallel_loop3A_88 : i32
        %parallel_loop3A_101 = arith.constant 0 : i32
        %parallel_loop3A_102 = arith.addi %parallel_loop3A_100, %parallel_loop3A_101 : i32
        %parallel_loop3A_103 = arith.index_cast %parallel_loop3A_102 : i32 to index
        %parallel_loop3A_104 = arith.constant 16 : index
        %parallel_loop3A_105 = tpu.vector_load %arg13[%parallel_loop3A_103, %parallel_loop3A_104] {strides = array<i32>} : memref<64x64xf32, #tpu.memory_space<vmem>>, vector<16xf32>,
        %parallel_loop3A_106 = arith.index_cast %parallel_loop3A_88 : i32 to index
        %parallel_loop3A_107 = arith.constant 16 : index
        %parallel_loop3A_108 = tpu.vector_load %arg9[%parallel_loop3A_106, %parallel_loop3A_107] {strides = array<i32>} : memref<64x128xf32, #tpu.memory_space<vmem>>, vector<16xf32>,
        tpu.vector_store %arg9[%parallel_loop3A_106, %parallel_loop3A_107], %parallel_loop3A_105 {strides = array<i32>} : memref<64x128xf32, #tpu.memory_space<vmem>>, vector<16xf32>,
        %parallel_loop3A_109 = arith.constant 2 : i32
        %parallel_loop3A_110 = arith.muli %parallel_loop3A_109, %parallel_loop3A_88 : i32
        %parallel_loop3A_111 = arith.constant 0 : i32
        %parallel_loop3A_112 = arith.addi %parallel_loop3A_110, %parallel_loop3A_111 : i32
        %parallel_loop3A_113 = arith.index_cast %parallel_loop3A_112 : i32 to index
        %parallel_loop3A_114 = arith.constant 32 : index
        %parallel_loop3A_115 = tpu.vector_load %arg13[%parallel_loop3A_113, %parallel_loop3A_114] {strides = array<i32>} : memref<64x64xf32, #tpu.memory_space<vmem>>, vector<16xf32>,
        %parallel_loop3A_116 = arith.index_cast %parallel_loop3A_88 : i32 to index
        %parallel_loop3A_117 = arith.constant 32 : index
        %parallel_loop3A_118 = tpu.vector_load %arg9[%parallel_loop3A_116, %parallel_loop3A_117] {strides = array<i32>} : memref<64x128xf32, #tpu.memory_space<vmem>>, vector<16xf32>,
        tpu.vector_store %arg9[%parallel_loop3A_116, %parallel_loop3A_117], %parallel_loop3A_115 {strides = array<i32>} : memref<64x128xf32, #tpu.memory_space<vmem>>, vector<16xf32>,
        %parallel_loop3A_119 = arith.constant 2 : i32
        %parallel_loop3A_120 = arith.muli %parallel_loop3A_119, %parallel_loop3A_88 : i32
        %parallel_loop3A_121 = arith.constant 0 : i32
        %parallel_loop3A_122 = arith.addi %parallel_loop3A_120, %parallel_loop3A_121 : i32
        %parallel_loop3A_123 = arith.index_cast %parallel_loop3A_122 : i32 to index
        %parallel_loop3A_124 = arith.constant 48 : index
        %parallel_loop3A_125 = tpu.vector_load %arg13[%parallel_loop3A_123, %parallel_loop3A_124] {strides = array<i32>} : memref<64x64xf32, #tpu.memory_space<vmem>>, vector<16xf32>,
        %parallel_loop3A_126 = arith.index_cast %parallel_loop3A_88 : i32 to index
        %parallel_loop3A_127 = arith.constant 48 : index
        %parallel_loop3A_128 = tpu.vector_load %arg9[%parallel_loop3A_126, %parallel_loop3A_127] {strides = array<i32>} : memref<64x128xf32, #tpu.memory_space<vmem>>, vector<16xf32>,
        tpu.vector_store %arg9[%parallel_loop3A_126, %parallel_loop3A_127], %parallel_loop3A_125 {strides = array<i32>} : memref<64x128xf32, #tpu.memory_space<vmem>>, vector<16xf32>,
        %parallel_loop3A_129 = arith.constant 2 : i32
        %parallel_loop3A_130 = arith.muli %parallel_loop3A_129, %parallel_loop3A_88 : i32
        %parallel_loop3A_131 = arith.constant 1 : i32
        %parallel_loop3A_132 = arith.addi %parallel_loop3A_130, %parallel_loop3A_131 : i32
        %parallel_loop3A_133 = arith.index_cast %parallel_loop3A_132 : i32 to index
        %parallel_loop3A_134 = arith.constant 0 : index
        %parallel_loop3A_135 = tpu.vector_load %arg13[%parallel_loop3A_133, %parallel_loop3A_134] {strides = array<i32>} : memref<64x64xf32, #tpu.memory_space<vmem>>, vector<16xf32>,
        %parallel_loop3A_136 = arith.index_cast %parallel_loop3A_88 : i32 to index
        %parallel_loop3A_137 = arith.constant 64 : index
        %parallel_loop3A_138 = tpu.vector_load %arg9[%parallel_loop3A_136, %parallel_loop3A_137] {strides = array<i32>} : memref<64x128xf32, #tpu.memory_space<vmem>>, vector<16xf32>,
        tpu.vector_store %arg9[%parallel_loop3A_136, %parallel_loop3A_137], %parallel_loop3A_135 {strides = array<i32>} : memref<64x128xf32, #tpu.memory_space<vmem>>, vector<16xf32>,
        %parallel_loop3A_139 = arith.constant 2 : i32
        %parallel_loop3A_140 = arith.muli %parallel_loop3A_139, %parallel_loop3A_88 : i32
        %parallel_loop3A_141 = arith.constant 1 : i32
        %parallel_loop3A_142 = arith.addi %parallel_loop3A_140, %parallel_loop3A_141 : i32
        %parallel_loop3A_143 = arith.index_cast %parallel_loop3A_142 : i32 to index
        %parallel_loop3A_144 = arith.constant 16 : index
        %parallel_loop3A_145 = tpu.vector_load %arg13[%parallel_loop3A_143, %parallel_loop3A_144] {strides = array<i32>} : memref<64x64xf32, #tpu.memory_space<vmem>>, vector<16xf32>,
        %parallel_loop3A_146 = arith.index_cast %parallel_loop3A_88 : i32 to index
        %parallel_loop3A_147 = arith.constant 80 : index
        %parallel_loop3A_148 = tpu.vector_load %arg9[%parallel_loop3A_146, %parallel_loop3A_147] {strides = array<i32>} : memref<64x128xf32, #tpu.memory_space<vmem>>, vector<16xf32>,
        tpu.vector_store %arg9[%parallel_loop3A_146, %parallel_loop3A_147], %parallel_loop3A_145 {strides = array<i32>} : memref<64x128xf32, #tpu.memory_space<vmem>>, vector<16xf32>,
        %parallel_loop3A_149 = arith.constant 2 : i32
        %parallel_loop3A_150 = arith.muli %parallel_loop3A_149, %parallel_loop3A_88 : i32
        %parallel_loop3A_151 = arith.constant 1 : i32
        %parallel_loop3A_152 = arith.addi %parallel_loop3A_150, %parallel_loop3A_151 : i32
        %parallel_loop3A_153 = arith.index_cast %parallel_loop3A_152 : i32 to index
        %parallel_loop3A_154 = arith.constant 32 : index
        %parallel_loop3A_155 = tpu.vector_load %arg13[%parallel_loop3A_153, %parallel_loop3A_154] {strides = array<i32>} : memref<64x64xf32, #tpu.memory_space<vmem>>, vector<16xf32>,
        %parallel_loop3A_156 = arith.index_cast %parallel_loop3A_88 : i32 to index
        %parallel_loop3A_157 = arith.constant 96 : index
        %parallel_loop3A_158 = tpu.vector_load %arg9[%parallel_loop3A_156, %parallel_loop3A_157] {strides = array<i32>} : memref<64x128xf32, #tpu.memory_space<vmem>>, vector<16xf32>,
        tpu.vector_store %arg9[%parallel_loop3A_156, %parallel_loop3A_157], %parallel_loop3A_155 {strides = array<i32>} : memref<64x128xf32, #tpu.memory_space<vmem>>, vector<16xf32>,
        %parallel_loop3A_159 = arith.constant 2 : i32
        %parallel_loop3A_160 = arith.muli %parallel_loop3A_159, %parallel_loop3A_88 : i32
        %parallel_loop3A_161 = arith.constant 1 : i32
        %parallel_loop3A_162 = arith.addi %parallel_loop3A_160, %parallel_loop3A_161 : i32
        %parallel_loop3A_163 = arith.index_cast %parallel_loop3A_162 : i32 to index
        %parallel_loop3A_164 = arith.constant 48 : index
        %parallel_loop3A_165 = tpu.vector_load %arg13[%parallel_loop3A_163, %parallel_loop3A_164] {strides = array<i32>} : memref<64x64xf32, #tpu.memory_space<vmem>>, vector<16xf32>,
        %parallel_loop3A_166 = arith.index_cast %parallel_loop3A_88 : i32 to index
        %parallel_loop3A_167 = arith.constant 112 : index
        %parallel_loop3A_168 = tpu.vector_load %arg9[%parallel_loop3A_166, %parallel_loop3A_167] {strides = array<i32>} : memref<64x128xf32, #tpu.memory_space<vmem>>, vector<16xf32>,
        tpu.vector_store %arg9[%parallel_loop3A_166, %parallel_loop3A_167], %parallel_loop3A_165 {strides = array<i32>} : memref<64x128xf32, #tpu.memory_space<vmem>>, vector<16xf32>,
      } {sc.loop_unroll_factor = 1 : i64, sc.parallel_access}
      "tpu.region"() ({
        %run_scoped3A = tpu.sem_alloc : memref<!tpu.dma_semaphore, #tpu.memory_space<semaphore_mem>>
        %dma_start3A_88 = arith.constant 0 : i32
        %dma_start3A_89 = arith.constant 0 : i32
        %dma_start3A_90 = tpu.memref_slice %arg9[%dma_start3A_88, %dma_start3A_89] : memref<64x128xf32, #tpu.memory_space<vmem>> -> memref<32x128xf32, #tpu.memory_space<vmem>>
        %dma_start3A_91 = arith.constant 499968 : i32
        %dma_start3A_92 = arith.constant 0 : i32
        %dma_start3A_93 = tpu.memref_slice %arg4[%dma_start3A_91, %dma_start3A_92] : memref<500000x128xf32, #tpu.memory_space<hbm>> -> memref<32x128xf32, #tpu.memory_space<hbm>>
        %dma_start3A_94 = arith.constant 499968 : i32
        %dma_start3A_95 = arith.constant 0 : i32
        %dma_start3A_96 = tpu.memref_slice %arg4[%dma_start3A_94, %dma_start3A_95] : memref<500000x128xf32, #tpu.memory_space<hbm>> -> memref<32x128xf32, #tpu.memory_space<hbm>>
        %dma_start3A_97 = arith.constant 0 : i32
        %dma_start3A_98 = arith.constant 0 : i32
        %dma_start3A_99 = tpu.memref_slice %arg9[%dma_start3A_97, %dma_start3A_98] : memref<64x128xf32, #tpu.memory_space<vmem>> -> memref<32x128xf32, #tpu.memory_space<vmem>>
        tpu.enqueue_dma source(%dma_start3A_99 : memref<32x128xf32, #tpu.memory_space<vmem>>) target(%dma_start3A_96 : memref<32x128xf32, #tpu.memory_space<hbm>>) target_semaphore(%run_scoped3A : memref<!tpu.dma_semaphore, #tpu.memory_space<semaphore_mem>>)
        %dma_wait3A_100 = arith.constant 0 : i32
        %dma_wait3A_101 = arith.constant 0 : i32
        %dma_wait3A_102 = tpu.memref_slice %arg9[%dma_wait3A_100, %dma_wait3A_101] : memref<64x128xf32, #tpu.memory_space<vmem>> -> memref<32x128xf32, #tpu.memory_space<vmem>>
        %dma_wait3A_103 = arith.constant 499968 : i32
        %dma_wait3A_104 = arith.constant 0 : i32
        %dma_wait3A_105 = tpu.memref_slice %arg4[%dma_wait3A_103, %dma_wait3A_104] : memref<500000x128xf32, #tpu.memory_space<hbm>> -> memref<32x128xf32, #tpu.memory_space<hbm>>
        %dma_wait3A_106 = arith.constant 499968 : i32
        %dma_wait3A_107 = arith.constant 0 : i32
        %dma_wait3A_108 = tpu.memref_slice %arg4[%dma_wait3A_106, %dma_wait3A_107] : memref<500000x128xf32, #tpu.memory_space<hbm>> -> memref<32x128xf32, #tpu.memory_space<hbm>>
        %dma_wait3A_109 = arith.constant 0 : i32
        %dma_wait3A_110 = arith.constant 0 : i32
        %dma_wait3A_111 = tpu.memref_slice %arg9[%dma_wait3A_109, %dma_wait3A_110] : memref<64x128xf32, #tpu.memory_space<vmem>> -> memref<32x128xf32, #tpu.memory_space<vmem>>
        tpu.wait_dma2 semaphore(%run_scoped3A : memref<!tpu.dma_semaphore, #tpu.memory_space<semaphore_mem>>) src(%dma_wait3A_111 : memref<32x128xf32, #tpu.memory_space<vmem>>) dst(%dma_wait3A_108 : memref<32x128xf32, #tpu.memory_space<hbm>>)
        tpu.yield
      }) : () -> ()
    } else {
    }
    return
  }
}

</mosaic_0001>

<sc_bundles>
// kernel: _fmt.3.cloned.1.call-start
scs
__scs_entry_jumppad:
0x0: {  	(pc) =	sbr.rel $0x88, $3  }
0x1: {  	(tag) =	ssettag $0x0;
	lr =	simm.s32 $0x1  }
0x2: {  	[smem:$0x3F9F] =	sst lr;
	_ =	strace $0xD0000000  }
0x3: {  	_ = 	snop  }
0x4: {  	_ = 	snop  }
0x5: {  	_ = 	snop  }
0x6: {  	_ = 	snop  }
0x7: {  	_ = 	snop  }
__scs_overlays_trampoline_lowered:
0x8: {  	[smem:$0x3FAE] =	sst s0  }
0x9: {  	[smem:$0x3FAF] =	sst s1  }
0xa: {  	[smem:$0x3FB0] =	sst s2  }
0xb: {  	[smem:$0x3FB1] =	sst s3  }
0xc: {  	[smem:$0x3FB2] =	sst s4  }
0xd: {  	[smem:$0x3FB3] =	sst s5  }
0xe: {  	[smem:$0x3FB4] =	sst s6  }
0xf: {  	[smem:$0x3FB5] =	sst s7  }
0x10: {  	[smem:$0x3FB6] =	sst s8  }
0x11: {  	[smem:$0x3FB7] =	sst s9;
	s0 =	simm.s32 @!p0 $0x0  }
0x12: {  	s1 =	sld [smem:$0x3F9D];
	s0 =	simm.s32 @p0 $0x1  }
0x13: {  	[smem:$0x3FB8] =	sst s0;
	s0 =	simm.s32 @!p1 $0x0  }
0x14: {  	s2 =	sld [smem:$0x3F9C];
	s0 =	simm.s32 @p1 $0x1  }
0x15: {  	[smem:$0x3FB9] =	sst s0;
	s0 =	simm.s32 @!p2 $0x0  }
0x16: {  	s3 =	sld [smem:$0x3FDB];
	s0 =	simm.s32 @p2 $0x1  }
0x17: {  	s4 =	simm.s32 $0x1BF5;
	[smem:$0x3FBB] =	sst s0  }
0x18: {  	s0 =	sld [smem:$0x3F9E];
	_ =	swait.ge [sflag:s4], $0x0  }
0x19: {  	s7 =	sld [smem:$0x3F9F]  }
0x1a: {  	s8 =	sadd.s32 $0xFFFFE003, lr  }
0x1b: {  	s9 =	sadd.s32 $0xFFFFFEF7, lr;
	s5 =	simm.s32 $0xFFFFFFFF;
	p2 =	slt.u32 s8, $0xFFFFF086  }
0x1c: {  	p1 =	slt.u32 s9, $0xF7A;
	s5 =	simm.s32 @!p2 $0x0  }
0x1d: {  	s5 =	simm.s32 @p1 $0x1;
	p0 =	seq.s32 s7, s2  }
0x1e: {  	s7 =	smul.u32 @!p0 $0xF7A, s2;
	p2 =	seq.s32 @!p0 s5, $0x0  }
0x1f: {  	s9 =	smul.u32 $0xF7A, s1;
	s8 =	simm.s32 @!p0 $0x1BF5;
	p2 =	por !p2, p0  }
0x20: {  	[sflag:s8] =	ssyncset.s32 @!p0 $0xFFFFF086;
	s6 =	sadd.s32 @!p0 s3, s7;
	s7 =	simm.s32 @!p0 $0x108  }
0x21: {  	s3 =	sadd.s32 s3, s9;
	s6 =	sadd.s32 @!p0 $0x88, s6;
	s7 =	simm.s32 @p2 $0x1082  }
0x22: {  	[simem:s7], [sflag:s8] =	dma.local @!p0 [hbm:s6], $0xF7A  }
0x23: {  	s9 =	sor.u32 $0xD0000000, s2;
	s6 =	simm.s32 $0x108;
	_ =	swait.ge @!p0 [sflag:s8], $0x0  }
0x24: {  	s3 =	sadd.s32 $0x88, s3;
	s6 =	simm.s32 @!p1 $0x1082;
	[sflag:s4] =	ssyncset.s32 $0xFFFFF086  }
0x25: {  	[simem:s6], [sflag:s4] =	dma.local [hbm:s3], $0xF7A  }
0x26: {  	[smem:$0x3F9F] =	sst s1;
	(tag) =	ssettag s2;
	_ =	strace s9  }
0x27: {  	s1 =	sld [smem:$0x3FAF]  }
0x28: {  	s2 =	sld [smem:$0x3FB0]  }
0x29: {  	s4 =	sld [smem:$0x3FB2]  }
0x2a: {  	p0 =	seq.s32 s5, $0x0;
	s5 =	sld [smem:$0x3FB3]  }
0x2b: {  	s6 =	sld [smem:$0x3FB4]  }
0x2c: {  	s7 =	sld [smem:$0x3FB5]  }
0x2d: {  	s3 =	simm.s32 $0x108;
	s8 =	sld [smem:$0x3FB6]  }
0x2e: {  	s3 =	simm.s32 @!p0 $0x1082;
	s9 =	sld [smem:$0x3FB7]  }
0x2f: {  	lr =	sadd.s32 s0, s3;
	s0 =	sld [smem:$0x3FAE]  }
0x30: {  	s3 =	sld [smem:$0x3FB1]  }
0x31: {  	[smem:$0x3FBA] =	sst s10  }
0x32: {  	s10 =	sld [smem:$0x3FB8];
	_ =	sdelay $0x3  }
0x33: {  	p0 =	seq.s32 s10, $0x1;
	s10 =	sld [smem:$0x3FBA];
	_ =	sdelay $0x3  }
0x34: {  	[smem:$0x3FBA] =	sst s10  }
0x35: {  	s10 =	sld [smem:$0x3FB9];
	_ =	sdelay $0x3  }
0x36: {  	p1 =	seq.s32 s10, $0x1;
	s10 =	sld [smem:$0x3FBA];
	_ =	sdelay $0x3  }
0x37: {  	[smem:$0x3FBA] =	sst s10  }
0x38: {  	s10 =	sld [smem:$0x3FBB]  }
0x39: {  	_ = 	snop;
	(pc) =	sbr.ind lr, $3  }
0x3a: {  	_ = 	snop  }
0x3b: {  	_ = 	snop  }
0x3c: {  	p2 =	seq.s32 s10, $0x1;
	s10 =	sld [smem:$0x3FBA]  }
0x3d: {  	_ =	shalt  }
0x3e: {  	_ =	shalt  }
0x3f: {  	_ =	shalt  }
0x40: {  	_ =	shalt  }
0x41: {  	_ =	shalt  }
0x42: {  	_ =	shalt  }
0x43: {  	_ =	shalt  }
0x44: {  	_ =	shalt  }
0x45: {  	_ =	shalt  }
0x46: {  	_ =	shalt  }
0x47: {  	_ =	shalt  }
0x48: {  	_ =	shalt  }
0x49: {  	_ =	shalt  }
0x4a: {  	_ =	shalt  }
0x4b: {  	_ =	shalt  }
0x4c: {  	_ =	shalt  }
0x4d: {  	_ =	shalt  }
0x4e: {  	_ =	shalt  }
0x4f: {  	_ =	shalt  }
0x50: {  	_ =	shalt  }
0x51: {  	_ =	shalt  }
0x52: {  	_ =	shalt  }
0x53: {  	_ =	shalt  }
0x54: {  	_ =	shalt  }
0x55: {  	_ =	shalt  }
0x56: {  	_ =	shalt  }
0x57: {  	_ =	shalt  }
0x58: {  	_ =	shalt  }
0x59: {  	_ =	shalt  }
0x5a: {  	_ =	shalt  }
0x5b: {  	_ =	shalt  }
0x5c: {  	_ =	shalt  }
0x5d: {  	_ =	shalt  }
0x5e: {  	_ =	shalt  }
0x5f: {  	_ =	shalt  }
0x60: {  	_ =	shalt  }
0x61: {  	_ =	shalt  }
0x62: {  	_ =	shalt  }
0x63: {  	_ =	shalt  }
0x64: {  	_ =	shalt  }
0x65: {  	_ =	shalt  }
0x66: {  	_ =	shalt  }
0x67: {  	_ =	shalt  }
0x68: {  	_ =	shalt  }
0x69: {  	_ =	shalt  }
0x6a: {  	_ =	shalt  }
0x6b: {  	_ =	shalt  }
0x6c: {  	_ =	shalt  }
0x6d: {  	_ =	shalt  }
0x6e: {  	_ =	shalt  }
0x6f: {  	_ =	shalt  }
0x70: {  	_ =	shalt  }
0x71: {  	_ =	shalt  }
0x72: {  	_ =	shalt  }
0x73: {  	_ =	shalt  }
0x74: {  	_ =	shalt  }
0x75: {  	_ =	shalt  }
0x76: {  	_ =	shalt  }
0x77: {  	_ =	shalt  }
0x78: {  	_ =	shalt  }
0x79: {  	_ =	shalt  }
0x7a: {  	_ =	shalt  }
0x7b: {  	_ =	shalt  }
0x7c: {  	_ =	shalt  }
0x7d: {  	_ =	shalt  }
0x7e: {  	_ =	shalt  }
0x7f: {  	_ =	shalt  }
0x80: {  	_ =	shalt  }
0x81: {  	_ =	shalt  }
0x82: {  	_ =	shalt  }
0x83: {  	_ =	shalt  }
0x84: {  	_ =	shalt  }
0x85: {  	_ =	shalt  }
0x86: {  	_ =	shalt  }
0x87: {  	_ =	shalt  }
.Lfunc_end0:
.L_simem_size_0:
called_computation_lowered:
.L_overlay_start_0:
0x88: {  	s2 =	sld [smem:$0x3FD9]  }
0x89: {  	s3 =	sld [smem:$0x3FFE];
	_ =	sdelay $0x1  }
0x8a: {  	s1 =	srdreg.scid  }
0x8b: {  	s0 =	sand.u32 $0x1, s1  }
0x8c: {  	s18 =	sshll.u32 s0, $0xA;
	s2 =	sadd.s32 s3, s2  }
0x8d: {  	s2 =	sadd.s32 s2, s18  }
0x8e: {  	[smem:$0x3FC6] =	sst s2  }
0x8f: {  	_ = 	snop  }
0x90: {  	s2 =	sld [smem:$0x3FC9]  }
0x91: {  	s19 =	sld [smem:$0x3FC8]  }
0x92: {  	s4 =	sld [smem:$0x3FD0];
	(tm) =	ssettm $0x1  }
0x93: {  	s5 =	sld [smem:$0x3FFB];
	_ =	sdelay $0x3  }
0x94: {  	_ =	strace s5  }
0x95: {  	s5 =	sld [smem:$0x3FFC];
	_ =	sdelay $0x3  }
0x96: {  	_ =	strace s5  }
0x97: {  	s5 =	sld [smem:$0x3FFD];
	_ =	sdelay $0x3  }
0x98: {  	_ =	strace s5  }
0x99: {  	_ =	strace $0x8FFFFFFF  }
0x9a: {  	s20 =	sld [smem:$0x3FDB];
	_ =	sdelay $0x1  }
0x9b: {  	s6 =	simm.s32 $_scs_section_size  }
0x9c: {  	s7 =	simm.s32 $_size__tile_overlayer_lowered;
	s8 =	simm.s32 $_tile_overlayer_lowered  }
0x9d: {  	s23 =	simm.s32 $0x1BFF;
	s22 =	sshll.u32 s8, $0x1;
	s5 =	sadd.s32 s6, s20  }
0x9e: {  	s9 =	simm.s32 $0x0;
	s21 =	sshll.u32 s7, $0x1;
	s7 =	sadd.s32 s22, s5  }
0x9f: {  	[timem:s9], [sflag:s23] =	dma.local [hbm:s7], s21  }
0xa0: {  	_ =	swait.ge [sflag:s23], s21  }
0xa1: {  	s6 =	ssub.s32 $0x0, s21;
	[sflag:s23] =	ssyncset.done $0x0  }
0xa2: {  	[sflag:s23] =	ssyncadd.s32 s6;
	_ =	sdelay $0x1  }
0xa3: {  	s24 =	simm.s32 $0x1B8B  }
0xa4: {  	_ =	swait.ge [sflag:s24], $0x1  }
0xa5: {  	[sflag:s24] =	ssyncset.done $0x0  }
0xa6: {  	s25 =	simm.s32 $0x1B8E;
	[sflag:s24] =	ssyncadd.s32 $0xFFFFFFFF  }
0xa7: {  	s26 =	simm.s32 $execute0_lowered;
	[smem:$0x3FD2] =	sst s25  }
0xa8: {  	s6 =	sshll.u32 s26, $0x1;
	_ =	strace $0x80000046;
	[dreg:$0x1] =	wrdreg $0xFFFFFFFF  }
0xa9: {  	s28 =	simm.s32 $_size_execute0_lowered;
	s5 =	sadd.s32 s5, s6;
	[dreg:$0x0] =	wrdreg $0x0  }
0xaa: {  	s6 =	sshll.u32 s28, $0x1;
	[dreg:$0x2] =	wrdreg s5  }
0xab: {  	[dreg:$0x3] =	wrdreg s6  }
0xac: {  	[dreg:$0x4] =	wrdreg $0xC0  }
0xad: {  	_ =	task [dreg:s9], $0x5FFFF  }
0xae: {  	[dreg:$0x1] =	wrdreg $0xFFFFFFFF  }
0xaf: {  	[dreg:$0x0] =	wrdreg $0x60  }
0xb0: {  	[dreg:$0x2] =	wrdreg s2  }
0xb1: {  	[dreg:$0x3] =	wrdreg s19  }
0xb2: {  	[dreg:$0x4] =	wrdreg s4  }
0xb3: {  	[dreg:$0x5] =	wrdreg $0x9  }
0xb4: {  	_ =	task.clear_ibuf [dreg:s9], $0x6FFFF;
	_ =	strace $0x90000046  }
0xb5: {  	s29 =	simm.s32 $0x9;
	_ =	strace $0x80000048  }
0xb6: {  	_ =	swait.ge [sflag:s29], $0x1  }
0xb7: {  	[sflag:s29] =	ssyncadd.s32 $0xFFFFFFFF  }
0xb8: {  	_ =	strace $0x90000048  }
0xb9: {  	_ =	sfence  }
0xba: {  	s30 =	sld [smem:$0x0];
	_ =	sdelay $0x2  }
0xbb: {  	s31 =	sshll.u32 s1, $0xD;
	s1 =	sshrl.u32 s1, $0x2  }
0xbc: {  	s3 =	sand.u32 $0x4000, s31;
	s1 =	sadd.s32 s1, s30  }
0xbd: {  	s0 =	sor.u32 s3, s0;
	s1 =	sshll.u32 s1, $0x11  }
0xbe: {  	s0 =	sor.u32 s1, s0  }
0xbf: {  	s0 =	sadd.s32 $0x8F2B, s0  }
0xc0: {  	[sflag:s0] =	ssyncadd.remote.s32 $0x1  }
0xc1: {  	_ =	sfence.sel $0xFFFF  }
0xc2: {  	[dreg:$0x0] =	wrdreg $0xFFFFFFFF;
	(pc) =	sbr.abs _section_cstart, $3  }
0xc3: {  	[dreg:$0x1] =	wrdreg $0xFFFFFFFF  }
0xc4: {  	_ =	task.clear_ibuf [dreg:s9], $0x2FFFF;
	_ =	strace $0x9FFFFFFF  }
0xc5: {  	(tm) =	ssettm $0x7FFFFFFF  }
tec
execute0_lowered:
.L_overlay_start_1:
0x0: {  	(tag) =	ssettag $0x1  }
0x1: {  	s0 =	rddreg [dreg:$0x0]  }
0x2: {  	s3 =	rddreg [dreg:$0x2]  }
0x3: {  	s1 =	srdreg.scid;
	s2 =	stileid.u32  }
0x4: {  	s4 =	simm.s32 $0x0;
	s18 =	simm.s32 $0x7A1400;
	s15 =	simm.s32 $0x2000  }
0x5: {  	s16 =	simm.s32 $0x4000;
	s17 =	simm.s32 $0x6000;
	s20 =	simm.s32 $0x1  }
0x6: {  	s19 =	simm.s32 $0x8000;
	s28 =	simm.s32 $0x2;
	s21 =	simm.s32 $0xA000  }
0x7: {  	s22 =	simm.s32 $0x3;
	s23 =	simm.s32 $0xC000;
	s24 =	simm.s32 $0x4  }
0x8: {  	s25 =	simm.s32 $0xE000;
	s29 =	simm.s32 $0x5;
	s30 =	simm.s32 $0x6  }
0x9: {  	s1 =	sand.u32 $0x1, s1;
	s2 =	sshll.u32 s2, $0x1;
	[smem:$0x7FF] =	sst s4  }
0xa: {  	v0 =	vlaneseq.u32;
	s10 =	sadd.s32 $0x4000, s0;
	s31 =	sadd.s32 $0x7A1000, s3;
	s6 =	ssub.s32 $0x2, s1  }
.Ltmp0:
0xb: {  	v1 =	vmul.u32 $0x80, v0;
	v3 =	vor.u32 $0x10, v0;
	v5 =	vor.u32 $0x20, v0;
	s5 =	sor.u32 s1, s2;
	_ =	strace $0x80000047;
	(pc) =	sbr.rel .LBB2_1-.Ltmp0, $4  }
0xc: {  	v7 =	vor.u32 $0x30, v0;
	v9 =	vor.u32 $0x40, v0;
	v11 =	vor.u32 $0x50, v0;
	[dreg:$0x4] =	wrdreg s31;
	s26 =	sshrl.u32 s6, $0x1;
	s2 =	sshll.u32 s5, $0x7  }
0xd: {  	v13 =	vor.u32 $0x60, v0;
	v15 =	vor.u32 $0x70, v0;
	v2 =	vor.u32 $0x800, v1;
	p0 =	sne.s32 s5, $0x1F;
	s1 =	ssub.s32 s6, s26;
	s12 =	sadd.s32 s0, s2  }
0xe: {  	v4 =	vor.u32 $0x1000, v1;
	v6 =	vor.u32 $0x1800, v1;
	v8 =	vor.u32 $0x1, v1;
	s2 =	simm.s32 $0x0;
	s13 =	sadd.s32 $0x1000, s12;
	s14 =	sadd.s32 $0x2000, s12  }
0xf: {  	v10 =	vor.u32 $0x801, v1;
	v12 =	vor.u32 $0x1001, v1;
	v14 =	vor.u32 $0x1801, v1;
	s26 =	sadd.s32 $0x3000, s12;
	s0 =	smax.u32 s1, $0x1;
	s1 =	simm.s32 $0x400  }
.LBB2_22:
0x10: {  	s0 =	sadd.s32 $0x80, s26  }
0x11: {  	[tilespmem:s0+$0xFFFFFFC0] =	vst v20  }
0x12: {  	v20 =	vld [tilespmem:s29+$0x10010];
	_ =	sdelay $0x3  }
0x13: {  	[tilespmem:s26+$0xFFFFFFD0] =	vst v19  }
0x14: {  	v19 =	vld [tilespmem:s28+$0x10020];
	[tilespmem:s0+$0xFFFFFFD0] =	vst v20  }
0x15: {  	v20 =	vld [tilespmem:s29+$0x10020];
	_ =	sdelay $0x2  }
0x16: {  	[tilespmem:s12+$0xFFFFFFE0] =	vst v18  }
0x17: {  	v18 =	vld [tilespmem:s6+$0x10030];
	[tilespmem:s26+$0xFFFFFFE0] =	vst v19  }
0x18: {  	v19 =	vld [tilespmem:s28+$0x10030];
	[tilespmem:s0+$0xFFFFFFE0] =	vst v20  }
0x19: {  	v20 =	vld [tilespmem:s29+$0x10030];
	_ =	sdelay $0x2  }
0x1a: {  	v21 =	vld [tilespmem:s9+$0x10080];
	[tilespmem:s12+$0xFFFFFFF0] =	vst v18  }
0x1b: {  	v18 =	vld [tilespmem:s6+$0x10080];
	[tilespmem:s26+$0xFFFFFFF0] =	vst v19  }
0x1c: {  	v19 =	vld [tilespmem:s28+$0x10080];
	[tilespmem:s0+$0xFFFFFFF0] =	vst v20  }
0x1d: {  	v20 =	vld [tilespmem:s29+$0x10080];
	_ =	sdelay $0x1  }
0x1e: {  	[tilespmem:s8+$0x0] =	vst v21  }
0x1f: {  	v21 =	vld [tilespmem:s9+$0x10090];
	[tilespmem:s12+$0x0] =	vst v18  }
0x20: {  	v18 =	vld [tilespmem:s6+$0x10090];
	[tilespmem:s26+$0x0] =	vst v19  }
0x21: {  	v19 =	vld [tilespmem:s28+$0x10090];
	[tilespmem:s0+$0x0] =	vst v20  }
0x22: {  	v20 =	vld [tilespmem:s29+$0x10090]  }
0x23: {  	[tilespmem:s7+$0x10] =	vst v17  }
0x24: {  	v17 =	vld [tilespmem:s31+$0x100A0];
	[tilespmem:s8+$0x10] =	vst v21  }
0x25: {  	v21 =	vld [tilespmem:s9+$0x100A0];
	[tilespmem:s12+$0x10] =	vst v18  }
0x26: {  	v18 =	vld [tilespmem:s6+$0x100A0];
	[tilespmem:s26+$0x10] =	vst v19  }
0x27: {  	v19 =	vld [tilespmem:s28+$0x100A0];
	[tilespmem:s0+$0x10] =	vst v20  }
0x28: {  	[tilespmem:s2+$0x20] =	vst v16;
	v16 =	vld [tilespmem:s29+$0x100A0]  }
0x29: {  	v63 =	vld [tilespmem:s11+$0x100B0];
	[tilespmem:s7+$0x20] =	vst v17  }
0x2a: {  	v17 =	vld [tilespmem:s31+$0x100B0];
	[tilespmem:s8+$0x20] =	vst v21  }
0x2b: {  	v21 =	vld [tilespmem:s9+$0x100B0];
	[tilespmem:s12+$0x20] =	vst v18  }
0x2c: {  	v18 =	vld [tilespmem:s6+$0x100B0];
	[tilespmem:s26+$0x20] =	vst v19  }
0x2d: {  	v19 =	vld [tilespmem:s28+$0x100B0];
	[tilespmem:s0+$0x20] =	vst v16  }
0x2e: {  	[tilespmem:s2+$0x30] =	vst v63;
	v16 =	vld [tilespmem:s29+$0x100B0]  }
0x2f: {  	[tilespmem:s7+$0x30] =	vst v17  }
0x30: {  	[tilespmem:s8+$0x30] =	vst v21  }
0x31: {  	[tilespmem:s12+$0x30] =	vst v18  }
0x32: {  	s30 =	simm.s32 $0x6;
	s31 =	simm.s32 $0x9;
	[tilespmem:s26+$0x30] =	vst v19  }
0x33: {  	s12 =	smov.u32 s13;
	s13 =	smov.u32 s14;
	s14 =	smov.u32 s1;
	[tilespmem:s0+$0x30] =	vst v16  }
0x34: {  	s1 =	simm.s32 $0x400;
	s28 =	simm.s32 $0x2;
	s0 =	rddreg [dreg:$0x4]  }
0x35: {  	[hbm4b:s0+s4] =	stream.linear.scatter [tilespmem:s19], [sflag:$0x9], $0x1000, $0x38;
	[tilespmem:$0x12000] =	vst v63  }
0x36: {  	s26 =	smov.u32 s18;
	s18 =	simm.s32 $0x7A1400;
	_ =	swait.ge [sflag:s31], $0x1000  }
0x37: {  	s29 =	simm.s32 $0x5;
	s0 =	smov.u32 s20;
	[sflag:s31] =	ssyncset.done $0x0  }
0x38: {  	s20 =	simm.s32 $0x1;
	s2 =	rddreg [dreg:$0x5];
	[sflag:s31] =	ssyncadd.s32 $0xFFFFF000  }
.LBB2_23:
0x39: {  	s2 =	sadd.s32 $0x1, s2  }
0x3a: {  	p1 =	sne.s32 s2, s0  }
.Ltmp1:
0x3b: {  	_ = 	snop;
	(pc) =	sbr.rel @!p1 .LBB2_24-.Ltmp1, $1  }
0x3c: {  	_ =	sdelay $0x3  }
.LBB2_1:
0x3d: {  	[tilespmem:s4], [sflag:$0x1] =	stream.strided.gather [hbm4b:s12+s1], $0x2000, s18, s1, $0x38;
	[tilespmem:$0x12000] =	vst v63  }
0x3e: {  	_ = 	snop  }
0x3f: {  	[tilespmem:s15], [sflag:$0x2] =	stream.strided.gather [hbm4b:s13+s1], $0x2000, s18, s1, $0x38;
	[tilespmem:$0x12000] =	vst v63  }
.Ltmp2:
0x40: {  	_ = 	snop;
	(pc) =	sbr.rel .LBB2_2-.Ltmp2, $4  }
0x41: {  	_ = 	snop  }
0x42: {  	[tilespmem:s16], [sflag:$0x3] =	stream.strided.gather [hbm4b:s14+s1], $0x2000, s18, s1, $0x38;
	[tilespmem:$0x12000] =	vst v63  }
0x43: {  	[dreg:$0x5] =	wrdreg s2;
	s2 =	simm.s32 $0x0  }
0x44: {  	[tilespmem:s17], [sflag:$0x4] =	stream.strided.gather [hbm4b:s26+s1], $0x2000, s18, s1, $0x38;
	[tilespmem:$0x12000] =	vst v63  }
.LBB2_18:
0x45: {  	s2 =	sadd.s32 $0x1, s2  }
0x46: {  	p1 =	sne.s32 s2, $0x3E  }
.Ltmp3:
0x47: {  	_ = 	snop;
	(pc) =	sbr.rel @!p1 .LBB2_19-.Ltmp3, $1  }
0x48: {  	_ =	sdelay $0x3  }
.LBB2_2:
0x49: {  	s6 =	sshll.u32 s2, $0x7  }
0x4a: {  	s31 =	sor.u32 s5, s6  }
0x4b: {  	p2 =	sgt.u32 s31, $0x1E83  }
.Ltmp4:
0x4c: {  	_ = 	snop;
	(pc) =	sbr.rel @p2 .LBB2_6-.Ltmp4, $2  }
0x4d: {  	_ =	sdelay $0x2  }
0x4e: {  	p1 =	seq.s32 s2, $0x0  }
0x4f: {  	_ =	swait.ge [sflag:s20], $0x2000  }
0x50: {  	[sflag:s20] =	ssyncset.done $0x0  }
0x51: {  	s6 =	simm.s32 @!p1 $0x5;
	[sflag:s20] =	ssyncadd.s32 $0xFFFFE000  }
0x52: {  	_ =	swait.ge @!p1 [sflag:s6], $0x2000  }
0x53: {  	[sflag:s6] =	ssyncset.done @!p1 $0x0  }
0x54: {  	s11 =	simm.s32 $0x0;
	p2 =	por $0x1, $0x1;
	[sflag:s6] =	ssyncadd.s32 @!p1 $0xFFFFE000  }
.LBB2_4:
0x55: {  	v16 =	vadd.s32 s11, v0  }
0x56: {  	v18 =	vand.u32 $0xF, v16  }
0x57: {  	v19 =	vshll.u32 v18, $0x1  }
0x58: {  	v17 =	vor.u32 v1, v19;
	_ =	sdelay $0x3  }
0x59: {  	v20 =	vshll.u32 v18, $0x7  }
0x5a: {  	v21 =	vor.u32 v0, v20;
	v17 =	vld.idx.msk [tilespmem:v17+s4+$0x0], $0xffff  }
0x5b: {  	v22 =	vor.u32 v2, v19;
	_ =	sdelay $0x3  }
0x5c: {  	[tilespmem:v21+s19+$0x0] =	vst.idx.msk $0xffff, v17  }
0x5d: {  	v25 =	vor.u32 v3, v20;
	v17 =	vld.idx.msk [tilespmem:v22+s4+$0x0], $0xffff  }
0x5e: {  	v26 =	vor.u32 v4, v19;
	_ =	sdelay $0x3  }
0x5f: {  	[tilespmem:v25+s19+$0x0] =	vst.idx.msk $0xffff, v17  }
0x60: {  	v27 =	vor.u32 v5, v20;
	v17 =	vld.idx.msk [tilespmem:v26+s4+$0x0], $0xffff  }
0x61: {  	v28 =	vor.u32 v6, v19;
	_ =	sdelay $0x3  }
0x62: {  	[tilespmem:v27+s19+$0x0] =	vst.idx.msk $0xffff, v17  }
0x63: {  	v29 =	vor.u32 v7, v20;
	v17 =	vld.idx.msk [tilespmem:v28+s4+$0x0], $0xffff  }
0x64: {  	v30 =	vor.u32 v8, v19;
	_ =	sdelay $0x3  }
0x65: {  	[tilespmem:v29+s19+$0x0] =	vst.idx.msk $0xffff, v17  }
0x66: {  	v31 =	vor.u32 v9, v20;
	v17 =	vld.idx.msk [tilespmem:v30+s4+$0x0], $0xffff  }
0x67: {  	v32 =	vor.u32 v10, v19;
	_ =	sdelay $0x2  }
0x68: {  	s6 =	sor.u32 $0x1, s11  }
0x69: {  	[tilespmem:v31+s19+$0x0] =	vst.idx.msk $0xffff, v17;
	v17 =	vadd.s32 s6, v0  }
0x6a: {  	v33 =	vor.u32 v11, v20;
	v21 =	vld.idx.msk [tilespmem:v32+s4+$0x0], $0xffff;
	v23 =	vand.u32 $0xF, v17  }
0x6b: {  	v24 =	vor.u32 v12, v19;
	v25 =	vshll.u32 v23, $0x1  }
0x6c: {  	v26 =	vor.u32 v1, v25;
	_ =	sdelay $0x2  }
0x6d: {  	[tilespmem:v33+s19+$0x0] =	vst.idx.msk $0xffff, v21  }
0x6e: {  	v34 =	vshll.u32 v23, $0x7;
	v21 =	vld.idx.msk [tilespmem:v24+s4+$0x0], $0xffff  }
0x6f: {  	v35 =	vor.u32 v0, v34;
	v24 =	vld.idx.msk [tilespmem:v26+s4+$0x0], $0xffff  }
0x70: {  	v27 =	vor.u32 v2, v25;
	_ =	sdelay $0x3  }
0x71: {  	[tilespmem:v35+s19+$0x0] =	vst.idx.msk $0xffff, v24  }
0x72: {  	v36 =	vor.u32 v3, v34;
	v24 =	vld.idx.msk [tilespmem:v27+s4+$0x0], $0xffff  }
0x73: {  	v37 =	vor.u32 v4, v25;
	_ =	sdelay $0x3  }
0x74: {  	[tilespmem:v36+s19+$0x0] =	vst.idx.msk $0xffff, v24  }
0x75: {  	v38 =	vor.u32 v5, v34;
	v24 =	vld.idx.msk [tilespmem:v37+s4+$0x0], $0xffff  }
0x76: {  	v39 =	vor.u32 v6, v25;
	_ =	sdelay $0x2  }
0x77: {  	v28 =	vor.u32 v13, v20  }
0x78: {  	v19 =	vor.u32 v14, v19;
	[tilespmem:v38+s19+$0x0] =	vst.idx.msk $0xffff, v24  }
0x79: {  	v40 =	vor.u32 v7, v34;
	v24 =	vld.idx.msk [tilespmem:v39+s4+$0x0], $0xffff  }
0x7a: {  	v41 =	vor.u32 v8, v25;
	_ =	sdelay $0x1  }
0x7b: {  	v42 =	vor.u32 $0x10, v16;
	[tilespmem:v28+s19+$0x0] =	vst.idx.msk $0xffff, v21  }
0x7c: {  	v43 =	vshll.u32 v42, $0x1;
	v20 =	vor.u32 v15, v20;
	v19 =	vld.idx.msk [tilespmem:v19+s4+$0x0], $0xffff  }
0x7d: {  	v29 =	vor.u32 v1, v43;
	[tilespmem:v40+s19+$0x0] =	vst.idx.msk $0xffff, v24  }
0x7e: {  	v44 =	vor.u32 v9, v34;
	v24 =	vld.idx.msk [tilespmem:v41+s4+$0x0], $0xffff  }
0x7f: {  	v45 =	vor.u32 v10, v25;
	_ =	sdelay $0x1  }
0x80: {  	v46 =	vshll.u32 v42, $0x7;
	[tilespmem:v20+s19+$0x0] =	vst.idx.msk $0xffff, v19  }
0x81: {  	v21 =	vor.u32 v0, v46;
	v20 =	vld.idx.msk [tilespmem:v29+s4+$0x0], $0xffff  }
0x82: {  	v47 =	vor.u32 v2, v43;
	[tilespmem:v44+s19+$0x0] =	vst.idx.msk $0xffff, v24  }
0x83: {  	v48 =	vor.u32 v11, v34;
	v24 =	vld.idx.msk [tilespmem:v45+s4+$0x0], $0xffff  }
0x84: {  	v49 =	vor.u32 v12, v25;
	_ =	sdelay $0x1  }
0x85: {  	[tilespmem:v21+s19+$0x0] =	vst.idx.msk $0xffff, v20  }
0x86: {  	v50 =	vor.u32 v3, v46;
	v20 =	vld.idx.msk [tilespmem:v47+s4+$0x0], $0xffff  }
0x87: {  	v51 =	vor.u32 v4, v43;
	[tilespmem:v48+s19+$0x0] =	vst.idx.msk $0xffff, v24  }
0x88: {  	v52 =	vor.u32 v13, v34;
	v24 =	vld.idx.msk [tilespmem:v49+s4+$0x0], $0xffff  }
0x89: {  	v25 =	vor.u32 v14, v25;
	_ =	sdelay $0x1  }
0x8a: {  	[tilespmem:v50+s19+$0x0] =	vst.idx.msk $0xffff, v20  }
0x8b: {  	v53 =	vor.u32 v5, v46;
	v20 =	vld.idx.msk [tilespmem:v51+s4+$0x0], $0xffff  }
0x8c: {  	v54 =	vor.u32 v6, v43;
	v55 =	vor.u32 $0x10, v17;
	[tilespmem:v52+s19+$0x0] =	vst.idx.msk $0xffff, v24  }
0x8d: {  	v56 =	vshll.u32 v55, $0x1;
	v22 =	vor.u32 v15, v34;
	v25 =	vld.idx.msk [tilespmem:v25+s4+$0x0], $0xffff  }
0x8e: {  	v57 =	vor.u32 v1, v56;
	_ =	sdelay $0x1  }
0x8f: {  	[tilespmem:v53+s19+$0x0] =	vst.idx.msk $0xffff, v20  }
0x90: {  	v58 =	vor.u32 v7, v46;
	v20 =	vld.idx.msk [tilespmem:v54+s4+$0x0], $0xffff  }
0x91: {  	v59 =	vor.u32 v8, v43;
	v60 =	vshll.u32 v55, $0x7;
	[tilespmem:v22+s19+$0x0] =	vst.idx.msk $0xffff, v25  }
0x92: {  	v62 =	vor.u32 v0, v60;
	v61 =	vld.idx.msk [tilespmem:v57+s4+$0x0], $0xffff  }
0x93: {  	v63 =	vor.u32 v2, v56;
	_ =	sdelay $0x1  }
0x94: {  	[tilespmem:v58+s19+$0x0] =	vst.idx.msk $0xffff, v20  }
0x95: {  	v32 =	vor.u32 v9, v46;
	v20 =	vld.idx.msk [tilespmem:v59+s4+$0x0], $0xffff  }
0x96: {  	v33 =	vor.u32 v10, v43;
	[tilespmem:v62+s19+$0x0] =	vst.idx.msk $0xffff, v61  }
0x97: {  	v34 =	vor.u32 v3, v60;
	v24 =	vld.idx.msk [tilespmem:v63+s4+$0x0], $0xffff  }
0x98: {  	v35 =	vor.u32 v4, v56;
	_ =	sdelay $0x1  }
0x99: {  	[tilespmem:v32+s19+$0x0] =	vst.idx.msk $0xffff, v20  }
0x9a: {  	v36 =	vor.u32 v11, v46;
	v20 =	vld.idx.msk [tilespmem:v33+s4+$0x0], $0xffff  }
0x9b: {  	v37 =	vor.u32 v12, v43;
	[tilespmem:v34+s19+$0x0] =	vst.idx.msk $0xffff, v24  }
0x9c: {  	v38 =	vor.u32 v5, v60;
	v24 =	vld.idx.msk [tilespmem:v35+s4+$0x0], $0xffff  }
0x9d: {  	v39 =	vor.u32 v6, v56;
	_ =	sdelay $0x1  }
0x9e: {  	[tilespmem:v36+s19+$0x0] =	vst.idx.msk $0xffff, v20  }
0x9f: {  	v40 =	vor.u32 v13, v46;
	v20 =	vld.idx.msk [tilespmem:v37+s4+$0x0], $0xffff  }
0xa0: {  	v41 =	vor.u32 v14, v43;
	[tilespmem:v38+s19+$0x0] =	vst.idx.msk $0xffff, v24  }
0xa1: {  	v42 =	vor.u32 v7, v60;
	v24 =	vld.idx.msk [tilespmem:v39+s4+$0x0], $0xffff  }
0xa2: {  	v43 =	vor.u32 v8, v56;
	_ =	sdelay $0x1  }
0xa3: {  	v18 =	vor.u32 $0x20, v18;
	[tilespmem:v40+s19+$0x0] =	vst.idx.msk $0xffff, v20  }
0xa4: {  	v19 =	vor.u32 v15, v46;
	v44 =	vshll.u32 v18, $0x1;
	v20 =	vld.idx.msk [tilespmem:v41+s4+$0x0], $0xffff  }
0xa5: {  	v45 =	vor.u32 v1, v44;
	[tilespmem:v42+s19+$0x0] =	vst.idx.msk $0xffff, v24  }
0xa6: {  	v46 =	vor.u32 v9, v60;
	v24 =	vld.idx.msk [tilespmem:v43+s4+$0x0], $0xffff  }
0xa7: {  	v47 =	vor.u32 v10, v56;
	_ =	sdelay $0x1  }
0xa8: {  	v18 =	vshll.u32 v18, $0x7;
	[tilespmem:v19+s19+$0x0] =	vst.idx.msk $0xffff, v20  }
0xa9: {  	v48 =	vor.u32 v0, v18;
	v19 =	vld.idx.msk [tilespmem:v45+s4+$0x0], $0xffff  }
0xaa: {  	v49 =	vor.u32 v2, v44;
	[tilespmem:v46+s19+$0x0] =	vst.idx.msk $0xffff, v24  }
0xab: {  	v50 =	vor.u32 v11, v60;
	v24 =	vld.idx.msk [tilespmem:v47+s4+$0x0], $0xffff  }
0xac: {  	v51 =	vor.u32 v12, v56;
	_ =	sdelay $0x1  }
0xad: {  	[tilespmem:v48+s19+$0x0] =	vst.idx.msk $0xffff, v19  }
0xae: {  	v52 =	vor.u32 v3, v18;
	v19 =	vld.idx.msk [tilespmem:v49+s4+$0x0], $0xffff  }
0xaf: {  	v53 =	vor.u32 v4, v44;
	[tilespmem:v50+s19+$0x0] =	vst.idx.msk $0xffff, v24  }
0xb0: {  	v54 =	vor.u32 v13, v60;
	v24 =	vld.idx.msk [tilespmem:v51+s4+$0x0], $0xffff  }
0xb1: {  	v26 =	vor.u32 v14, v56;
	_ =	sdelay $0x1  }
0xb2: {  	[tilespmem:v52+s19+$0x0] =	vst.idx.msk $0xffff, v19  }
0xb3: {  	v55 =	vor.u32 v5, v18;
	v19 =	vld.idx.msk [tilespmem:v53+s4+$0x0], $0xffff  }
0xb4: {  	v23 =	vor.u32 $0x20, v23;
	v56 =	vor.u32 v6, v44;
	[tilespmem:v54+s19+$0x0] =	vst.idx.msk $0xffff, v24  }
0xb5: {  	v22 =	vor.u32 v15, v60;
	v57 =	vshll.u32 v23, $0x1;
	v24 =	vld.idx.msk [tilespmem:v26+s4+$0x0], $0xffff  }
0xb6: {  	v58 =	vor.u32 v1, v57;
	_ =	sdelay $0x1  }
0xb7: {  	[tilespmem:v55+s19+$0x0] =	vst.idx.msk $0xffff, v19  }
0xb8: {  	v59 =	vor.u32 v7, v18;
	v19 =	vld.idx.msk [tilespmem:v56+s4+$0x0], $0xffff  }
0xb9: {  	v60 =	vor.u32 v8, v44;
	v61 =	vshll.u32 v23, $0x7;
	[tilespmem:v22+s19+$0x0] =	vst.idx.msk $0xffff, v24  }
0xba: {  	v63 =	vor.u32 v0, v61;
	v62 =	vld.idx.msk [tilespmem:v58+s4+$0x0], $0xffff  }
0xbb: {  	v30 =	vor.u32 v2, v57;
	_ =	sdelay $0x1  }
0xbc: {  	[tilespmem:v59+s19+$0x0] =	vst.idx.msk $0xffff, v19  }
0xbd: {  	v31 =	vor.u32 v9, v18;
	v19 =	vld.idx.msk [tilespmem:v60+s4+$0x0], $0xffff  }
0xbe: {  	v32 =	vor.u32 v10, v44;
	[tilespmem:v63+s19+$0x0] =	vst.idx.msk $0xffff, v62  }
0xbf: {  	v33 =	vor.u32 v3, v61;
	v23 =	vld.idx.msk [tilespmem:v30+s4+$0x0], $0xffff  }
0xc0: {  	v34 =	vor.u32 v4, v57;
	_ =	sdelay $0x1  }
0xc1: {  	[tilespmem:v31+s19+$0x0] =	vst.idx.msk $0xffff, v19  }
0xc2: {  	v35 =	vor.u32 v11, v18;
	v19 =	vld.idx.msk [tilespmem:v32+s4+$0x0], $0xffff  }
0xc3: {  	v36 =	vor.u32 v12, v44;
	[tilespmem:v33+s19+$0x0] =	vst.idx.msk $0xffff, v23  }
0xc4: {  	v37 =	vor.u32 v5, v61;
	v23 =	vld.idx.msk [tilespmem:v34+s4+$0x0], $0xffff  }
0xc5: {  	v38 =	vor.u32 v6, v57;
	_ =	sdelay $0x1  }
0xc6: {  	[tilespmem:v35+s19+$0x0] =	vst.idx.msk $0xffff, v19  }
0xc7: {  	v39 =	vor.u32 v13, v18;
	v19 =	vld.idx.msk [tilespmem:v36+s4+$0x0], $0xffff  }
0xc8: {  	v21 =	vor.u32 v14, v44;
	[tilespmem:v37+s19+$0x0] =	vst.idx.msk $0xffff, v23  }
0xc9: {  	v40 =	vor.u32 v7, v61;
	v23 =	vld.idx.msk [tilespmem:v38+s4+$0x0], $0xffff  }
0xca: {  	v41 =	vor.u32 v8, v57  }
0xcb: {  	s8 =	sor.u32 $0x2, s11  }
0xcc: {  	v42 =	vor.u32 $0x30, v16;
	v16 =	vadd.s32 s8, v0;
	[tilespmem:v39+s19+$0x0] =	vst.idx.msk $0xffff, v19  }
0xcd: {  	v18 =	vor.u32 v15, v18;
	v24 =	vand.u32 $0xF, v16;
	v20 =	vld.idx.msk [tilespmem:v21+s4+$0x0], $0xffff;
	v21 =	vshll.u32 v42, $0x1  }
0xce: {  	v29 =	vshll.u32 v24, $0x1;
	v43 =	vor.u32 v1, v21;
	[tilespmem:v40+s19+$0x0] =	vst.idx.msk $0xffff, v23  }
0xcf: {  	v44 =	vor.u32 v9, v61;
	v30 =	vor.u32 v1, v29;
	v23 =	vld.idx.msk [tilespmem:v41+s4+$0x0], $0xffff  }
0xd0: {  	v45 =	vor.u32 v10, v57;
	_ =	sdelay $0x1  }
0xd1: {  	[tilespmem:v18+s19+$0x0] =	vst.idx.msk $0xffff, v20;
	v18 =	vshll.u32 v42, $0x7  }
0xd2: {  	v28 =	vshll.u32 v24, $0x7;
	v46 =	vld.idx.msk [tilespmem:v43+s4+$0x0], $0xffff;
	v47 =	vor.u32 v0, v18  }
0xd3: {  	v32 =	vor.u32 v0, v28;
	v48 =	vor.u32 v2, v21;
	v30 =	vld.idx.msk [tilespmem:v30+s4+$0x0], $0xffff;
	[tilespmem:v44+s19+$0x0] =	vst.idx.msk $0xffff, v23  }
0xd4: {  	v49 =	vor.u32 v11, v61;
	v33 =	vor.u32 v2, v29;
	v23 =	vld.idx.msk [tilespmem:v45+s4+$0x0], $0xffff  }
0xd5: {  	v31 =	vor.u32 v12, v57;
	_ =	sdelay $0x1  }
0xd6: {  	[tilespmem:v47+s19+$0x0] =	vst.idx.msk $0xffff, v46  }
0xd7: {  	v50 =	vor.u32 v3, v18;
	[tilespmem:v32+s19+$0x0] =	vst.idx.msk $0xffff, v30;
	v19 =	vld.idx.msk [tilespmem:v48+s4+$0x0], $0xffff  }
0xd8: {  	v53 =	vor.u32 v3, v28;
	v51 =	vor.u32 v4, v21;
	v30 =	vld.idx.msk [tilespmem:v33+s4+$0x0], $0xffff;
	[tilespmem:v49+s19+$0x0] =	vst.idx.msk $0xffff, v23  }
0xd9: {  	v52 =	vor.u32 v13, v61;
	v54 =	vor.u32 v4, v29;
	v23 =	vld.idx.msk [tilespmem:v31+s4+$0x0], $0xffff  }
0xda: {  	v25 =	vor.u32 v14, v57;
	_ =	sdelay $0x1  }
0xdb: {  	[tilespmem:v50+s19+$0x0] =	vst.idx.msk $0xffff, v19  }
0xdc: {  	v17 =	vor.u32 $0x30, v17;
	v55 =	vor.u32 v5, v18;
	[tilespmem:v53+s19+$0x0] =	vst.idx.msk $0xffff, v30;
	v19 =	vld.idx.msk [tilespmem:v51+s4+$0x0], $0xffff  }
0xdd: {  	v58 =	vor.u32 v5, v28;
	v56 =	vor.u32 v6, v21;
	v30 =	vld.idx.msk [tilespmem:v54+s4+$0x0], $0xffff;
	[tilespmem:v52+s19+$0x0] =	vst.idx.msk $0xffff, v23  }
0xde: {  	v22 =	vor.u32 v15, v61;
	v59 =	vor.u32 v6, v29;
	v23 =	vshll.u32 v17, $0x1;
	v25 =	vld.idx.msk [tilespmem:v25+s4+$0x0], $0xffff  }
0xdf: {  	v57 =	vor.u32 v1, v23;
	_ =	sdelay $0x1  }
0xe0: {  	[tilespmem:v55+s19+$0x0] =	vst.idx.msk $0xffff, v19  }
0xe1: {  	v63 =	vor.u32 v7, v28;
	v60 =	vor.u32 v7, v18;
	[tilespmem:v58+s19+$0x0] =	vst.idx.msk $0xffff, v30;
	v19 =	vld.idx.msk [tilespmem:v56+s4+$0x0], $0xffff  }
0xe2: {  	v30 =	vld.idx.msk [tilespmem:v59+s4+$0x0], $0xffff;
	[tilespmem:v22+s19+$0x0] =	vst.idx.msk $0xffff, v25;
	v22 =	vshll.u32 v17, $0x7;
	v17 =	vor.u32 v8, v21  }
0xe3: {  	v36 =	vor.u32 v8, v29;
	v25 =	vld.idx.msk [tilespmem:v57+s4+$0x0], $0xffff;
	v61 =	vor.u32 v0, v22  }
0xe4: {  	v62 =	vor.u32 v2, v23;
	_ =	sdelay $0x1  }
0xe5: {  	[tilespmem:v60+s19+$0x0] =	vst.idx.msk $0xffff, v19  }
0xe6: {  	v37 =	vor.u32 v9, v18;
	[tilespmem:v63+s19+$0x0] =	vst.idx.msk $0xffff, v30;
	v17 =	vld.idx.msk [tilespmem:v17+s4+$0x0], $0xffff  }
0xe7: {  	v38 =	vor.u32 v10, v21;
	v41 =	vor.u32 v9, v28;
	v30 =	vld.idx.msk [tilespmem:v36+s4+$0x0], $0xffff;
	[tilespmem:v61+s19+$0x0] =	vst.idx.msk $0xffff, v25  }
0xe8: {  	v42 =	vor.u32 v10, v29;
	v39 =	vor.u32 v3, v22;
	v25 =	vld.idx.msk [tilespmem:v62+s4+$0x0], $0xffff  }
0xe9: {  	v40 =	vor.u32 v4, v23;
	_ =	sdelay $0x1  }
0xea: {  	[tilespmem:v37+s19+$0x0] =	vst.idx.msk $0xffff, v17  }
0xeb: {  	s9 =	sor.u32 $0x3, s11;
	v43 =	vor.u32 v11, v18;
	v34 =	vor.u32 v12, v21;
	[tilespmem:v41+s19+$0x0] =	vst.idx.msk $0xffff, v30;
	v19 =	vld.idx.msk [tilespmem:v38+s4+$0x0], $0xffff  }
0xec: {  	v46 =	vor.u32 v11, v28;
	v31 =	vld.idx.msk [tilespmem:v42+s4+$0x0], $0xffff;
	v17 =	vadd.s32 s9, v0;
	[tilespmem:v39+s19+$0x0] =	vst.idx.msk $0xffff, v25  }
0xed: {  	v35 =	vor.u32 v12, v29;
	v44 =	vor.u32 v5, v22;
	v25 =	vand.u32 $0xF, v17;
	v26 =	vld.idx.msk [tilespmem:v40+s4+$0x0], $0xffff  }
0xee: {  	v45 =	vor.u32 v6, v23;
	v33 =	vshll.u32 v25, $0x1  }
0xef: {  	v36 =	vor.u32 v1, v33  }
0xf0: {  	[tilespmem:v43+s19+$0x0] =	vst.idx.msk $0xffff, v19  }
0xf1: {  	v47 =	vor.u32 v13, v18;
	[tilespmem:v46+s19+$0x0] =	vst.idx.msk $0xffff, v31;
	v19 =	vld.idx.msk [tilespmem:v34+s4+$0x0], $0xffff  }
0xf2: {  	v50 =	vor.u32 v13, v28;
	v21 =	vor.u32 v14, v21;
	v31 =	vld.idx.msk [tilespmem:v35+s4+$0x0], $0xffff;
	[tilespmem:v44+s19+$0x0] =	vst.idx.msk $0xffff, v26  }
0xf3: {  	v29 =	vor.u32 v14, v29;
	v48 =	vor.u32 v7, v22;
	v32 =	vshll.u32 v25, $0x7;
	v26 =	vld.idx.msk [tilespmem:v45+s4+$0x0], $0xffff  }
0xf4: {  	v49 =	vor.u32 v8, v23;
	v52 =	vor.u32 v0, v32;
	v51 =	vld.idx.msk [tilespmem:v36+s4+$0x0], $0xffff  }
0xf5: {  	v37 =	vor.u32 v2, v33  }
0xf6: {  	[tilespmem:v47+s19+$0x0] =	vst.idx.msk $0xffff, v19  }
0xf7: {  	v18 =	vor.u32 v15, v18;
	[tilespmem:v50+s19+$0x0] =	vst.idx.msk $0xffff, v31;
	v20 =	vld.idx.msk [tilespmem:v21+s4+$0x0], $0xffff  }
0xf8: {  	s7 =	sor.u32 $0x4, s11;
	v55 =	vor.u32 v10, v23;
	v29 =	vld.idx.msk [tilespmem:v29+s4+$0x0], $0xffff;
	v38 =	vor.u32 v15, v28;
	[tilespmem:v48+s19+$0x0] =	vst.idx.msk $0xffff, v26  }
0xf9: {  	v54 =	vor.u32 v9, v22;
	v57 =	vor.u32 $0x10, v16;
	v19 =	vadd.s32 s7, v0;
	[tilespmem:v52+s19+$0x0] =	vst.idx.msk $0xffff, v51;
	v53 =	vld.idx.msk [tilespmem:v49+s4+$0x0], $0xffff  }
0xfa: {  	v30 =	vshll.u32 v57, $0x7;
	v56 =	vor.u32 v3, v32;
	v26 =	vand.u32 $0xF, v19;
	v35 =	vld.idx.msk [tilespmem:v37+s4+$0x0], $0xffff  }
0xfb: {  	s8 =	sor.u32 $0x5, s11;
	v31 =	vshll.u32 v57, $0x1;
	v39 =	vor.u32 v4, v33;
	v34 =	vshll.u32 v26, $0x1  }
0xfc: {  	v50 =	vor.u32 v0, v30;
	s9 =	sor.u32 $0x6, s11;
	v40 =	vor.u32 v1, v34;
	[tilespmem:v18+s19+$0x0] =	vst.idx.msk $0xffff, v20;
	v20 =	vadd.s32 s8, v0  }
0xfd: {  	v41 =	vor.u32 v1, v31;
	[tilespmem:v38+s19+$0x0] =	vst.idx.msk $0xffff, v29;
	v18 =	vadd.s32 s9, v0;
	v28 =	vand.u32 $0xF, v20  }
0xfe: {  	v43 =	vor.u32 v11, v22;
	v27 =	vand.u32 $0xF, v18;
	[tilespmem:v54+s19+$0x0] =	vst.idx.msk $0xffff, v53;
	v38 =	vshll.u32 v28, $0x1  }
0xff: {  	[tilespmem:v56+s19+$0x0] =	vst.idx.msk $0xffff, v35;
	v36 =	vshll.u32 v27, $0x1;
	v42 =	vld.idx.msk [tilespmem:v55+s4+$0x0], $0xffff;
	v58 =	vor.u32 v1, v38  }
0x100: {  	s11 =	sor.u32 $0x7, s11;
	v45 =	vor.u32 v5, v32;
	v35 =	vshll.u32 v26, $0x7;
	v44 =	vld.idx.msk [tilespmem:v39+s4+$0x0], $0xffff;
	v46 =	vor.u32 v1, v36  }
0x101: {  	v47 =	vor.u32 v6, v33;
	v21 =	vadd.s32 s11, v0;
	v40 =	vld.idx.msk [tilespmem:v40+s4+$0x0], $0xffff;
	v48 =	vor.u32 v0, v35  }
0x102: {  	v59 =	vor.u32 v2, v31;
	v29 =	vand.u32 $0xF, v21;
	v49 =	vld.idx.msk [tilespmem:v41+s4+$0x0], $0xffff;
	v51 =	vor.u32 v2, v34  }
0x103: {  	v41 =	vshll.u32 v29, $0x1;
	v37 =	vshll.u32 v27, $0x7;
	v39 =	vshll.u32 v28, $0x7  }
0x104: {  	v53 =	vor.u32 v1, v41;
	v52 =	vor.u32 v0, v39;
	[tilespmem:v43+s19+$0x0] =	vst.idx.msk $0xffff, v42;
	v43 =	vld.idx.msk [tilespmem:v58+s4+$0x0], $0xffff  }
0x105: {  	v60 =	vor.u32 v0, v37;
	[tilespmem:v45+s19+$0x0] =	vst.idx.msk $0xffff, v44;
	v44 =	vor.u32 v2, v38;
	v45 =	vld.idx.msk [tilespmem:v46+s4+$0x0], $0xffff  }
0x106: {  	v54 =	vor.u32 v7, v32;
	[tilespmem:v48+s19+$0x0] =	vst.idx.msk $0xffff, v40;
	v48 =	vor.u32 v2, v36;
	v47 =	vld.idx.msk [tilespmem:v47+s4+$0x0], $0xffff  }
0x107: {  	v61 =	vor.u32 v8, v33;
	[tilespmem:v50+s19+$0x0] =	vst.idx.msk $0xffff, v49;
	v63 =	vor.u32 v3, v35;
	v62 =	vld.idx.msk [tilespmem:v51+s4+$0x0], $0xffff  }
0x108: {  	v56 =	vor.u32 v4, v34;
	v55 =	vor.u32 v3, v30;
	v42 =	vld.idx.msk [tilespmem:v59+s4+$0x0], $0xffff;
	v40 =	vshll.u32 v29, $0x7  }
0x109: {  	[tilespmem:v52+s19+$0x0] =	vst.idx.msk $0xffff, v43;
	v43 =	vor.u32 v4, v31;
	v52 =	vld.idx.msk [tilespmem:v53+s4+$0x0], $0xffff;
	v53 =	vor.u32 v0, v40  }
0x10a: {  	[tilespmem:v60+s19+$0x0] =	vst.idx.msk $0xffff, v45;
	v45 =	vor.u32 v3, v39;
	v60 =	vor.u32 v2, v41;
	v44 =	vld.idx.msk [tilespmem:v44+s4+$0x0], $0xffff  }
0x10b: {  	[tilespmem:v54+s19+$0x0] =	vst.idx.msk $0xffff, v47;
	v47 =	vor.u32 v4, v38;
	v48 =	vld.idx.msk [tilespmem:v48+s4+$0x0], $0xffff;
	v54 =	vor.u32 v3, v37  }
0x10c: {  	v50 =	vor.u32 v9, v32;
	[tilespmem:v63+s19+$0x0] =	vst.idx.msk $0xffff, v62;
	v49 =	vld.idx.msk [tilespmem:v61+s4+$0x0], $0xffff;
	v61 =	vor.u32 v4, v36  }
0x10d: {  	[tilespmem:v55+s19+$0x0] =	vst.idx.msk $0xffff, v42;
	v42 =	vor.u32 v10, v33;
	v63 =	vor.u32 v5, v35;
	v62 =	vld.idx.msk [tilespmem:v56+s4+$0x0], $0xffff  }
0x10e: {  	v43 =	vld.idx.msk [tilespmem:v43+s4+$0x0], $0xffff;
	[tilespmem:v53+s19+$0x0] =	vst.idx.msk $0xffff, v52;
	v52 =	vor.u32 v5, v30;
	v53 =	vor.u32 v6, v34  }
0x10f: {  	[tilespmem:v45+s19+$0x0] =	vst.idx.msk $0xffff, v44;
	v44 =	vor.u32 v6, v31;
	v45 =	vld.idx.msk [tilespmem:v60+s4+$0x0], $0xffff;
	v60 =	vor.u32 v3, v40  }
0x110: {  	[tilespmem:v54+s19+$0x0] =	vst.idx.msk $0xffff, v48;
	v48 =	vor.u32 v5, v39;
	v54 =	vor.u32 v4, v41;
	v47 =	vld.idx.msk [tilespmem:v47+s4+$0x0], $0xffff  }
0x111: {  	[tilespmem:v50+s19+$0x0] =	vst.idx.msk $0xffff, v49;
	v49 =	vor.u32 v6, v38;
	v50 =	vld.idx.msk [tilespmem:v61+s4+$0x0], $0xffff;
	v61 =	vor.u32 v5, v37  }
0x112: {  	[tilespmem:v63+s19+$0x0] =	vst.idx.msk $0xffff, v62;
	v62 =	vor.u32 v11, v32;
	v63 =	vor.u32 v6, v36;
	v42 =	vld.idx.msk [tilespmem:v42+s4+$0x0], $0xffff  }
0x113: {  	[tilespmem:v52+s19+$0x0] =	vst.idx.msk $0xffff, v43;
	v43 =	vor.u32 v12, v33;
	v52 =	vld.idx.msk [tilespmem:v53+s4+$0x0], $0xffff;
	v53 =	vor.u32 v7, v35  }
0x114: {  	v44 =	vld.idx.msk [tilespmem:v44+s4+$0x0], $0xffff;
	[tilespmem:v60+s19+$0x0] =	vst.idx.msk $0xffff, v45;
	v45 =	vor.u32 v7, v30;
	v60 =	vor.u32 v8, v34  }
0x115: {  	[tilespmem:v48+s19+$0x0] =	vst.idx.msk $0xffff, v47;
	v47 =	vor.u32 v8, v31;
	v48 =	vld.idx.msk [tilespmem:v54+s4+$0x0], $0xffff;
	v54 =	vor.u32 v5, v40  }
0x116: {  	[tilespmem:v61+s19+$0x0] =	vst.idx.msk $0xffff, v50;
	v50 =	vor.u32 v7, v39;
	v61 =	vor.u32 v6, v41;
	v49 =	vld.idx.msk [tilespmem:v49+s4+$0x0], $0xffff  }
0x117: {  	[tilespmem:v62+s19+$0x0] =	vst.idx.msk $0xffff, v42;
	v42 =	vor.u32 v8, v38;
	v62 =	vld.idx.msk [tilespmem:v63+s4+$0x0], $0xffff;
	v63 =	vor.u32 v7, v37  }
0x118: {  	v57 =	vor.u32 v13, v32;
	v58 =	vor.u32 v8, v36;
	v43 =	vld.idx.msk [tilespmem:v43+s4+$0x0], $0xffff;
	[tilespmem:v53+s19+$0x0] =	vst.idx.msk $0xffff, v52  }
0x119: {  	[tilespmem:v45+s19+$0x0] =	vst.idx.msk $0xffff, v44;
	v59 =	vld.idx.msk [tilespmem:v60+s4+$0x0], $0xffff;
	v60 =	vor.u32 v9, v35  }
0x11a: {  	v33 =	vor.u32 v14, v33;
	v46 =	vld.idx.msk [tilespmem:v47+s4+$0x0], $0xffff;
	[tilespmem:v54+s19+$0x0] =	vst.idx.msk $0xffff, v48  }
0x11b: {  	v47 =	vor.u32 v10, v34;
	[tilespmem:v50+s19+$0x0] =	vst.idx.msk $0xffff, v49;
	v48 =	vld.idx.msk [tilespmem:v61+s4+$0x0], $0xffff;
	v61 =	vor.u32 v7, v40  }
0x11c: {  	v50 =	vor.u32 v9, v39;
	[tilespmem:v63+s19+$0x0] =	vst.idx.msk $0xffff, v62;
	v62 =	vor.u32 v8, v41;
	v42 =	vld.idx.msk [tilespmem:v42+s4+$0x0], $0xffff  }
0x11d: {  	v53 =	vor.u32 v9, v37;
	v52 =	vld.idx.msk [tilespmem:v58+s4+$0x0], $0xffff;
	[tilespmem:v57+s19+$0x0] =	vst.idx.msk $0xffff, v43;
	v43 =	vor.u32 v10, v38  }
0x11e: {  	v55 =	vor.u32 $0x10, v17;
	v63 =	vor.u32 v9, v30;
	[tilespmem:v60+s19+$0x0] =	vst.idx.msk $0xffff, v59;
	v60 =	vor.u32 v10, v36  }
0x11f: {  	v56 =	vor.u32 v15, v32;
	v32 =	vshll.u32 v55, $0x1;
	v33 =	vld.idx.msk [tilespmem:v33+s4+$0x0], $0xffff  }
0x120: {  	v47 =	vld.idx.msk [tilespmem:v47+s4+$0x0], $0xffff;
	[tilespmem:v61+s19+$0x0] =	vst.idx.msk $0xffff, v48;
	v48 =	vor.u32 v1, v32;
	v61 =	vor.u32 v11, v35  }
0x121: {  	[tilespmem:v50+s19+$0x0] =	vst.idx.msk $0xffff, v42;
	v42 =	vor.u32 v12, v34;
	v50 =	vld.idx.msk [tilespmem:v62+s4+$0x0], $0xffff;
	v62 =	vor.u32 v9, v40  }
0x122: {  	[tilespmem:v53+s19+$0x0] =	vst.idx.msk $0xffff, v52;
	v52 =	vor.u32 v11, v39;
	v53 =	vor.u32 v10, v41;
	v43 =	vld.idx.msk [tilespmem:v43+s4+$0x0], $0xffff  }
0x123: {  	[tilespmem:v63+s19+$0x0] =	vst.idx.msk $0xffff, v46;
	v63 =	vor.u32 v12, v38;
	v44 =	vld.idx.msk [tilespmem:v60+s4+$0x0], $0xffff;
	v60 =	vor.u32 v11, v37  }
0x124: {  	v51 =	vor.u32 v11, v40;
	[tilespmem:v56+s19+$0x0] =	vst.idx.msk $0xffff, v33;
	v56 =	vor.u32 v10, v31;
	v33 =	vshll.u32 v55, $0x7  }
0x125: {  	v55 =	vor.u32 v0, v33;
	v48 =	vld.idx.msk [tilespmem:v48+s4+$0x0], $0xffff;
	[tilespmem:v61+s19+$0x0] =	vst.idx.msk $0xffff, v47;
	v47 =	vor.u32 v12, v36  }
0x126: {  	v61 =	vor.u32 v2, v32;
	v42 =	vld.idx.msk [tilespmem:v42+s4+$0x0], $0xffff;
	[tilespmem:v62+s19+$0x0] =	vst.idx.msk $0xffff, v50;
	v62 =	vor.u32 v13, v35  }
0x127: {  	v45 =	vor.u32 v12, v23;
	v58 =	vor.u32 v4, v32;
	[tilespmem:v52+s19+$0x0] =	vst.idx.msk $0xffff, v43;
	v43 =	vld.idx.msk [tilespmem:v53+s4+$0x0], $0xffff  }
0x128: {  	v46 =	vld.idx.msk [tilespmem:v63+s4+$0x0], $0xffff;
	v63 =	vor.u32 v13, v39;
	[tilespmem:v60+s19+$0x0] =	vst.idx.msk $0xffff, v44;
	v60 =	vor.u32 v12, v41  }
0x129: {  	v57 =	vor.u32 v14, v34;
	v38 =	vor.u32 v14, v38;
	v35 =	vor.u32 v15, v35;
	v54 =	vld.idx.msk [tilespmem:v56+s4+$0x0], $0xffff  }
0x12a: {  	v50 =	vor.u32 v13, v30;
	[tilespmem:v55+s19+$0x0] =	vst.idx.msk $0xffff, v48;
	v47 =	vld.idx.msk [tilespmem:v47+s4+$0x0], $0xffff;
	v48 =	vor.u32 v13, v37  }
0x12b: {  	v56 =	vor.u32 v11, v30;
	v49 =	vld.idx.msk [tilespmem:v61+s4+$0x0], $0xffff;
	[tilespmem:v62+s19+$0x0] =	vst.idx.msk $0xffff, v42;
	v61 =	vor.u32 v14, v36  }
0x12c: {  	v45 =	vld.idx.msk [tilespmem:v45+s4+$0x0], $0xffff;
	v55 =	vor.u32 v12, v31;
	v62 =	vor.u32 v3, v33;
	[tilespmem:v51+s19+$0x0] =	vst.idx.msk $0xffff, v43  }
0x12d: {  	v43 =	vor.u32 $0x10, v19;
	[tilespmem:v63+s19+$0x0] =	vst.idx.msk $0xffff, v46;
	v44 =	vld.idx.msk [tilespmem:v60+s4+$0x0], $0xffff;
	v63 =	vor.u32 v13, v40  }
0x12e: {  	v41 =	vor.u32 v14, v41;
	v51 =	vld.idx.msk [tilespmem:v57+s4+$0x0], $0xffff;
	v34 =	vshll.u32 v43, $0x1;
	v60 =	vor.u32 v15, v39  }
0x12f: {  	v52 =	vor.u32 v1, v34;
	v38 =	vld.idx.msk [tilespmem:v38+s4+$0x0], $0xffff;
	[tilespmem:v48+s19+$0x0] =	vst.idx.msk $0xffff, v47;
	v47 =	vor.u32 $0x10, v20  }
0x130: {  	[tilespmem:v56+s19+$0x0] =	vst.idx.msk $0xffff, v54;
	v54 =	vor.u32 $0x10, v18;
	v36 =	vshll.u32 v47, $0x1;
	v42 =	vld.idx.msk [tilespmem:v61+s4+$0x0], $0xffff;
	v61 =	vor.u32 v15, v37  }
0x131: {  	v53 =	vor.u32 v13, v22;
	[tilespmem:v62+s19+$0x0] =	vst.idx.msk $0xffff, v49;
	v37 =	vshll.u32 v54, $0x1;
	v62 =	vor.u32 v1, v36  }
0x132: {  	v46 =	vor.u32 $0x10, v21;
	v55 =	vld.idx.msk [tilespmem:v55+s4+$0x0], $0xffff;
	[tilespmem:v63+s19+$0x0] =	vst.idx.msk $0xffff, v44;
	v63 =	vor.u32 v1, v37  }
0x133: {  	v40 =	vor.u32 v15, v40;
	v39 =	vshll.u32 v46, $0x1;
	[tilespmem:v35+s19+$0x0] =	vst.idx.msk $0xffff, v51;
	v35 =	vshll.u32 v43, $0x7;
	v41 =	vld.idx.msk [tilespmem:v41+s4+$0x0], $0xffff  }
0x134: {  	v51 =	vor.u32 v0, v35;
	v43 =	vld.idx.msk [tilespmem:v52+s4+$0x0], $0xffff;
	[tilespmem:v60+s19+$0x0] =	vst.idx.msk $0xffff, v38;
	v60 =	vor.u32 v1, v39  }
0x135: {  	v56 =	vld.idx.msk [tilespmem:v58+s4+$0x0], $0xffff;
	v38 =	vshll.u32 v47, $0x7;
	[tilespmem:v61+s19+$0x0] =	vst.idx.msk $0xffff, v42;
	v61 =	vor.u32 v2, v34  }
0x136: {  	v47 =	vor.u32 v14, v31;
	v31 =	vshll.u32 v54, $0x7;
	v48 =	vld.idx.msk [tilespmem:v62+s4+$0x0], $0xffff;
	v62 =	vor.u32 v0, v38  }
0x137: {  	[tilespmem:v53+s19+$0x0] =	vst.idx.msk $0xffff, v45;
	v45 =	vor.u32 v2, v36;
	v53 =	vor.u32 v0, v31;
	v44 =	vld.idx.msk [tilespmem:v63+s4+$0x0], $0xffff  }
0x138: {  	v63 =	vor.u32 v2, v37;
	[tilespmem:v40+s19+$0x0] =	vst.idx.msk $0xffff, v41;
	v41 =	vor.u32 v5, v33;
	v40 =	vshll.u32 v46, $0x7  }
0x139: {  	v57 =	vor.u32 v6, v32;
	[tilespmem:v51+s19+$0x0] =	vst.idx.msk $0xffff, v43;
	v58 =	vld.idx.msk [tilespmem:v60+s4+$0x0], $0xffff;
	v59 =	vor.u32 v0, v40  }
0x13a: {  	[tilespmem:v50+s19+$0x0] =	vst.idx.msk $0xffff, v55;
	v60 =	vor.u32 v3, v35;
	v42 =	vld.idx.msk [tilespmem:v61+s4+$0x0], $0xffff;
	v61 =	vor.u32 v2, v39  }
0x13b: {  	v30 =	vor.u32 v15, v30;
	v47 =	vld.idx.msk [tilespmem:v47+s4+$0x0], $0xffff;
	[tilespmem:v62+s19+$0x0] =	vst.idx.msk $0xffff, v48;
	v62 =	vor.u32 v4, v34  }
0x13c: {  	v49 =	vor.u32 v3, v38;
	v45 =	vld.idx.msk [tilespmem:v45+s4+$0x0], $0xffff;
	[tilespmem:v53+s19+$0x0] =	vst.idx.msk $0xffff, v44  }
0x13d: {  	v53 =	vor.u32 v3, v31;
	[tilespmem:v41+s19+$0x0] =	vst.idx.msk $0xffff, v56;
	v41 =	vor.u32 v4, v36;
	v44 =	vld.idx.msk [tilespmem:v63+s4+$0x0], $0xffff  }
0x13e: {  	v55 =	vor.u32 v4, v37;
	v63 =	vor.u32 v7, v33;
	v43 =	vld.idx.msk [tilespmem:v57+s4+$0x0], $0xffff;
	[tilespmem:v59+s19+$0x0] =	vst.idx.msk $0xffff, v58  }
0x13f: {  	v57 =	vor.u32 v8, v32;
	v58 =	vor.u32 v3, v40;
	[tilespmem:v60+s19+$0x0] =	vst.idx.msk $0xffff, v42;
	v56 =	vld.idx.msk [tilespmem:v61+s4+$0x0], $0xffff  }
0x140: {  	[tilespmem:v30+s19+$0x0] =	vst.idx.msk $0xffff, v47;
	v60 =	vor.u32 v5, v35;
	v61 =	vor.u32 v4, v39;
	v59 =	vld.idx.msk [tilespmem:v62+s4+$0x0], $0xffff  }
0x141: {  	v62 =	vor.u32 v6, v34;
	[tilespmem:v49+s19+$0x0] =	vst.idx.msk $0xffff, v45  }
0x142: {  	v45 =	vor.u32 v5, v38;
	v41 =	vld.idx.msk [tilespmem:v41+s4+$0x0], $0xffff;
	[tilespmem:v53+s19+$0x0] =	vst.idx.msk $0xffff, v44  }
0x143: {  	v49 =	vor.u32 v5, v31;
	[tilespmem:v63+s19+$0x0] =	vst.idx.msk $0xffff, v43;
	v63 =	vor.u32 v6, v36;
	v44 =	vld.idx.msk [tilespmem:v55+s4+$0x0], $0xffff  }
0x144: {  	v52 =	vor.u32 v9, v33;
	v46 =	vld.idx.msk [tilespmem:v57+s4+$0x0], $0xffff;
	v57 =	vor.u32 v6, v37;
	[tilespmem:v58+s19+$0x0] =	vst.idx.msk $0xffff, v56  }
0x145: {  	v47 =	vor.u32 v5, v40;
	v58 =	vor.u32 v10, v32;
	[tilespmem:v60+s19+$0x0] =	vst.idx.msk $0xffff, v59;
	v30 =	vld.idx.msk [tilespmem:v61+s4+$0x0], $0xffff  }
0x146: {  	v48 =	vor.u32 $0x20, v24;
	v60 =	vor.u32 v7, v35;
	v61 =	vor.u32 v6, v39;
	v59 =	vld.idx.msk [tilespmem:v62+s4+$0x0], $0xffff  }
0x147: {  	v24 =	vshll.u32 v48, $0x1;
	v62 =	vor.u32 v8, v34;
	[tilespmem:v45+s19+$0x0] =	vst.idx.msk $0xffff, v41  }
0x148: {  	v41 =	vor.u32 v1, v24;
	v43 =	vld.idx.msk [tilespmem:v63+s4+$0x0], $0xffff;
	v63 =	vor.u32 v7, v38;
	[tilespmem:v49+s19+$0x0] =	vst.idx.msk $0xffff, v44  }
0x149: {  	v44 =	vor.u32 v8, v36;
	v49 =	vor.u32 v7, v31;
	[tilespmem:v52+s19+$0x0] =	vst.idx.msk $0xffff, v46;
	v46 =	vld.idx.msk [tilespmem:v57+s4+$0x0], $0xffff  }
0x14a: {  	v57 =	vor.u32 v11, v33;
	v42 =	vld.idx.msk [tilespmem:v58+s4+$0x0], $0xffff;
	v58 =	vor.u32 v8, v37;
	[tilespmem:v47+s19+$0x0] =	vst.idx.msk $0xffff, v30  }
0x14b: {  	v47 =	vor.u32 v12, v32;
	[tilespmem:v60+s19+$0x0] =	vst.idx.msk $0xffff, v59;
	v59 =	vld.idx.msk [tilespmem:v61+s4+$0x0], $0xffff;
	v60 =	vor.u32 v7, v40  }
0x14c: {  	v30 =	vshll.u32 v48, $0x7;
	v61 =	vor.u32 v9, v35;
	v48 =	vld.idx.msk [tilespmem:v62+s4+$0x0], $0xffff;
	v62 =	vor.u32 v8, v39  }
0x14d: {  	v41 =	vld.idx.msk [tilespmem:v41+s4+$0x0], $0xffff;
	[tilespmem:v63+s19+$0x0] =	vst.idx.msk $0xffff, v43;
	v43 =	vor.u32 v0, v30;
	v63 =	vor.u32 v10, v34  }
0x14e: {  	v56 =	vor.u32 v9, v38;
	[tilespmem:v49+s19+$0x0] =	vst.idx.msk $0xffff, v46;
	v44 =	vld.idx.msk [tilespmem:v44+s4+$0x0], $0xffff  }
0x14f: {  	[tilespmem:v57+s19+$0x0] =	vst.idx.msk $0xffff, v42;
	v57 =	vor.u32 v10, v36;
	v49 =	vld.idx.msk [tilespmem:v58+s4+$0x0], $0xffff;
	v58 =	vor.u32 v9, v31  }
0x150: {  	v47 =	vld.idx.msk [tilespmem:v47+s4+$0x0], $0xffff;
	[tilespmem:v60+s19+$0x0] =	vst.idx.msk $0xffff, v59;
	v59 =	vor.u32 v13, v33;
	v60 =	vor.u32 v10, v37  }
0x151: {  	[tilespmem:v61+s19+$0x0] =	vst.idx.msk $0xffff, v48;
	v61 =	vld.idx.msk [tilespmem:v62+s4+$0x0], $0xffff;
	v62 =	vor.u32 v9, v40  }
0x152: {  	v54 =	vor.u32 v11, v35;
	v55 =	vor.u32 v10, v39;
	[tilespmem:v43+s19+$0x0] =	vst.idx.msk $0xffff, v41;
	v63 =	vld.idx.msk [tilespmem:v63+s4+$0x0], $0xffff  }
0x153: {  	[tilespmem:v56+s19+$0x0] =	vst.idx.msk $0xffff, v44;
	v56 =	vor.u32 v12, v34  }
0x154: {  	v32 =	vor.u32 v14, v32;
	[tilespmem:v58+s19+$0x0] =	vst.idx.msk $0xffff, v49;
	v42 =	vld.idx.msk [tilespmem:v57+s4+$0x0], $0xffff;
	v57 =	vor.u32 v11, v38  }
0x155: {  	v58 =	vor.u32 v12, v36;
	[tilespmem:v59+s19+$0x0] =	vst.idx.msk $0xffff, v47;
	v49 =	vld.idx.msk [tilespmem:v60+s4+$0x0], $0xffff;
	v59 =	vor.u32 v11, v31  }
0x156: {  	v25 =	vor.u32 $0x20, v25;
	v51 =	vor.u32 v14, v23;
	v60 =	vor.u32 v12, v37;
	[tilespmem:v62+s19+$0x0] =	vst.idx.msk $0xffff, v61  }
0x157: {  	v26 =	vor.u32 $0x20, v26;
	v23 =	vshll.u32 v25, $0x1;
	v61 =	vor.u32 v11, v40;
	[tilespmem:v54+s19+$0x0] =	vst.idx.msk $0xffff, v63;
	v41 =	vld.idx.msk [tilespmem:v55+s4+$0x0], $0xffff  }
0x158: {  	v53 =	vor.u32 v2, v23;
	v62 =	vor.u32 v13, v35;
	v63 =	vor.u32 v12, v39;
	v44 =	vld.idx.msk [tilespmem:v56+s4+$0x0], $0xffff  }
0x159: {  	v33 =	vor.u32 v15, v33;
	v32 =	vld.idx.msk [tilespmem:v32+s4+$0x0], $0xffff;
	v56 =	vor.u32 v2, v24;
	[tilespmem:v57+s19+$0x0] =	vst.idx.msk $0xffff, v42  }
0x15a: {  	v45 =	vor.u32 v4, v24;
	v57 =	vor.u32 v1, v23;
	[tilespmem:v59+s19+$0x0] =	vst.idx.msk $0xffff, v49;
	v47 =	vld.idx.msk [tilespmem:v58+s4+$0x0], $0xffff  }
0x15b: {  	v48 =	vor.u32 v3, v30;
	v34 =	vor.u32 v14, v34;
	v58 =	vor.u32 v13, v38;
	v59 =	vld.idx.msk [tilespmem:v60+s4+$0x0], $0xffff  }
0x15c: {  	v36 =	vor.u32 v14, v36;
	v60 =	vor.u32 v13, v31;
	[tilespmem:v61+s19+$0x0] =	vst.idx.msk $0xffff, v41;
	v61 =	vld.idx.msk [tilespmem:v51+s4+$0x0], $0xffff  }
0x15d: {  	v37 =	vor.u32 v14, v37;
	[tilespmem:v62+s19+$0x0] =	vst.idx.msk $0xffff, v44;
	v43 =	vld.idx.msk [tilespmem:v63+s4+$0x0], $0xffff;
	v62 =	vor.u32 v13, v40  }
0x15e: {  	v39 =	vor.u32 v14, v39;
	[tilespmem:v33+s19+$0x0] =	vst.idx.msk $0xffff, v32;
	v63 =	vor.u32 v15, v22;
	v42 =	vld.idx.msk [tilespmem:v56+s4+$0x0], $0xffff  }
0x15f: {  	v55 =	vor.u32 v15, v35;
	v38 =	vor.u32 v15, v38;
	v22 =	vshll.u32 v25, $0x7;
	v46 =	vld.idx.msk [tilespmem:v57+s4+$0x0], $0xffff  }
0x160: {  	v25 =	vshll.u32 v26, $0x1;
	v40 =	vor.u32 v15, v40;
	v54 =	vld.idx.msk [tilespmem:v34+s4+$0x0], $0xffff;
	v57 =	vor.u32 $0x20, v28;
	[tilespmem:v58+s19+$0x0] =	vst.idx.msk $0xffff, v47  }
0x161: {  	v52 =	vor.u32 v0, v22;
	v56 =	vor.u32 v1, v25;
	v28 =	vshll.u32 v57, $0x1;
	[tilespmem:v60+s19+$0x0] =	vst.idx.msk $0xffff, v59  }
0x162: {  	v26 =	vshll.u32 v26, $0x7;
	v36 =	vld.idx.msk [tilespmem:v36+s4+$0x0], $0xffff;
	v58 =	vor.u32 v1, v28;
	v60 =	vor.u32 $0x20, v27;
	[tilespmem:v62+s19+$0x0] =	vst.idx.msk $0xffff, v43  }
0x163: {  	v59 =	vor.u32 v15, v31;
	v37 =	vld.idx.msk [tilespmem:v37+s4+$0x0], $0xffff;
	v27 =	vshll.u32 v60, $0x1;
	[tilespmem:v63+s19+$0x0] =	vst.idx.msk $0xffff, v61;
	v61 =	vor.u32 $0x20, v29  }
0x164: {  	v33 =	vshll.u32 v57, $0x7;
	v62 =	vor.u32 v1, v27;
	[tilespmem:v48+s19+$0x0] =	vst.idx.msk $0xffff, v42;
	v39 =	vld.idx.msk [tilespmem:v39+s4+$0x0], $0xffff;
	v31 =	vshll.u32 v61, $0x1  }
0x165: {  	v29 =	vshll.u32 v60, $0x7;
	v50 =	vor.u32 v10, v27;
	[tilespmem:v55+s19+$0x0] =	vst.idx.msk $0xffff, v54;
	v63 =	vor.u32 v1, v31  }
0x166: {  	[tilespmem:v52+s19+$0x0] =	vst.idx.msk $0xffff, v46;
	v54 =	vor.u32 v3, v22;
	v55 =	vor.u32 v0, v26;
	v34 =	vld.idx.msk [tilespmem:v56+s4+$0x0], $0xffff  }
0x167: {  	v60 =	vor.u32 v0, v29;
	v47 =	vld.idx.msk [tilespmem:v53+s4+$0x0], $0xffff;
	v56 =	vor.u32 v2, v25;
	[tilespmem:v38+s19+$0x0] =	vst.idx.msk $0xffff, v36  }
0x168: {  	v38 =	vor.u32 v4, v23;
	[tilespmem:v59+s19+$0x0] =	vst.idx.msk $0xffff, v37;
	v57 =	vld.idx.msk [tilespmem:v58+s4+$0x0], $0xffff;
	v58 =	vor.u32 v0, v33  }
0x169: {  	v32 =	vshll.u32 v61, $0x7;
	v59 =	vld.idx.msk [tilespmem:v62+s4+$0x0], $0xffff;
	[tilespmem:v40+s19+$0x0] =	vst.idx.msk $0xffff, v39;
	v39 =	vor.u32 v2, v28  }
0x16a: {  	v61 =	vor.u32 v2, v27;
	v52 =	vor.u32 v5, v30;
	v62 =	vld.idx.msk [tilespmem:v63+s4+$0x0], $0xffff;
	v63 =	vor.u32 v0, v32  }
0x16b: {  	v45 =	vld.idx.msk [tilespmem:v45+s4+$0x0], $0xffff;
	v49 =	vor.u32 v9, v29;
	v53 =	vor.u32 v2, v31;
	[tilespmem:v55+s19+$0x0] =	vst.idx.msk $0xffff, v34  }
0x16c: {  	[tilespmem:v54+s19+$0x0] =	vst.idx.msk $0xffff, v47;
	v54 =	vor.u32 v6, v24;
	v55 =	vor.u32 v3, v26;
	v37 =	vld.idx.msk [tilespmem:v56+s4+$0x0], $0xffff  }
0x16d: {  	v38 =	vld.idx.msk [tilespmem:v38+s4+$0x0], $0xffff;
	v56 =	vor.u32 v5, v22;
	[tilespmem:v58+s19+$0x0] =	vst.idx.msk $0xffff, v57;
	v57 =	vor.u32 v4, v25  }
0x16e: {  	v58 =	vor.u32 v6, v23;
	[tilespmem:v60+s19+$0x0] =	vst.idx.msk $0xffff, v59;
	v59 =	vor.u32 v3, v33;
	v39 =	vld.idx.msk [tilespmem:v39+s4+$0x0], $0xffff  }
0x16f: {  	v60 =	vor.u32 v4, v28;
	v41 =	vld.idx.msk [tilespmem:v61+s4+$0x0], $0xffff;
	v61 =	vor.u32 v3, v29;
	[tilespmem:v63+s19+$0x0] =	vst.idx.msk $0xffff, v62  }
0x170: {  	[tilespmem:v52+s19+$0x0] =	vst.idx.msk $0xffff, v45;
	v62 =	vor.u32 v4, v27;
	v63 =	vor.u32 v3, v32;
	v36 =	vld.idx.msk [tilespmem:v53+s4+$0x0], $0xffff  }
0x171: {  	v52 =	vor.u32 v7, v30;
	v47 =	vld.idx.msk [tilespmem:v54+s4+$0x0], $0xffff;
	[tilespmem:v55+s19+$0x0] =	vst.idx.msk $0xffff, v37;
	v53 =	vor.u32 v4, v31  }
0x172: {  	v54 =	vor.u32 v8, v24;
	[tilespmem:v56+s19+$0x0] =	vst.idx.msk $0xffff, v38;
	v56 =	vor.u32 v5, v26;
	v55 =	vld.idx.msk [tilespmem:v57+s4+$0x0], $0xffff  }
0x173: {  	v40 =	vld.idx.msk [tilespmem:v58+s4+$0x0], $0xffff;
	v57 =	vor.u32 v7, v22;
	v58 =	vor.u32 v6, v25;
	[tilespmem:v59+s19+$0x0] =	vst.idx.msk $0xffff, v39  }
0x174: {  	[tilespmem:v61+s19+$0x0] =	vst.idx.msk $0xffff, v41;
	v59 =	vor.u32 v8, v23;
	v42 =	vld.idx.msk [tilespmem:v60+s4+$0x0], $0xffff;
	v60 =	vor.u32 v5, v33  }
0x175: {  	v61 =	vor.u32 v6, v28;
	v34 =	vld.idx.msk [tilespmem:v62+s4+$0x0], $0xffff;
	v62 =	vor.u32 v5, v29;
	[tilespmem:v63+s19+$0x0] =	vst.idx.msk $0xffff, v36  }
0x176: {  	v37 =	vor.u32 v6, v27;
	[tilespmem:v52+s19+$0x0] =	vst.idx.msk $0xffff, v47;
	v52 =	vor.u32 v5, v32;
	v63 =	vld.idx.msk [tilespmem:v53+s4+$0x0], $0xffff  }
0x177: {  	v35 =	vld.idx.msk [tilespmem:v54+s4+$0x0], $0xffff;
	v54 =	vor.u32 v6, v31;
	[tilespmem:v56+s19+$0x0] =	vst.idx.msk $0xffff, v55;
	v53 =	vor.u32 v9, v30  }
0x178: {  	[tilespmem:v57+s19+$0x0] =	vst.idx.msk $0xffff, v40;
	v55 =	vor.u32 v10, v24;
	v57 =	vor.u32 v7, v26;
	v56 =	vld.idx.msk [tilespmem:v58+s4+$0x0], $0xffff  }
0x179: {  	v58 =	vor.u32 v9, v22;
	v41 =	vld.idx.msk [tilespmem:v59+s4+$0x0], $0xffff;
	v59 =	vor.u32 v8, v25;
	[tilespmem:v60+s19+$0x0] =	vst.idx.msk $0xffff, v42  }
0x17a: {  	[tilespmem:v62+s19+$0x0] =	vst.idx.msk $0xffff, v34;
	v60 =	vor.u32 v10, v23;
	v36 =	vld.idx.msk [tilespmem:v61+s4+$0x0], $0xffff;
	v61 =	vor.u32 v7, v33  }
0x17b: {  	v62 =	vor.u32 v8, v28;
	v37 =	vld.idx.msk [tilespmem:v37+s4+$0x0], $0xffff;
	[tilespmem:v52+s19+$0x0] =	vst.idx.msk $0xffff, v63;
	v63 =	vor.u32 v7, v29  }
0x17c: {  	[tilespmem:v53+s19+$0x0] =	vst.idx.msk $0xffff, v35;
	v35 =	vor.u32 v8, v27;
	v53 =	vor.u32 v7, v32;
	v52 =	vld.idx.msk [tilespmem:v54+s4+$0x0], $0xffff  }
0x17d: {  	v39 =	vld.idx.msk [tilespmem:v55+s4+$0x0], $0xffff;
	[tilespmem:v57+s19+$0x0] =	vst.idx.msk $0xffff, v56;
	v54 =	vor.u32 v11, v30;
	v55 =	vor.u32 v8, v31  }
0x17e: {  	v56 =	vor.u32 v12, v24;
	[tilespmem:v58+s19+$0x0] =	vst.idx.msk $0xffff, v41;
	v57 =	vld.idx.msk [tilespmem:v59+s4+$0x0], $0xffff;
	v58 =	vor.u32 v9, v26  }
0x17f: {  	v24 =	vor.u32 v14, v24;
	v59 =	vor.u32 v11, v22;
	[tilespmem:v61+s19+$0x0] =	vst.idx.msk $0xffff, v36  }
0x180: {  	v34 =	vld.idx.msk [tilespmem:v60+s4+$0x0], $0xffff;
	v60 =	vor.u32 v10, v25;
	v61 =	vor.u32 v12, v23;
	[tilespmem:v63+s19+$0x0] =	vst.idx.msk $0xffff, v37  }
0x181: {  	v47 =	vld.idx.msk [tilespmem:v62+s4+$0x0], $0xffff;
	v62 =	vor.u32 v9, v33;
	v63 =	vor.u32 v10, v28;
	[tilespmem:v53+s19+$0x0] =	vst.idx.msk $0xffff, v52  }
0x182: {  	v35 =	vld.idx.msk [tilespmem:v35+s4+$0x0], $0xffff;
	[tilespmem:v54+s19+$0x0] =	vst.idx.msk $0xffff, v39;
	v52 =	vor.u32 v9, v32;
	v53 =	vor.u32 v13, v30  }
0x183: {  	v54 =	vor.u32 v10, v31;
	v30 =	vor.u32 v15, v30;
	v51 =	vld.idx.msk [tilespmem:v55+s4+$0x0], $0xffff;
	[tilespmem:v58+s19+$0x0] =	vst.idx.msk $0xffff, v57  }
0x184: {  	v41 =	vld.idx.msk [tilespmem:v56+s4+$0x0], $0xffff;
	v56 =	vor.u32 v11, v26;
	v57 =	vor.u32 v13, v22;
	v58 =	vor.u32 v12, v25  }
0x185: {  	v25 =	vor.u32 v14, v25;
	[tilespmem:v59+s19+$0x0] =	vst.idx.msk $0xffff, v34;
	v55 =	vld.idx.msk [tilespmem:v60+s4+$0x0], $0xffff;
	v60 =	vor.u32 v11, v33  }
0x186: {  	v37 =	vld.idx.msk [tilespmem:v61+s4+$0x0], $0xffff;
	v61 =	vor.u32 v12, v28;
	v28 =	vor.u32 v14, v28;
	[tilespmem:v62+s19+$0x0] =	vst.idx.msk $0xffff, v47  }
0x187: {  	v62 =	vor.u32 v11, v29;
	[tilespmem:v49+s19+$0x0] =	vst.idx.msk $0xffff, v35;
	v59 =	vld.idx.msk [tilespmem:v63+s4+$0x0], $0xffff;
	v63 =	vor.u32 v12, v27  }
0x188: {  	v49 =	vor.u32 v11, v32;
	v27 =	vor.u32 v14, v27;
	[tilespmem:v52+s19+$0x0] =	vst.idx.msk $0xffff, v51;
	v39 =	vld.idx.msk [tilespmem:v50+s4+$0x0], $0xffff  }
0x189: {  	[tilespmem:v53+s19+$0x0] =	vst.idx.msk $0xffff, v41;
	v50 =	vor.u32 v13, v26;
	v51 =	vor.u32 v12, v31;
	v48 =	vld.idx.msk [tilespmem:v54+s4+$0x0], $0xffff  }
0x18a: {  	v16 =	vor.u32 $0x30, v16;
	v52 =	vor.u32 v14, v23;
	v53 =	vor.u32 v13, v33;
	[tilespmem:v56+s19+$0x0] =	vst.idx.msk $0xffff, v55  }
0x18b: {  	v23 =	vshll.u32 v16, $0x1;
	v16 =	vshll.u32 v16, $0x7;
	v31 =	vor.u32 v14, v31;
	v24 =	vld.idx.msk [tilespmem:v24+s4+$0x0], $0xffff;
	[tilespmem:v57+s19+$0x0] =	vst.idx.msk $0xffff, v37  }
0x18c: {  	v26 =	vor.u32 v15, v26;
	v33 =	vor.u32 v15, v33;
	v34 =	vld.idx.msk [tilespmem:v58+s4+$0x0], $0xffff;
	[tilespmem:v60+s19+$0x0] =	vst.idx.msk $0xffff, v59  }
0x18d: {  	v54 =	vor.u32 v13, v29;
	v55 =	vor.u32 v1, v23;
	v38 =	vld.idx.msk [tilespmem:v61+s4+$0x0], $0xffff;
	[tilespmem:v62+s19+$0x0] =	vst.idx.msk $0xffff, v39  }
0x18e: {  	v43 =	vor.u32 v0, v16;
	v29 =	vor.u32 v15, v29;
	v39 =	vld.idx.msk [tilespmem:v63+s4+$0x0], $0xffff;
	[tilespmem:v49+s19+$0x0] =	vst.idx.msk $0xffff, v48  }
0x18f: {  	v57 =	vor.u32 v13, v32;
	v37 =	vor.u32 v2, v23;
	v58 =	vor.u32 $0x30, v17;
	v56 =	vld.idx.msk [tilespmem:v51+s4+$0x0], $0xffff  }
0x190: {  	v17 =	vshll.u32 v58, $0x1;
	v59 =	vor.u32 $0x30, v19;
	v60 =	vor.u32 v15, v22;
	[tilespmem:v30+s19+$0x0] =	vst.idx.msk $0xffff, v24  }
0x191: {  	v35 =	vld.idx.msk [tilespmem:v52+s4+$0x0], $0xffff;
	v61 =	vor.u32 v1, v17;
	v19 =	vshll.u32 v59, $0x1;
	v52 =	vor.u32 $0x30, v21;
	[tilespmem:v50+s19+$0x0] =	vst.idx.msk $0xffff, v34  }
0x192: {  	v62 =	vor.u32 v1, v19;
	v63 =	vor.u32 $0x30, v20;
	v49 =	vor.u32 $0x30, v18;
	v25 =	vld.idx.msk [tilespmem:v25+s4+$0x0], $0xffff;
	[tilespmem:v53+s19+$0x0] =	vst.idx.msk $0xffff, v38  }
0x193: {  	v18 =	vshll.u32 v58, $0x7;
	v21 =	vshll.u32 v52, $0x1;
	v20 =	vshll.u32 v63, $0x1;
	[tilespmem:v54+s19+$0x0] =	vst.idx.msk $0xffff, v39;
	v28 =	vld.idx.msk [tilespmem:v28+s4+$0x0], $0xffff  }
0x194: {  	v24 =	vshll.u32 v59, $0x7;
	v22 =	vshll.u32 v49, $0x1;
	v48 =	vor.u32 v1, v20;
	[tilespmem:v57+s19+$0x0] =	vst.idx.msk $0xffff, v56;
	v27 =	vld.idx.msk [tilespmem:v27+s4+$0x0], $0xffff  }
0x195: {  	v51 =	vor.u32 v15, v32;
	v44 =	vor.u32 v0, v18;
	v53 =	vor.u32 v1, v22;
	v50 =	vld.idx.msk [tilespmem:v31+s4+$0x0], $0xffff  }
0x196: {  	v42 =	vld.idx.msk [tilespmem:v55+s4+$0x0], $0xffff;
	v55 =	vor.u32 v2, v17;
	[tilespmem:v60+s19+$0x0] =	vst.idx.msk $0xffff, v35;
	v54 =	vor.u32 v1, v21  }
0x197: {  	v59 =	vor.u32 v2, v20;
	v38 =	vor.u32 v0, v24;
	v40 =	vld.idx.msk [tilespmem:v61+s4+$0x0], $0xffff;
	[tilespmem:v26+s19+$0x0] =	vst.idx.msk $0xffff, v25  }
0x198: {  	v57 =	vor.u32 v2, v19;
	v25 =	vshll.u32 v63, $0x7;
	v56 =	vld.idx.msk [tilespmem:v62+s4+$0x0], $0xffff;
	[tilespmem:v33+s19+$0x0] =	vst.idx.msk $0xffff, v28  }
0x199: {  	v26 =	vshll.u32 v49, $0x7;
	v58 =	vor.u32 v0, v25;
	[tilespmem:v29+s19+$0x0] =	vst.idx.msk $0xffff, v27;
	v34 =	vld.idx.msk [tilespmem:v48+s4+$0x0], $0xffff  }
0x19a: {  	v61 =	vor.u32 v0, v26;
	v27 =	vshll.u32 v52, $0x7;
	[tilespmem:v51+s19+$0x0] =	vst.idx.msk $0xffff, v50;
	v60 =	vld.idx.msk [tilespmem:v53+s4+$0x0], $0xffff  }
0x19b: {  	[tilespmem:v43+s19+$0x0] =	vst.idx.msk $0xffff, v42;
	v62 =	vor.u32 v2, v22;
	v45 =	vor.u32 v0, v27;
	v63 =	vld.idx.msk [tilespmem:v54+s4+$0x0], $0xffff  }
0x19c: {  	v46 =	vor.u32 v3, v16;
	v47 =	vor.u32 v2, v21;
	v37 =	vld.idx.msk [tilespmem:v37+s4+$0x0], $0xffff;
	[tilespmem:v44+s19+$0x0] =	vst.idx.msk $0xffff, v40  }
0x19d: {  	v49 =	vor.u32 v3, v18;
	v48 =	vor.u32 v4, v23;
	v28 =	vld.idx.msk [tilespmem:v55+s4+$0x0], $0xffff;
	[tilespmem:v38+s19+$0x0] =	vst.idx.msk $0xffff, v56  }
0x19e: {  	v50 =	vor.u32 v4, v17;
	v51 =	vor.u32 v3, v24;
	v29 =	vld.idx.msk [tilespmem:v57+s4+$0x0], $0xffff;
	[tilespmem:v58+s19+$0x0] =	vst.idx.msk $0xffff, v34  }
0x19f: {  	v52 =	vor.u32 v4, v19;
	v53 =	vor.u32 v3, v25;
	[tilespmem:v61+s19+$0x0] =	vst.idx.msk $0xffff, v60;
	v30 =	vld.idx.msk [tilespmem:v59+s4+$0x0], $0xffff  }
0x1a0: {  	v55 =	vor.u32 v3, v26;
	v54 =	vor.u32 v4, v20;
	[tilespmem:v45+s19+$0x0] =	vst.idx.msk $0xffff, v63;
	v32 =	vld.idx.msk [tilespmem:v62+s4+$0x0], $0xffff  }
0x1a1: {  	[tilespmem:v46+s19+$0x0] =	vst.idx.msk $0xffff, v37;
	v56 =	vor.u32 v4, v22;
	v58 =	vor.u32 v3, v27;
	v57 =	vld.idx.msk [tilespmem:v47+s4+$0x0], $0xffff  }
0x1a2: {  	v33 =	vld.idx.msk [tilespmem:v48+s4+$0x0], $0xffff;
	[tilespmem:v49+s19+$0x0] =	vst.idx.msk $0xffff, v28;
	v59 =	vor.u32 v5, v16;
	v60 =	vor.u32 v4, v21  }
0x1a3: {  	v61 =	vor.u32 v6, v23;
	v34 =	vld.idx.msk [tilespmem:v50+s4+$0x0], $0xffff;
	v62 =	vor.u32 v5, v18;
	[tilespmem:v51+s19+$0x0] =	vst.idx.msk $0xffff, v29  }
0x1a4: {  	v63 =	vor.u32 v6, v17;
	v45 =	vor.u32 v5, v24;
	v31 =	vld.idx.msk [tilespmem:v52+s4+$0x0], $0xffff;
	[tilespmem:v53+s19+$0x0] =	vst.idx.msk $0xffff, v30  }
0x1a5: {  	v46 =	vor.u32 v6, v19;
	v47 =	vor.u32 v5, v25;
	[tilespmem:v55+s19+$0x0] =	vst.idx.msk $0xffff, v32;
	v36 =	vld.idx.msk [tilespmem:v54+s4+$0x0], $0xffff  }
0x1a6: {  	v48 =	vor.u32 v6, v20;
	v49 =	vor.u32 v5, v26;
	[tilespmem:v58+s19+$0x0] =	vst.idx.msk $0xffff, v57;
	v37 =	vld.idx.msk [tilespmem:v56+s4+$0x0], $0xffff  }
0x1a7: {  	v50 =	vor.u32 v6, v22;
	v52 =	vor.u32 v5, v27;
	[tilespmem:v59+s19+$0x0] =	vst.idx.msk $0xffff, v33;
	v51 =	vld.idx.msk [tilespmem:v60+s4+$0x0], $0xffff  }
0x1a8: {  	v53 =	vor.u32 v7, v16;
	v29 =	vld.idx.msk [tilespmem:v61+s4+$0x0], $0xffff;
	[tilespmem:v62+s19+$0x0] =	vst.idx.msk $0xffff, v34;
	v54 =	vor.u32 v6, v21  }
0x1a9: {  	v55 =	vor.u32 v8, v23;
	v30 =	vld.idx.msk [tilespmem:v63+s4+$0x0], $0xffff;
	v56 =	vor.u32 v7, v18;
	[tilespmem:v45+s19+$0x0] =	vst.idx.msk $0xffff, v31  }
0x1aa: {  	v57 =	vor.u32 v8, v17;
	v58 =	vor.u32 v7, v24;
	v32 =	vld.idx.msk [tilespmem:v46+s4+$0x0], $0xffff;
	[tilespmem:v47+s19+$0x0] =	vst.idx.msk $0xffff, v36  }
0x1ab: {  	v59 =	vor.u32 v8, v19;
	v60 =	vor.u32 v7, v25;
	[tilespmem:v49+s19+$0x0] =	vst.idx.msk $0xffff, v37;
	v40 =	vld.idx.msk [tilespmem:v48+s4+$0x0], $0xffff  }
0x1ac: {  	v61 =	vor.u32 v8, v20;
	v62 =	vor.u32 v7, v26;
	[tilespmem:v52+s19+$0x0] =	vst.idx.msk $0xffff, v51;
	v28 =	vld.idx.msk [tilespmem:v50+s4+$0x0], $0xffff  }
0x1ad: {  	v63 =	vor.u32 v8, v22;
	v46 =	vor.u32 v7, v27;
	[tilespmem:v53+s19+$0x0] =	vst.idx.msk $0xffff, v29;
	v45 =	vld.idx.msk [tilespmem:v54+s4+$0x0], $0xffff  }
0x1ae: {  	v47 =	vor.u32 v9, v16;
	v31 =	vld.idx.msk [tilespmem:v55+s4+$0x0], $0xffff;
	[tilespmem:v56+s19+$0x0] =	vst.idx.msk $0xffff, v30;
	v48 =	vor.u32 v8, v21  }
0x1af: {  	v49 =	vor.u32 v10, v23;
	v36 =	vld.idx.msk [tilespmem:v57+s4+$0x0], $0xffff;
	v50 =	vor.u32 v9, v18;
	[tilespmem:v58+s19+$0x0] =	vst.idx.msk $0xffff, v32  }
0x1b0: {  	v51 =	vor.u32 v10, v17;
	v52 =	vor.u32 v9, v24;
	v37 =	vld.idx.msk [tilespmem:v59+s4+$0x0], $0xffff;
	[tilespmem:v60+s19+$0x0] =	vst.idx.msk $0xffff, v40  }
0x1b1: {  	v53 =	vor.u32 v10, v19;
	v54 =	vor.u32 v9, v25;
	[tilespmem:v62+s19+$0x0] =	vst.idx.msk $0xffff, v28;
	v33 =	vld.idx.msk [tilespmem:v61+s4+$0x0], $0xffff  }
0x1b2: {  	v55 =	vor.u32 v10, v20;
	v56 =	vor.u32 v9, v26;
	[tilespmem:v46+s19+$0x0] =	vst.idx.msk $0xffff, v45;
	v29 =	vld.idx.msk [tilespmem:v63+s4+$0x0], $0xffff  }
0x1b3: {  	v57 =	vor.u32 v10, v22;
	v59 =	vor.u32 v9, v27;
	[tilespmem:v47+s19+$0x0] =	vst.idx.msk $0xffff, v31;
	v58 =	vld.idx.msk [tilespmem:v48+s4+$0x0], $0xffff  }
0x1b4: {  	v60 =	vor.u32 v11, v16;
	v32 =	vld.idx.msk [tilespmem:v49+s4+$0x0], $0xffff;
	[tilespmem:v50+s19+$0x0] =	vst.idx.msk $0xffff, v36;
	v61 =	vor.u32 v10, v21  }
0x1b5: {  	v62 =	vor.u32 v12, v23;
	v40 =	vld.idx.msk [tilespmem:v51+s4+$0x0], $0xffff;
	v63 =	vor.u32 v11, v18;
	[tilespmem:v52+s19+$0x0] =	vst.idx.msk $0xffff, v37  }
0x1b6: {  	v45 =	vor.u32 v12, v17;
	v46 =	vor.u32 v11, v24;
	v28 =	vld.idx.msk [tilespmem:v53+s4+$0x0], $0xffff;
	[tilespmem:v54+s19+$0x0] =	vst.idx.msk $0xffff, v33  }
0x1b7: {  	v47 =	vor.u32 v12, v19;
	v48 =	vor.u32 v11, v25;
	[tilespmem:v56+s19+$0x0] =	vst.idx.msk $0xffff, v29;
	v34 =	vld.idx.msk [tilespmem:v55+s4+$0x0], $0xffff  }
0x1b8: {  	v49 =	vor.u32 v12, v20;
	v50 =	vor.u32 v11, v26;
	[tilespmem:v59+s19+$0x0] =	vst.idx.msk $0xffff, v58;
	v30 =	vld.idx.msk [tilespmem:v57+s4+$0x0], $0xffff  }
0x1b9: {  	v51 =	vor.u32 v12, v22;
	v53 =	vor.u32 v11, v27;
	[tilespmem:v60+s19+$0x0] =	vst.idx.msk $0xffff, v32;
	v52 =	vld.idx.msk [tilespmem:v61+s4+$0x0], $0xffff  }
0x1ba: {  	v54 =	vor.u32 v13, v16;
	v37 =	vld.idx.msk [tilespmem:v62+s4+$0x0], $0xffff;
	[tilespmem:v63+s19+$0x0] =	vst.idx.msk $0xffff, v40;
	v55 =	vor.u32 v12, v21  }
0x1bb: {  	v23 =	vor.u32 v14, v23;
	v56 =	vld.idx.msk [tilespmem:v45+s4+$0x0], $0xffff;
	v57 =	vor.u32 v13, v18;
	[tilespmem:v46+s19+$0x0] =	vst.idx.msk $0xffff, v28  }
0x1bc: {  	v17 =	vor.u32 v14, v17;
	v58 =	vor.u32 v13, v24;
	v29 =	vld.idx.msk [tilespmem:v47+s4+$0x0], $0xffff;
	[tilespmem:v48+s19+$0x0] =	vst.idx.msk $0xffff, v34  }
0x1bd: {  	v19 =	vor.u32 v14, v19;
	v60 =	vor.u32 v13, v25;
	[tilespmem:v50+s19+$0x0] =	vst.idx.msk $0xffff, v30;
	v59 =	vld.idx.msk [tilespmem:v49+s4+$0x0], $0xffff  }
0x1be: {  	v20 =	vor.u32 v14, v20;
	v61 =	vor.u32 v13, v26;
	[tilespmem:v53+s19+$0x0] =	vst.idx.msk $0xffff, v52;
	v32 =	vld.idx.msk [tilespmem:v51+s4+$0x0], $0xffff  }
0x1bf: {  	v22 =	vor.u32 v14, v22;
	v62 =	vor.u32 v13, v27;
	[tilespmem:v54+s19+$0x0] =	vst.idx.msk $0xffff, v37;
	v36 =	vld.idx.msk [tilespmem:v55+s4+$0x0], $0xffff  }
0x1c0: {  	v16 =	vor.u32 v15, v16;
	v21 =	vor.u32 v14, v21;
	[tilespmem:v57+s19+$0x0] =	vst.idx.msk $0xffff, v56;
	v23 =	vld.idx.msk [tilespmem:v23+s4+$0x0], $0xffff  }
0x1c1: {  	v18 =	vor.u32 v15, v18;
	v17 =	vld.idx.msk [tilespmem:v17+s4+$0x0], $0xffff;
	[tilespmem:v58+s19+$0x0] =	vst.idx.msk $0xffff, v29  }
0x1c2: {  	v24 =	vor.u32 v15, v24;
	v19 =	vld.idx.msk [tilespmem:v19+s4+$0x0], $0xffff;
	[tilespmem:v60+s19+$0x0] =	vst.idx.msk $0xffff, v59  }
0x1c3: {  	v25 =	vor.u32 v15, v25;
	[tilespmem:v61+s19+$0x0] =	vst.idx.msk $0xffff, v32;
	v20 =	vld.idx.msk [tilespmem:v20+s4+$0x0], $0xffff  }
0x1c4: {  	v26 =	vor.u32 v15, v26;
	[tilespmem:v62+s19+$0x0] =	vst.idx.msk $0xffff, v36;
	v22 =	vld.idx.msk [tilespmem:v22+s4+$0x0], $0xffff  }
0x1c5: {  	p3 =	por p2, p2;
	v63 =	vor.u32 v15, v27;
	[tilespmem:v16+s19+$0x0] =	vst.idx.msk $0xffff, v23;
	v16 =	vld.idx.msk [tilespmem:v21+s4+$0x0], $0xffff  }
.Ltmp5:
0x1c6: {  	[tilespmem:v18+s19+$0x0] =	vst.idx.msk $0xffff, v17;
	(pc) =	sbr.rel @p3 .LBB2_4-.Ltmp5, $4  }
0x1c7: {  	[tilespmem:v24+s19+$0x0] =	vst.idx.msk $0xffff, v19  }
0x1c8: {  	[tilespmem:v25+s19+$0x0] =	vst.idx.msk $0xffff, v20  }
0x1c9: {  	[tilespmem:v26+s19+$0x0] =	vst.idx.msk $0xffff, v22  }
0x1ca: {  	p2 =	por $0x0, $0x0;
	s11 =	simm.s32 $0x8;
	[tilespmem:v63+s19+$0x0] =	vst.idx.msk $0xffff, v16  }
0x1cb: {  	s6 =	sshll.u32 s31, $0xA  }
0x1cc: {  	p2 =	sgt.u32 s31, $0x1E03;
	s6 =	sadd.s32 s3, s6  }
0x1cd: {  	[hbm4b:s6+s4] =	stream.linear.scatter [tilespmem:s19], [sflag:$0x5], $0x2000, $0x38;
	[tilespmem:$0x12000] =	vst v63  }
0x1ce: {  	s7 =	simm.s32 @!p2 $0x400;
	s6 =	sshll.u32 @!p2 s31, $0x7  }
0x1cf: {  	s8 =	simm.s32 @!p2 $0x7A1400;
	s9 =	simm.s32 @!p2 $0x0;
	s6 =	sadd.s32 @!p2 s6, s10  }
0x1d0: {  	[tilespmem:s9], [sflag:$0x1] =	stream.strided.gather @!p2 [hbm4b:s6+s7], $0x2000, s8, s7, $0x38;
	[tilespmem:$0x12000] =	vst v63  }
.LBB2_6:
0x1d1: {  	s11 =	sor.u32 $0x20, s31  }
0x1d2: {  	p2 =	sgt.u32 s11, $0x1E83  }
.Ltmp6:
0x1d3: {  	_ = 	snop;
	(pc) =	sbr.rel @p2 .LBB2_10-.Ltmp6, $1  }
0x1d4: {  	_ =	sdelay $0x3  }
0x1d5: {  	_ =	swait.ge [sflag:s28], $0x2000  }
0x1d6: {  	[sflag:s28] =	ssyncset.done $0x0  }
0x1d7: {  	s6 =	simm.s32 @!p1 $0x6;
	[sflag:s28] =	ssyncadd.s32 $0xFFFFE000  }
0x1d8: {  	_ =	swait.ge @!p1 [sflag:s6], $0x2000  }
0x1d9: {  	[sflag:s6] =	ssyncset.done @!p1 $0x0  }
0x1da: {  	s7 =	simm.s32 $0x0;
	p2 =	por $0x1, $0x1;
	[sflag:s6] =	ssyncadd.s32 @!p1 $0xFFFFE000  }
.LBB2_8:
0x1db: {  	v16 =	vadd.s32 s7, v0  }
0x1dc: {  	v18 =	vand.u32 $0xF, v16  }
0x1dd: {  	v19 =	vshll.u32 v18, $0x1  }
0x1de: {  	v17 =	vor.u32 v1, v19;
	_ =	sdelay $0x3  }
0x1df: {  	v20 =	vshll.u32 v18, $0x7  }
0x1e0: {  	v21 =	vor.u32 v0, v20;
	v17 =	vld.idx.msk [tilespmem:v17+s15+$0x0], $0xffff  }
0x1e1: {  	v22 =	vor.u32 v2, v19;
	_ =	sdelay $0x3  }
0x1e2: {  	[tilespmem:v21+s21+$0x0] =	vst.idx.msk $0xffff, v17  }
0x1e3: {  	v25 =	vor.u32 v3, v20;
	v17 =	vld.idx.msk [tilespmem:v22+s15+$0x0], $0xffff  }
0x1e4: {  	v26 =	vor.u32 v4, v19;
	_ =	sdelay $0x3  }
0x1e5: {  	[tilespmem:v25+s21+$0x0] =	vst.idx.msk $0xffff, v17  }
0x1e6: {  	v27 =	vor.u32 v5, v20;
	v17 =	vld.idx.msk [tilespmem:v26+s15+$0x0], $0xffff  }
0x1e7: {  	v28 =	vor.u32 v6, v19;
	_ =	sdelay $0x3  }
0x1e8: {  	[tilespmem:v27+s21+$0x0] =	vst.idx.msk $0xffff, v17  }
0x1e9: {  	v29 =	vor.u32 v7, v20;
	v17 =	vld.idx.msk [tilespmem:v28+s15+$0x0], $0xffff  }
0x1ea: {  	v30 =	vor.u32 v8, v19;
	_ =	sdelay $0x3  }
0x1eb: {  	[tilespmem:v29+s21+$0x0] =	vst.idx.msk $0xffff, v17  }
0x1ec: {  	v31 =	vor.u32 v9, v20;
	v17 =	vld.idx.msk [tilespmem:v30+s15+$0x0], $0xffff  }
0x1ed: {  	v32 =	vor.u32 v10, v19;
	_ =	sdelay $0x2  }
0x1ee: {  	s6 =	sor.u32 $0x1, s7  }
0x1ef: {  	[tilespmem:v31+s21+$0x0] =	vst.idx.msk $0xffff, v17;
	v17 =	vadd.s32 s6, v0  }
0x1f0: {  	v33 =	vor.u32 v11, v20;
	v21 =	vld.idx.msk [tilespmem:v32+s15+$0x0], $0xffff;
	v23 =	vand.u32 $0xF, v17  }
0x1f1: {  	v24 =	vor.u32 v12, v19;
	v25 =	vshll.u32 v23, $0x1  }
0x1f2: {  	v26 =	vor.u32 v1, v25;
	_ =	sdelay $0x2  }
0x1f3: {  	[tilespmem:v33+s21+$0x0] =	vst.idx.msk $0xffff, v21  }
0x1f4: {  	v34 =	vshll.u32 v23, $0x7;
	v21 =	vld.idx.msk [tilespmem:v24+s15+$0x0], $0xffff  }
0x1f5: {  	v35 =	vor.u32 v0, v34;
	v24 =	vld.idx.msk [tilespmem:v26+s15+$0x0], $0xffff  }
0x1f6: {  	v27 =	vor.u32 v2, v25;
	_ =	sdelay $0x3  }
0x1f7: {  	[tilespmem:v35+s21+$0x0] =	vst.idx.msk $0xffff, v24  }
0x1f8: {  	v36 =	vor.u32 v3, v34;
	v24 =	vld.idx.msk [tilespmem:v27+s15+$0x0], $0xffff  }
0x1f9: {  	v37 =	vor.u32 v4, v25;
	_ =	sdelay $0x3  }
0x1fa: {  	[tilespmem:v36+s21+$0x0] =	vst.idx.msk $0xffff, v24  }
0x1fb: {  	v38 =	vor.u32 v5, v34;
	v24 =	vld.idx.msk [tilespmem:v37+s15+$0x0], $0xffff  }
0x1fc: {  	v39 =	vor.u32 v6, v25;
	_ =	sdelay $0x2  }
0x1fd: {  	v28 =	vor.u32 v13, v20  }
0x1fe: {  	v19 =	vor.u32 v14, v19;
	[tilespmem:v38+s21+$0x0] =	vst.idx.msk $0xffff, v24  }
0x1ff: {  	v40 =	vor.u32 v7, v34;
	v24 =	vld.idx.msk [tilespmem:v39+s15+$0x0], $0xffff  }
0x200: {  	v41 =	vor.u32 v8, v25;
	_ =	sdelay $0x1  }
0x201: {  	v42 =	vor.u32 $0x10, v16;
	[tilespmem:v28+s21+$0x0] =	vst.idx.msk $0xffff, v21  }
0x202: {  	v43 =	vshll.u32 v42, $0x1;
	v20 =	vor.u32 v15, v20;
	v19 =	vld.idx.msk [tilespmem:v19+s15+$0x0], $0xffff  }
0x203: {  	v29 =	vor.u32 v1, v43;
	[tilespmem:v40+s21+$0x0] =	vst.idx.msk $0xffff, v24  }
0x204: {  	v44 =	vor.u32 v9, v34;
	v24 =	vld.idx.msk [tilespmem:v41+s15+$0x0], $0xffff  }
0x205: {  	v45 =	vor.u32 v10, v25;
	_ =	sdelay $0x1  }
0x206: {  	v46 =	vshll.u32 v42, $0x7;
	[tilespmem:v20+s21+$0x0] =	vst.idx.msk $0xffff, v19  }
0x207: {  	v21 =	vor.u32 v0, v46;
	v20 =	vld.idx.msk [tilespmem:v29+s15+$0x0], $0xffff  }
0x208: {  	v47 =	vor.u32 v2, v43;
	[tilespmem:v44+s21+$0x0] =	vst.idx.msk $0xffff, v24  }
0x209: {  	v48 =	vor.u32 v11, v34;
	v24 =	vld.idx.msk [tilespmem:v45+s15+$0x0], $0xffff  }
0x20a: {  	v49 =	vor.u32 v12, v25;
	_ =	sdelay $0x1  }
0x20b: {  	[tilespmem:v21+s21+$0x0] =	vst.idx.msk $0xffff, v20  }
0x20c: {  	v50 =	vor.u32 v3, v46;
	v20 =	vld.idx.msk [tilespmem:v47+s15+$0x0], $0xffff  }
0x20d: {  	v51 =	vor.u32 v4, v43;
	[tilespmem:v48+s21+$0x0] =	vst.idx.msk $0xffff, v24  }
0x20e: {  	v52 =	vor.u32 v13, v34;
	v24 =	vld.idx.msk [tilespmem:v49+s15+$0x0], $0xffff  }
0x20f: {  	v25 =	vor.u32 v14, v25;
	_ =	sdelay $0x1  }
0x210: {  	[tilespmem:v50+s21+$0x0] =	vst.idx.msk $0xffff, v20  }
0x211: {  	v53 =	vor.u32 v5, v46;
	v20 =	vld.idx.msk [tilespmem:v51+s15+$0x0], $0xffff  }
0x212: {  	v54 =	vor.u32 v6, v43;
	v55 =	vor.u32 $0x10, v17;
	[tilespmem:v52+s21+$0x0] =	vst.idx.msk $0xffff, v24  }
0x213: {  	v56 =	vshll.u32 v55, $0x1;
	v22 =	vor.u32 v15, v34;
	v25 =	vld.idx.msk [tilespmem:v25+s15+$0x0], $0xffff  }
0x214: {  	v57 =	vor.u32 v1, v56;
	_ =	sdelay $0x1  }
0x215: {  	[tilespmem:v53+s21+$0x0] =	vst.idx.msk $0xffff, v20  }
0x216: {  	v58 =	vor.u32 v7, v46;
	v20 =	vld.idx.msk [tilespmem:v54+s15+$0x0], $0xffff  }
0x217: {  	v59 =	vor.u32 v8, v43;
	v60 =	vshll.u32 v55, $0x7;
	[tilespmem:v22+s21+$0x0] =	vst.idx.msk $0xffff, v25  }
0x218: {  	v62 =	vor.u32 v0, v60;
	v61 =	vld.idx.msk [tilespmem:v57+s15+$0x0], $0xffff  }
0x219: {  	v63 =	vor.u32 v2, v56;
	_ =	sdelay $0x1  }
0x21a: {  	[tilespmem:v58+s21+$0x0] =	vst.idx.msk $0xffff, v20  }
0x21b: {  	v32 =	vor.u32 v9, v46;
	v20 =	vld.idx.msk [tilespmem:v59+s15+$0x0], $0xffff  }
0x21c: {  	v33 =	vor.u32 v10, v43;
	[tilespmem:v62+s21+$0x0] =	vst.idx.msk $0xffff, v61  }
0x21d: {  	v34 =	vor.u32 v3, v60;
	v24 =	vld.idx.msk [tilespmem:v63+s15+$0x0], $0xffff  }
0x21e: {  	v35 =	vor.u32 v4, v56;
	_ =	sdelay $0x1  }
0x21f: {  	[tilespmem:v32+s21+$0x0] =	vst.idx.msk $0xffff, v20  }
0x220: {  	v36 =	vor.u32 v11, v46;
	v20 =	vld.idx.msk [tilespmem:v33+s15+$0x0], $0xffff  }
0x221: {  	v37 =	vor.u32 v12, v43;
	[tilespmem:v34+s21+$0x0] =	vst.idx.msk $0xffff, v24  }
0x222: {  	v38 =	vor.u32 v5, v60;
	v24 =	vld.idx.msk [tilespmem:v35+s15+$0x0], $0xffff  }
0x223: {  	v39 =	vor.u32 v6, v56;
	_ =	sdelay $0x1  }
0x224: {  	[tilespmem:v36+s21+$0x0] =	vst.idx.msk $0xffff, v20  }
0x225: {  	v40 =	vor.u32 v13, v46;
	v20 =	vld.idx.msk [tilespmem:v37+s15+$0x0], $0xffff  }
0x226: {  	v41 =	vor.u32 v14, v43;
	[tilespmem:v38+s21+$0x0] =	vst.idx.msk $0xffff, v24  }
0x227: {  	v42 =	vor.u32 v7, v60;
	v24 =	vld.idx.msk [tilespmem:v39+s15+$0x0], $0xffff  }
0x228: {  	v43 =	vor.u32 v8, v56;
	_ =	sdelay $0x1  }
0x229: {  	v18 =	vor.u32 $0x20, v18;
	[tilespmem:v40+s21+$0x0] =	vst.idx.msk $0xffff, v20  }
0x22a: {  	v19 =	vor.u32 v15, v46;
	v44 =	vshll.u32 v18, $0x1;
	v20 =	vld.idx.msk [tilespmem:v41+s15+$0x0], $0xffff  }
0x22b: {  	v45 =	vor.u32 v1, v44;
	[tilespmem:v42+s21+$0x0] =	vst.idx.msk $0xffff, v24  }
0x22c: {  	v46 =	vor.u32 v9, v60;
	v24 =	vld.idx.msk [tilespmem:v43+s15+$0x0], $0xffff  }
0x22d: {  	v47 =	vor.u32 v10, v56;
	_ =	sdelay $0x1  }
0x22e: {  	v18 =	vshll.u32 v18, $0x7;
	[tilespmem:v19+s21+$0x0] =	vst.idx.msk $0xffff, v20  }
0x22f: {  	v48 =	vor.u32 v0, v18;
	v19 =	vld.idx.msk [tilespmem:v45+s15+$0x0], $0xffff  }
0x230: {  	v49 =	vor.u32 v2, v44;
	[tilespmem:v46+s21+$0x0] =	vst.idx.msk $0xffff, v24  }
0x231: {  	v50 =	vor.u32 v11, v60;
	v24 =	vld.idx.msk [tilespmem:v47+s15+$0x0], $0xffff  }
0x232: {  	v51 =	vor.u32 v12, v56;
	_ =	sdelay $0x1  }
0x233: {  	[tilespmem:v48+s21+$0x0] =	vst.idx.msk $0xffff, v19  }
0x234: {  	v52 =	vor.u32 v3, v18;
	v19 =	vld.idx.msk [tilespmem:v49+s15+$0x0], $0xffff  }
0x235: {  	v53 =	vor.u32 v4, v44;
	[tilespmem:v50+s21+$0x0] =	vst.idx.msk $0xffff, v24  }
0x236: {  	v54 =	vor.u32 v13, v60;
	v24 =	vld.idx.msk [tilespmem:v51+s15+$0x0], $0xffff  }
0x237: {  	v26 =	vor.u32 v14, v56;
	_ =	sdelay $0x1  }
0x238: {  	[tilespmem:v52+s21+$0x0] =	vst.idx.msk $0xffff, v19  }
0x239: {  	v55 =	vor.u32 v5, v18;
	v19 =	vld.idx.msk [tilespmem:v53+s15+$0x0], $0xffff  }
0x23a: {  	v23 =	vor.u32 $0x20, v23;
	v56 =	vor.u32 v6, v44;
	[tilespmem:v54+s21+$0x0] =	vst.idx.msk $0xffff, v24  }
0x23b: {  	v22 =	vor.u32 v15, v60;
	v57 =	vshll.u32 v23, $0x1;
	v24 =	vld.idx.msk [tilespmem:v26+s15+$0x0], $0xffff  }
0x23c: {  	v58 =	vor.u32 v1, v57;
	_ =	sdelay $0x1  }
0x23d: {  	[tilespmem:v55+s21+$0x0] =	vst.idx.msk $0xffff, v19  }
0x23e: {  	v59 =	vor.u32 v7, v18;
	v19 =	vld.idx.msk [tilespmem:v56+s15+$0x0], $0xffff  }
0x23f: {  	v60 =	vor.u32 v8, v44;
	v61 =	vshll.u32 v23, $0x7;
	[tilespmem:v22+s21+$0x0] =	vst.idx.msk $0xffff, v24  }
0x240: {  	v63 =	vor.u32 v0, v61;
	v62 =	vld.idx.msk [tilespmem:v58+s15+$0x0], $0xffff  }
0x241: {  	v30 =	vor.u32 v2, v57;
	_ =	sdelay $0x1  }
0x242: {  	[tilespmem:v59+s21+$0x0] =	vst.idx.msk $0xffff, v19  }
0x243: {  	v31 =	vor.u32 v9, v18;
	v19 =	vld.idx.msk [tilespmem:v60+s15+$0x0], $0xffff  }
0x244: {  	v32 =	vor.u32 v10, v44;
	[tilespmem:v63+s21+$0x0] =	vst.idx.msk $0xffff, v62  }
0x245: {  	v33 =	vor.u32 v3, v61;
	v23 =	vld.idx.msk [tilespmem:v30+s15+$0x0], $0xffff  }
0x246: {  	v34 =	vor.u32 v4, v57;
	_ =	sdelay $0x1  }
0x247: {  	[tilespmem:v31+s21+$0x0] =	vst.idx.msk $0xffff, v19  }
0x248: {  	v35 =	vor.u32 v11, v18;
	v19 =	vld.idx.msk [tilespmem:v32+s15+$0x0], $0xffff  }
0x249: {  	v36 =	vor.u32 v12, v44;
	[tilespmem:v33+s21+$0x0] =	vst.idx.msk $0xffff, v23  }
0x24a: {  	v37 =	vor.u32 v5, v61;
	v23 =	vld.idx.msk [tilespmem:v34+s15+$0x0], $0xffff  }
0x24b: {  	v38 =	vor.u32 v6, v57;
	_ =	sdelay $0x1  }
0x24c: {  	[tilespmem:v35+s21+$0x0] =	vst.idx.msk $0xffff, v19  }
0x24d: {  	v39 =	vor.u32 v13, v18;
	v19 =	vld.idx.msk [tilespmem:v36+s15+$0x0], $0xffff  }
0x24e: {  	v21 =	vor.u32 v14, v44;
	[tilespmem:v37+s21+$0x0] =	vst.idx.msk $0xffff, v23  }
0x24f: {  	v40 =	vor.u32 v7, v61;
	v23 =	vld.idx.msk [tilespmem:v38+s15+$0x0], $0xffff  }
0x250: {  	v41 =	vor.u32 v8, v57  }
0x251: {  	s8 =	sor.u32 $0x2, s7  }
0x252: {  	v42 =	vor.u32 $0x30, v16;
	v16 =	vadd.s32 s8, v0;
	[tilespmem:v39+s21+$0x0] =	vst.idx.msk $0xffff, v19  }
0x253: {  	v18 =	vor.u32 v15, v18;
	v24 =	vand.u32 $0xF, v16;
	v20 =	vld.idx.msk [tilespmem:v21+s15+$0x0], $0xffff;
	v21 =	vshll.u32 v42, $0x1  }
0x254: {  	v29 =	vshll.u32 v24, $0x1;
	v43 =	vor.u32 v1, v21;
	[tilespmem:v40+s21+$0x0] =	vst.idx.msk $0xffff, v23  }
0x255: {  	v44 =	vor.u32 v9, v61;
	v30 =	vor.u32 v1, v29;
	v23 =	vld.idx.msk [tilespmem:v41+s15+$0x0], $0xffff  }
0x256: {  	v45 =	vor.u32 v10, v57;
	_ =	sdelay $0x1  }
0x257: {  	[tilespmem:v18+s21+$0x0] =	vst.idx.msk $0xffff, v20;
	v18 =	vshll.u32 v42, $0x7  }
0x258: {  	v28 =	vshll.u32 v24, $0x7;
	v46 =	vld.idx.msk [tilespmem:v43+s15+$0x0], $0xffff;
	v47 =	vor.u32 v0, v18  }
0x259: {  	v32 =	vor.u32 v0, v28;
	v48 =	vor.u32 v2, v21;
	v30 =	vld.idx.msk [tilespmem:v30+s15+$0x0], $0xffff;
	[tilespmem:v44+s21+$0x0] =	vst.idx.msk $0xffff, v23  }
0x25a: {  	v49 =	vor.u32 v11, v61;
	v33 =	vor.u32 v2, v29;
	v23 =	vld.idx.msk [tilespmem:v45+s15+$0x0], $0xffff  }
0x25b: {  	v31 =	vor.u32 v12, v57;
	_ =	sdelay $0x1  }
0x25c: {  	[tilespmem:v47+s21+$0x0] =	vst.idx.msk $0xffff, v46  }
0x25d: {  	v50 =	vor.u32 v3, v18;
	[tilespmem:v32+s21+$0x0] =	vst.idx.msk $0xffff, v30;
	v19 =	vld.idx.msk [tilespmem:v48+s15+$0x0], $0xffff  }
0x25e: {  	v53 =	vor.u32 v3, v28;
	v51 =	vor.u32 v4, v21;
	v30 =	vld.idx.msk [tilespmem:v33+s15+$0x0], $0xffff;
	[tilespmem:v49+s21+$0x0] =	vst.idx.msk $0xffff, v23  }
0x25f: {  	v52 =	vor.u32 v13, v61;
	v54 =	vor.u32 v4, v29;
	v23 =	vld.idx.msk [tilespmem:v31+s15+$0x0], $0xffff  }
0x260: {  	v25 =	vor.u32 v14, v57;
	_ =	sdelay $0x1  }
0x261: {  	[tilespmem:v50+s21+$0x0] =	vst.idx.msk $0xffff, v19  }
0x262: {  	v17 =	vor.u32 $0x30, v17;
	v55 =	vor.u32 v5, v18;
	[tilespmem:v53+s21+$0x0] =	vst.idx.msk $0xffff, v30;
	v19 =	vld.idx.msk [tilespmem:v51+s15+$0x0], $0xffff  }
0x263: {  	v58 =	vor.u32 v5, v28;
	v56 =	vor.u32 v6, v21;
	v30 =	vld.idx.msk [tilespmem:v54+s15+$0x0], $0xffff;
	[tilespmem:v52+s21+$0x0] =	vst.idx.msk $0xffff, v23  }
0x264: {  	v22 =	vor.u32 v15, v61;
	v59 =	vor.u32 v6, v29;
	v23 =	vshll.u32 v17, $0x1;
	v25 =	vld.idx.msk [tilespmem:v25+s15+$0x0], $0xffff  }
0x265: {  	v57 =	vor.u32 v1, v23;
	_ =	sdelay $0x1  }
0x266: {  	[tilespmem:v55+s21+$0x0] =	vst.idx.msk $0xffff, v19  }
0x267: {  	v63 =	vor.u32 v7, v28;
	v60 =	vor.u32 v7, v18;
	[tilespmem:v58+s21+$0x0] =	vst.idx.msk $0xffff, v30;
	v19 =	vld.idx.msk [tilespmem:v56+s15+$0x0], $0xffff  }
0x268: {  	v30 =	vld.idx.msk [tilespmem:v59+s15+$0x0], $0xffff;
	[tilespmem:v22+s21+$0x0] =	vst.idx.msk $0xffff, v25;
	v22 =	vshll.u32 v17, $0x7;
	v17 =	vor.u32 v8, v21  }
0x269: {  	v36 =	vor.u32 v8, v29;
	v25 =	vld.idx.msk [tilespmem:v57+s15+$0x0], $0xffff;
	v61 =	vor.u32 v0, v22  }
0x26a: {  	v62 =	vor.u32 v2, v23;
	_ =	sdelay $0x1  }
0x26b: {  	[tilespmem:v60+s21+$0x0] =	vst.idx.msk $0xffff, v19  }
0x26c: {  	v37 =	vor.u32 v9, v18;
	[tilespmem:v63+s21+$0x0] =	vst.idx.msk $0xffff, v30;
	v17 =	vld.idx.msk [tilespmem:v17+s15+$0x0], $0xffff  }
0x26d: {  	v38 =	vor.u32 v10, v21;
	v41 =	vor.u32 v9, v28;
	v30 =	vld.idx.msk [tilespmem:v36+s15+$0x0], $0xffff;
	[tilespmem:v61+s21+$0x0] =	vst.idx.msk $0xffff, v25  }
0x26e: {  	v42 =	vor.u32 v10, v29;
	v39 =	vor.u32 v3, v22;
	v25 =	vld.idx.msk [tilespmem:v62+s15+$0x0], $0xffff  }
0x26f: {  	v40 =	vor.u32 v4, v23;
	_ =	sdelay $0x1  }
0x270: {  	[tilespmem:v37+s21+$0x0] =	vst.idx.msk $0xffff, v17  }
0x271: {  	s9 =	sor.u32 $0x3, s7;
	v43 =	vor.u32 v11, v18;
	v34 =	vor.u32 v12, v21;
	[tilespmem:v41+s21+$0x0] =	vst.idx.msk $0xffff, v30;
	v19 =	vld.idx.msk [tilespmem:v38+s15+$0x0], $0xffff  }
0x272: {  	v46 =	vor.u32 v11, v28;
	v31 =	vld.idx.msk [tilespmem:v42+s15+$0x0], $0xffff;
	v17 =	vadd.s32 s9, v0;
	[tilespmem:v39+s21+$0x0] =	vst.idx.msk $0xffff, v25  }
0x273: {  	v35 =	vor.u32 v12, v29;
	v44 =	vor.u32 v5, v22;
	v25 =	vand.u32 $0xF, v17;
	v26 =	vld.idx.msk [tilespmem:v40+s15+$0x0], $0xffff  }
0x274: {  	v45 =	vor.u32 v6, v23;
	v33 =	vshll.u32 v25, $0x1  }
0x275: {  	v36 =	vor.u32 v1, v33  }
0x276: {  	[tilespmem:v43+s21+$0x0] =	vst.idx.msk $0xffff, v19  }
0x277: {  	v47 =	vor.u32 v13, v18;
	[tilespmem:v46+s21+$0x0] =	vst.idx.msk $0xffff, v31;
	v19 =	vld.idx.msk [tilespmem:v34+s15+$0x0], $0xffff  }
0x278: {  	v50 =	vor.u32 v13, v28;
	v21 =	vor.u32 v14, v21;
	v31 =	vld.idx.msk [tilespmem:v35+s15+$0x0], $0xffff;
	[tilespmem:v44+s21+$0x0] =	vst.idx.msk $0xffff, v26  }
0x279: {  	v29 =	vor.u32 v14, v29;
	v48 =	vor.u32 v7, v22;
	v32 =	vshll.u32 v25, $0x7;
	v26 =	vld.idx.msk [tilespmem:v45+s15+$0x0], $0xffff  }
0x27a: {  	v49 =	vor.u32 v8, v23;
	v52 =	vor.u32 v0, v32;
	v51 =	vld.idx.msk [tilespmem:v36+s15+$0x0], $0xffff  }
0x27b: {  	v37 =	vor.u32 v2, v33  }
0x27c: {  	[tilespmem:v47+s21+$0x0] =	vst.idx.msk $0xffff, v19  }
0x27d: {  	v18 =	vor.u32 v15, v18;
	[tilespmem:v50+s21+$0x0] =	vst.idx.msk $0xffff, v31;
	v20 =	vld.idx.msk [tilespmem:v21+s15+$0x0], $0xffff  }
0x27e: {  	s8 =	sor.u32 $0x4, s7;
	v55 =	vor.u32 v10, v23;
	v29 =	vld.idx.msk [tilespmem:v29+s15+$0x0], $0xffff;
	v38 =	vor.u32 v15, v28;
	[tilespmem:v48+s21+$0x0] =	vst.idx.msk $0xffff, v26  }
0x27f: {  	v54 =	vor.u32 v9, v22;
	v57 =	vor.u32 $0x10, v16;
	v19 =	vadd.s32 s8, v0;
	[tilespmem:v52+s21+$0x0] =	vst.idx.msk $0xffff, v51;
	v53 =	vld.idx.msk [tilespmem:v49+s15+$0x0], $0xffff  }
0x280: {  	v30 =	vshll.u32 v57, $0x7;
	v56 =	vor.u32 v3, v32;
	v26 =	vand.u32 $0xF, v19;
	v35 =	vld.idx.msk [tilespmem:v37+s15+$0x0], $0xffff  }
0x281: {  	v31 =	vshll.u32 v57, $0x1;
	s9 =	sor.u32 $0x5, s7;
	v39 =	vor.u32 v4, v33;
	v34 =	vshll.u32 v26, $0x1  }
0x282: {  	v50 =	vor.u32 v0, v30;
	s8 =	sor.u32 $0x6, s7;
	v40 =	vor.u32 v1, v34;
	[tilespmem:v18+s21+$0x0] =	vst.idx.msk $0xffff, v20;
	v20 =	vadd.s32 s9, v0  }
0x283: {  	v41 =	vor.u32 v1, v31;
	[tilespmem:v38+s21+$0x0] =	vst.idx.msk $0xffff, v29;
	v18 =	vadd.s32 s8, v0;
	v28 =	vand.u32 $0xF, v20  }
0x284: {  	v43 =	vor.u32 v11, v22;
	v27 =	vand.u32 $0xF, v18;
	[tilespmem:v54+s21+$0x0] =	vst.idx.msk $0xffff, v53;
	v38 =	vshll.u32 v28, $0x1  }
0x285: {  	[tilespmem:v56+s21+$0x0] =	vst.idx.msk $0xffff, v35;
	v36 =	vshll.u32 v27, $0x1;
	v42 =	vld.idx.msk [tilespmem:v55+s15+$0x0], $0xffff;
	v58 =	vor.u32 v1, v38  }
0x286: {  	v45 =	vor.u32 v5, v32;
	s9 =	sor.u32 $0x7, s7;
	v35 =	vshll.u32 v26, $0x7;
	v44 =	vld.idx.msk [tilespmem:v39+s15+$0x0], $0xffff;
	v46 =	vor.u32 v1, v36  }
0x287: {  	v47 =	vor.u32 v6, v33;
	v21 =	vadd.s32 s9, v0;
	v40 =	vld.idx.msk [tilespmem:v40+s15+$0x0], $0xffff;
	v48 =	vor.u32 v0, v35  }
0x288: {  	v59 =	vor.u32 v2, v31;
	v49 =	vld.idx.msk [tilespmem:v41+s15+$0x0], $0xffff;
	v51 =	vor.u32 v2, v34;
	v29 =	vand.u32 $0xF, v21  }
0x289: {  	v37 =	vshll.u32 v27, $0x7;
	v39 =	vshll.u32 v28, $0x7;
	v41 =	vshll.u32 v29, $0x1  }
0x28a: {  	v52 =	vor.u32 v0, v39;
	v53 =	vor.u32 v1, v41;
	[tilespmem:v43+s21+$0x0] =	vst.idx.msk $0xffff, v42;
	v43 =	vld.idx.msk [tilespmem:v58+s15+$0x0], $0xffff  }
0x28b: {  	v60 =	vor.u32 v0, v37;
	[tilespmem:v45+s21+$0x0] =	vst.idx.msk $0xffff, v44;
	v44 =	vor.u32 v2, v38;
	v45 =	vld.idx.msk [tilespmem:v46+s15+$0x0], $0xffff  }
0x28c: {  	v54 =	vor.u32 v7, v32;
	[tilespmem:v48+s21+$0x0] =	vst.idx.msk $0xffff, v40;
	v48 =	vor.u32 v2, v36;
	v47 =	vld.idx.msk [tilespmem:v47+s15+$0x0], $0xffff  }
0x28d: {  	v61 =	vor.u32 v8, v33;
	[tilespmem:v50+s21+$0x0] =	vst.idx.msk $0xffff, v49;
	v63 =	vor.u32 v3, v35;
	v62 =	vld.idx.msk [tilespmem:v51+s15+$0x0], $0xffff  }
0x28e: {  	v56 =	vor.u32 v4, v34;
	v55 =	vor.u32 v3, v30;
	v42 =	vld.idx.msk [tilespmem:v59+s15+$0x0], $0xffff;
	v40 =	vshll.u32 v29, $0x7  }
0x28f: {  	[tilespmem:v52+s21+$0x0] =	vst.idx.msk $0xffff, v43;
	v43 =	vor.u32 v4, v31;
	v52 =	vld.idx.msk [tilespmem:v53+s15+$0x0], $0xffff;
	v53 =	vor.u32 v0, v40  }
0x290: {  	[tilespmem:v60+s21+$0x0] =	vst.idx.msk $0xffff, v45;
	v45 =	vor.u32 v3, v39;
	v60 =	vor.u32 v2, v41;
	v44 =	vld.idx.msk [tilespmem:v44+s15+$0x0], $0xffff  }
0x291: {  	[tilespmem:v54+s21+$0x0] =	vst.idx.msk $0xffff, v47;
	v47 =	vor.u32 v4, v38;
	v48 =	vld.idx.msk [tilespmem:v48+s15+$0x0], $0xffff;
	v54 =	vor.u32 v3, v37  }
0x292: {  	v50 =	vor.u32 v9, v32;
	[tilespmem:v63+s21+$0x0] =	vst.idx.msk $0xffff, v62;
	v49 =	vld.idx.msk [tilespmem:v61+s15+$0x0], $0xffff;
	v61 =	vor.u32 v4, v36  }
0x293: {  	[tilespmem:v55+s21+$0x0] =	vst.idx.msk $0xffff, v42;
	v42 =	vor.u32 v10, v33;
	v63 =	vor.u32 v5, v35;
	v62 =	vld.idx.msk [tilespmem:v56+s15+$0x0], $0xffff  }
0x294: {  	v43 =	vld.idx.msk [tilespmem:v43+s15+$0x0], $0xffff;
	[tilespmem:v53+s21+$0x0] =	vst.idx.msk $0xffff, v52;
	v52 =	vor.u32 v5, v30;
	v53 =	vor.u32 v6, v34  }
0x295: {  	[tilespmem:v45+s21+$0x0] =	vst.idx.msk $0xffff, v44;
	v44 =	vor.u32 v6, v31;
	v45 =	vld.idx.msk [tilespmem:v60+s15+$0x0], $0xffff;
	v60 =	vor.u32 v3, v40  }
0x296: {  	[tilespmem:v54+s21+$0x0] =	vst.idx.msk $0xffff, v48;
	v48 =	vor.u32 v5, v39;
	v54 =	vor.u32 v4, v41;
	v47 =	vld.idx.msk [tilespmem:v47+s15+$0x0], $0xffff  }
0x297: {  	[tilespmem:v50+s21+$0x0] =	vst.idx.msk $0xffff, v49;
	v49 =	vor.u32 v6, v38;
	v50 =	vld.idx.msk [tilespmem:v61+s15+$0x0], $0xffff;
	v61 =	vor.u32 v5, v37  }
0x298: {  	[tilespmem:v63+s21+$0x0] =	vst.idx.msk $0xffff, v62;
	v62 =	vor.u32 v11, v32;
	v63 =	vor.u32 v6, v36;
	v42 =	vld.idx.msk [tilespmem:v42+s15+$0x0], $0xffff  }
0x299: {  	[tilespmem:v52+s21+$0x0] =	vst.idx.msk $0xffff, v43;
	v43 =	vor.u32 v12, v33;
	v52 =	vld.idx.msk [tilespmem:v53+s15+$0x0], $0xffff;
	v53 =	vor.u32 v7, v35  }
0x29a: {  	v44 =	vld.idx.msk [tilespmem:v44+s15+$0x0], $0xffff;
	[tilespmem:v60+s21+$0x0] =	vst.idx.msk $0xffff, v45;
	v45 =	vor.u32 v7, v30;
	v60 =	vor.u32 v8, v34  }
0x29b: {  	[tilespmem:v48+s21+$0x0] =	vst.idx.msk $0xffff, v47;
	v47 =	vor.u32 v8, v31;
	v48 =	vld.idx.msk [tilespmem:v54+s15+$0x0], $0xffff;
	v54 =	vor.u32 v5, v40  }
0x29c: {  	[tilespmem:v61+s21+$0x0] =	vst.idx.msk $0xffff, v50;
	v50 =	vor.u32 v7, v39;
	v61 =	vor.u32 v6, v41;
	v49 =	vld.idx.msk [tilespmem:v49+s15+$0x0], $0xffff  }
0x29d: {  	[tilespmem:v62+s21+$0x0] =	vst.idx.msk $0xffff, v42;
	v42 =	vor.u32 v8, v38;
	v62 =	vld.idx.msk [tilespmem:v63+s15+$0x0], $0xffff;
	v63 =	vor.u32 v7, v37  }
0x29e: {  	v57 =	vor.u32 v13, v32;
	v58 =	vor.u32 v8, v36;
	v43 =	vld.idx.msk [tilespmem:v43+s15+$0x0], $0xffff;
	[tilespmem:v53+s21+$0x0] =	vst.idx.msk $0xffff, v52  }
0x29f: {  	[tilespmem:v45+s21+$0x0] =	vst.idx.msk $0xffff, v44;
	v59 =	vld.idx.msk [tilespmem:v60+s15+$0x0], $0xffff;
	v60 =	vor.u32 v9, v35  }
0x2a0: {  	v33 =	vor.u32 v14, v33;
	v46 =	vld.idx.msk [tilespmem:v47+s15+$0x0], $0xffff;
	[tilespmem:v54+s21+$0x0] =	vst.idx.msk $0xffff, v48  }
0x2a1: {  	v47 =	vor.u32 v10, v34;
	[tilespmem:v50+s21+$0x0] =	vst.idx.msk $0xffff, v49;
	v48 =	vld.idx.msk [tilespmem:v61+s15+$0x0], $0xffff;
	v61 =	vor.u32 v7, v40  }
0x2a2: {  	v50 =	vor.u32 v9, v39;
	[tilespmem:v63+s21+$0x0] =	vst.idx.msk $0xffff, v62;
	v62 =	vor.u32 v8, v41;
	v42 =	vld.idx.msk [tilespmem:v42+s15+$0x0], $0xffff  }
0x2a3: {  	v53 =	vor.u32 v9, v37;
	v52 =	vld.idx.msk [tilespmem:v58+s15+$0x0], $0xffff;
	[tilespmem:v57+s21+$0x0] =	vst.idx.msk $0xffff, v43;
	v43 =	vor.u32 v10, v38  }
0x2a4: {  	v55 =	vor.u32 $0x10, v17;
	v63 =	vor.u32 v9, v30;
	[tilespmem:v60+s21+$0x0] =	vst.idx.msk $0xffff, v59;
	v60 =	vor.u32 v10, v36  }
0x2a5: {  	v56 =	vor.u32 v15, v32;
	v32 =	vshll.u32 v55, $0x1;
	v33 =	vld.idx.msk [tilespmem:v33+s15+$0x0], $0xffff  }
0x2a6: {  	v47 =	vld.idx.msk [tilespmem:v47+s15+$0x0], $0xffff;
	[tilespmem:v61+s21+$0x0] =	vst.idx.msk $0xffff, v48;
	v48 =	vor.u32 v1, v32;
	v61 =	vor.u32 v11, v35  }
0x2a7: {  	[tilespmem:v50+s21+$0x0] =	vst.idx.msk $0xffff, v42;
	v42 =	vor.u32 v12, v34;
	v50 =	vld.idx.msk [tilespmem:v62+s15+$0x0], $0xffff;
	v62 =	vor.u32 v9, v40  }
0x2a8: {  	[tilespmem:v53+s21+$0x0] =	vst.idx.msk $0xffff, v52;
	v52 =	vor.u32 v11, v39;
	v53 =	vor.u32 v10, v41;
	v43 =	vld.idx.msk [tilespmem:v43+s15+$0x0], $0xffff  }
0x2a9: {  	[tilespmem:v63+s21+$0x0] =	vst.idx.msk $0xffff, v46;
	v63 =	vor.u32 v12, v38;
	v44 =	vld.idx.msk [tilespmem:v60+s15+$0x0], $0xffff;
	v60 =	vor.u32 v11, v37  }
0x2aa: {  	v51 =	vor.u32 v11, v40;
	[tilespmem:v56+s21+$0x0] =	vst.idx.msk $0xffff, v33;
	v56 =	vor.u32 v10, v31;
	v33 =	vshll.u32 v55, $0x7  }
0x2ab: {  	v55 =	vor.u32 v0, v33;
	v48 =	vld.idx.msk [tilespmem:v48+s15+$0x0], $0xffff;
	[tilespmem:v61+s21+$0x0] =	vst.idx.msk $0xffff, v47;
	v47 =	vor.u32 v12, v36  }
0x2ac: {  	v61 =	vor.u32 v2, v32;
	v42 =	vld.idx.msk [tilespmem:v42+s15+$0x0], $0xffff;
	[tilespmem:v62+s21+$0x0] =	vst.idx.msk $0xffff, v50;
	v62 =	vor.u32 v13, v35  }
0x2ad: {  	v45 =	vor.u32 v12, v23;
	v58 =	vor.u32 v4, v32;
	[tilespmem:v52+s21+$0x0] =	vst.idx.msk $0xffff, v43;
	v43 =	vld.idx.msk [tilespmem:v53+s15+$0x0], $0xffff  }
0x2ae: {  	v46 =	vld.idx.msk [tilespmem:v63+s15+$0x0], $0xffff;
	v63 =	vor.u32 v13, v39;
	[tilespmem:v60+s21+$0x0] =	vst.idx.msk $0xffff, v44;
	v60 =	vor.u32 v12, v41  }
0x2af: {  	v57 =	vor.u32 v14, v34;
	v38 =	vor.u32 v14, v38;
	v35 =	vor.u32 v15, v35;
	v54 =	vld.idx.msk [tilespmem:v56+s15+$0x0], $0xffff  }
0x2b0: {  	v50 =	vor.u32 v13, v30;
	[tilespmem:v55+s21+$0x0] =	vst.idx.msk $0xffff, v48;
	v47 =	vld.idx.msk [tilespmem:v47+s15+$0x0], $0xffff;
	v48 =	vor.u32 v13, v37  }
0x2b1: {  	v56 =	vor.u32 v11, v30;
	v49 =	vld.idx.msk [tilespmem:v61+s15+$0x0], $0xffff;
	[tilespmem:v62+s21+$0x0] =	vst.idx.msk $0xffff, v42;
	v61 =	vor.u32 v14, v36  }
0x2b2: {  	v45 =	vld.idx.msk [tilespmem:v45+s15+$0x0], $0xffff;
	v55 =	vor.u32 v12, v31;
	v62 =	vor.u32 v3, v33;
	[tilespmem:v51+s21+$0x0] =	vst.idx.msk $0xffff, v43  }
0x2b3: {  	v43 =	vor.u32 $0x10, v19;
	[tilespmem:v63+s21+$0x0] =	vst.idx.msk $0xffff, v46;
	v44 =	vld.idx.msk [tilespmem:v60+s15+$0x0], $0xffff;
	v63 =	vor.u32 v13, v40  }
0x2b4: {  	v41 =	vor.u32 v14, v41;
	v51 =	vld.idx.msk [tilespmem:v57+s15+$0x0], $0xffff;
	v34 =	vshll.u32 v43, $0x1;
	v60 =	vor.u32 v15, v39  }
0x2b5: {  	v52 =	vor.u32 v1, v34;
	v38 =	vld.idx.msk [tilespmem:v38+s15+$0x0], $0xffff;
	[tilespmem:v48+s21+$0x0] =	vst.idx.msk $0xffff, v47;
	v47 =	vor.u32 $0x10, v20  }
0x2b6: {  	[tilespmem:v56+s21+$0x0] =	vst.idx.msk $0xffff, v54;
	v54 =	vor.u32 $0x10, v18;
	v36 =	vshll.u32 v47, $0x1;
	v42 =	vld.idx.msk [tilespmem:v61+s15+$0x0], $0xffff;
	v61 =	vor.u32 v15, v37  }
0x2b7: {  	v53 =	vor.u32 v13, v22;
	[tilespmem:v62+s21+$0x0] =	vst.idx.msk $0xffff, v49;
	v37 =	vshll.u32 v54, $0x1;
	v62 =	vor.u32 v1, v36  }
0x2b8: {  	v46 =	vor.u32 $0x10, v21;
	v55 =	vld.idx.msk [tilespmem:v55+s15+$0x0], $0xffff;
	[tilespmem:v63+s21+$0x0] =	vst.idx.msk $0xffff, v44;
	v63 =	vor.u32 v1, v37  }
0x2b9: {  	v40 =	vor.u32 v15, v40;
	v39 =	vshll.u32 v46, $0x1;
	[tilespmem:v35+s21+$0x0] =	vst.idx.msk $0xffff, v51;
	v35 =	vshll.u32 v43, $0x7;
	v41 =	vld.idx.msk [tilespmem:v41+s15+$0x0], $0xffff  }
0x2ba: {  	v51 =	vor.u32 v0, v35;
	v43 =	vld.idx.msk [tilespmem:v52+s15+$0x0], $0xffff;
	[tilespmem:v60+s21+$0x0] =	vst.idx.msk $0xffff, v38;
	v60 =	vor.u32 v1, v39  }
0x2bb: {  	v56 =	vld.idx.msk [tilespmem:v58+s15+$0x0], $0xffff;
	v38 =	vshll.u32 v47, $0x7;
	[tilespmem:v61+s21+$0x0] =	vst.idx.msk $0xffff, v42;
	v61 =	vor.u32 v2, v34  }
0x2bc: {  	v47 =	vor.u32 v14, v31;
	v31 =	vshll.u32 v54, $0x7;
	v48 =	vld.idx.msk [tilespmem:v62+s15+$0x0], $0xffff;
	v62 =	vor.u32 v0, v38  }
0x2bd: {  	[tilespmem:v53+s21+$0x0] =	vst.idx.msk $0xffff, v45;
	v45 =	vor.u32 v2, v36;
	v53 =	vor.u32 v0, v31;
	v44 =	vld.idx.msk [tilespmem:v63+s15+$0x0], $0xffff  }
0x2be: {  	v63 =	vor.u32 v2, v37;
	[tilespmem:v40+s21+$0x0] =	vst.idx.msk $0xffff, v41;
	v41 =	vor.u32 v5, v33;
	v40 =	vshll.u32 v46, $0x7  }
0x2bf: {  	v57 =	vor.u32 v6, v32;
	[tilespmem:v51+s21+$0x0] =	vst.idx.msk $0xffff, v43;
	v58 =	vld.idx.msk [tilespmem:v60+s15+$0x0], $0xffff;
	v59 =	vor.u32 v0, v40  }
0x2c0: {  	[tilespmem:v50+s21+$0x0] =	vst.idx.msk $0xffff, v55;
	v60 =	vor.u32 v3, v35;
	v42 =	vld.idx.msk [tilespmem:v61+s15+$0x0], $0xffff;
	v61 =	vor.u32 v2, v39  }
0x2c1: {  	v30 =	vor.u32 v15, v30;
	v47 =	vld.idx.msk [tilespmem:v47+s15+$0x0], $0xffff;
	[tilespmem:v62+s21+$0x0] =	vst.idx.msk $0xffff, v48;
	v62 =	vor.u32 v4, v34  }
0x2c2: {  	v49 =	vor.u32 v3, v38;
	v45 =	vld.idx.msk [tilespmem:v45+s15+$0x0], $0xffff;
	[tilespmem:v53+s21+$0x0] =	vst.idx.msk $0xffff, v44  }
0x2c3: {  	v53 =	vor.u32 v3, v31;
	[tilespmem:v41+s21+$0x0] =	vst.idx.msk $0xffff, v56;
	v41 =	vor.u32 v4, v36;
	v44 =	vld.idx.msk [tilespmem:v63+s15+$0x0], $0xffff  }
0x2c4: {  	v55 =	vor.u32 v4, v37;
	v63 =	vor.u32 v7, v33;
	v43 =	vld.idx.msk [tilespmem:v57+s15+$0x0], $0xffff;
	[tilespmem:v59+s21+$0x0] =	vst.idx.msk $0xffff, v58  }
0x2c5: {  	v57 =	vor.u32 v8, v32;
	v58 =	vor.u32 v3, v40;
	[tilespmem:v60+s21+$0x0] =	vst.idx.msk $0xffff, v42;
	v56 =	vld.idx.msk [tilespmem:v61+s15+$0x0], $0xffff  }
0x2c6: {  	[tilespmem:v30+s21+$0x0] =	vst.idx.msk $0xffff, v47;
	v60 =	vor.u32 v5, v35;
	v61 =	vor.u32 v4, v39;
	v59 =	vld.idx.msk [tilespmem:v62+s15+$0x0], $0xffff  }
0x2c7: {  	v62 =	vor.u32 v6, v34;
	[tilespmem:v49+s21+$0x0] =	vst.idx.msk $0xffff, v45  }
0x2c8: {  	v45 =	vor.u32 v5, v38;
	v41 =	vld.idx.msk [tilespmem:v41+s15+$0x0], $0xffff;
	[tilespmem:v53+s21+$0x0] =	vst.idx.msk $0xffff, v44  }
0x2c9: {  	v49 =	vor.u32 v5, v31;
	[tilespmem:v63+s21+$0x0] =	vst.idx.msk $0xffff, v43;
	v63 =	vor.u32 v6, v36;
	v44 =	vld.idx.msk [tilespmem:v55+s15+$0x0], $0xffff  }
0x2ca: {  	v52 =	vor.u32 v9, v33;
	v46 =	vld.idx.msk [tilespmem:v57+s15+$0x0], $0xffff;
	v57 =	vor.u32 v6, v37;
	[tilespmem:v58+s21+$0x0] =	vst.idx.msk $0xffff, v56  }
0x2cb: {  	v47 =	vor.u32 v5, v40;
	v58 =	vor.u32 v10, v32;
	[tilespmem:v60+s21+$0x0] =	vst.idx.msk $0xffff, v59;
	v30 =	vld.idx.msk [tilespmem:v61+s15+$0x0], $0xffff  }
0x2cc: {  	v48 =	vor.u32 $0x20, v24;
	v60 =	vor.u32 v7, v35;
	v61 =	vor.u32 v6, v39;
	v59 =	vld.idx.msk [tilespmem:v62+s15+$0x0], $0xffff  }
0x2cd: {  	v24 =	vshll.u32 v48, $0x1;
	v62 =	vor.u32 v8, v34;
	[tilespmem:v45+s21+$0x0] =	vst.idx.msk $0xffff, v41  }
0x2ce: {  	v41 =	vor.u32 v1, v24;
	v43 =	vld.idx.msk [tilespmem:v63+s15+$0x0], $0xffff;
	v63 =	vor.u32 v7, v38;
	[tilespmem:v49+s21+$0x0] =	vst.idx.msk $0xffff, v44  }
0x2cf: {  	v44 =	vor.u32 v8, v36;
	v49 =	vor.u32 v7, v31;
	[tilespmem:v52+s21+$0x0] =	vst.idx.msk $0xffff, v46;
	v46 =	vld.idx.msk [tilespmem:v57+s15+$0x0], $0xffff  }
0x2d0: {  	v57 =	vor.u32 v11, v33;
	v42 =	vld.idx.msk [tilespmem:v58+s15+$0x0], $0xffff;
	v58 =	vor.u32 v8, v37;
	[tilespmem:v47+s21+$0x0] =	vst.idx.msk $0xffff, v30  }
0x2d1: {  	v47 =	vor.u32 v12, v32;
	[tilespmem:v60+s21+$0x0] =	vst.idx.msk $0xffff, v59;
	v59 =	vld.idx.msk [tilespmem:v61+s15+$0x0], $0xffff;
	v60 =	vor.u32 v7, v40  }
0x2d2: {  	v30 =	vshll.u32 v48, $0x7;
	v61 =	vor.u32 v9, v35;
	v48 =	vld.idx.msk [tilespmem:v62+s15+$0x0], $0xffff;
	v62 =	vor.u32 v8, v39  }
0x2d3: {  	v41 =	vld.idx.msk [tilespmem:v41+s15+$0x0], $0xffff;
	[tilespmem:v63+s21+$0x0] =	vst.idx.msk $0xffff, v43;
	v43 =	vor.u32 v0, v30;
	v63 =	vor.u32 v10, v34  }
0x2d4: {  	v56 =	vor.u32 v9, v38;
	[tilespmem:v49+s21+$0x0] =	vst.idx.msk $0xffff, v46;
	v44 =	vld.idx.msk [tilespmem:v44+s15+$0x0], $0xffff  }
0x2d5: {  	[tilespmem:v57+s21+$0x0] =	vst.idx.msk $0xffff, v42;
	v57 =	vor.u32 v10, v36;
	v49 =	vld.idx.msk [tilespmem:v58+s15+$0x0], $0xffff;
	v58 =	vor.u32 v9, v31  }
0x2d6: {  	v47 =	vld.idx.msk [tilespmem:v47+s15+$0x0], $0xffff;
	[tilespmem:v60+s21+$0x0] =	vst.idx.msk $0xffff, v59;
	v59 =	vor.u32 v13, v33;
	v60 =	vor.u32 v10, v37  }
0x2d7: {  	[tilespmem:v61+s21+$0x0] =	vst.idx.msk $0xffff, v48;
	v61 =	vld.idx.msk [tilespmem:v62+s15+$0x0], $0xffff;
	v62 =	vor.u32 v9, v40  }
0x2d8: {  	v54 =	vor.u32 v11, v35;
	v55 =	vor.u32 v10, v39;
	[tilespmem:v43+s21+$0x0] =	vst.idx.msk $0xffff, v41;
	v63 =	vld.idx.msk [tilespmem:v63+s15+$0x0], $0xffff  }
0x2d9: {  	[tilespmem:v56+s21+$0x0] =	vst.idx.msk $0xffff, v44;
	v56 =	vor.u32 v12, v34  }
0x2da: {  	v32 =	vor.u32 v14, v32;
	[tilespmem:v58+s21+$0x0] =	vst.idx.msk $0xffff, v49;
	v42 =	vld.idx.msk [tilespmem:v57+s15+$0x0], $0xffff;
	v57 =	vor.u32 v11, v38  }
0x2db: {  	v58 =	vor.u32 v12, v36;
	[tilespmem:v59+s21+$0x0] =	vst.idx.msk $0xffff, v47;
	v49 =	vld.idx.msk [tilespmem:v60+s15+$0x0], $0xffff;
	v59 =	vor.u32 v11, v31  }
0x2dc: {  	v25 =	vor.u32 $0x20, v25;
	v51 =	vor.u32 v14, v23;
	v60 =	vor.u32 v12, v37;
	[tilespmem:v62+s21+$0x0] =	vst.idx.msk $0xffff, v61  }
0x2dd: {  	v26 =	vor.u32 $0x20, v26;
	v23 =	vshll.u32 v25, $0x1;
	v61 =	vor.u32 v11, v40;
	[tilespmem:v54+s21+$0x0] =	vst.idx.msk $0xffff, v63;
	v41 =	vld.idx.msk [tilespmem:v55+s15+$0x0], $0xffff  }
0x2de: {  	v53 =	vor.u32 v2, v23;
	v62 =	vor.u32 v13, v35;
	v63 =	vor.u32 v12, v39;
	v44 =	vld.idx.msk [tilespmem:v56+s15+$0x0], $0xffff  }
0x2df: {  	v33 =	vor.u32 v15, v33;
	v32 =	vld.idx.msk [tilespmem:v32+s15+$0x0], $0xffff;
	v56 =	vor.u32 v2, v24;
	[tilespmem:v57+s21+$0x0] =	vst.idx.msk $0xffff, v42  }
0x2e0: {  	v45 =	vor.u32 v4, v24;
	v57 =	vor.u32 v1, v23;
	[tilespmem:v59+s21+$0x0] =	vst.idx.msk $0xffff, v49;
	v47 =	vld.idx.msk [tilespmem:v58+s15+$0x0], $0xffff  }
0x2e1: {  	v48 =	vor.u32 v3, v30;
	v34 =	vor.u32 v14, v34;
	v58 =	vor.u32 v13, v38;
	v59 =	vld.idx.msk [tilespmem:v60+s15+$0x0], $0xffff  }
0x2e2: {  	v36 =	vor.u32 v14, v36;
	v60 =	vor.u32 v13, v31;
	[tilespmem:v61+s21+$0x0] =	vst.idx.msk $0xffff, v41;
	v61 =	vld.idx.msk [tilespmem:v51+s15+$0x0], $0xffff  }
0x2e3: {  	v37 =	vor.u32 v14, v37;
	[tilespmem:v62+s21+$0x0] =	vst.idx.msk $0xffff, v44;
	v43 =	vld.idx.msk [tilespmem:v63+s15+$0x0], $0xffff;
	v62 =	vor.u32 v13, v40  }
0x2e4: {  	v39 =	vor.u32 v14, v39;
	[tilespmem:v33+s21+$0x0] =	vst.idx.msk $0xffff, v32;
	v63 =	vor.u32 v15, v22;
	v42 =	vld.idx.msk [tilespmem:v56+s15+$0x0], $0xffff  }
0x2e5: {  	v55 =	vor.u32 v15, v35;
	v38 =	vor.u32 v15, v38;
	v22 =	vshll.u32 v25, $0x7;
	v46 =	vld.idx.msk [tilespmem:v57+s15+$0x0], $0xffff  }
0x2e6: {  	v25 =	vshll.u32 v26, $0x1;
	v40 =	vor.u32 v15, v40;
	v54 =	vld.idx.msk [tilespmem:v34+s15+$0x0], $0xffff;
	v57 =	vor.u32 $0x20, v28;
	[tilespmem:v58+s21+$0x0] =	vst.idx.msk $0xffff, v47  }
0x2e7: {  	v52 =	vor.u32 v0, v22;
	v56 =	vor.u32 v1, v25;
	v28 =	vshll.u32 v57, $0x1;
	[tilespmem:v60+s21+$0x0] =	vst.idx.msk $0xffff, v59  }
0x2e8: {  	v26 =	vshll.u32 v26, $0x7;
	v36 =	vld.idx.msk [tilespmem:v36+s15+$0x0], $0xffff;
	v58 =	vor.u32 v1, v28;
	v60 =	vor.u32 $0x20, v27;
	[tilespmem:v62+s21+$0x0] =	vst.idx.msk $0xffff, v43  }
0x2e9: {  	v59 =	vor.u32 v15, v31;
	v37 =	vld.idx.msk [tilespmem:v37+s15+$0x0], $0xffff;
	v27 =	vshll.u32 v60, $0x1;
	[tilespmem:v63+s21+$0x0] =	vst.idx.msk $0xffff, v61;
	v61 =	vor.u32 $0x20, v29  }
0x2ea: {  	v33 =	vshll.u32 v57, $0x7;
	v62 =	vor.u32 v1, v27;
	[tilespmem:v48+s21+$0x0] =	vst.idx.msk $0xffff, v42;
	v39 =	vld.idx.msk [tilespmem:v39+s15+$0x0], $0xffff;
	v31 =	vshll.u32 v61, $0x1  }
0x2eb: {  	v29 =	vshll.u32 v60, $0x7;
	v50 =	vor.u32 v10, v27;
	[tilespmem:v55+s21+$0x0] =	vst.idx.msk $0xffff, v54;
	v63 =	vor.u32 v1, v31  }
0x2ec: {  	[tilespmem:v52+s21+$0x0] =	vst.idx.msk $0xffff, v46;
	v54 =	vor.u32 v3, v22;
	v55 =	vor.u32 v0, v26;
	v34 =	vld.idx.msk [tilespmem:v56+s15+$0x0], $0xffff  }
0x2ed: {  	v60 =	vor.u32 v0, v29;
	v47 =	vld.idx.msk [tilespmem:v53+s15+$0x0], $0xffff;
	v56 =	vor.u32 v2, v25;
	[tilespmem:v38+s21+$0x0] =	vst.idx.msk $0xffff, v36  }
0x2ee: {  	v38 =	vor.u32 v4, v23;
	[tilespmem:v59+s21+$0x0] =	vst.idx.msk $0xffff, v37;
	v57 =	vld.idx.msk [tilespmem:v58+s15+$0x0], $0xffff;
	v58 =	vor.u32 v0, v33  }
0x2ef: {  	v32 =	vshll.u32 v61, $0x7;
	v59 =	vld.idx.msk [tilespmem:v62+s15+$0x0], $0xffff;
	[tilespmem:v40+s21+$0x0] =	vst.idx.msk $0xffff, v39;
	v39 =	vor.u32 v2, v28  }
0x2f0: {  	v61 =	vor.u32 v2, v27;
	v52 =	vor.u32 v5, v30;
	v62 =	vld.idx.msk [tilespmem:v63+s15+$0x0], $0xffff;
	v63 =	vor.u32 v0, v32  }
0x2f1: {  	v45 =	vld.idx.msk [tilespmem:v45+s15+$0x0], $0xffff;
	v49 =	vor.u32 v9, v29;
	v53 =	vor.u32 v2, v31;
	[tilespmem:v55+s21+$0x0] =	vst.idx.msk $0xffff, v34  }
0x2f2: {  	[tilespmem:v54+s21+$0x0] =	vst.idx.msk $0xffff, v47;
	v54 =	vor.u32 v6, v24;
	v55 =	vor.u32 v3, v26;
	v37 =	vld.idx.msk [tilespmem:v56+s15+$0x0], $0xffff  }
0x2f3: {  	v38 =	vld.idx.msk [tilespmem:v38+s15+$0x0], $0xffff;
	v56 =	vor.u32 v5, v22;
	[tilespmem:v58+s21+$0x0] =	vst.idx.msk $0xffff, v57;
	v57 =	vor.u32 v4, v25  }
0x2f4: {  	v58 =	vor.u32 v6, v23;
	[tilespmem:v60+s21+$0x0] =	vst.idx.msk $0xffff, v59;
	v59 =	vor.u32 v3, v33;
	v39 =	vld.idx.msk [tilespmem:v39+s15+$0x0], $0xffff  }
0x2f5: {  	v60 =	vor.u32 v4, v28;
	v41 =	vld.idx.msk [tilespmem:v61+s15+$0x0], $0xffff;
	v61 =	vor.u32 v3, v29;
	[tilespmem:v63+s21+$0x0] =	vst.idx.msk $0xffff, v62  }
0x2f6: {  	[tilespmem:v52+s21+$0x0] =	vst.idx.msk $0xffff, v45;
	v62 =	vor.u32 v4, v27;
	v63 =	vor.u32 v3, v32;
	v36 =	vld.idx.msk [tilespmem:v53+s15+$0x0], $0xffff  }
0x2f7: {  	v52 =	vor.u32 v7, v30;
	v47 =	vld.idx.msk [tilespmem:v54+s15+$0x0], $0xffff;
	[tilespmem:v55+s21+$0x0] =	vst.idx.msk $0xffff, v37;
	v53 =	vor.u32 v4, v31  }
0x2f8: {  	v54 =	vor.u32 v8, v24;
	[tilespmem:v56+s21+$0x0] =	vst.idx.msk $0xffff, v38;
	v56 =	vor.u32 v5, v26;
	v55 =	vld.idx.msk [tilespmem:v57+s15+$0x0], $0xffff  }
0x2f9: {  	v40 =	vld.idx.msk [tilespmem:v58+s15+$0x0], $0xffff;
	v57 =	vor.u32 v7, v22;
	v58 =	vor.u32 v6, v25;
	[tilespmem:v59+s21+$0x0] =	vst.idx.msk $0xffff, v39  }
0x2fa: {  	[tilespmem:v61+s21+$0x0] =	vst.idx.msk $0xffff, v41;
	v59 =	vor.u32 v8, v23;
	v42 =	vld.idx.msk [tilespmem:v60+s15+$0x0], $0xffff;
	v60 =	vor.u32 v5, v33  }
0x2fb: {  	v61 =	vor.u32 v6, v28;
	v34 =	vld.idx.msk [tilespmem:v62+s15+$0x0], $0xffff;
	v62 =	vor.u32 v5, v29;
	[tilespmem:v63+s21+$0x0] =	vst.idx.msk $0xffff, v36  }
0x2fc: {  	v37 =	vor.u32 v6, v27;
	[tilespmem:v52+s21+$0x0] =	vst.idx.msk $0xffff, v47;
	v52 =	vor.u32 v5, v32;
	v63 =	vld.idx.msk [tilespmem:v53+s15+$0x0], $0xffff  }
0x2fd: {  	v35 =	vld.idx.msk [tilespmem:v54+s15+$0x0], $0xffff;
	v54 =	vor.u32 v6, v31;
	[tilespmem:v56+s21+$0x0] =	vst.idx.msk $0xffff, v55;
	v53 =	vor.u32 v9, v30  }
0x2fe: {  	[tilespmem:v57+s21+$0x0] =	vst.idx.msk $0xffff, v40;
	v55 =	vor.u32 v10, v24;
	v57 =	vor.u32 v7, v26;
	v56 =	vld.idx.msk [tilespmem:v58+s15+$0x0], $0xffff  }
0x2ff: {  	v58 =	vor.u32 v9, v22;
	v41 =	vld.idx.msk [tilespmem:v59+s15+$0x0], $0xffff;
	v59 =	vor.u32 v8, v25;
	[tilespmem:v60+s21+$0x0] =	vst.idx.msk $0xffff, v42  }
0x300: {  	[tilespmem:v62+s21+$0x0] =	vst.idx.msk $0xffff, v34;
	v60 =	vor.u32 v10, v23;
	v36 =	vld.idx.msk [tilespmem:v61+s15+$0x0], $0xffff;
	v61 =	vor.u32 v7, v33  }
0x301: {  	v62 =	vor.u32 v8, v28;
	v37 =	vld.idx.msk [tilespmem:v37+s15+$0x0], $0xffff;
	[tilespmem:v52+s21+$0x0] =	vst.idx.msk $0xffff, v63;
	v63 =	vor.u32 v7, v29  }
0x302: {  	[tilespmem:v53+s21+$0x0] =	vst.idx.msk $0xffff, v35;
	v35 =	vor.u32 v8, v27;
	v53 =	vor.u32 v7, v32;
	v52 =	vld.idx.msk [tilespmem:v54+s15+$0x0], $0xffff  }
0x303: {  	v39 =	vld.idx.msk [tilespmem:v55+s15+$0x0], $0xffff;
	[tilespmem:v57+s21+$0x0] =	vst.idx.msk $0xffff, v56;
	v54 =	vor.u32 v11, v30;
	v55 =	vor.u32 v8, v31  }
0x304: {  	v56 =	vor.u32 v12, v24;
	[tilespmem:v58+s21+$0x0] =	vst.idx.msk $0xffff, v41;
	v57 =	vld.idx.msk [tilespmem:v59+s15+$0x0], $0xffff;
	v58 =	vor.u32 v9, v26  }
0x305: {  	v24 =	vor.u32 v14, v24;
	v59 =	vor.u32 v11, v22;
	[tilespmem:v61+s21+$0x0] =	vst.idx.msk $0xffff, v36  }
0x306: {  	v34 =	vld.idx.msk [tilespmem:v60+s15+$0x0], $0xffff;
	v60 =	vor.u32 v10, v25;
	v61 =	vor.u32 v12, v23;
	[tilespmem:v63+s21+$0x0] =	vst.idx.msk $0xffff, v37  }
0x307: {  	v47 =	vld.idx.msk [tilespmem:v62+s15+$0x0], $0xffff;
	v62 =	vor.u32 v9, v33;
	v63 =	vor.u32 v10, v28;
	[tilespmem:v53+s21+$0x0] =	vst.idx.msk $0xffff, v52  }
0x308: {  	v35 =	vld.idx.msk [tilespmem:v35+s15+$0x0], $0xffff;
	[tilespmem:v54+s21+$0x0] =	vst.idx.msk $0xffff, v39;
	v52 =	vor.u32 v9, v32;
	v53 =	vor.u32 v13, v30  }
0x309: {  	v54 =	vor.u32 v10, v31;
	v30 =	vor.u32 v15, v30;
	v51 =	vld.idx.msk [tilespmem:v55+s15+$0x0], $0xffff;
	[tilespmem:v58+s21+$0x0] =	vst.idx.msk $0xffff, v57  }
0x30a: {  	v41 =	vld.idx.msk [tilespmem:v56+s15+$0x0], $0xffff;
	v56 =	vor.u32 v11, v26;
	v57 =	vor.u32 v13, v22;
	v58 =	vor.u32 v12, v25  }
0x30b: {  	v25 =	vor.u32 v14, v25;
	[tilespmem:v59+s21+$0x0] =	vst.idx.msk $0xffff, v34;
	v55 =	vld.idx.msk [tilespmem:v60+s15+$0x0], $0xffff;
	v60 =	vor.u32 v11, v33  }
0x30c: {  	v37 =	vld.idx.msk [tilespmem:v61+s15+$0x0], $0xffff;
	v61 =	vor.u32 v12, v28;
	v28 =	vor.u32 v14, v28;
	[tilespmem:v62+s21+$0x0] =	vst.idx.msk $0xffff, v47  }
0x30d: {  	v62 =	vor.u32 v11, v29;
	[tilespmem:v49+s21+$0x0] =	vst.idx.msk $0xffff, v35;
	v59 =	vld.idx.msk [tilespmem:v63+s15+$0x0], $0xffff;
	v63 =	vor.u32 v12, v27  }
0x30e: {  	v49 =	vor.u32 v11, v32;
	v27 =	vor.u32 v14, v27;
	[tilespmem:v52+s21+$0x0] =	vst.idx.msk $0xffff, v51;
	v39 =	vld.idx.msk [tilespmem:v50+s15+$0x0], $0xffff  }
0x30f: {  	[tilespmem:v53+s21+$0x0] =	vst.idx.msk $0xffff, v41;
	v50 =	vor.u32 v13, v26;
	v51 =	vor.u32 v12, v31;
	v48 =	vld.idx.msk [tilespmem:v54+s15+$0x0], $0xffff  }
0x310: {  	v16 =	vor.u32 $0x30, v16;
	v52 =	vor.u32 v14, v23;
	v53 =	vor.u32 v13, v33;
	[tilespmem:v56+s21+$0x0] =	vst.idx.msk $0xffff, v55  }
0x311: {  	v23 =	vshll.u32 v16, $0x1;
	v16 =	vshll.u32 v16, $0x7;
	v31 =	vor.u32 v14, v31;
	v24 =	vld.idx.msk [tilespmem:v24+s15+$0x0], $0xffff;
	[tilespmem:v57+s21+$0x0] =	vst.idx.msk $0xffff, v37  }
0x312: {  	v26 =	vor.u32 v15, v26;
	v33 =	vor.u32 v15, v33;
	v34 =	vld.idx.msk [tilespmem:v58+s15+$0x0], $0xffff;
	[tilespmem:v60+s21+$0x0] =	vst.idx.msk $0xffff, v59  }
0x313: {  	v54 =	vor.u32 v13, v29;
	v55 =	vor.u32 v1, v23;
	v38 =	vld.idx.msk [tilespmem:v61+s15+$0x0], $0xffff;
	[tilespmem:v62+s21+$0x0] =	vst.idx.msk $0xffff, v39  }
0x314: {  	v43 =	vor.u32 v0, v16;
	v29 =	vor.u32 v15, v29;
	v39 =	vld.idx.msk [tilespmem:v63+s15+$0x0], $0xffff;
	[tilespmem:v49+s21+$0x0] =	vst.idx.msk $0xffff, v48  }
0x315: {  	v57 =	vor.u32 v13, v32;
	v37 =	vor.u32 v2, v23;
	v58 =	vor.u32 $0x30, v17;
	v56 =	vld.idx.msk [tilespmem:v51+s15+$0x0], $0xffff  }
0x316: {  	v17 =	vshll.u32 v58, $0x1;
	v59 =	vor.u32 $0x30, v19;
	v60 =	vor.u32 v15, v22;
	[tilespmem:v30+s21+$0x0] =	vst.idx.msk $0xffff, v24  }
0x317: {  	v35 =	vld.idx.msk [tilespmem:v52+s15+$0x0], $0xffff;
	v61 =	vor.u32 v1, v17;
	v19 =	vshll.u32 v59, $0x1;
	v52 =	vor.u32 $0x30, v21;
	[tilespmem:v50+s21+$0x0] =	vst.idx.msk $0xffff, v34  }
0x318: {  	v62 =	vor.u32 v1, v19;
	v63 =	vor.u32 $0x30, v20;
	v49 =	vor.u32 $0x30, v18;
	v25 =	vld.idx.msk [tilespmem:v25+s15+$0x0], $0xffff;
	[tilespmem:v53+s21+$0x0] =	vst.idx.msk $0xffff, v38  }
0x319: {  	v18 =	vshll.u32 v58, $0x7;
	v21 =	vshll.u32 v52, $0x1;
	v20 =	vshll.u32 v63, $0x1;
	[tilespmem:v54+s21+$0x0] =	vst.idx.msk $0xffff, v39;
	v28 =	vld.idx.msk [tilespmem:v28+s15+$0x0], $0xffff  }
0x31a: {  	v24 =	vshll.u32 v59, $0x7;
	v22 =	vshll.u32 v49, $0x1;
	v48 =	vor.u32 v1, v20;
	[tilespmem:v57+s21+$0x0] =	vst.idx.msk $0xffff, v56;
	v27 =	vld.idx.msk [tilespmem:v27+s15+$0x0], $0xffff  }
0x31b: {  	v51 =	vor.u32 v15, v32;
	v44 =	vor.u32 v0, v18;
	v53 =	vor.u32 v1, v22;
	v50 =	vld.idx.msk [tilespmem:v31+s15+$0x0], $0xffff  }
0x31c: {  	v42 =	vld.idx.msk [tilespmem:v55+s15+$0x0], $0xffff;
	v55 =	vor.u32 v2, v17;
	[tilespmem:v60+s21+$0x0] =	vst.idx.msk $0xffff, v35;
	v54 =	vor.u32 v1, v21  }
0x31d: {  	v59 =	vor.u32 v2, v20;
	v38 =	vor.u32 v0, v24;
	v40 =	vld.idx.msk [tilespmem:v61+s15+$0x0], $0xffff;
	[tilespmem:v26+s21+$0x0] =	vst.idx.msk $0xffff, v25  }
0x31e: {  	v57 =	vor.u32 v2, v19;
	v25 =	vshll.u32 v63, $0x7;
	v56 =	vld.idx.msk [tilespmem:v62+s15+$0x0], $0xffff;
	[tilespmem:v33+s21+$0x0] =	vst.idx.msk $0xffff, v28  }
0x31f: {  	v26 =	vshll.u32 v49, $0x7;
	v58 =	vor.u32 v0, v25;
	[tilespmem:v29+s21+$0x0] =	vst.idx.msk $0xffff, v27;
	v34 =	vld.idx.msk [tilespmem:v48+s15+$0x0], $0xffff  }
0x320: {  	v61 =	vor.u32 v0, v26;
	v27 =	vshll.u32 v52, $0x7;
	[tilespmem:v51+s21+$0x0] =	vst.idx.msk $0xffff, v50;
	v60 =	vld.idx.msk [tilespmem:v53+s15+$0x0], $0xffff  }
0x321: {  	[tilespmem:v43+s21+$0x0] =	vst.idx.msk $0xffff, v42;
	v62 =	vor.u32 v2, v22;
	v45 =	vor.u32 v0, v27;
	v63 =	vld.idx.msk [tilespmem:v54+s15+$0x0], $0xffff  }
0x322: {  	v46 =	vor.u32 v3, v16;
	v47 =	vor.u32 v2, v21;
	v37 =	vld.idx.msk [tilespmem:v37+s15+$0x0], $0xffff;
	[tilespmem:v44+s21+$0x0] =	vst.idx.msk $0xffff, v40  }
0x323: {  	v49 =	vor.u32 v3, v18;
	v48 =	vor.u32 v4, v23;
	v28 =	vld.idx.msk [tilespmem:v55+s15+$0x0], $0xffff;
	[tilespmem:v38+s21+$0x0] =	vst.idx.msk $0xffff, v56  }
0x324: {  	v50 =	vor.u32 v4, v17;
	v51 =	vor.u32 v3, v24;
	v29 =	vld.idx.msk [tilespmem:v57+s15+$0x0], $0xffff;
	[tilespmem:v58+s21+$0x0] =	vst.idx.msk $0xffff, v34  }
0x325: {  	v52 =	vor.u32 v4, v19;
	v53 =	vor.u32 v3, v25;
	[tilespmem:v61+s21+$0x0] =	vst.idx.msk $0xffff, v60;
	v30 =	vld.idx.msk [tilespmem:v59+s15+$0x0], $0xffff  }
0x326: {  	v55 =	vor.u32 v3, v26;
	v54 =	vor.u32 v4, v20;
	[tilespmem:v45+s21+$0x0] =	vst.idx.msk $0xffff, v63;
	v32 =	vld.idx.msk [tilespmem:v62+s15+$0x0], $0xffff  }
0x327: {  	[tilespmem:v46+s21+$0x0] =	vst.idx.msk $0xffff, v37;
	v56 =	vor.u32 v4, v22;
	v58 =	vor.u32 v3, v27;
	v57 =	vld.idx.msk [tilespmem:v47+s15+$0x0], $0xffff  }
0x328: {  	v33 =	vld.idx.msk [tilespmem:v48+s15+$0x0], $0xffff;
	[tilespmem:v49+s21+$0x0] =	vst.idx.msk $0xffff, v28;
	v59 =	vor.u32 v5, v16;
	v60 =	vor.u32 v4, v21  }
0x329: {  	v61 =	vor.u32 v6, v23;
	v34 =	vld.idx.msk [tilespmem:v50+s15+$0x0], $0xffff;
	v62 =	vor.u32 v5, v18;
	[tilespmem:v51+s21+$0x0] =	vst.idx.msk $0xffff, v29  }
0x32a: {  	v63 =	vor.u32 v6, v17;
	v45 =	vor.u32 v5, v24;
	v31 =	vld.idx.msk [tilespmem:v52+s15+$0x0], $0xffff;
	[tilespmem:v53+s21+$0x0] =	vst.idx.msk $0xffff, v30  }
0x32b: {  	v46 =	vor.u32 v6, v19;
	v47 =	vor.u32 v5, v25;
	[tilespmem:v55+s21+$0x0] =	vst.idx.msk $0xffff, v32;
	v36 =	vld.idx.msk [tilespmem:v54+s15+$0x0], $0xffff  }
0x32c: {  	v48 =	vor.u32 v6, v20;
	v49 =	vor.u32 v5, v26;
	[tilespmem:v58+s21+$0x0] =	vst.idx.msk $0xffff, v57;
	v37 =	vld.idx.msk [tilespmem:v56+s15+$0x0], $0xffff  }
0x32d: {  	v50 =	vor.u32 v6, v22;
	v52 =	vor.u32 v5, v27;
	[tilespmem:v59+s21+$0x0] =	vst.idx.msk $0xffff, v33;
	v51 =	vld.idx.msk [tilespmem:v60+s15+$0x0], $0xffff  }
0x32e: {  	v53 =	vor.u32 v7, v16;
	v29 =	vld.idx.msk [tilespmem:v61+s15+$0x0], $0xffff;
	[tilespmem:v62+s21+$0x0] =	vst.idx.msk $0xffff, v34;
	v54 =	vor.u32 v6, v21  }
0x32f: {  	v55 =	vor.u32 v8, v23;
	v30 =	vld.idx.msk [tilespmem:v63+s15+$0x0], $0xffff;
	v56 =	vor.u32 v7, v18;
	[tilespmem:v45+s21+$0x0] =	vst.idx.msk $0xffff, v31  }
0x330: {  	v57 =	vor.u32 v8, v17;
	v58 =	vor.u32 v7, v24;
	v32 =	vld.idx.msk [tilespmem:v46+s15+$0x0], $0xffff;
	[tilespmem:v47+s21+$0x0] =	vst.idx.msk $0xffff, v36  }
0x331: {  	v59 =	vor.u32 v8, v19;
	v60 =	vor.u32 v7, v25;
	[tilespmem:v49+s21+$0x0] =	vst.idx.msk $0xffff, v37;
	v40 =	vld.idx.msk [tilespmem:v48+s15+$0x0], $0xffff  }
0x332: {  	v61 =	vor.u32 v8, v20;
	v62 =	vor.u32 v7, v26;
	[tilespmem:v52+s21+$0x0] =	vst.idx.msk $0xffff, v51;
	v28 =	vld.idx.msk [tilespmem:v50+s15+$0x0], $0xffff  }
0x333: {  	v63 =	vor.u32 v8, v22;
	v46 =	vor.u32 v7, v27;
	[tilespmem:v53+s21+$0x0] =	vst.idx.msk $0xffff, v29;
	v45 =	vld.idx.msk [tilespmem:v54+s15+$0x0], $0xffff  }
0x334: {  	v47 =	vor.u32 v9, v16;
	v31 =	vld.idx.msk [tilespmem:v55+s15+$0x0], $0xffff;
	[tilespmem:v56+s21+$0x0] =	vst.idx.msk $0xffff, v30;
	v48 =	vor.u32 v8, v21  }
0x335: {  	v49 =	vor.u32 v10, v23;
	v36 =	vld.idx.msk [tilespmem:v57+s15+$0x0], $0xffff;
	v50 =	vor.u32 v9, v18;
	[tilespmem:v58+s21+$0x0] =	vst.idx.msk $0xffff, v32  }
0x336: {  	v51 =	vor.u32 v10, v17;
	v52 =	vor.u32 v9, v24;
	v37 =	vld.idx.msk [tilespmem:v59+s15+$0x0], $0xffff;
	[tilespmem:v60+s21+$0x0] =	vst.idx.msk $0xffff, v40  }
0x337: {  	v53 =	vor.u32 v10, v19;
	v54 =	vor.u32 v9, v25;
	[tilespmem:v62+s21+$0x0] =	vst.idx.msk $0xffff, v28;
	v33 =	vld.idx.msk [tilespmem:v61+s15+$0x0], $0xffff  }
0x338: {  	v55 =	vor.u32 v10, v20;
	v56 =	vor.u32 v9, v26;
	[tilespmem:v46+s21+$0x0] =	vst.idx.msk $0xffff, v45;
	v29 =	vld.idx.msk [tilespmem:v63+s15+$0x0], $0xffff  }
0x339: {  	v57 =	vor.u32 v10, v22;
	v59 =	vor.u32 v9, v27;
	[tilespmem:v47+s21+$0x0] =	vst.idx.msk $0xffff, v31;
	v58 =	vld.idx.msk [tilespmem:v48+s15+$0x0], $0xffff  }
0x33a: {  	v60 =	vor.u32 v11, v16;
	v32 =	vld.idx.msk [tilespmem:v49+s15+$0x0], $0xffff;
	[tilespmem:v50+s21+$0x0] =	vst.idx.msk $0xffff, v36;
	v61 =	vor.u32 v10, v21  }
0x33b: {  	v62 =	vor.u32 v12, v23;
	v40 =	vld.idx.msk [tilespmem:v51+s15+$0x0], $0xffff;
	v63 =	vor.u32 v11, v18;
	[tilespmem:v52+s21+$0x0] =	vst.idx.msk $0xffff, v37  }
0x33c: {  	v45 =	vor.u32 v12, v17;
	v46 =	vor.u32 v11, v24;
	v28 =	vld.idx.msk [tilespmem:v53+s15+$0x0], $0xffff;
	[tilespmem:v54+s21+$0x0] =	vst.idx.msk $0xffff, v33  }
0x33d: {  	v47 =	vor.u32 v12, v19;
	v48 =	vor.u32 v11, v25;
	[tilespmem:v56+s21+$0x0] =	vst.idx.msk $0xffff, v29;
	v34 =	vld.idx.msk [tilespmem:v55+s15+$0x0], $0xffff  }
0x33e: {  	v49 =	vor.u32 v12, v20;
	v50 =	vor.u32 v11, v26;
	[tilespmem:v59+s21+$0x0] =	vst.idx.msk $0xffff, v58;
	v30 =	vld.idx.msk [tilespmem:v57+s15+$0x0], $0xffff  }
0x33f: {  	v51 =	vor.u32 v12, v22;
	v53 =	vor.u32 v11, v27;
	[tilespmem:v60+s21+$0x0] =	vst.idx.msk $0xffff, v32;
	v52 =	vld.idx.msk [tilespmem:v61+s15+$0x0], $0xffff  }
0x340: {  	v54 =	vor.u32 v13, v16;
	v37 =	vld.idx.msk [tilespmem:v62+s15+$0x0], $0xffff;
	[tilespmem:v63+s21+$0x0] =	vst.idx.msk $0xffff, v40;
	v55 =	vor.u32 v12, v21  }
0x341: {  	v23 =	vor.u32 v14, v23;
	v56 =	vld.idx.msk [tilespmem:v45+s15+$0x0], $0xffff;
	v57 =	vor.u32 v13, v18;
	[tilespmem:v46+s21+$0x0] =	vst.idx.msk $0xffff, v28  }
0x342: {  	v17 =	vor.u32 v14, v17;
	v58 =	vor.u32 v13, v24;
	v29 =	vld.idx.msk [tilespmem:v47+s15+$0x0], $0xffff;
	[tilespmem:v48+s21+$0x0] =	vst.idx.msk $0xffff, v34  }
0x343: {  	v19 =	vor.u32 v14, v19;
	v60 =	vor.u32 v13, v25;
	[tilespmem:v50+s21+$0x0] =	vst.idx.msk $0xffff, v30;
	v59 =	vld.idx.msk [tilespmem:v49+s15+$0x0], $0xffff  }
0x344: {  	v20 =	vor.u32 v14, v20;
	v61 =	vor.u32 v13, v26;
	[tilespmem:v53+s21+$0x0] =	vst.idx.msk $0xffff, v52;
	v32 =	vld.idx.msk [tilespmem:v51+s15+$0x0], $0xffff  }
0x345: {  	v22 =	vor.u32 v14, v22;
	v62 =	vor.u32 v13, v27;
	[tilespmem:v54+s21+$0x0] =	vst.idx.msk $0xffff, v37;
	v36 =	vld.idx.msk [tilespmem:v55+s15+$0x0], $0xffff  }
0x346: {  	v16 =	vor.u32 v15, v16;
	v21 =	vor.u32 v14, v21;
	[tilespmem:v57+s21+$0x0] =	vst.idx.msk $0xffff, v56;
	v23 =	vld.idx.msk [tilespmem:v23+s15+$0x0], $0xffff  }
0x347: {  	v18 =	vor.u32 v15, v18;
	v17 =	vld.idx.msk [tilespmem:v17+s15+$0x0], $0xffff;
	[tilespmem:v58+s21+$0x0] =	vst.idx.msk $0xffff, v29  }
0x348: {  	v24 =	vor.u32 v15, v24;
	v19 =	vld.idx.msk [tilespmem:v19+s15+$0x0], $0xffff;
	[tilespmem:v60+s21+$0x0] =	vst.idx.msk $0xffff, v59  }
0x349: {  	v25 =	vor.u32 v15, v25;
	[tilespmem:v61+s21+$0x0] =	vst.idx.msk $0xffff, v32;
	v20 =	vld.idx.msk [tilespmem:v20+s15+$0x0], $0xffff  }
0x34a: {  	v26 =	vor.u32 v15, v26;
	[tilespmem:v62+s21+$0x0] =	vst.idx.msk $0xffff, v36;
	v22 =	vld.idx.msk [tilespmem:v22+s15+$0x0], $0xffff  }
0x34b: {  	p3 =	por p2, p2;
	v63 =	vor.u32 v15, v27;
	[tilespmem:v16+s21+$0x0] =	vst.idx.msk $0xffff, v23;
	v16 =	vld.idx.msk [tilespmem:v21+s15+$0x0], $0xffff  }
.Ltmp7:
0x34c: {  	[tilespmem:v18+s21+$0x0] =	vst.idx.msk $0xffff, v17;
	(pc) =	sbr.rel @p3 .LBB2_8-.Ltmp7, $4  }
0x34d: {  	[tilespmem:v24+s21+$0x0] =	vst.idx.msk $0xffff, v19  }
0x34e: {  	[tilespmem:v25+s21+$0x0] =	vst.idx.msk $0xffff, v20  }
0x34f: {  	[tilespmem:v26+s21+$0x0] =	vst.idx.msk $0xffff, v22  }
0x350: {  	p2 =	por $0x0, $0x0;
	s7 =	simm.s32 $0x8;
	[tilespmem:v63+s21+$0x0] =	vst.idx.msk $0xffff, v16  }
0x351: {  	s6 =	sshll.u32 s11, $0xA  }
0x352: {  	p2 =	sgt.u32 s11, $0x1E03;
	s6 =	sadd.s32 s3, s6  }
0x353: {  	[hbm4b:s6+s4] =	stream.linear.scatter [tilespmem:s21], [sflag:$0x6], $0x2000, $0x38;
	[tilespmem:$0x12000] =	vst v63  }
0x354: {  	s7 =	simm.s32 @!p2 $0x400;
	s6 =	sshll.u32 @!p2 s11, $0x7  }
0x355: {  	s8 =	simm.s32 @!p2 $0x7A1400;
	s9 =	simm.s32 @!p2 $0x2000;
	s6 =	sadd.s32 @!p2 s6, s10  }
0x356: {  	[tilespmem:s9], [sflag:$0x2] =	stream.strided.gather @!p2 [hbm4b:s6+s7], $0x2000, s8, s7, $0x38;
	[tilespmem:$0x12000] =	vst v63  }
.LBB2_10:
0x357: {  	s11 =	sor.u32 $0x40, s31  }
0x358: {  	p2 =	sgt.u32 s11, $0x1E83  }
.Ltmp8:
0x359: {  	_ = 	snop;
	(pc) =	sbr.rel @p2 .LBB2_14-.Ltmp8, $1  }
0x35a: {  	_ =	sdelay $0x3  }
0x35b: {  	_ =	swait.ge [sflag:s22], $0x2000  }
0x35c: {  	[sflag:s22] =	ssyncset.done $0x0  }
0x35d: {  	s6 =	simm.s32 @!p1 $0x7;
	[sflag:s22] =	ssyncadd.s32 $0xFFFFE000  }
0x35e: {  	_ =	swait.ge @!p1 [sflag:s6], $0x2000  }
0x35f: {  	[sflag:s6] =	ssyncset.done @!p1 $0x0  }
0x360: {  	s7 =	simm.s32 $0x0;
	p2 =	por $0x1, $0x1;
	[sflag:s6] =	ssyncadd.s32 @!p1 $0xFFFFE000  }
.LBB2_12:
0x361: {  	v16 =	vadd.s32 s7, v0  }
0x362: {  	v18 =	vand.u32 $0xF, v16  }
0x363: {  	v19 =	vshll.u32 v18, $0x1  }
0x364: {  	v17 =	vor.u32 v1, v19;
	_ =	sdelay $0x3  }
0x365: {  	v20 =	vshll.u32 v18, $0x7  }
0x366: {  	v21 =	vor.u32 v0, v20;
	v17 =	vld.idx.msk [tilespmem:v17+s16+$0x0], $0xffff  }
0x367: {  	v22 =	vor.u32 v2, v19;
	_ =	sdelay $0x3  }
0x368: {  	[tilespmem:v21+s23+$0x0] =	vst.idx.msk $0xffff, v17  }
0x369: {  	v25 =	vor.u32 v3, v20;
	v17 =	vld.idx.msk [tilespmem:v22+s16+$0x0], $0xffff  }
0x36a: {  	v26 =	vor.u32 v4, v19;
	_ =	sdelay $0x3  }
0x36b: {  	[tilespmem:v25+s23+$0x0] =	vst.idx.msk $0xffff, v17  }
0x36c: {  	v27 =	vor.u32 v5, v20;
	v17 =	vld.idx.msk [tilespmem:v26+s16+$0x0], $0xffff  }
0x36d: {  	v28 =	vor.u32 v6, v19;
	_ =	sdelay $0x3  }
0x36e: {  	[tilespmem:v27+s23+$0x0] =	vst.idx.msk $0xffff, v17  }
0x36f: {  	v29 =	vor.u32 v7, v20;
	v17 =	vld.idx.msk [tilespmem:v28+s16+$0x0], $0xffff  }
0x370: {  	v30 =	vor.u32 v8, v19;
	_ =	sdelay $0x3  }
0x371: {  	[tilespmem:v29+s23+$0x0] =	vst.idx.msk $0xffff, v17  }
0x372: {  	v31 =	vor.u32 v9, v20;
	v17 =	vld.idx.msk [tilespmem:v30+s16+$0x0], $0xffff  }
0x373: {  	v32 =	vor.u32 v10, v19;
	_ =	sdelay $0x2  }
0x374: {  	s6 =	sor.u32 $0x1, s7  }
0x375: {  	[tilespmem:v31+s23+$0x0] =	vst.idx.msk $0xffff, v17;
	v17 =	vadd.s32 s6, v0  }
0x376: {  	v33 =	vor.u32 v11, v20;
	v21 =	vld.idx.msk [tilespmem:v32+s16+$0x0], $0xffff;
	v23 =	vand.u32 $0xF, v17  }
0x377: {  	v24 =	vor.u32 v12, v19;
	v25 =	vshll.u32 v23, $0x1  }
0x378: {  	v26 =	vor.u32 v1, v25;
	_ =	sdelay $0x2  }
0x379: {  	[tilespmem:v33+s23+$0x0] =	vst.idx.msk $0xffff, v21  }
0x37a: {  	v34 =	vshll.u32 v23, $0x7;
	v21 =	vld.idx.msk [tilespmem:v24+s16+$0x0], $0xffff  }
0x37b: {  	v35 =	vor.u32 v0, v34;
	v24 =	vld.idx.msk [tilespmem:v26+s16+$0x0], $0xffff  }
0x37c: {  	v27 =	vor.u32 v2, v25;
	_ =	sdelay $0x3  }
0x37d: {  	[tilespmem:v35+s23+$0x0] =	vst.idx.msk $0xffff, v24  }
0x37e: {  	v36 =	vor.u32 v3, v34;
	v24 =	vld.idx.msk [tilespmem:v27+s16+$0x0], $0xffff  }
0x37f: {  	v37 =	vor.u32 v4, v25;
	_ =	sdelay $0x3  }
0x380: {  	[tilespmem:v36+s23+$0x0] =	vst.idx.msk $0xffff, v24  }
0x381: {  	v38 =	vor.u32 v5, v34;
	v24 =	vld.idx.msk [tilespmem:v37+s16+$0x0], $0xffff  }
0x382: {  	v39 =	vor.u32 v6, v25;
	_ =	sdelay $0x2  }
0x383: {  	v28 =	vor.u32 v13, v20  }
0x384: {  	v19 =	vor.u32 v14, v19;
	[tilespmem:v38+s23+$0x0] =	vst.idx.msk $0xffff, v24  }
0x385: {  	v40 =	vor.u32 v7, v34;
	v24 =	vld.idx.msk [tilespmem:v39+s16+$0x0], $0xffff  }
0x386: {  	v41 =	vor.u32 v8, v25;
	_ =	sdelay $0x1  }
0x387: {  	v42 =	vor.u32 $0x10, v16;
	[tilespmem:v28+s23+$0x0] =	vst.idx.msk $0xffff, v21  }
0x388: {  	v43 =	vshll.u32 v42, $0x1;
	v20 =	vor.u32 v15, v20;
	v19 =	vld.idx.msk [tilespmem:v19+s16+$0x0], $0xffff  }
0x389: {  	v29 =	vor.u32 v1, v43;
	[tilespmem:v40+s23+$0x0] =	vst.idx.msk $0xffff, v24  }
0x38a: {  	v44 =	vor.u32 v9, v34;
	v24 =	vld.idx.msk [tilespmem:v41+s16+$0x0], $0xffff  }
0x38b: {  	v45 =	vor.u32 v10, v25;
	_ =	sdelay $0x1  }
0x38c: {  	v46 =	vshll.u32 v42, $0x7;
	[tilespmem:v20+s23+$0x0] =	vst.idx.msk $0xffff, v19  }
0x38d: {  	v21 =	vor.u32 v0, v46;
	v20 =	vld.idx.msk [tilespmem:v29+s16+$0x0], $0xffff  }
0x38e: {  	v47 =	vor.u32 v2, v43;
	[tilespmem:v44+s23+$0x0] =	vst.idx.msk $0xffff, v24  }
0x38f: {  	v48 =	vor.u32 v11, v34;
	v24 =	vld.idx.msk [tilespmem:v45+s16+$0x0], $0xffff  }
0x390: {  	v49 =	vor.u32 v12, v25;
	_ =	sdelay $0x1  }
0x391: {  	[tilespmem:v21+s23+$0x0] =	vst.idx.msk $0xffff, v20  }
0x392: {  	v50 =	vor.u32 v3, v46;
	v20 =	vld.idx.msk [tilespmem:v47+s16+$0x0], $0xffff  }
0x393: {  	v51 =	vor.u32 v4, v43;
	[tilespmem:v48+s23+$0x0] =	vst.idx.msk $0xffff, v24  }
0x394: {  	v52 =	vor.u32 v13, v34;
	v24 =	vld.idx.msk [tilespmem:v49+s16+$0x0], $0xffff  }
0x395: {  	v25 =	vor.u32 v14, v25;
	_ =	sdelay $0x1  }
0x396: {  	[tilespmem:v50+s23+$0x0] =	vst.idx.msk $0xffff, v20  }
0x397: {  	v53 =	vor.u32 v5, v46;
	v20 =	vld.idx.msk [tilespmem:v51+s16+$0x0], $0xffff  }
0x398: {  	v54 =	vor.u32 v6, v43;
	v55 =	vor.u32 $0x10, v17;
	[tilespmem:v52+s23+$0x0] =	vst.idx.msk $0xffff, v24  }
0x399: {  	v56 =	vshll.u32 v55, $0x1;
	v22 =	vor.u32 v15, v34;
	v25 =	vld.idx.msk [tilespmem:v25+s16+$0x0], $0xffff  }
0x39a: {  	v57 =	vor.u32 v1, v56;
	_ =	sdelay $0x1  }
0x39b: {  	[tilespmem:v53+s23+$0x0] =	vst.idx.msk $0xffff, v20  }
0x39c: {  	v58 =	vor.u32 v7, v46;
	v20 =	vld.idx.msk [tilespmem:v54+s16+$0x0], $0xffff  }
0x39d: {  	v59 =	vor.u32 v8, v43;
	v60 =	vshll.u32 v55, $0x7;
	[tilespmem:v22+s23+$0x0] =	vst.idx.msk $0xffff, v25  }
0x39e: {  	v62 =	vor.u32 v0, v60;
	v61 =	vld.idx.msk [tilespmem:v57+s16+$0x0], $0xffff  }
0x39f: {  	v63 =	vor.u32 v2, v56;
	_ =	sdelay $0x1  }
0x3a0: {  	[tilespmem:v58+s23+$0x0] =	vst.idx.msk $0xffff, v20  }
0x3a1: {  	v32 =	vor.u32 v9, v46;
	v20 =	vld.idx.msk [tilespmem:v59+s16+$0x0], $0xffff  }
0x3a2: {  	v33 =	vor.u32 v10, v43;
	[tilespmem:v62+s23+$0x0] =	vst.idx.msk $0xffff, v61  }
0x3a3: {  	v34 =	vor.u32 v3, v60;
	v24 =	vld.idx.msk [tilespmem:v63+s16+$0x0], $0xffff  }
0x3a4: {  	v35 =	vor.u32 v4, v56;
	_ =	sdelay $0x1  }
0x3a5: {  	[tilespmem:v32+s23+$0x0] =	vst.idx.msk $0xffff, v20  }
0x3a6: {  	v36 =	vor.u32 v11, v46;
	v20 =	vld.idx.msk [tilespmem:v33+s16+$0x0], $0xffff  }
0x3a7: {  	v37 =	vor.u32 v12, v43;
	[tilespmem:v34+s23+$0x0] =	vst.idx.msk $0xffff, v24  }
0x3a8: {  	v38 =	vor.u32 v5, v60;
	v24 =	vld.idx.msk [tilespmem:v35+s16+$0x0], $0xffff  }
0x3a9: {  	v39 =	vor.u32 v6, v56;
	_ =	sdelay $0x1  }
0x3aa: {  	[tilespmem:v36+s23+$0x0] =	vst.idx.msk $0xffff, v20  }
0x3ab: {  	v40 =	vor.u32 v13, v46;
	v20 =	vld.idx.msk [tilespmem:v37+s16+$0x0], $0xffff  }
0x3ac: {  	v41 =	vor.u32 v14, v43;
	[tilespmem:v38+s23+$0x0] =	vst.idx.msk $0xffff, v24  }
0x3ad: {  	v42 =	vor.u32 v7, v60;
	v24 =	vld.idx.msk [tilespmem:v39+s16+$0x0], $0xffff  }
0x3ae: {  	v43 =	vor.u32 v8, v56;
	_ =	sdelay $0x1  }
0x3af: {  	v18 =	vor.u32 $0x20, v18;
	[tilespmem:v40+s23+$0x0] =	vst.idx.msk $0xffff, v20  }
0x3b0: {  	v19 =	vor.u32 v15, v46;
	v44 =	vshll.u32 v18, $0x1;
	v20 =	vld.idx.msk [tilespmem:v41+s16+$0x0], $0xffff  }
0x3b1: {  	v45 =	vor.u32 v1, v44;
	[tilespmem:v42+s23+$0x0] =	vst.idx.msk $0xffff, v24  }
0x3b2: {  	v46 =	vor.u32 v9, v60;
	v24 =	vld.idx.msk [tilespmem:v43+s16+$0x0], $0xffff  }
0x3b3: {  	v47 =	vor.u32 v10, v56;
	_ =	sdelay $0x1  }
0x3b4: {  	v18 =	vshll.u32 v18, $0x7;
	[tilespmem:v19+s23+$0x0] =	vst.idx.msk $0xffff, v20  }
0x3b5: {  	v48 =	vor.u32 v0, v18;
	v19 =	vld.idx.msk [tilespmem:v45+s16+$0x0], $0xffff  }
0x3b6: {  	v49 =	vor.u32 v2, v44;
	[tilespmem:v46+s23+$0x0] =	vst.idx.msk $0xffff, v24  }
0x3b7: {  	v50 =	vor.u32 v11, v60;
	v24 =	vld.idx.msk [tilespmem:v47+s16+$0x0], $0xffff  }
0x3b8: {  	v51 =	vor.u32 v12, v56;
	_ =	sdelay $0x1  }
0x3b9: {  	[tilespmem:v48+s23+$0x0] =	vst.idx.msk $0xffff, v19  }
0x3ba: {  	v52 =	vor.u32 v3, v18;
	v19 =	vld.idx.msk [tilespmem:v49+s16+$0x0], $0xffff  }
0x3bb: {  	v53 =	vor.u32 v4, v44;
	[tilespmem:v50+s23+$0x0] =	vst.idx.msk $0xffff, v24  }
0x3bc: {  	v54 =	vor.u32 v13, v60;
	v24 =	vld.idx.msk [tilespmem:v51+s16+$0x0], $0xffff  }
0x3bd: {  	v26 =	vor.u32 v14, v56;
	_ =	sdelay $0x1  }
0x3be: {  	[tilespmem:v52+s23+$0x0] =	vst.idx.msk $0xffff, v19  }
0x3bf: {  	v55 =	vor.u32 v5, v18;
	v19 =	vld.idx.msk [tilespmem:v53+s16+$0x0], $0xffff  }
0x3c0: {  	v23 =	vor.u32 $0x20, v23;
	v56 =	vor.u32 v6, v44;
	[tilespmem:v54+s23+$0x0] =	vst.idx.msk $0xffff, v24  }
0x3c1: {  	v22 =	vor.u32 v15, v60;
	v57 =	vshll.u32 v23, $0x1;
	v24 =	vld.idx.msk [tilespmem:v26+s16+$0x0], $0xffff  }
0x3c2: {  	v58 =	vor.u32 v1, v57;
	_ =	sdelay $0x1  }
0x3c3: {  	[tilespmem:v55+s23+$0x0] =	vst.idx.msk $0xffff, v19  }
0x3c4: {  	v59 =	vor.u32 v7, v18;
	v19 =	vld.idx.msk [tilespmem:v56+s16+$0x0], $0xffff  }
0x3c5: {  	v60 =	vor.u32 v8, v44;
	v61 =	vshll.u32 v23, $0x7;
	[tilespmem:v22+s23+$0x0] =	vst.idx.msk $0xffff, v24  }
0x3c6: {  	v63 =	vor.u32 v0, v61;
	v62 =	vld.idx.msk [tilespmem:v58+s16+$0x0], $0xffff  }
0x3c7: {  	v30 =	vor.u32 v2, v57;
	_ =	sdelay $0x1  }
0x3c8: {  	[tilespmem:v59+s23+$0x0] =	vst.idx.msk $0xffff, v19  }
0x3c9: {  	v31 =	vor.u32 v9, v18;
	v19 =	vld.idx.msk [tilespmem:v60+s16+$0x0], $0xffff  }
0x3ca: {  	v32 =	vor.u32 v10, v44;
	[tilespmem:v63+s23+$0x0] =	vst.idx.msk $0xffff, v62  }
0x3cb: {  	v33 =	vor.u32 v3, v61;
	v23 =	vld.idx.msk [tilespmem:v30+s16+$0x0], $0xffff  }
0x3cc: {  	v34 =	vor.u32 v4, v57;
	_ =	sdelay $0x1  }
0x3cd: {  	[tilespmem:v31+s23+$0x0] =	vst.idx.msk $0xffff, v19  }
0x3ce: {  	v35 =	vor.u32 v11, v18;
	v19 =	vld.idx.msk [tilespmem:v32+s16+$0x0], $0xffff  }
0x3cf: {  	v36 =	vor.u32 v12, v44;
	[tilespmem:v33+s23+$0x0] =	vst.idx.msk $0xffff, v23  }
0x3d0: {  	v37 =	vor.u32 v5, v61;
	v23 =	vld.idx.msk [tilespmem:v34+s16+$0x0], $0xffff  }
0x3d1: {  	v38 =	vor.u32 v6, v57;
	_ =	sdelay $0x1  }
0x3d2: {  	[tilespmem:v35+s23+$0x0] =	vst.idx.msk $0xffff, v19  }
0x3d3: {  	v39 =	vor.u32 v13, v18;
	v19 =	vld.idx.msk [tilespmem:v36+s16+$0x0], $0xffff  }
0x3d4: {  	v21 =	vor.u32 v14, v44;
	[tilespmem:v37+s23+$0x0] =	vst.idx.msk $0xffff, v23  }
0x3d5: {  	v40 =	vor.u32 v7, v61;
	v23 =	vld.idx.msk [tilespmem:v38+s16+$0x0], $0xffff  }
0x3d6: {  	v41 =	vor.u32 v8, v57  }
0x3d7: {  	s8 =	sor.u32 $0x2, s7  }
0x3d8: {  	v42 =	vor.u32 $0x30, v16;
	v16 =	vadd.s32 s8, v0;
	[tilespmem:v39+s23+$0x0] =	vst.idx.msk $0xffff, v19  }
0x3d9: {  	v18 =	vor.u32 v15, v18;
	v24 =	vand.u32 $0xF, v16;
	v20 =	vld.idx.msk [tilespmem:v21+s16+$0x0], $0xffff;
	v21 =	vshll.u32 v42, $0x1  }
0x3da: {  	v29 =	vshll.u32 v24, $0x1;
	v43 =	vor.u32 v1, v21;
	[tilespmem:v40+s23+$0x0] =	vst.idx.msk $0xffff, v23  }
0x3db: {  	v44 =	vor.u32 v9, v61;
	v30 =	vor.u32 v1, v29;
	v23 =	vld.idx.msk [tilespmem:v41+s16+$0x0], $0xffff  }
0x3dc: {  	v45 =	vor.u32 v10, v57;
	_ =	sdelay $0x1  }
0x3dd: {  	[tilespmem:v18+s23+$0x0] =	vst.idx.msk $0xffff, v20;
	v18 =	vshll.u32 v42, $0x7  }
0x3de: {  	v28 =	vshll.u32 v24, $0x7;
	v46 =	vld.idx.msk [tilespmem:v43+s16+$0x0], $0xffff;
	v47 =	vor.u32 v0, v18  }
0x3df: {  	v32 =	vor.u32 v0, v28;
	v48 =	vor.u32 v2, v21;
	v30 =	vld.idx.msk [tilespmem:v30+s16+$0x0], $0xffff;
	[tilespmem:v44+s23+$0x0] =	vst.idx.msk $0xffff, v23  }
0x3e0: {  	v49 =	vor.u32 v11, v61;
	v33 =	vor.u32 v2, v29;
	v23 =	vld.idx.msk [tilespmem:v45+s16+$0x0], $0xffff  }
0x3e1: {  	v31 =	vor.u32 v12, v57;
	_ =	sdelay $0x1  }
0x3e2: {  	[tilespmem:v47+s23+$0x0] =	vst.idx.msk $0xffff, v46  }
0x3e3: {  	v50 =	vor.u32 v3, v18;
	[tilespmem:v32+s23+$0x0] =	vst.idx.msk $0xffff, v30;
	v19 =	vld.idx.msk [tilespmem:v48+s16+$0x0], $0xffff  }
0x3e4: {  	v53 =	vor.u32 v3, v28;
	v51 =	vor.u32 v4, v21;
	v30 =	vld.idx.msk [tilespmem:v33+s16+$0x0], $0xffff;
	[tilespmem:v49+s23+$0x0] =	vst.idx.msk $0xffff, v23  }
0x3e5: {  	v52 =	vor.u32 v13, v61;
	v54 =	vor.u32 v4, v29;
	v23 =	vld.idx.msk [tilespmem:v31+s16+$0x0], $0xffff  }
0x3e6: {  	v25 =	vor.u32 v14, v57;
	_ =	sdelay $0x1  }
0x3e7: {  	[tilespmem:v50+s23+$0x0] =	vst.idx.msk $0xffff, v19  }
0x3e8: {  	v17 =	vor.u32 $0x30, v17;
	v55 =	vor.u32 v5, v18;
	[tilespmem:v53+s23+$0x0] =	vst.idx.msk $0xffff, v30;
	v19 =	vld.idx.msk [tilespmem:v51+s16+$0x0], $0xffff  }
0x3e9: {  	v58 =	vor.u32 v5, v28;
	v56 =	vor.u32 v6, v21;
	v30 =	vld.idx.msk [tilespmem:v54+s16+$0x0], $0xffff;
	[tilespmem:v52+s23+$0x0] =	vst.idx.msk $0xffff, v23  }
0x3ea: {  	v22 =	vor.u32 v15, v61;
	v59 =	vor.u32 v6, v29;
	v23 =	vshll.u32 v17, $0x1;
	v25 =	vld.idx.msk [tilespmem:v25+s16+$0x0], $0xffff  }
0x3eb: {  	v57 =	vor.u32 v1, v23;
	_ =	sdelay $0x1  }
0x3ec: {  	[tilespmem:v55+s23+$0x0] =	vst.idx.msk $0xffff, v19  }
0x3ed: {  	v63 =	vor.u32 v7, v28;
	v60 =	vor.u32 v7, v18;
	[tilespmem:v58+s23+$0x0] =	vst.idx.msk $0xffff, v30;
	v19 =	vld.idx.msk [tilespmem:v56+s16+$0x0], $0xffff  }
0x3ee: {  	v30 =	vld.idx.msk [tilespmem:v59+s16+$0x0], $0xffff;
	[tilespmem:v22+s23+$0x0] =	vst.idx.msk $0xffff, v25;
	v22 =	vshll.u32 v17, $0x7;
	v17 =	vor.u32 v8, v21  }
0x3ef: {  	v36 =	vor.u32 v8, v29;
	v25 =	vld.idx.msk [tilespmem:v57+s16+$0x0], $0xffff;
	v61 =	vor.u32 v0, v22  }
0x3f0: {  	v62 =	vor.u32 v2, v23;
	_ =	sdelay $0x1  }
0x3f1: {  	[tilespmem:v60+s23+$0x0] =	vst.idx.msk $0xffff, v19  }
0x3f2: {  	v37 =	vor.u32 v9, v18;
	[tilespmem:v63+s23+$0x0] =	vst.idx.msk $0xffff, v30;
	v17 =	vld.idx.msk [tilespmem:v17+s16+$0x0], $0xffff  }
0x3f3: {  	v38 =	vor.u32 v10, v21;
	v41 =	vor.u32 v9, v28;
	v30 =	vld.idx.msk [tilespmem:v36+s16+$0x0], $0xffff;
	[tilespmem:v61+s23+$0x0] =	vst.idx.msk $0xffff, v25  }
0x3f4: {  	v42 =	vor.u32 v10, v29;
	v39 =	vor.u32 v3, v22;
	v25 =	vld.idx.msk [tilespmem:v62+s16+$0x0], $0xffff  }
0x3f5: {  	v40 =	vor.u32 v4, v23;
	_ =	sdelay $0x1  }
0x3f6: {  	[tilespmem:v37+s23+$0x0] =	vst.idx.msk $0xffff, v17  }
0x3f7: {  	s9 =	sor.u32 $0x3, s7;
	v43 =	vor.u32 v11, v18;
	v34 =	vor.u32 v12, v21;
	[tilespmem:v41+s23+$0x0] =	vst.idx.msk $0xffff, v30;
	v19 =	vld.idx.msk [tilespmem:v38+s16+$0x0], $0xffff  }
0x3f8: {  	v46 =	vor.u32 v11, v28;
	v31 =	vld.idx.msk [tilespmem:v42+s16+$0x0], $0xffff;
	v17 =	vadd.s32 s9, v0;
	[tilespmem:v39+s23+$0x0] =	vst.idx.msk $0xffff, v25  }
0x3f9: {  	v35 =	vor.u32 v12, v29;
	v44 =	vor.u32 v5, v22;
	v25 =	vand.u32 $0xF, v17;
	v26 =	vld.idx.msk [tilespmem:v40+s16+$0x0], $0xffff  }
0x3fa: {  	v45 =	vor.u32 v6, v23;
	v33 =	vshll.u32 v25, $0x1  }
0x3fb: {  	v36 =	vor.u32 v1, v33  }
0x3fc: {  	[tilespmem:v43+s23+$0x0] =	vst.idx.msk $0xffff, v19  }
0x3fd: {  	v47 =	vor.u32 v13, v18;
	[tilespmem:v46+s23+$0x0] =	vst.idx.msk $0xffff, v31;
	v19 =	vld.idx.msk [tilespmem:v34+s16+$0x0], $0xffff  }
0x3fe: {  	v50 =	vor.u32 v13, v28;
	v21 =	vor.u32 v14, v21;
	v31 =	vld.idx.msk [tilespmem:v35+s16+$0x0], $0xffff;
	[tilespmem:v44+s23+$0x0] =	vst.idx.msk $0xffff, v26  }
0x3ff: {  	v29 =	vor.u32 v14, v29;
	v48 =	vor.u32 v7, v22;
	v32 =	vshll.u32 v25, $0x7;
	v26 =	vld.idx.msk [tilespmem:v45+s16+$0x0], $0xffff  }
0x400: {  	v49 =	vor.u32 v8, v23;
	v52 =	vor.u32 v0, v32;
	v51 =	vld.idx.msk [tilespmem:v36+s16+$0x0], $0xffff  }
0x401: {  	v37 =	vor.u32 v2, v33  }
0x402: {  	[tilespmem:v47+s23+$0x0] =	vst.idx.msk $0xffff, v19  }
0x403: {  	v18 =	vor.u32 v15, v18;
	[tilespmem:v50+s23+$0x0] =	vst.idx.msk $0xffff, v31;
	v20 =	vld.idx.msk [tilespmem:v21+s16+$0x0], $0xffff  }
0x404: {  	s8 =	sor.u32 $0x4, s7;
	v55 =	vor.u32 v10, v23;
	v29 =	vld.idx.msk [tilespmem:v29+s16+$0x0], $0xffff;
	v38 =	vor.u32 v15, v28;
	[tilespmem:v48+s23+$0x0] =	vst.idx.msk $0xffff, v26  }
0x405: {  	v54 =	vor.u32 v9, v22;
	v57 =	vor.u32 $0x10, v16;
	v19 =	vadd.s32 s8, v0;
	[tilespmem:v52+s23+$0x0] =	vst.idx.msk $0xffff, v51;
	v53 =	vld.idx.msk [tilespmem:v49+s16+$0x0], $0xffff  }
0x406: {  	v30 =	vshll.u32 v57, $0x7;
	v56 =	vor.u32 v3, v32;
	v26 =	vand.u32 $0xF, v19;
	v35 =	vld.idx.msk [tilespmem:v37+s16+$0x0], $0xffff  }
0x407: {  	v31 =	vshll.u32 v57, $0x1;
	s9 =	sor.u32 $0x5, s7;
	v39 =	vor.u32 v4, v33;
	v34 =	vshll.u32 v26, $0x1  }
0x408: {  	v50 =	vor.u32 v0, v30;
	s8 =	sor.u32 $0x6, s7;
	v40 =	vor.u32 v1, v34;
	[tilespmem:v18+s23+$0x0] =	vst.idx.msk $0xffff, v20;
	v20 =	vadd.s32 s9, v0  }
0x409: {  	v41 =	vor.u32 v1, v31;
	[tilespmem:v38+s23+$0x0] =	vst.idx.msk $0xffff, v29;
	v18 =	vadd.s32 s8, v0;
	v28 =	vand.u32 $0xF, v20  }
0x40a: {  	v43 =	vor.u32 v11, v22;
	v27 =	vand.u32 $0xF, v18;
	[tilespmem:v54+s23+$0x0] =	vst.idx.msk $0xffff, v53;
	v38 =	vshll.u32 v28, $0x1  }
0x40b: {  	[tilespmem:v56+s23+$0x0] =	vst.idx.msk $0xffff, v35;
	v36 =	vshll.u32 v27, $0x1;
	v42 =	vld.idx.msk [tilespmem:v55+s16+$0x0], $0xffff;
	v58 =	vor.u32 v1, v38  }
0x40c: {  	v45 =	vor.u32 v5, v32;
	s9 =	sor.u32 $0x7, s7;
	v35 =	vshll.u32 v26, $0x7;
	v44 =	vld.idx.msk [tilespmem:v39+s16+$0x0], $0xffff;
	v46 =	vor.u32 v1, v36  }
0x40d: {  	v47 =	vor.u32 v6, v33;
	v21 =	vadd.s32 s9, v0;
	v40 =	vld.idx.msk [tilespmem:v40+s16+$0x0], $0xffff;
	v48 =	vor.u32 v0, v35  }
0x40e: {  	v59 =	vor.u32 v2, v31;
	v49 =	vld.idx.msk [tilespmem:v41+s16+$0x0], $0xffff;
	v51 =	vor.u32 v2, v34;
	v29 =	vand.u32 $0xF, v21  }
0x40f: {  	v37 =	vshll.u32 v27, $0x7;
	v39 =	vshll.u32 v28, $0x7;
	v41 =	vshll.u32 v29, $0x1  }
0x410: {  	v52 =	vor.u32 v0, v39;
	v53 =	vor.u32 v1, v41;
	[tilespmem:v43+s23+$0x0] =	vst.idx.msk $0xffff, v42;
	v43 =	vld.idx.msk [tilespmem:v58+s16+$0x0], $0xffff  }
0x411: {  	v60 =	vor.u32 v0, v37;
	[tilespmem:v45+s23+$0x0] =	vst.idx.msk $0xffff, v44;
	v44 =	vor.u32 v2, v38;
	v45 =	vld.idx.msk [tilespmem:v46+s16+$0x0], $0xffff  }
0x412: {  	v54 =	vor.u32 v7, v32;
	[tilespmem:v48+s23+$0x0] =	vst.idx.msk $0xffff, v40;
	v48 =	vor.u32 v2, v36;
	v47 =	vld.idx.msk [tilespmem:v47+s16+$0x0], $0xffff  }
0x413: {  	v61 =	vor.u32 v8, v33;
	[tilespmem:v50+s23+$0x0] =	vst.idx.msk $0xffff, v49;
	v63 =	vor.u32 v3, v35;
	v62 =	vld.idx.msk [tilespmem:v51+s16+$0x0], $0xffff  }
0x414: {  	v56 =	vor.u32 v4, v34;
	v55 =	vor.u32 v3, v30;
	v42 =	vld.idx.msk [tilespmem:v59+s16+$0x0], $0xffff;
	v40 =	vshll.u32 v29, $0x7  }
0x415: {  	[tilespmem:v52+s23+$0x0] =	vst.idx.msk $0xffff, v43;
	v43 =	vor.u32 v4, v31;
	v52 =	vld.idx.msk [tilespmem:v53+s16+$0x0], $0xffff;
	v53 =	vor.u32 v0, v40  }
0x416: {  	[tilespmem:v60+s23+$0x0] =	vst.idx.msk $0xffff, v45;
	v45 =	vor.u32 v3, v39;
	v60 =	vor.u32 v2, v41;
	v44 =	vld.idx.msk [tilespmem:v44+s16+$0x0], $0xffff  }
0x417: {  	[tilespmem:v54+s23+$0x0] =	vst.idx.msk $0xffff, v47;
	v47 =	vor.u32 v4, v38;
	v48 =	vld.idx.msk [tilespmem:v48+s16+$0x0], $0xffff;
	v54 =	vor.u32 v3, v37  }
0x418: {  	v50 =	vor.u32 v9, v32;
	[tilespmem:v63+s23+$0x0] =	vst.idx.msk $0xffff, v62;
	v49 =	vld.idx.msk [tilespmem:v61+s16+$0x0], $0xffff;
	v61 =	vor.u32 v4, v36  }
0x419: {  	[tilespmem:v55+s23+$0x0] =	vst.idx.msk $0xffff, v42;
	v42 =	vor.u32 v10, v33;
	v63 =	vor.u32 v5, v35;
	v62 =	vld.idx.msk [tilespmem:v56+s16+$0x0], $0xffff  }
0x41a: {  	v43 =	vld.idx.msk [tilespmem:v43+s16+$0x0], $0xffff;
	[tilespmem:v53+s23+$0x0] =	vst.idx.msk $0xffff, v52;
	v52 =	vor.u32 v5, v30;
	v53 =	vor.u32 v6, v34  }
0x41b: {  	[tilespmem:v45+s23+$0x0] =	vst.idx.msk $0xffff, v44;
	v44 =	vor.u32 v6, v31;
	v45 =	vld.idx.msk [tilespmem:v60+s16+$0x0], $0xffff;
	v60 =	vor.u32 v3, v40  }
0x41c: {  	[tilespmem:v54+s23+$0x0] =	vst.idx.msk $0xffff, v48;
	v48 =	vor.u32 v5, v39;
	v54 =	vor.u32 v4, v41;
	v47 =	vld.idx.msk [tilespmem:v47+s16+$0x0], $0xffff  }
0x41d: {  	[tilespmem:v50+s23+$0x0] =	vst.idx.msk $0xffff, v49;
	v49 =	vor.u32 v6, v38;
	v50 =	vld.idx.msk [tilespmem:v61+s16+$0x0], $0xffff;
	v61 =	vor.u32 v5, v37  }
0x41e: {  	[tilespmem:v63+s23+$0x0] =	vst.idx.msk $0xffff, v62;
	v62 =	vor.u32 v11, v32;
	v63 =	vor.u32 v6, v36;
	v42 =	vld.idx.msk [tilespmem:v42+s16+$0x0], $0xffff  }
0x41f: {  	[tilespmem:v52+s23+$0x0] =	vst.idx.msk $0xffff, v43;
	v43 =	vor.u32 v12, v33;
	v52 =	vld.idx.msk [tilespmem:v53+s16+$0x0], $0xffff;
	v53 =	vor.u32 v7, v35  }
0x420: {  	v44 =	vld.idx.msk [tilespmem:v44+s16+$0x0], $0xffff;
	[tilespmem:v60+s23+$0x0] =	vst.idx.msk $0xffff, v45;
	v45 =	vor.u32 v7, v30;
	v60 =	vor.u32 v8, v34  }
0x421: {  	[tilespmem:v48+s23+$0x0] =	vst.idx.msk $0xffff, v47;
	v47 =	vor.u32 v8, v31;
	v48 =	vld.idx.msk [tilespmem:v54+s16+$0x0], $0xffff;
	v54 =	vor.u32 v5, v40  }
0x422: {  	[tilespmem:v61+s23+$0x0] =	vst.idx.msk $0xffff, v50;
	v50 =	vor.u32 v7, v39;
	v61 =	vor.u32 v6, v41;
	v49 =	vld.idx.msk [tilespmem:v49+s16+$0x0], $0xffff  }
0x423: {  	[tilespmem:v62+s23+$0x0] =	vst.idx.msk $0xffff, v42;
	v42 =	vor.u32 v8, v38;
	v62 =	vld.idx.msk [tilespmem:v63+s16+$0x0], $0xffff;
	v63 =	vor.u32 v7, v37  }
0x424: {  	v57 =	vor.u32 v13, v32;
	v58 =	vor.u32 v8, v36;
	v43 =	vld.idx.msk [tilespmem:v43+s16+$0x0], $0xffff;
	[tilespmem:v53+s23+$0x0] =	vst.idx.msk $0xffff, v52  }
0x425: {  	[tilespmem:v45+s23+$0x0] =	vst.idx.msk $0xffff, v44;
	v59 =	vld.idx.msk [tilespmem:v60+s16+$0x0], $0xffff;
	v60 =	vor.u32 v9, v35  }
0x426: {  	v33 =	vor.u32 v14, v33;
	v46 =	vld.idx.msk [tilespmem:v47+s16+$0x0], $0xffff;
	[tilespmem:v54+s23+$0x0] =	vst.idx.msk $0xffff, v48  }
0x427: {  	v47 =	vor.u32 v10, v34;
	[tilespmem:v50+s23+$0x0] =	vst.idx.msk $0xffff, v49;
	v48 =	vld.idx.msk [tilespmem:v61+s16+$0x0], $0xffff;
	v61 =	vor.u32 v7, v40  }
0x428: {  	v50 =	vor.u32 v9, v39;
	[tilespmem:v63+s23+$0x0] =	vst.idx.msk $0xffff, v62;
	v62 =	vor.u32 v8, v41;
	v42 =	vld.idx.msk [tilespmem:v42+s16+$0x0], $0xffff  }
0x429: {  	v53 =	vor.u32 v9, v37;
	v52 =	vld.idx.msk [tilespmem:v58+s16+$0x0], $0xffff;
	[tilespmem:v57+s23+$0x0] =	vst.idx.msk $0xffff, v43;
	v43 =	vor.u32 v10, v38  }
0x42a: {  	v55 =	vor.u32 $0x10, v17;
	v63 =	vor.u32 v9, v30;
	[tilespmem:v60+s23+$0x0] =	vst.idx.msk $0xffff, v59;
	v60 =	vor.u32 v10, v36  }
0x42b: {  	v56 =	vor.u32 v15, v32;
	v32 =	vshll.u32 v55, $0x1;
	v33 =	vld.idx.msk [tilespmem:v33+s16+$0x0], $0xffff  }
0x42c: {  	v47 =	vld.idx.msk [tilespmem:v47+s16+$0x0], $0xffff;
	[tilespmem:v61+s23+$0x0] =	vst.idx.msk $0xffff, v48;
	v48 =	vor.u32 v1, v32;
	v61 =	vor.u32 v11, v35  }
0x42d: {  	[tilespmem:v50+s23+$0x0] =	vst.idx.msk $0xffff, v42;
	v42 =	vor.u32 v12, v34;
	v50 =	vld.idx.msk [tilespmem:v62+s16+$0x0], $0xffff;
	v62 =	vor.u32 v9, v40  }
0x42e: {  	[tilespmem:v53+s23+$0x0] =	vst.idx.msk $0xffff, v52;
	v52 =	vor.u32 v11, v39;
	v53 =	vor.u32 v10, v41;
	v43 =	vld.idx.msk [tilespmem:v43+s16+$0x0], $0xffff  }
0x42f: {  	[tilespmem:v63+s23+$0x0] =	vst.idx.msk $0xffff, v46;
	v63 =	vor.u32 v12, v38;
	v44 =	vld.idx.msk [tilespmem:v60+s16+$0x0], $0xffff;
	v60 =	vor.u32 v11, v37  }
0x430: {  	v51 =	vor.u32 v11, v40;
	[tilespmem:v56+s23+$0x0] =	vst.idx.msk $0xffff, v33;
	v56 =	vor.u32 v10, v31;
	v33 =	vshll.u32 v55, $0x7  }
0x431: {  	v55 =	vor.u32 v0, v33;
	v48 =	vld.idx.msk [tilespmem:v48+s16+$0x0], $0xffff;
	[tilespmem:v61+s23+$0x0] =	vst.idx.msk $0xffff, v47;
	v47 =	vor.u32 v12, v36  }
0x432: {  	v61 =	vor.u32 v2, v32;
	v42 =	vld.idx.msk [tilespmem:v42+s16+$0x0], $0xffff;
	[tilespmem:v62+s23+$0x0] =	vst.idx.msk $0xffff, v50;
	v62 =	vor.u32 v13, v35  }
0x433: {  	v45 =	vor.u32 v12, v23;
	v58 =	vor.u32 v4, v32;
	[tilespmem:v52+s23+$0x0] =	vst.idx.msk $0xffff, v43;
	v43 =	vld.idx.msk [tilespmem:v53+s16+$0x0], $0xffff  }
0x434: {  	v46 =	vld.idx.msk [tilespmem:v63+s16+$0x0], $0xffff;
	v63 =	vor.u32 v13, v39;
	[tilespmem:v60+s23+$0x0] =	vst.idx.msk $0xffff, v44;
	v60 =	vor.u32 v12, v41  }
0x435: {  	v57 =	vor.u32 v14, v34;
	v38 =	vor.u32 v14, v38;
	v35 =	vor.u32 v15, v35;
	v54 =	vld.idx.msk [tilespmem:v56+s16+$0x0], $0xffff  }
0x436: {  	v50 =	vor.u32 v13, v30;
	[tilespmem:v55+s23+$0x0] =	vst.idx.msk $0xffff, v48;
	v47 =	vld.idx.msk [tilespmem:v47+s16+$0x0], $0xffff;
	v48 =	vor.u32 v13, v37  }
0x437: {  	v56 =	vor.u32 v11, v30;
	v49 =	vld.idx.msk [tilespmem:v61+s16+$0x0], $0xffff;
	[tilespmem:v62+s23+$0x0] =	vst.idx.msk $0xffff, v42;
	v61 =	vor.u32 v14, v36  }
0x438: {  	v45 =	vld.idx.msk [tilespmem:v45+s16+$0x0], $0xffff;
	v55 =	vor.u32 v12, v31;
	v62 =	vor.u32 v3, v33;
	[tilespmem:v51+s23+$0x0] =	vst.idx.msk $0xffff, v43  }
0x439: {  	v43 =	vor.u32 $0x10, v19;
	[tilespmem:v63+s23+$0x0] =	vst.idx.msk $0xffff, v46;
	v44 =	vld.idx.msk [tilespmem:v60+s16+$0x0], $0xffff;
	v63 =	vor.u32 v13, v40  }
0x43a: {  	v41 =	vor.u32 v14, v41;
	v51 =	vld.idx.msk [tilespmem:v57+s16+$0x0], $0xffff;
	v34 =	vshll.u32 v43, $0x1;
	v60 =	vor.u32 v15, v39  }
0x43b: {  	v52 =	vor.u32 v1, v34;
	v38 =	vld.idx.msk [tilespmem:v38+s16+$0x0], $0xffff;
	[tilespmem:v48+s23+$0x0] =	vst.idx.msk $0xffff, v47;
	v47 =	vor.u32 $0x10, v20  }
0x43c: {  	[tilespmem:v56+s23+$0x0] =	vst.idx.msk $0xffff, v54;
	v54 =	vor.u32 $0x10, v18;
	v36 =	vshll.u32 v47, $0x1;
	v42 =	vld.idx.msk [tilespmem:v61+s16+$0x0], $0xffff;
	v61 =	vor.u32 v15, v37  }
0x43d: {  	v53 =	vor.u32 v13, v22;
	[tilespmem:v62+s23+$0x0] =	vst.idx.msk $0xffff, v49;
	v37 =	vshll.u32 v54, $0x1;
	v62 =	vor.u32 v1, v36  }
0x43e: {  	v46 =	vor.u32 $0x10, v21;
	v55 =	vld.idx.msk [tilespmem:v55+s16+$0x0], $0xffff;
	[tilespmem:v63+s23+$0x0] =	vst.idx.msk $0xffff, v44;
	v63 =	vor.u32 v1, v37  }
0x43f: {  	v40 =	vor.u32 v15, v40;
	v39 =	vshll.u32 v46, $0x1;
	[tilespmem:v35+s23+$0x0] =	vst.idx.msk $0xffff, v51;
	v35 =	vshll.u32 v43, $0x7;
	v41 =	vld.idx.msk [tilespmem:v41+s16+$0x0], $0xffff  }
0x440: {  	v51 =	vor.u32 v0, v35;
	v43 =	vld.idx.msk [tilespmem:v52+s16+$0x0], $0xffff;
	[tilespmem:v60+s23+$0x0] =	vst.idx.msk $0xffff, v38;
	v60 =	vor.u32 v1, v39  }
0x441: {  	v56 =	vld.idx.msk [tilespmem:v58+s16+$0x0], $0xffff;
	v38 =	vshll.u32 v47, $0x7;
	[tilespmem:v61+s23+$0x0] =	vst.idx.msk $0xffff, v42;
	v61 =	vor.u32 v2, v34  }
0x442: {  	v47 =	vor.u32 v14, v31;
	v31 =	vshll.u32 v54, $0x7;
	v48 =	vld.idx.msk [tilespmem:v62+s16+$0x0], $0xffff;
	v62 =	vor.u32 v0, v38  }
0x443: {  	[tilespmem:v53+s23+$0x0] =	vst.idx.msk $0xffff, v45;
	v45 =	vor.u32 v2, v36;
	v53 =	vor.u32 v0, v31;
	v44 =	vld.idx.msk [tilespmem:v63+s16+$0x0], $0xffff  }
0x444: {  	v63 =	vor.u32 v2, v37;
	[tilespmem:v40+s23+$0x0] =	vst.idx.msk $0xffff, v41;
	v41 =	vor.u32 v5, v33;
	v40 =	vshll.u32 v46, $0x7  }
0x445: {  	v57 =	vor.u32 v6, v32;
	[tilespmem:v51+s23+$0x0] =	vst.idx.msk $0xffff, v43;
	v58 =	vld.idx.msk [tilespmem:v60+s16+$0x0], $0xffff;
	v59 =	vor.u32 v0, v40  }
0x446: {  	[tilespmem:v50+s23+$0x0] =	vst.idx.msk $0xffff, v55;
	v60 =	vor.u32 v3, v35;
	v42 =	vld.idx.msk [tilespmem:v61+s16+$0x0], $0xffff;
	v61 =	vor.u32 v2, v39  }
0x447: {  	v30 =	vor.u32 v15, v30;
	v47 =	vld.idx.msk [tilespmem:v47+s16+$0x0], $0xffff;
	[tilespmem:v62+s23+$0x0] =	vst.idx.msk $0xffff, v48;
	v62 =	vor.u32 v4, v34  }
0x448: {  	v49 =	vor.u32 v3, v38;
	v45 =	vld.idx.msk [tilespmem:v45+s16+$0x0], $0xffff;
	[tilespmem:v53+s23+$0x0] =	vst.idx.msk $0xffff, v44  }
0x449: {  	v53 =	vor.u32 v3, v31;
	[tilespmem:v41+s23+$0x0] =	vst.idx.msk $0xffff, v56;
	v41 =	vor.u32 v4, v36;
	v44 =	vld.idx.msk [tilespmem:v63+s16+$0x0], $0xffff  }
0x44a: {  	v55 =	vor.u32 v4, v37;
	v63 =	vor.u32 v7, v33;
	v43 =	vld.idx.msk [tilespmem:v57+s16+$0x0], $0xffff;
	[tilespmem:v59+s23+$0x0] =	vst.idx.msk $0xffff, v58  }
0x44b: {  	v57 =	vor.u32 v8, v32;
	v58 =	vor.u32 v3, v40;
	[tilespmem:v60+s23+$0x0] =	vst.idx.msk $0xffff, v42;
	v56 =	vld.idx.msk [tilespmem:v61+s16+$0x0], $0xffff  }
0x44c: {  	[tilespmem:v30+s23+$0x0] =	vst.idx.msk $0xffff, v47;
	v60 =	vor.u32 v5, v35;
	v61 =	vor.u32 v4, v39;
	v59 =	vld.idx.msk [tilespmem:v62+s16+$0x0], $0xffff  }
0x44d: {  	v62 =	vor.u32 v6, v34;
	[tilespmem:v49+s23+$0x0] =	vst.idx.msk $0xffff, v45  }
0x44e: {  	v45 =	vor.u32 v5, v38;
	v41 =	vld.idx.msk [tilespmem:v41+s16+$0x0], $0xffff;
	[tilespmem:v53+s23+$0x0] =	vst.idx.msk $0xffff, v44  }
0x44f: {  	v49 =	vor.u32 v5, v31;
	[tilespmem:v63+s23+$0x0] =	vst.idx.msk $0xffff, v43;
	v63 =	vor.u32 v6, v36;
	v44 =	vld.idx.msk [tilespmem:v55+s16+$0x0], $0xffff  }
0x450: {  	v52 =	vor.u32 v9, v33;
	v46 =	vld.idx.msk [tilespmem:v57+s16+$0x0], $0xffff;
	v57 =	vor.u32 v6, v37;
	[tilespmem:v58+s23+$0x0] =	vst.idx.msk $0xffff, v56  }
0x451: {  	v47 =	vor.u32 v5, v40;
	v58 =	vor.u32 v10, v32;
	[tilespmem:v60+s23+$0x0] =	vst.idx.msk $0xffff, v59;
	v30 =	vld.idx.msk [tilespmem:v61+s16+$0x0], $0xffff  }
0x452: {  	v48 =	vor.u32 $0x20, v24;
	v60 =	vor.u32 v7, v35;
	v61 =	vor.u32 v6, v39;
	v59 =	vld.idx.msk [tilespmem:v62+s16+$0x0], $0xffff  }
0x453: {  	v24 =	vshll.u32 v48, $0x1;
	v62 =	vor.u32 v8, v34;
	[tilespmem:v45+s23+$0x0] =	vst.idx.msk $0xffff, v41  }
0x454: {  	v41 =	vor.u32 v1, v24;
	v43 =	vld.idx.msk [tilespmem:v63+s16+$0x0], $0xffff;
	v63 =	vor.u32 v7, v38;
	[tilespmem:v49+s23+$0x0] =	vst.idx.msk $0xffff, v44  }
0x455: {  	v44 =	vor.u32 v8, v36;
	v49 =	vor.u32 v7, v31;
	[tilespmem:v52+s23+$0x0] =	vst.idx.msk $0xffff, v46;
	v46 =	vld.idx.msk [tilespmem:v57+s16+$0x0], $0xffff  }
0x456: {  	v57 =	vor.u32 v11, v33;
	v42 =	vld.idx.msk [tilespmem:v58+s16+$0x0], $0xffff;
	v58 =	vor.u32 v8, v37;
	[tilespmem:v47+s23+$0x0] =	vst.idx.msk $0xffff, v30  }
0x457: {  	v47 =	vor.u32 v12, v32;
	[tilespmem:v60+s23+$0x0] =	vst.idx.msk $0xffff, v59;
	v59 =	vld.idx.msk [tilespmem:v61+s16+$0x0], $0xffff;
	v60 =	vor.u32 v7, v40  }
0x458: {  	v30 =	vshll.u32 v48, $0x7;
	v61 =	vor.u32 v9, v35;
	v48 =	vld.idx.msk [tilespmem:v62+s16+$0x0], $0xffff;
	v62 =	vor.u32 v8, v39  }
0x459: {  	v41 =	vld.idx.msk [tilespmem:v41+s16+$0x0], $0xffff;
	[tilespmem:v63+s23+$0x0] =	vst.idx.msk $0xffff, v43;
	v43 =	vor.u32 v0, v30;
	v63 =	vor.u32 v10, v34  }
0x45a: {  	v56 =	vor.u32 v9, v38;
	[tilespmem:v49+s23+$0x0] =	vst.idx.msk $0xffff, v46;
	v44 =	vld.idx.msk [tilespmem:v44+s16+$0x0], $0xffff  }
0x45b: {  	[tilespmem:v57+s23+$0x0] =	vst.idx.msk $0xffff, v42;
	v57 =	vor.u32 v10, v36;
	v49 =	vld.idx.msk [tilespmem:v58+s16+$0x0], $0xffff;
	v58 =	vor.u32 v9, v31  }
0x45c: {  	v47 =	vld.idx.msk [tilespmem:v47+s16+$0x0], $0xffff;
	[tilespmem:v60+s23+$0x0] =	vst.idx.msk $0xffff, v59;
	v59 =	vor.u32 v13, v33;
	v60 =	vor.u32 v10, v37  }
0x45d: {  	[tilespmem:v61+s23+$0x0] =	vst.idx.msk $0xffff, v48;
	v61 =	vld.idx.msk [tilespmem:v62+s16+$0x0], $0xffff;
	v62 =	vor.u32 v9, v40  }
0x45e: {  	v54 =	vor.u32 v11, v35;
	v55 =	vor.u32 v10, v39;
	[tilespmem:v43+s23+$0x0] =	vst.idx.msk $0xffff, v41;
	v63 =	vld.idx.msk [tilespmem:v63+s16+$0x0], $0xffff  }
0x45f: {  	[tilespmem:v56+s23+$0x0] =	vst.idx.msk $0xffff, v44;
	v56 =	vor.u32 v12, v34  }
0x460: {  	v32 =	vor.u32 v14, v32;
	[tilespmem:v58+s23+$0x0] =	vst.idx.msk $0xffff, v49;
	v42 =	vld.idx.msk [tilespmem:v57+s16+$0x0], $0xffff;
	v57 =	vor.u32 v11, v38  }
0x461: {  	v58 =	vor.u32 v12, v36;
	[tilespmem:v59+s23+$0x0] =	vst.idx.msk $0xffff, v47;
	v49 =	vld.idx.msk [tilespmem:v60+s16+$0x0], $0xffff;
	v59 =	vor.u32 v11, v31  }
0x462: {  	v25 =	vor.u32 $0x20, v25;
	v51 =	vor.u32 v14, v23;
	v60 =	vor.u32 v12, v37;
	[tilespmem:v62+s23+$0x0] =	vst.idx.msk $0xffff, v61  }
0x463: {  	v26 =	vor.u32 $0x20, v26;
	v23 =	vshll.u32 v25, $0x1;
	v61 =	vor.u32 v11, v40;
	[tilespmem:v54+s23+$0x0] =	vst.idx.msk $0xffff, v63;
	v41 =	vld.idx.msk [tilespmem:v55+s16+$0x0], $0xffff  }
0x464: {  	v53 =	vor.u32 v2, v23;
	v62 =	vor.u32 v13, v35;
	v63 =	vor.u32 v12, v39;
	v44 =	vld.idx.msk [tilespmem:v56+s16+$0x0], $0xffff  }
0x465: {  	v33 =	vor.u32 v15, v33;
	v32 =	vld.idx.msk [tilespmem:v32+s16+$0x0], $0xffff;
	v56 =	vor.u32 v2, v24;
	[tilespmem:v57+s23+$0x0] =	vst.idx.msk $0xffff, v42  }
0x466: {  	v45 =	vor.u32 v4, v24;
	v57 =	vor.u32 v1, v23;
	[tilespmem:v59+s23+$0x0] =	vst.idx.msk $0xffff, v49;
	v47 =	vld.idx.msk [tilespmem:v58+s16+$0x0], $0xffff  }
0x467: {  	v48 =	vor.u32 v3, v30;
	v34 =	vor.u32 v14, v34;
	v58 =	vor.u32 v13, v38;
	v59 =	vld.idx.msk [tilespmem:v60+s16+$0x0], $0xffff  }
0x468: {  	v36 =	vor.u32 v14, v36;
	v60 =	vor.u32 v13, v31;
	[tilespmem:v61+s23+$0x0] =	vst.idx.msk $0xffff, v41;
	v61 =	vld.idx.msk [tilespmem:v51+s16+$0x0], $0xffff  }
0x469: {  	v37 =	vor.u32 v14, v37;
	[tilespmem:v62+s23+$0x0] =	vst.idx.msk $0xffff, v44;
	v43 =	vld.idx.msk [tilespmem:v63+s16+$0x0], $0xffff;
	v62 =	vor.u32 v13, v40  }
0x46a: {  	v39 =	vor.u32 v14, v39;
	[tilespmem:v33+s23+$0x0] =	vst.idx.msk $0xffff, v32;
	v63 =	vor.u32 v15, v22;
	v42 =	vld.idx.msk [tilespmem:v56+s16+$0x0], $0xffff  }
0x46b: {  	v55 =	vor.u32 v15, v35;
	v38 =	vor.u32 v15, v38;
	v22 =	vshll.u32 v25, $0x7;
	v46 =	vld.idx.msk [tilespmem:v57+s16+$0x0], $0xffff  }
0x46c: {  	v25 =	vshll.u32 v26, $0x1;
	v40 =	vor.u32 v15, v40;
	v54 =	vld.idx.msk [tilespmem:v34+s16+$0x0], $0xffff;
	v57 =	vor.u32 $0x20, v28;
	[tilespmem:v58+s23+$0x0] =	vst.idx.msk $0xffff, v47  }
0x46d: {  	v52 =	vor.u32 v0, v22;
	v56 =	vor.u32 v1, v25;
	v28 =	vshll.u32 v57, $0x1;
	[tilespmem:v60+s23+$0x0] =	vst.idx.msk $0xffff, v59  }
0x46e: {  	v26 =	vshll.u32 v26, $0x7;
	v36 =	vld.idx.msk [tilespmem:v36+s16+$0x0], $0xffff;
	v58 =	vor.u32 v1, v28;
	v60 =	vor.u32 $0x20, v27;
	[tilespmem:v62+s23+$0x0] =	vst.idx.msk $0xffff, v43  }
0x46f: {  	v59 =	vor.u32 v15, v31;
	v37 =	vld.idx.msk [tilespmem:v37+s16+$0x0], $0xffff;
	v27 =	vshll.u32 v60, $0x1;
	[tilespmem:v63+s23+$0x0] =	vst.idx.msk $0xffff, v61;
	v61 =	vor.u32 $0x20, v29  }
0x470: {  	v33 =	vshll.u32 v57, $0x7;
	v62 =	vor.u32 v1, v27;
	[tilespmem:v48+s23+$0x0] =	vst.idx.msk $0xffff, v42;
	v39 =	vld.idx.msk [tilespmem:v39+s16+$0x0], $0xffff;
	v31 =	vshll.u32 v61, $0x1  }
0x471: {  	v29 =	vshll.u32 v60, $0x7;
	v50 =	vor.u32 v10, v27;
	[tilespmem:v55+s23+$0x0] =	vst.idx.msk $0xffff, v54;
	v63 =	vor.u32 v1, v31  }
0x472: {  	[tilespmem:v52+s23+$0x0] =	vst.idx.msk $0xffff, v46;
	v54 =	vor.u32 v3, v22;
	v55 =	vor.u32 v0, v26;
	v34 =	vld.idx.msk [tilespmem:v56+s16+$0x0], $0xffff  }
0x473: {  	v60 =	vor.u32 v0, v29;
	v47 =	vld.idx.msk [tilespmem:v53+s16+$0x0], $0xffff;
	v56 =	vor.u32 v2, v25;
	[tilespmem:v38+s23+$0x0] =	vst.idx.msk $0xffff, v36  }
0x474: {  	v38 =	vor.u32 v4, v23;
	[tilespmem:v59+s23+$0x0] =	vst.idx.msk $0xffff, v37;
	v57 =	vld.idx.msk [tilespmem:v58+s16+$0x0], $0xffff;
	v58 =	vor.u32 v0, v33  }
0x475: {  	v32 =	vshll.u32 v61, $0x7;
	v59 =	vld.idx.msk [tilespmem:v62+s16+$0x0], $0xffff;
	[tilespmem:v40+s23+$0x0] =	vst.idx.msk $0xffff, v39;
	v39 =	vor.u32 v2, v28  }
0x476: {  	v61 =	vor.u32 v2, v27;
	v52 =	vor.u32 v5, v30;
	v62 =	vld.idx.msk [tilespmem:v63+s16+$0x0], $0xffff;
	v63 =	vor.u32 v0, v32  }
0x477: {  	v45 =	vld.idx.msk [tilespmem:v45+s16+$0x0], $0xffff;
	v49 =	vor.u32 v9, v29;
	v53 =	vor.u32 v2, v31;
	[tilespmem:v55+s23+$0x0] =	vst.idx.msk $0xffff, v34  }
0x478: {  	[tilespmem:v54+s23+$0x0] =	vst.idx.msk $0xffff, v47;
	v54 =	vor.u32 v6, v24;
	v55 =	vor.u32 v3, v26;
	v37 =	vld.idx.msk [tilespmem:v56+s16+$0x0], $0xffff  }
0x479: {  	v38 =	vld.idx.msk [tilespmem:v38+s16+$0x0], $0xffff;
	v56 =	vor.u32 v5, v22;
	[tilespmem:v58+s23+$0x0] =	vst.idx.msk $0xffff, v57;
	v57 =	vor.u32 v4, v25  }
0x47a: {  	v58 =	vor.u32 v6, v23;
	[tilespmem:v60+s23+$0x0] =	vst.idx.msk $0xffff, v59;
	v59 =	vor.u32 v3, v33;
	v39 =	vld.idx.msk [tilespmem:v39+s16+$0x0], $0xffff  }
0x47b: {  	v60 =	vor.u32 v4, v28;
	v41 =	vld.idx.msk [tilespmem:v61+s16+$0x0], $0xffff;
	v61 =	vor.u32 v3, v29;
	[tilespmem:v63+s23+$0x0] =	vst.idx.msk $0xffff, v62  }
0x47c: {  	[tilespmem:v52+s23+$0x0] =	vst.idx.msk $0xffff, v45;
	v62 =	vor.u32 v4, v27;
	v63 =	vor.u32 v3, v32;
	v36 =	vld.idx.msk [tilespmem:v53+s16+$0x0], $0xffff  }
0x47d: {  	v52 =	vor.u32 v7, v30;
	v47 =	vld.idx.msk [tilespmem:v54+s16+$0x0], $0xffff;
	[tilespmem:v55+s23+$0x0] =	vst.idx.msk $0xffff, v37;
	v53 =	vor.u32 v4, v31  }
0x47e: {  	v54 =	vor.u32 v8, v24;
	[tilespmem:v56+s23+$0x0] =	vst.idx.msk $0xffff, v38;
	v56 =	vor.u32 v5, v26;
	v55 =	vld.idx.msk [tilespmem:v57+s16+$0x0], $0xffff  }
0x47f: {  	v40 =	vld.idx.msk [tilespmem:v58+s16+$0x0], $0xffff;
	v57 =	vor.u32 v7, v22;
	v58 =	vor.u32 v6, v25;
	[tilespmem:v59+s23+$0x0] =	vst.idx.msk $0xffff, v39  }
0x480: {  	[tilespmem:v61+s23+$0x0] =	vst.idx.msk $0xffff, v41;
	v59 =	vor.u32 v8, v23;
	v42 =	vld.idx.msk [tilespmem:v60+s16+$0x0], $0xffff;
	v60 =	vor.u32 v5, v33  }
0x481: {  	v61 =	vor.u32 v6, v28;
	v34 =	vld.idx.msk [tilespmem:v62+s16+$0x0], $0xffff;
	v62 =	vor.u32 v5, v29;
	[tilespmem:v63+s23+$0x0] =	vst.idx.msk $0xffff, v36  }
0x482: {  	v37 =	vor.u32 v6, v27;
	[tilespmem:v52+s23+$0x0] =	vst.idx.msk $0xffff, v47;
	v52 =	vor.u32 v5, v32;
	v63 =	vld.idx.msk [tilespmem:v53+s16+$0x0], $0xffff  }
0x483: {  	v35 =	vld.idx.msk [tilespmem:v54+s16+$0x0], $0xffff;
	v54 =	vor.u32 v6, v31;
	[tilespmem:v56+s23+$0x0] =	vst.idx.msk $0xffff, v55;
	v53 =	vor.u32 v9, v30  }
0x484: {  	[tilespmem:v57+s23+$0x0] =	vst.idx.msk $0xffff, v40;
	v55 =	vor.u32 v10, v24;
	v57 =	vor.u32 v7, v26;
	v56 =	vld.idx.msk [tilespmem:v58+s16+$0x0], $0xffff  }
0x485: {  	v58 =	vor.u32 v9, v22;
	v41 =	vld.idx.msk [tilespmem:v59+s16+$0x0], $0xffff;
	v59 =	vor.u32 v8, v25;
	[tilespmem:v60+s23+$0x0] =	vst.idx.msk $0xffff, v42  }
0x486: {  	[tilespmem:v62+s23+$0x0] =	vst.idx.msk $0xffff, v34;
	v60 =	vor.u32 v10, v23;
	v36 =	vld.idx.msk [tilespmem:v61+s16+$0x0], $0xffff;
	v61 =	vor.u32 v7, v33  }
0x487: {  	v62 =	vor.u32 v8, v28;
	v37 =	vld.idx.msk [tilespmem:v37+s16+$0x0], $0xffff;
	[tilespmem:v52+s23+$0x0] =	vst.idx.msk $0xffff, v63;
	v63 =	vor.u32 v7, v29  }
0x488: {  	[tilespmem:v53+s23+$0x0] =	vst.idx.msk $0xffff, v35;
	v35 =	vor.u32 v8, v27;
	v53 =	vor.u32 v7, v32;
	v52 =	vld.idx.msk [tilespmem:v54+s16+$0x0], $0xffff  }
0x489: {  	v39 =	vld.idx.msk [tilespmem:v55+s16+$0x0], $0xffff;
	[tilespmem:v57+s23+$0x0] =	vst.idx.msk $0xffff, v56;
	v54 =	vor.u32 v11, v30;
	v55 =	vor.u32 v8, v31  }
0x48a: {  	v56 =	vor.u32 v12, v24;
	[tilespmem:v58+s23+$0x0] =	vst.idx.msk $0xffff, v41;
	v57 =	vld.idx.msk [tilespmem:v59+s16+$0x0], $0xffff;
	v58 =	vor.u32 v9, v26  }
0x48b: {  	v24 =	vor.u32 v14, v24;
	v59 =	vor.u32 v11, v22;
	[tilespmem:v61+s23+$0x0] =	vst.idx.msk $0xffff, v36  }
0x48c: {  	v34 =	vld.idx.msk [tilespmem:v60+s16+$0x0], $0xffff;
	v60 =	vor.u32 v10, v25;
	v61 =	vor.u32 v12, v23;
	[tilespmem:v63+s23+$0x0] =	vst.idx.msk $0xffff, v37  }
0x48d: {  	v47 =	vld.idx.msk [tilespmem:v62+s16+$0x0], $0xffff;
	v62 =	vor.u32 v9, v33;
	v63 =	vor.u32 v10, v28;
	[tilespmem:v53+s23+$0x0] =	vst.idx.msk $0xffff, v52  }
0x48e: {  	v35 =	vld.idx.msk [tilespmem:v35+s16+$0x0], $0xffff;
	[tilespmem:v54+s23+$0x0] =	vst.idx.msk $0xffff, v39;
	v52 =	vor.u32 v9, v32;
	v53 =	vor.u32 v13, v30  }
0x48f: {  	v54 =	vor.u32 v10, v31;
	v30 =	vor.u32 v15, v30;
	v51 =	vld.idx.msk [tilespmem:v55+s16+$0x0], $0xffff;
	[tilespmem:v58+s23+$0x0] =	vst.idx.msk $0xffff, v57  }
0x490: {  	v41 =	vld.idx.msk [tilespmem:v56+s16+$0x0], $0xffff;
	v56 =	vor.u32 v11, v26;
	v57 =	vor.u32 v13, v22;
	v58 =	vor.u32 v12, v25  }
0x491: {  	v25 =	vor.u32 v14, v25;
	[tilespmem:v59+s23+$0x0] =	vst.idx.msk $0xffff, v34;
	v55 =	vld.idx.msk [tilespmem:v60+s16+$0x0], $0xffff;
	v60 =	vor.u32 v11, v33  }
0x492: {  	v37 =	vld.idx.msk [tilespmem:v61+s16+$0x0], $0xffff;
	v61 =	vor.u32 v12, v28;
	v28 =	vor.u32 v14, v28;
	[tilespmem:v62+s23+$0x0] =	vst.idx.msk $0xffff, v47  }
0x493: {  	v62 =	vor.u32 v11, v29;
	[tilespmem:v49+s23+$0x0] =	vst.idx.msk $0xffff, v35;
	v59 =	vld.idx.msk [tilespmem:v63+s16+$0x0], $0xffff;
	v63 =	vor.u32 v12, v27  }
0x494: {  	v49 =	vor.u32 v11, v32;
	v27 =	vor.u32 v14, v27;
	[tilespmem:v52+s23+$0x0] =	vst.idx.msk $0xffff, v51;
	v39 =	vld.idx.msk [tilespmem:v50+s16+$0x0], $0xffff  }
0x495: {  	[tilespmem:v53+s23+$0x0] =	vst.idx.msk $0xffff, v41;
	v50 =	vor.u32 v13, v26;
	v51 =	vor.u32 v12, v31;
	v48 =	vld.idx.msk [tilespmem:v54+s16+$0x0], $0xffff  }
0x496: {  	v16 =	vor.u32 $0x30, v16;
	v52 =	vor.u32 v14, v23;
	v53 =	vor.u32 v13, v33;
	[tilespmem:v56+s23+$0x0] =	vst.idx.msk $0xffff, v55  }
0x497: {  	v23 =	vshll.u32 v16, $0x1;
	v16 =	vshll.u32 v16, $0x7;
	v31 =	vor.u32 v14, v31;
	v24 =	vld.idx.msk [tilespmem:v24+s16+$0x0], $0xffff;
	[tilespmem:v57+s23+$0x0] =	vst.idx.msk $0xffff, v37  }
0x498: {  	v26 =	vor.u32 v15, v26;
	v33 =	vor.u32 v15, v33;
	v34 =	vld.idx.msk [tilespmem:v58+s16+$0x0], $0xffff;
	[tilespmem:v60+s23+$0x0] =	vst.idx.msk $0xffff, v59  }
0x499: {  	v54 =	vor.u32 v13, v29;
	v55 =	vor.u32 v1, v23;
	v38 =	vld.idx.msk [tilespmem:v61+s16+$0x0], $0xffff;
	[tilespmem:v62+s23+$0x0] =	vst.idx.msk $0xffff, v39  }
0x49a: {  	v43 =	vor.u32 v0, v16;
	v29 =	vor.u32 v15, v29;
	v39 =	vld.idx.msk [tilespmem:v63+s16+$0x0], $0xffff;
	[tilespmem:v49+s23+$0x0] =	vst.idx.msk $0xffff, v48  }
0x49b: {  	v57 =	vor.u32 v13, v32;
	v37 =	vor.u32 v2, v23;
	v58 =	vor.u32 $0x30, v17;
	v56 =	vld.idx.msk [tilespmem:v51+s16+$0x0], $0xffff  }
0x49c: {  	v17 =	vshll.u32 v58, $0x1;
	v59 =	vor.u32 $0x30, v19;
	v60 =	vor.u32 v15, v22;
	[tilespmem:v30+s23+$0x0] =	vst.idx.msk $0xffff, v24  }
0x49d: {  	v35 =	vld.idx.msk [tilespmem:v52+s16+$0x0], $0xffff;
	v61 =	vor.u32 v1, v17;
	v19 =	vshll.u32 v59, $0x1;
	v52 =	vor.u32 $0x30, v21;
	[tilespmem:v50+s23+$0x0] =	vst.idx.msk $0xffff, v34  }
0x49e: {  	v62 =	vor.u32 v1, v19;
	v63 =	vor.u32 $0x30, v20;
	v49 =	vor.u32 $0x30, v18;
	v25 =	vld.idx.msk [tilespmem:v25+s16+$0x0], $0xffff;
	[tilespmem:v53+s23+$0x0] =	vst.idx.msk $0xffff, v38  }
0x49f: {  	v18 =	vshll.u32 v58, $0x7;
	v21 =	vshll.u32 v52, $0x1;
	v20 =	vshll.u32 v63, $0x1;
	[tilespmem:v54+s23+$0x0] =	vst.idx.msk $0xffff, v39;
	v28 =	vld.idx.msk [tilespmem:v28+s16+$0x0], $0xffff  }
0x4a0: {  	v24 =	vshll.u32 v59, $0x7;
	v22 =	vshll.u32 v49, $0x1;
	v48 =	vor.u32 v1, v20;
	[tilespmem:v57+s23+$0x0] =	vst.idx.msk $0xffff, v56;
	v27 =	vld.idx.msk [tilespmem:v27+s16+$0x0], $0xffff  }
0x4a1: {  	v51 =	vor.u32 v15, v32;
	v44 =	vor.u32 v0, v18;
	v53 =	vor.u32 v1, v22;
	v50 =	vld.idx.msk [tilespmem:v31+s16+$0x0], $0xffff  }
0x4a2: {  	v42 =	vld.idx.msk [tilespmem:v55+s16+$0x0], $0xffff;
	v55 =	vor.u32 v2, v17;
	[tilespmem:v60+s23+$0x0] =	vst.idx.msk $0xffff, v35;
	v54 =	vor.u32 v1, v21  }
0x4a3: {  	v59 =	vor.u32 v2, v20;
	v38 =	vor.u32 v0, v24;
	v40 =	vld.idx.msk [tilespmem:v61+s16+$0x0], $0xffff;
	[tilespmem:v26+s23+$0x0] =	vst.idx.msk $0xffff, v25  }
0x4a4: {  	v57 =	vor.u32 v2, v19;
	v25 =	vshll.u32 v63, $0x7;
	v56 =	vld.idx.msk [tilespmem:v62+s16+$0x0], $0xffff;
	[tilespmem:v33+s23+$0x0] =	vst.idx.msk $0xffff, v28  }
0x4a5: {  	v26 =	vshll.u32 v49, $0x7;
	v58 =	vor.u32 v0, v25;
	[tilespmem:v29+s23+$0x0] =	vst.idx.msk $0xffff, v27;
	v34 =	vld.idx.msk [tilespmem:v48+s16+$0x0], $0xffff  }
0x4a6: {  	v61 =	vor.u32 v0, v26;
	v27 =	vshll.u32 v52, $0x7;
	[tilespmem:v51+s23+$0x0] =	vst.idx.msk $0xffff, v50;
	v60 =	vld.idx.msk [tilespmem:v53+s16+$0x0], $0xffff  }
0x4a7: {  	[tilespmem:v43+s23+$0x0] =	vst.idx.msk $0xffff, v42;
	v62 =	vor.u32 v2, v22;
	v45 =	vor.u32 v0, v27;
	v63 =	vld.idx.msk [tilespmem:v54+s16+$0x0], $0xffff  }
0x4a8: {  	v46 =	vor.u32 v3, v16;
	v47 =	vor.u32 v2, v21;
	v37 =	vld.idx.msk [tilespmem:v37+s16+$0x0], $0xffff;
	[tilespmem:v44+s23+$0x0] =	vst.idx.msk $0xffff, v40  }
0x4a9: {  	v49 =	vor.u32 v3, v18;
	v48 =	vor.u32 v4, v23;
	v28 =	vld.idx.msk [tilespmem:v55+s16+$0x0], $0xffff;
	[tilespmem:v38+s23+$0x0] =	vst.idx.msk $0xffff, v56  }
0x4aa: {  	v50 =	vor.u32 v4, v17;
	v51 =	vor.u32 v3, v24;
	v29 =	vld.idx.msk [tilespmem:v57+s16+$0x0], $0xffff;
	[tilespmem:v58+s23+$0x0] =	vst.idx.msk $0xffff, v34  }
0x4ab: {  	v52 =	vor.u32 v4, v19;
	v53 =	vor.u32 v3, v25;
	[tilespmem:v61+s23+$0x0] =	vst.idx.msk $0xffff, v60;
	v30 =	vld.idx.msk [tilespmem:v59+s16+$0x0], $0xffff  }
0x4ac: {  	v55 =	vor.u32 v3, v26;
	v54 =	vor.u32 v4, v20;
	[tilespmem:v45+s23+$0x0] =	vst.idx.msk $0xffff, v63;
	v32 =	vld.idx.msk [tilespmem:v62+s16+$0x0], $0xffff  }
0x4ad: {  	[tilespmem:v46+s23+$0x0] =	vst.idx.msk $0xffff, v37;
	v56 =	vor.u32 v4, v22;
	v58 =	vor.u32 v3, v27;
	v57 =	vld.idx.msk [tilespmem:v47+s16+$0x0], $0xffff  }
0x4ae: {  	v33 =	vld.idx.msk [tilespmem:v48+s16+$0x0], $0xffff;
	[tilespmem:v49+s23+$0x0] =	vst.idx.msk $0xffff, v28;
	v59 =	vor.u32 v5, v16;
	v60 =	vor.u32 v4, v21  }
0x4af: {  	v61 =	vor.u32 v6, v23;
	v34 =	vld.idx.msk [tilespmem:v50+s16+$0x0], $0xffff;
	v62 =	vor.u32 v5, v18;
	[tilespmem:v51+s23+$0x0] =	vst.idx.msk $0xffff, v29  }
0x4b0: {  	v63 =	vor.u32 v6, v17;
	v45 =	vor.u32 v5, v24;
	v31 =	vld.idx.msk [tilespmem:v52+s16+$0x0], $0xffff;
	[tilespmem:v53+s23+$0x0] =	vst.idx.msk $0xffff, v30  }
0x4b1: {  	v46 =	vor.u32 v6, v19;
	v47 =	vor.u32 v5, v25;
	[tilespmem:v55+s23+$0x0] =	vst.idx.msk $0xffff, v32;
	v36 =	vld.idx.msk [tilespmem:v54+s16+$0x0], $0xffff  }
0x4b2: {  	v48 =	vor.u32 v6, v20;
	v49 =	vor.u32 v5, v26;
	[tilespmem:v58+s23+$0x0] =	vst.idx.msk $0xffff, v57;
	v37 =	vld.idx.msk [tilespmem:v56+s16+$0x0], $0xffff  }
0x4b3: {  	v50 =	vor.u32 v6, v22;
	v52 =	vor.u32 v5, v27;
	[tilespmem:v59+s23+$0x0] =	vst.idx.msk $0xffff, v33;
	v51 =	vld.idx.msk [tilespmem:v60+s16+$0x0], $0xffff  }
0x4b4: {  	v53 =	vor.u32 v7, v16;
	v29 =	vld.idx.msk [tilespmem:v61+s16+$0x0], $0xffff;
	[tilespmem:v62+s23+$0x0] =	vst.idx.msk $0xffff, v34;
	v54 =	vor.u32 v6, v21  }
0x4b5: {  	v55 =	vor.u32 v8, v23;
	v30 =	vld.idx.msk [tilespmem:v63+s16+$0x0], $0xffff;
	v56 =	vor.u32 v7, v18;
	[tilespmem:v45+s23+$0x0] =	vst.idx.msk $0xffff, v31  }
0x4b6: {  	v57 =	vor.u32 v8, v17;
	v58 =	vor.u32 v7, v24;
	v32 =	vld.idx.msk [tilespmem:v46+s16+$0x0], $0xffff;
	[tilespmem:v47+s23+$0x0] =	vst.idx.msk $0xffff, v36  }
0x4b7: {  	v59 =	vor.u32 v8, v19;
	v60 =	vor.u32 v7, v25;
	[tilespmem:v49+s23+$0x0] =	vst.idx.msk $0xffff, v37;
	v40 =	vld.idx.msk [tilespmem:v48+s16+$0x0], $0xffff  }
0x4b8: {  	v61 =	vor.u32 v8, v20;
	v62 =	vor.u32 v7, v26;
	[tilespmem:v52+s23+$0x0] =	vst.idx.msk $0xffff, v51;
	v28 =	vld.idx.msk [tilespmem:v50+s16+$0x0], $0xffff  }
0x4b9: {  	v63 =	vor.u32 v8, v22;
	v46 =	vor.u32 v7, v27;
	[tilespmem:v53+s23+$0x0] =	vst.idx.msk $0xffff, v29;
	v45 =	vld.idx.msk [tilespmem:v54+s16+$0x0], $0xffff  }
0x4ba: {  	v47 =	vor.u32 v9, v16;
	v31 =	vld.idx.msk [tilespmem:v55+s16+$0x0], $0xffff;
	[tilespmem:v56+s23+$0x0] =	vst.idx.msk $0xffff, v30;
	v48 =	vor.u32 v8, v21  }
0x4bb: {  	v49 =	vor.u32 v10, v23;
	v36 =	vld.idx.msk [tilespmem:v57+s16+$0x0], $0xffff;
	v50 =	vor.u32 v9, v18;
	[tilespmem:v58+s23+$0x0] =	vst.idx.msk $0xffff, v32  }
0x4bc: {  	v51 =	vor.u32 v10, v17;
	v52 =	vor.u32 v9, v24;
	v37 =	vld.idx.msk [tilespmem:v59+s16+$0x0], $0xffff;
	[tilespmem:v60+s23+$0x0] =	vst.idx.msk $0xffff, v40  }
0x4bd: {  	v53 =	vor.u32 v10, v19;
	v54 =	vor.u32 v9, v25;
	[tilespmem:v62+s23+$0x0] =	vst.idx.msk $0xffff, v28;
	v33 =	vld.idx.msk [tilespmem:v61+s16+$0x0], $0xffff  }
0x4be: {  	v55 =	vor.u32 v10, v20;
	v56 =	vor.u32 v9, v26;
	[tilespmem:v46+s23+$0x0] =	vst.idx.msk $0xffff, v45;
	v29 =	vld.idx.msk [tilespmem:v63+s16+$0x0], $0xffff  }
0x4bf: {  	v57 =	vor.u32 v10, v22;
	v59 =	vor.u32 v9, v27;
	[tilespmem:v47+s23+$0x0] =	vst.idx.msk $0xffff, v31;
	v58 =	vld.idx.msk [tilespmem:v48+s16+$0x0], $0xffff  }
0x4c0: {  	v60 =	vor.u32 v11, v16;
	v32 =	vld.idx.msk [tilespmem:v49+s16+$0x0], $0xffff;
	[tilespmem:v50+s23+$0x0] =	vst.idx.msk $0xffff, v36;
	v61 =	vor.u32 v10, v21  }
0x4c1: {  	v62 =	vor.u32 v12, v23;
	v40 =	vld.idx.msk [tilespmem:v51+s16+$0x0], $0xffff;
	v63 =	vor.u32 v11, v18;
	[tilespmem:v52+s23+$0x0] =	vst.idx.msk $0xffff, v37  }
0x4c2: {  	v45 =	vor.u32 v12, v17;
	v46 =	vor.u32 v11, v24;
	v28 =	vld.idx.msk [tilespmem:v53+s16+$0x0], $0xffff;
	[tilespmem:v54+s23+$0x0] =	vst.idx.msk $0xffff, v33  }
0x4c3: {  	v47 =	vor.u32 v12, v19;
	v48 =	vor.u32 v11, v25;
	[tilespmem:v56+s23+$0x0] =	vst.idx.msk $0xffff, v29;
	v34 =	vld.idx.msk [tilespmem:v55+s16+$0x0], $0xffff  }
0x4c4: {  	v49 =	vor.u32 v12, v20;
	v50 =	vor.u32 v11, v26;
	[tilespmem:v59+s23+$0x0] =	vst.idx.msk $0xffff, v58;
	v30 =	vld.idx.msk [tilespmem:v57+s16+$0x0], $0xffff  }
0x4c5: {  	v51 =	vor.u32 v12, v22;
	v53 =	vor.u32 v11, v27;
	[tilespmem:v60+s23+$0x0] =	vst.idx.msk $0xffff, v32;
	v52 =	vld.idx.msk [tilespmem:v61+s16+$0x0], $0xffff  }
0x4c6: {  	v54 =	vor.u32 v13, v16;
	v37 =	vld.idx.msk [tilespmem:v62+s16+$0x0], $0xffff;
	[tilespmem:v63+s23+$0x0] =	vst.idx.msk $0xffff, v40;
	v55 =	vor.u32 v12, v21  }
0x4c7: {  	v23 =	vor.u32 v14, v23;
	v56 =	vld.idx.msk [tilespmem:v45+s16+$0x0], $0xffff;
	v57 =	vor.u32 v13, v18;
	[tilespmem:v46+s23+$0x0] =	vst.idx.msk $0xffff, v28  }
0x4c8: {  	v17 =	vor.u32 v14, v17;
	v58 =	vor.u32 v13, v24;
	v29 =	vld.idx.msk [tilespmem:v47+s16+$0x0], $0xffff;
	[tilespmem:v48+s23+$0x0] =	vst.idx.msk $0xffff, v34  }
0x4c9: {  	v19 =	vor.u32 v14, v19;
	v60 =	vor.u32 v13, v25;
	[tilespmem:v50+s23+$0x0] =	vst.idx.msk $0xffff, v30;
	v59 =	vld.idx.msk [tilespmem:v49+s16+$0x0], $0xffff  }
0x4ca: {  	v20 =	vor.u32 v14, v20;
	v61 =	vor.u32 v13, v26;
	[tilespmem:v53+s23+$0x0] =	vst.idx.msk $0xffff, v52;
	v32 =	vld.idx.msk [tilespmem:v51+s16+$0x0], $0xffff  }
0x4cb: {  	v22 =	vor.u32 v14, v22;
	v62 =	vor.u32 v13, v27;
	[tilespmem:v54+s23+$0x0] =	vst.idx.msk $0xffff, v37;
	v36 =	vld.idx.msk [tilespmem:v55+s16+$0x0], $0xffff  }
0x4cc: {  	v16 =	vor.u32 v15, v16;
	v21 =	vor.u32 v14, v21;
	[tilespmem:v57+s23+$0x0] =	vst.idx.msk $0xffff, v56;
	v23 =	vld.idx.msk [tilespmem:v23+s16+$0x0], $0xffff  }
0x4cd: {  	v18 =	vor.u32 v15, v18;
	v17 =	vld.idx.msk [tilespmem:v17+s16+$0x0], $0xffff;
	[tilespmem:v58+s23+$0x0] =	vst.idx.msk $0xffff, v29  }
0x4ce: {  	v24 =	vor.u32 v15, v24;
	v19 =	vld.idx.msk [tilespmem:v19+s16+$0x0], $0xffff;
	[tilespmem:v60+s23+$0x0] =	vst.idx.msk $0xffff, v59  }
0x4cf: {  	v25 =	vor.u32 v15, v25;
	[tilespmem:v61+s23+$0x0] =	vst.idx.msk $0xffff, v32;
	v20 =	vld.idx.msk [tilespmem:v20+s16+$0x0], $0xffff  }
0x4d0: {  	v26 =	vor.u32 v15, v26;
	[tilespmem:v62+s23+$0x0] =	vst.idx.msk $0xffff, v36;
	v22 =	vld.idx.msk [tilespmem:v22+s16+$0x0], $0xffff  }
0x4d1: {  	p3 =	por p2, p2;
	v63 =	vor.u32 v15, v27;
	[tilespmem:v16+s23+$0x0] =	vst.idx.msk $0xffff, v23;
	v16 =	vld.idx.msk [tilespmem:v21+s16+$0x0], $0xffff  }
.Ltmp9:
0x4d2: {  	[tilespmem:v18+s23+$0x0] =	vst.idx.msk $0xffff, v17;
	(pc) =	sbr.rel @p3 .LBB2_12-.Ltmp9, $4  }
0x4d3: {  	[tilespmem:v24+s23+$0x0] =	vst.idx.msk $0xffff, v19  }
0x4d4: {  	[tilespmem:v25+s23+$0x0] =	vst.idx.msk $0xffff, v20  }
0x4d5: {  	[tilespmem:v26+s23+$0x0] =	vst.idx.msk $0xffff, v22  }
0x4d6: {  	p2 =	por $0x0, $0x0;
	s7 =	simm.s32 $0x8;
	[tilespmem:v63+s23+$0x0] =	vst.idx.msk $0xffff, v16  }
0x4d7: {  	s6 =	sshll.u32 s11, $0xA  }
0x4d8: {  	p2 =	sgt.u32 s11, $0x1E03;
	s6 =	sadd.s32 s3, s6  }
0x4d9: {  	[hbm4b:s6+s4] =	stream.linear.scatter [tilespmem:s23], [sflag:$0x7], $0x2000, $0x38;
	[tilespmem:$0x12000] =	vst v63  }
0x4da: {  	s7 =	simm.s32 @!p2 $0x400;
	s6 =	sshll.u32 @!p2 s11, $0x7  }
0x4db: {  	s8 =	simm.s32 @!p2 $0x7A1400;
	s9 =	simm.s32 @!p2 $0x4000;
	s6 =	sadd.s32 @!p2 s6, s10  }
0x4dc: {  	[tilespmem:s9], [sflag:$0x3] =	stream.strided.gather @!p2 [hbm4b:s6+s7], $0x2000, s8, s7, $0x38;
	[tilespmem:$0x12000] =	vst v63  }
.LBB2_14:
0x4dd: {  	s11 =	sor.u32 $0x60, s31  }
0x4de: {  	p2 =	sgt.u32 s11, $0x1E83  }
.Ltmp10:
0x4df: {  	_ = 	snop;
	(pc) =	sbr.rel @p2 .LBB2_18-.Ltmp10, $1  }
0x4e0: {  	_ =	sdelay $0x3  }
0x4e1: {  	_ =	swait.ge [sflag:s24], $0x2000  }
0x4e2: {  	[sflag:s24] =	ssyncset.done $0x0  }
0x4e3: {  	s6 =	simm.s32 @!p1 $0x8;
	[sflag:s24] =	ssyncadd.s32 $0xFFFFE000  }
0x4e4: {  	_ =	swait.ge @!p1 [sflag:s6], $0x2000  }
0x4e5: {  	[sflag:s6] =	ssyncset.done @!p1 $0x0  }
0x4e6: {  	s7 =	simm.s32 $0x0;
	[sflag:s6] =	ssyncadd.s32 @!p1 $0xFFFFE000;
	p1 =	por $0x1, $0x1  }
.LBB2_16:
0x4e7: {  	v16 =	vadd.s32 s7, v0  }
0x4e8: {  	v18 =	vand.u32 $0xF, v16  }
0x4e9: {  	v19 =	vshll.u32 v18, $0x1  }
0x4ea: {  	v17 =	vor.u32 v1, v19;
	_ =	sdelay $0x3  }
0x4eb: {  	v20 =	vshll.u32 v18, $0x7  }
0x4ec: {  	v21 =	vor.u32 v0, v20;
	v17 =	vld.idx.msk [tilespmem:v17+s17+$0x0], $0xffff  }
0x4ed: {  	v22 =	vor.u32 v2, v19;
	_ =	sdelay $0x3  }
0x4ee: {  	[tilespmem:v21+s25+$0x0] =	vst.idx.msk $0xffff, v17  }
0x4ef: {  	v25 =	vor.u32 v3, v20;
	v17 =	vld.idx.msk [tilespmem:v22+s17+$0x0], $0xffff  }
0x4f0: {  	v26 =	vor.u32 v4, v19;
	_ =	sdelay $0x3  }
0x4f1: {  	[tilespmem:v25+s25+$0x0] =	vst.idx.msk $0xffff, v17  }
0x4f2: {  	v27 =	vor.u32 v5, v20;
	v17 =	vld.idx.msk [tilespmem:v26+s17+$0x0], $0xffff  }
0x4f3: {  	v28 =	vor.u32 v6, v19;
	_ =	sdelay $0x3  }
0x4f4: {  	[tilespmem:v27+s25+$0x0] =	vst.idx.msk $0xffff, v17  }
0x4f5: {  	v29 =	vor.u32 v7, v20;
	v17 =	vld.idx.msk [tilespmem:v28+s17+$0x0], $0xffff  }
0x4f6: {  	v30 =	vor.u32 v8, v19;
	_ =	sdelay $0x3  }
0x4f7: {  	[tilespmem:v29+s25+$0x0] =	vst.idx.msk $0xffff, v17  }
0x4f8: {  	v31 =	vor.u32 v9, v20;
	v17 =	vld.idx.msk [tilespmem:v30+s17+$0x0], $0xffff  }
0x4f9: {  	v32 =	vor.u32 v10, v19;
	_ =	sdelay $0x2  }
0x4fa: {  	s6 =	sor.u32 $0x1, s7  }
0x4fb: {  	[tilespmem:v31+s25+$0x0] =	vst.idx.msk $0xffff, v17;
	v17 =	vadd.s32 s6, v0  }
0x4fc: {  	v33 =	vor.u32 v11, v20;
	v21 =	vld.idx.msk [tilespmem:v32+s17+$0x0], $0xffff;
	v23 =	vand.u32 $0xF, v17  }
0x4fd: {  	v24 =	vor.u32 v12, v19;
	v25 =	vshll.u32 v23, $0x1  }
0x4fe: {  	v26 =	vor.u32 v1, v25;
	_ =	sdelay $0x2  }
0x4ff: {  	[tilespmem:v33+s25+$0x0] =	vst.idx.msk $0xffff, v21  }
0x500: {  	v34 =	vshll.u32 v23, $0x7;
	v21 =	vld.idx.msk [tilespmem:v24+s17+$0x0], $0xffff  }
0x501: {  	v35 =	vor.u32 v0, v34;
	v24 =	vld.idx.msk [tilespmem:v26+s17+$0x0], $0xffff  }
0x502: {  	v27 =	vor.u32 v2, v25;
	_ =	sdelay $0x3  }
0x503: {  	[tilespmem:v35+s25+$0x0] =	vst.idx.msk $0xffff, v24  }
0x504: {  	v36 =	vor.u32 v3, v34;
	v24 =	vld.idx.msk [tilespmem:v27+s17+$0x0], $0xffff  }
0x505: {  	v37 =	vor.u32 v4, v25;
	_ =	sdelay $0x3  }
0x506: {  	[tilespmem:v36+s25+$0x0] =	vst.idx.msk $0xffff, v24  }
0x507: {  	v38 =	vor.u32 v5, v34;
	v24 =	vld.idx.msk [tilespmem:v37+s17+$0x0], $0xffff  }
0x508: {  	v39 =	vor.u32 v6, v25;
	_ =	sdelay $0x2  }
0x509: {  	v28 =	vor.u32 v13, v20  }
0x50a: {  	v19 =	vor.u32 v14, v19;
	[tilespmem:v38+s25+$0x0] =	vst.idx.msk $0xffff, v24  }
0x50b: {  	v40 =	vor.u32 v7, v34;
	v24 =	vld.idx.msk [tilespmem:v39+s17+$0x0], $0xffff  }
0x50c: {  	v41 =	vor.u32 v8, v25;
	_ =	sdelay $0x1  }
0x50d: {  	v42 =	vor.u32 $0x10, v16;
	[tilespmem:v28+s25+$0x0] =	vst.idx.msk $0xffff, v21  }
0x50e: {  	v43 =	vshll.u32 v42, $0x1;
	v20 =	vor.u32 v15, v20;
	v19 =	vld.idx.msk [tilespmem:v19+s17+$0x0], $0xffff  }
0x50f: {  	v29 =	vor.u32 v1, v43;
	[tilespmem:v40+s25+$0x0] =	vst.idx.msk $0xffff, v24  }
0x510: {  	v44 =	vor.u32 v9, v34;
	v24 =	vld.idx.msk [tilespmem:v41+s17+$0x0], $0xffff  }
0x511: {  	v45 =	vor.u32 v10, v25;
	_ =	sdelay $0x1  }
0x512: {  	v46 =	vshll.u32 v42, $0x7;
	[tilespmem:v20+s25+$0x0] =	vst.idx.msk $0xffff, v19  }
0x513: {  	v21 =	vor.u32 v0, v46;
	v20 =	vld.idx.msk [tilespmem:v29+s17+$0x0], $0xffff  }
0x514: {  	v47 =	vor.u32 v2, v43;
	[tilespmem:v44+s25+$0x0] =	vst.idx.msk $0xffff, v24  }
0x515: {  	v48 =	vor.u32 v11, v34;
	v24 =	vld.idx.msk [tilespmem:v45+s17+$0x0], $0xffff  }
0x516: {  	v49 =	vor.u32 v12, v25;
	_ =	sdelay $0x1  }
0x517: {  	[tilespmem:v21+s25+$0x0] =	vst.idx.msk $0xffff, v20  }
0x518: {  	v50 =	vor.u32 v3, v46;
	v20 =	vld.idx.msk [tilespmem:v47+s17+$0x0], $0xffff  }
0x519: {  	v51 =	vor.u32 v4, v43;
	[tilespmem:v48+s25+$0x0] =	vst.idx.msk $0xffff, v24  }
0x51a: {  	v52 =	vor.u32 v13, v34;
	v24 =	vld.idx.msk [tilespmem:v49+s17+$0x0], $0xffff  }
0x51b: {  	v25 =	vor.u32 v14, v25;
	_ =	sdelay $0x1  }
0x51c: {  	[tilespmem:v50+s25+$0x0] =	vst.idx.msk $0xffff, v20  }
0x51d: {  	v53 =	vor.u32 v5, v46;
	v20 =	vld.idx.msk [tilespmem:v51+s17+$0x0], $0xffff  }
0x51e: {  	v54 =	vor.u32 v6, v43;
	v55 =	vor.u32 $0x10, v17;
	[tilespmem:v52+s25+$0x0] =	vst.idx.msk $0xffff, v24  }
0x51f: {  	v56 =	vshll.u32 v55, $0x1;
	v22 =	vor.u32 v15, v34;
	v25 =	vld.idx.msk [tilespmem:v25+s17+$0x0], $0xffff  }
0x520: {  	v57 =	vor.u32 v1, v56;
	_ =	sdelay $0x1  }
0x521: {  	[tilespmem:v53+s25+$0x0] =	vst.idx.msk $0xffff, v20  }
0x522: {  	v58 =	vor.u32 v7, v46;
	v20 =	vld.idx.msk [tilespmem:v54+s17+$0x0], $0xffff  }
0x523: {  	v59 =	vor.u32 v8, v43;
	v60 =	vshll.u32 v55, $0x7;
	[tilespmem:v22+s25+$0x0] =	vst.idx.msk $0xffff, v25  }
0x524: {  	v62 =	vor.u32 v0, v60;
	v61 =	vld.idx.msk [tilespmem:v57+s17+$0x0], $0xffff  }
0x525: {  	v63 =	vor.u32 v2, v56;
	_ =	sdelay $0x1  }
0x526: {  	[tilespmem:v58+s25+$0x0] =	vst.idx.msk $0xffff, v20  }
0x527: {  	v32 =	vor.u32 v9, v46;
	v20 =	vld.idx.msk [tilespmem:v59+s17+$0x0], $0xffff  }
0x528: {  	v33 =	vor.u32 v10, v43;
	[tilespmem:v62+s25+$0x0] =	vst.idx.msk $0xffff, v61  }
0x529: {  	v34 =	vor.u32 v3, v60;
	v24 =	vld.idx.msk [tilespmem:v63+s17+$0x0], $0xffff  }
0x52a: {  	v35 =	vor.u32 v4, v56;
	_ =	sdelay $0x1  }
0x52b: {  	[tilespmem:v32+s25+$0x0] =	vst.idx.msk $0xffff, v20  }
0x52c: {  	v36 =	vor.u32 v11, v46;
	v20 =	vld.idx.msk [tilespmem:v33+s17+$0x0], $0xffff  }
0x52d: {  	v37 =	vor.u32 v12, v43;
	[tilespmem:v34+s25+$0x0] =	vst.idx.msk $0xffff, v24  }
0x52e: {  	v38 =	vor.u32 v5, v60;
	v24 =	vld.idx.msk [tilespmem:v35+s17+$0x0], $0xffff  }
0x52f: {  	v39 =	vor.u32 v6, v56;
	_ =	sdelay $0x1  }
0x530: {  	[tilespmem:v36+s25+$0x0] =	vst.idx.msk $0xffff, v20  }
0x531: {  	v40 =	vor.u32 v13, v46;
	v20 =	vld.idx.msk [tilespmem:v37+s17+$0x0], $0xffff  }
0x532: {  	v41 =	vor.u32 v14, v43;
	[tilespmem:v38+s25+$0x0] =	vst.idx.msk $0xffff, v24  }
0x533: {  	v42 =	vor.u32 v7, v60;
	v24 =	vld.idx.msk [tilespmem:v39+s17+$0x0], $0xffff  }
0x534: {  	v43 =	vor.u32 v8, v56;
	_ =	sdelay $0x1  }
0x535: {  	v18 =	vor.u32 $0x20, v18;
	[tilespmem:v40+s25+$0x0] =	vst.idx.msk $0xffff, v20  }
0x536: {  	v19 =	vor.u32 v15, v46;
	v44 =	vshll.u32 v18, $0x1;
	v20 =	vld.idx.msk [tilespmem:v41+s17+$0x0], $0xffff  }
0x537: {  	v45 =	vor.u32 v1, v44;
	[tilespmem:v42+s25+$0x0] =	vst.idx.msk $0xffff, v24  }
0x538: {  	v46 =	vor.u32 v9, v60;
	v24 =	vld.idx.msk [tilespmem:v43+s17+$0x0], $0xffff  }
0x539: {  	v47 =	vor.u32 v10, v56;
	_ =	sdelay $0x1  }
0x53a: {  	v18 =	vshll.u32 v18, $0x7;
	[tilespmem:v19+s25+$0x0] =	vst.idx.msk $0xffff, v20  }
0x53b: {  	v48 =	vor.u32 v0, v18;
	v19 =	vld.idx.msk [tilespmem:v45+s17+$0x0], $0xffff  }
0x53c: {  	v49 =	vor.u32 v2, v44;
	[tilespmem:v46+s25+$0x0] =	vst.idx.msk $0xffff, v24  }
0x53d: {  	v50 =	vor.u32 v11, v60;
	v24 =	vld.idx.msk [tilespmem:v47+s17+$0x0], $0xffff  }
0x53e: {  	v51 =	vor.u32 v12, v56;
	_ =	sdelay $0x1  }
0x53f: {  	[tilespmem:v48+s25+$0x0] =	vst.idx.msk $0xffff, v19  }
0x540: {  	v52 =	vor.u32 v3, v18;
	v19 =	vld.idx.msk [tilespmem:v49+s17+$0x0], $0xffff  }
0x541: {  	v53 =	vor.u32 v4, v44;
	[tilespmem:v50+s25+$0x0] =	vst.idx.msk $0xffff, v24  }
0x542: {  	v54 =	vor.u32 v13, v60;
	v24 =	vld.idx.msk [tilespmem:v51+s17+$0x0], $0xffff  }
0x543: {  	v26 =	vor.u32 v14, v56;
	_ =	sdelay $0x1  }
0x544: {  	[tilespmem:v52+s25+$0x0] =	vst.idx.msk $0xffff, v19  }
0x545: {  	v55 =	vor.u32 v5, v18;
	v19 =	vld.idx.msk [tilespmem:v53+s17+$0x0], $0xffff  }
0x546: {  	v23 =	vor.u32 $0x20, v23;
	v56 =	vor.u32 v6, v44;
	[tilespmem:v54+s25+$0x0] =	vst.idx.msk $0xffff, v24  }
0x547: {  	v22 =	vor.u32 v15, v60;
	v57 =	vshll.u32 v23, $0x1;
	v24 =	vld.idx.msk [tilespmem:v26+s17+$0x0], $0xffff  }
0x548: {  	v58 =	vor.u32 v1, v57;
	_ =	sdelay $0x1  }
0x549: {  	[tilespmem:v55+s25+$0x0] =	vst.idx.msk $0xffff, v19  }
0x54a: {  	v59 =	vor.u32 v7, v18;
	v19 =	vld.idx.msk [tilespmem:v56+s17+$0x0], $0xffff  }
0x54b: {  	v60 =	vor.u32 v8, v44;
	v61 =	vshll.u32 v23, $0x7;
	[tilespmem:v22+s25+$0x0] =	vst.idx.msk $0xffff, v24  }
0x54c: {  	v63 =	vor.u32 v0, v61;
	v62 =	vld.idx.msk [tilespmem:v58+s17+$0x0], $0xffff  }
0x54d: {  	v30 =	vor.u32 v2, v57;
	_ =	sdelay $0x1  }
0x54e: {  	[tilespmem:v59+s25+$0x0] =	vst.idx.msk $0xffff, v19  }
0x54f: {  	v31 =	vor.u32 v9, v18;
	v19 =	vld.idx.msk [tilespmem:v60+s17+$0x0], $0xffff  }
0x550: {  	v32 =	vor.u32 v10, v44;
	[tilespmem:v63+s25+$0x0] =	vst.idx.msk $0xffff, v62  }
0x551: {  	v33 =	vor.u32 v3, v61;
	v23 =	vld.idx.msk [tilespmem:v30+s17+$0x0], $0xffff  }
0x552: {  	v34 =	vor.u32 v4, v57;
	_ =	sdelay $0x1  }
0x553: {  	[tilespmem:v31+s25+$0x0] =	vst.idx.msk $0xffff, v19  }
0x554: {  	v35 =	vor.u32 v11, v18;
	v19 =	vld.idx.msk [tilespmem:v32+s17+$0x0], $0xffff  }
0x555: {  	v36 =	vor.u32 v12, v44;
	[tilespmem:v33+s25+$0x0] =	vst.idx.msk $0xffff, v23  }
0x556: {  	v37 =	vor.u32 v5, v61;
	v23 =	vld.idx.msk [tilespmem:v34+s17+$0x0], $0xffff  }
0x557: {  	v38 =	vor.u32 v6, v57;
	_ =	sdelay $0x1  }
0x558: {  	[tilespmem:v35+s25+$0x0] =	vst.idx.msk $0xffff, v19  }
0x559: {  	v39 =	vor.u32 v13, v18;
	v19 =	vld.idx.msk [tilespmem:v36+s17+$0x0], $0xffff  }
0x55a: {  	v21 =	vor.u32 v14, v44;
	[tilespmem:v37+s25+$0x0] =	vst.idx.msk $0xffff, v23  }
0x55b: {  	v40 =	vor.u32 v7, v61;
	v23 =	vld.idx.msk [tilespmem:v38+s17+$0x0], $0xffff  }
0x55c: {  	v41 =	vor.u32 v8, v57  }
0x55d: {  	s8 =	sor.u32 $0x2, s7  }
0x55e: {  	v42 =	vor.u32 $0x30, v16;
	v16 =	vadd.s32 s8, v0;
	[tilespmem:v39+s25+$0x0] =	vst.idx.msk $0xffff, v19  }
0x55f: {  	v18 =	vor.u32 v15, v18;
	v24 =	vand.u32 $0xF, v16;
	v20 =	vld.idx.msk [tilespmem:v21+s17+$0x0], $0xffff;
	v21 =	vshll.u32 v42, $0x1  }
0x560: {  	v29 =	vshll.u32 v24, $0x1;
	v43 =	vor.u32 v1, v21;
	[tilespmem:v40+s25+$0x0] =	vst.idx.msk $0xffff, v23  }
0x561: {  	v44 =	vor.u32 v9, v61;
	v30 =	vor.u32 v1, v29;
	v23 =	vld.idx.msk [tilespmem:v41+s17+$0x0], $0xffff  }
0x562: {  	v45 =	vor.u32 v10, v57;
	_ =	sdelay $0x1  }
0x563: {  	[tilespmem:v18+s25+$0x0] =	vst.idx.msk $0xffff, v20;
	v18 =	vshll.u32 v42, $0x7  }
0x564: {  	v28 =	vshll.u32 v24, $0x7;
	v46 =	vld.idx.msk [tilespmem:v43+s17+$0x0], $0xffff;
	v47 =	vor.u32 v0, v18  }
0x565: {  	v32 =	vor.u32 v0, v28;
	v48 =	vor.u32 v2, v21;
	v30 =	vld.idx.msk [tilespmem:v30+s17+$0x0], $0xffff;
	[tilespmem:v44+s25+$0x0] =	vst.idx.msk $0xffff, v23  }
0x566: {  	v49 =	vor.u32 v11, v61;
	v33 =	vor.u32 v2, v29;
	v23 =	vld.idx.msk [tilespmem:v45+s17+$0x0], $0xffff  }
0x567: {  	v31 =	vor.u32 v12, v57;
	_ =	sdelay $0x1  }
0x568: {  	[tilespmem:v47+s25+$0x0] =	vst.idx.msk $0xffff, v46  }
0x569: {  	v50 =	vor.u32 v3, v18;
	[tilespmem:v32+s25+$0x0] =	vst.idx.msk $0xffff, v30;
	v19 =	vld.idx.msk [tilespmem:v48+s17+$0x0], $0xffff  }
0x56a: {  	v53 =	vor.u32 v3, v28;
	v51 =	vor.u32 v4, v21;
	v30 =	vld.idx.msk [tilespmem:v33+s17+$0x0], $0xffff;
	[tilespmem:v49+s25+$0x0] =	vst.idx.msk $0xffff, v23  }
0x56b: {  	v52 =	vor.u32 v13, v61;
	v54 =	vor.u32 v4, v29;
	v23 =	vld.idx.msk [tilespmem:v31+s17+$0x0], $0xffff  }
0x56c: {  	v25 =	vor.u32 v14, v57;
	_ =	sdelay $0x1  }
0x56d: {  	[tilespmem:v50+s25+$0x0] =	vst.idx.msk $0xffff, v19  }
0x56e: {  	v17 =	vor.u32 $0x30, v17;
	v55 =	vor.u32 v5, v18;
	[tilespmem:v53+s25+$0x0] =	vst.idx.msk $0xffff, v30;
	v19 =	vld.idx.msk [tilespmem:v51+s17+$0x0], $0xffff  }
0x56f: {  	v58 =	vor.u32 v5, v28;
	v56 =	vor.u32 v6, v21;
	v30 =	vld.idx.msk [tilespmem:v54+s17+$0x0], $0xffff;
	[tilespmem:v52+s25+$0x0] =	vst.idx.msk $0xffff, v23  }
0x570: {  	v22 =	vor.u32 v15, v61;
	v59 =	vor.u32 v6, v29;
	v23 =	vshll.u32 v17, $0x1;
	v25 =	vld.idx.msk [tilespmem:v25+s17+$0x0], $0xffff  }
0x571: {  	v57 =	vor.u32 v1, v23;
	_ =	sdelay $0x1  }
0x572: {  	[tilespmem:v55+s25+$0x0] =	vst.idx.msk $0xffff, v19  }
0x573: {  	v63 =	vor.u32 v7, v28;
	v60 =	vor.u32 v7, v18;
	[tilespmem:v58+s25+$0x0] =	vst.idx.msk $0xffff, v30;
	v19 =	vld.idx.msk [tilespmem:v56+s17+$0x0], $0xffff  }
0x574: {  	v30 =	vld.idx.msk [tilespmem:v59+s17+$0x0], $0xffff;
	[tilespmem:v22+s25+$0x0] =	vst.idx.msk $0xffff, v25;
	v22 =	vshll.u32 v17, $0x7;
	v17 =	vor.u32 v8, v21  }
0x575: {  	v36 =	vor.u32 v8, v29;
	v25 =	vld.idx.msk [tilespmem:v57+s17+$0x0], $0xffff;
	v61 =	vor.u32 v0, v22  }
0x576: {  	v62 =	vor.u32 v2, v23;
	_ =	sdelay $0x1  }
0x577: {  	[tilespmem:v60+s25+$0x0] =	vst.idx.msk $0xffff, v19  }
0x578: {  	v37 =	vor.u32 v9, v18;
	[tilespmem:v63+s25+$0x0] =	vst.idx.msk $0xffff, v30;
	v17 =	vld.idx.msk [tilespmem:v17+s17+$0x0], $0xffff  }
0x579: {  	v38 =	vor.u32 v10, v21;
	v41 =	vor.u32 v9, v28;
	v30 =	vld.idx.msk [tilespmem:v36+s17+$0x0], $0xffff;
	[tilespmem:v61+s25+$0x0] =	vst.idx.msk $0xffff, v25  }
0x57a: {  	v42 =	vor.u32 v10, v29;
	v39 =	vor.u32 v3, v22;
	v25 =	vld.idx.msk [tilespmem:v62+s17+$0x0], $0xffff  }
0x57b: {  	v40 =	vor.u32 v4, v23;
	_ =	sdelay $0x1  }
0x57c: {  	[tilespmem:v37+s25+$0x0] =	vst.idx.msk $0xffff, v17  }
0x57d: {  	s9 =	sor.u32 $0x3, s7;
	v43 =	vor.u32 v11, v18;
	v34 =	vor.u32 v12, v21;
	[tilespmem:v41+s25+$0x0] =	vst.idx.msk $0xffff, v30;
	v19 =	vld.idx.msk [tilespmem:v38+s17+$0x0], $0xffff  }
0x57e: {  	v46 =	vor.u32 v11, v28;
	v31 =	vld.idx.msk [tilespmem:v42+s17+$0x0], $0xffff;
	v17 =	vadd.s32 s9, v0;
	[tilespmem:v39+s25+$0x0] =	vst.idx.msk $0xffff, v25  }
0x57f: {  	v35 =	vor.u32 v12, v29;
	v44 =	vor.u32 v5, v22;
	v25 =	vand.u32 $0xF, v17;
	v26 =	vld.idx.msk [tilespmem:v40+s17+$0x0], $0xffff  }
0x580: {  	v45 =	vor.u32 v6, v23;
	v33 =	vshll.u32 v25, $0x1  }
0x581: {  	v36 =	vor.u32 v1, v33  }
0x582: {  	[tilespmem:v43+s25+$0x0] =	vst.idx.msk $0xffff, v19  }
0x583: {  	v47 =	vor.u32 v13, v18;
	[tilespmem:v46+s25+$0x0] =	vst.idx.msk $0xffff, v31;
	v19 =	vld.idx.msk [tilespmem:v34+s17+$0x0], $0xffff  }
0x584: {  	v50 =	vor.u32 v13, v28;
	v21 =	vor.u32 v14, v21;
	v31 =	vld.idx.msk [tilespmem:v35+s17+$0x0], $0xffff;
	[tilespmem:v44+s25+$0x0] =	vst.idx.msk $0xffff, v26  }
0x585: {  	v29 =	vor.u32 v14, v29;
	v48 =	vor.u32 v7, v22;
	v32 =	vshll.u32 v25, $0x7;
	v26 =	vld.idx.msk [tilespmem:v45+s17+$0x0], $0xffff  }
0x586: {  	v49 =	vor.u32 v8, v23;
	v52 =	vor.u32 v0, v32;
	v51 =	vld.idx.msk [tilespmem:v36+s17+$0x0], $0xffff  }
0x587: {  	v37 =	vor.u32 v2, v33  }
0x588: {  	[tilespmem:v47+s25+$0x0] =	vst.idx.msk $0xffff, v19  }
0x589: {  	v18 =	vor.u32 v15, v18;
	[tilespmem:v50+s25+$0x0] =	vst.idx.msk $0xffff, v31;
	v20 =	vld.idx.msk [tilespmem:v21+s17+$0x0], $0xffff  }
0x58a: {  	s31 =	sor.u32 $0x4, s7;
	v55 =	vor.u32 v10, v23;
	v29 =	vld.idx.msk [tilespmem:v29+s17+$0x0], $0xffff;
	v38 =	vor.u32 v15, v28;
	[tilespmem:v48+s25+$0x0] =	vst.idx.msk $0xffff, v26  }
0x58b: {  	v54 =	vor.u32 v9, v22;
	v57 =	vor.u32 $0x10, v16;
	v19 =	vadd.s32 s31, v0;
	[tilespmem:v52+s25+$0x0] =	vst.idx.msk $0xffff, v51;
	v53 =	vld.idx.msk [tilespmem:v49+s17+$0x0], $0xffff  }
0x58c: {  	v30 =	vshll.u32 v57, $0x7;
	v56 =	vor.u32 v3, v32;
	v26 =	vand.u32 $0xF, v19;
	v35 =	vld.idx.msk [tilespmem:v37+s17+$0x0], $0xffff  }
0x58d: {  	s8 =	sor.u32 $0x5, s7;
	v31 =	vshll.u32 v57, $0x1;
	v39 =	vor.u32 v4, v33;
	v34 =	vshll.u32 v26, $0x1  }
0x58e: {  	v50 =	vor.u32 v0, v30;
	s9 =	sor.u32 $0x6, s7;
	v40 =	vor.u32 v1, v34;
	[tilespmem:v18+s25+$0x0] =	vst.idx.msk $0xffff, v20;
	v20 =	vadd.s32 s8, v0  }
0x58f: {  	v41 =	vor.u32 v1, v31;
	[tilespmem:v38+s25+$0x0] =	vst.idx.msk $0xffff, v29;
	v18 =	vadd.s32 s9, v0;
	v28 =	vand.u32 $0xF, v20  }
0x590: {  	v43 =	vor.u32 v11, v22;
	v27 =	vand.u32 $0xF, v18;
	[tilespmem:v54+s25+$0x0] =	vst.idx.msk $0xffff, v53;
	v38 =	vshll.u32 v28, $0x1  }
0x591: {  	[tilespmem:v56+s25+$0x0] =	vst.idx.msk $0xffff, v35;
	v36 =	vshll.u32 v27, $0x1;
	v42 =	vld.idx.msk [tilespmem:v55+s17+$0x0], $0xffff;
	v58 =	vor.u32 v1, v38  }
0x592: {  	v45 =	vor.u32 v5, v32;
	s31 =	sor.u32 $0x7, s7;
	v35 =	vshll.u32 v26, $0x7;
	v44 =	vld.idx.msk [tilespmem:v39+s17+$0x0], $0xffff;
	v46 =	vor.u32 v1, v36  }
0x593: {  	v47 =	vor.u32 v6, v33;
	v21 =	vadd.s32 s31, v0;
	v40 =	vld.idx.msk [tilespmem:v40+s17+$0x0], $0xffff;
	v48 =	vor.u32 v0, v35  }
0x594: {  	v59 =	vor.u32 v2, v31;
	v29 =	vand.u32 $0xF, v21;
	v49 =	vld.idx.msk [tilespmem:v41+s17+$0x0], $0xffff;
	v51 =	vor.u32 v2, v34  }
0x595: {  	v41 =	vshll.u32 v29, $0x1;
	v37 =	vshll.u32 v27, $0x7;
	v39 =	vshll.u32 v28, $0x7  }
0x596: {  	v53 =	vor.u32 v1, v41;
	v52 =	vor.u32 v0, v39;
	[tilespmem:v43+s25+$0x0] =	vst.idx.msk $0xffff, v42;
	v43 =	vld.idx.msk [tilespmem:v58+s17+$0x0], $0xffff  }
0x597: {  	v60 =	vor.u32 v0, v37;
	[tilespmem:v45+s25+$0x0] =	vst.idx.msk $0xffff, v44;
	v44 =	vor.u32 v2, v38;
	v45 =	vld.idx.msk [tilespmem:v46+s17+$0x0], $0xffff  }
0x598: {  	v54 =	vor.u32 v7, v32;
	[tilespmem:v48+s25+$0x0] =	vst.idx.msk $0xffff, v40;
	v48 =	vor.u32 v2, v36;
	v47 =	vld.idx.msk [tilespmem:v47+s17+$0x0], $0xffff  }
0x599: {  	v61 =	vor.u32 v8, v33;
	[tilespmem:v50+s25+$0x0] =	vst.idx.msk $0xffff, v49;
	v63 =	vor.u32 v3, v35;
	v62 =	vld.idx.msk [tilespmem:v51+s17+$0x0], $0xffff  }
0x59a: {  	v56 =	vor.u32 v4, v34;
	v55 =	vor.u32 v3, v30;
	v42 =	vld.idx.msk [tilespmem:v59+s17+$0x0], $0xffff;
	v40 =	vshll.u32 v29, $0x7  }
0x59b: {  	[tilespmem:v52+s25+$0x0] =	vst.idx.msk $0xffff, v43;
	v43 =	vor.u32 v4, v31;
	v52 =	vld.idx.msk [tilespmem:v53+s17+$0x0], $0xffff;
	v53 =	vor.u32 v0, v40  }
0x59c: {  	[tilespmem:v60+s25+$0x0] =	vst.idx.msk $0xffff, v45;
	v45 =	vor.u32 v3, v39;
	v60 =	vor.u32 v2, v41;
	v44 =	vld.idx.msk [tilespmem:v44+s17+$0x0], $0xffff  }
0x59d: {  	[tilespmem:v54+s25+$0x0] =	vst.idx.msk $0xffff, v47;
	v47 =	vor.u32 v4, v38;
	v48 =	vld.idx.msk [tilespmem:v48+s17+$0x0], $0xffff;
	v54 =	vor.u32 v3, v37  }
0x59e: {  	v50 =	vor.u32 v9, v32;
	[tilespmem:v63+s25+$0x0] =	vst.idx.msk $0xffff, v62;
	v49 =	vld.idx.msk [tilespmem:v61+s17+$0x0], $0xffff;
	v61 =	vor.u32 v4, v36  }
0x59f: {  	[tilespmem:v55+s25+$0x0] =	vst.idx.msk $0xffff, v42;
	v42 =	vor.u32 v10, v33;
	v63 =	vor.u32 v5, v35;
	v62 =	vld.idx.msk [tilespmem:v56+s17+$0x0], $0xffff  }
0x5a0: {  	v43 =	vld.idx.msk [tilespmem:v43+s17+$0x0], $0xffff;
	[tilespmem:v53+s25+$0x0] =	vst.idx.msk $0xffff, v52;
	v52 =	vor.u32 v5, v30;
	v53 =	vor.u32 v6, v34  }
0x5a1: {  	[tilespmem:v45+s25+$0x0] =	vst.idx.msk $0xffff, v44;
	v44 =	vor.u32 v6, v31;
	v45 =	vld.idx.msk [tilespmem:v60+s17+$0x0], $0xffff;
	v60 =	vor.u32 v3, v40  }
0x5a2: {  	[tilespmem:v54+s25+$0x0] =	vst.idx.msk $0xffff, v48;
	v48 =	vor.u32 v5, v39;
	v54 =	vor.u32 v4, v41;
	v47 =	vld.idx.msk [tilespmem:v47+s17+$0x0], $0xffff  }
0x5a3: {  	[tilespmem:v50+s25+$0x0] =	vst.idx.msk $0xffff, v49;
	v49 =	vor.u32 v6, v38;
	v50 =	vld.idx.msk [tilespmem:v61+s17+$0x0], $0xffff;
	v61 =	vor.u32 v5, v37  }
0x5a4: {  	[tilespmem:v63+s25+$0x0] =	vst.idx.msk $0xffff, v62;
	v62 =	vor.u32 v11, v32;
	v63 =	vor.u32 v6, v36;
	v42 =	vld.idx.msk [tilespmem:v42+s17+$0x0], $0xffff  }
0x5a5: {  	[tilespmem:v52+s25+$0x0] =	vst.idx.msk $0xffff, v43;
	v43 =	vor.u32 v12, v33;
	v52 =	vld.idx.msk [tilespmem:v53+s17+$0x0], $0xffff;
	v53 =	vor.u32 v7, v35  }
0x5a6: {  	v44 =	vld.idx.msk [tilespmem:v44+s17+$0x0], $0xffff;
	[tilespmem:v60+s25+$0x0] =	vst.idx.msk $0xffff, v45;
	v45 =	vor.u32 v7, v30;
	v60 =	vor.u32 v8, v34  }
0x5a7: {  	[tilespmem:v48+s25+$0x0] =	vst.idx.msk $0xffff, v47;
	v47 =	vor.u32 v8, v31;
	v48 =	vld.idx.msk [tilespmem:v54+s17+$0x0], $0xffff;
	v54 =	vor.u32 v5, v40  }
0x5a8: {  	[tilespmem:v61+s25+$0x0] =	vst.idx.msk $0xffff, v50;
	v50 =	vor.u32 v7, v39;
	v61 =	vor.u32 v6, v41;
	v49 =	vld.idx.msk [tilespmem:v49+s17+$0x0], $0xffff  }
0x5a9: {  	[tilespmem:v62+s25+$0x0] =	vst.idx.msk $0xffff, v42;
	v42 =	vor.u32 v8, v38;
	v62 =	vld.idx.msk [tilespmem:v63+s17+$0x0], $0xffff;
	v63 =	vor.u32 v7, v37  }
0x5aa: {  	v57 =	vor.u32 v13, v32;
	v58 =	vor.u32 v8, v36;
	v43 =	vld.idx.msk [tilespmem:v43+s17+$0x0], $0xffff;
	[tilespmem:v53+s25+$0x0] =	vst.idx.msk $0xffff, v52  }
0x5ab: {  	[tilespmem:v45+s25+$0x0] =	vst.idx.msk $0xffff, v44;
	v59 =	vld.idx.msk [tilespmem:v60+s17+$0x0], $0xffff;
	v60 =	vor.u32 v9, v35  }
0x5ac: {  	v33 =	vor.u32 v14, v33;
	v46 =	vld.idx.msk [tilespmem:v47+s17+$0x0], $0xffff;
	[tilespmem:v54+s25+$0x0] =	vst.idx.msk $0xffff, v48  }
0x5ad: {  	v47 =	vor.u32 v10, v34;
	[tilespmem:v50+s25+$0x0] =	vst.idx.msk $0xffff, v49;
	v48 =	vld.idx.msk [tilespmem:v61+s17+$0x0], $0xffff;
	v61 =	vor.u32 v7, v40  }
0x5ae: {  	v50 =	vor.u32 v9, v39;
	[tilespmem:v63+s25+$0x0] =	vst.idx.msk $0xffff, v62;
	v62 =	vor.u32 v8, v41;
	v42 =	vld.idx.msk [tilespmem:v42+s17+$0x0], $0xffff  }
0x5af: {  	v53 =	vor.u32 v9, v37;
	v52 =	vld.idx.msk [tilespmem:v58+s17+$0x0], $0xffff;
	[tilespmem:v57+s25+$0x0] =	vst.idx.msk $0xffff, v43;
	v43 =	vor.u32 v10, v38  }
0x5b0: {  	v55 =	vor.u32 $0x10, v17;
	v63 =	vor.u32 v9, v30;
	[tilespmem:v60+s25+$0x0] =	vst.idx.msk $0xffff, v59;
	v60 =	vor.u32 v10, v36  }
0x5b1: {  	v56 =	vor.u32 v15, v32;
	v32 =	vshll.u32 v55, $0x1;
	v33 =	vld.idx.msk [tilespmem:v33+s17+$0x0], $0xffff  }
0x5b2: {  	v47 =	vld.idx.msk [tilespmem:v47+s17+$0x0], $0xffff;
	[tilespmem:v61+s25+$0x0] =	vst.idx.msk $0xffff, v48;
	v48 =	vor.u32 v1, v32;
	v61 =	vor.u32 v11, v35  }
0x5b3: {  	[tilespmem:v50+s25+$0x0] =	vst.idx.msk $0xffff, v42;
	v42 =	vor.u32 v12, v34;
	v50 =	vld.idx.msk [tilespmem:v62+s17+$0x0], $0xffff;
	v62 =	vor.u32 v9, v40  }
0x5b4: {  	[tilespmem:v53+s25+$0x0] =	vst.idx.msk $0xffff, v52;
	v52 =	vor.u32 v11, v39;
	v53 =	vor.u32 v10, v41;
	v43 =	vld.idx.msk [tilespmem:v43+s17+$0x0], $0xffff  }
0x5b5: {  	[tilespmem:v63+s25+$0x0] =	vst.idx.msk $0xffff, v46;
	v63 =	vor.u32 v12, v38;
	v44 =	vld.idx.msk [tilespmem:v60+s17+$0x0], $0xffff;
	v60 =	vor.u32 v11, v37  }
0x5b6: {  	v51 =	vor.u32 v11, v40;
	[tilespmem:v56+s25+$0x0] =	vst.idx.msk $0xffff, v33;
	v56 =	vor.u32 v10, v31;
	v33 =	vshll.u32 v55, $0x7  }
0x5b7: {  	v55 =	vor.u32 v0, v33;
	v48 =	vld.idx.msk [tilespmem:v48+s17+$0x0], $0xffff;
	[tilespmem:v61+s25+$0x0] =	vst.idx.msk $0xffff, v47;
	v47 =	vor.u32 v12, v36  }
0x5b8: {  	v61 =	vor.u32 v2, v32;
	v42 =	vld.idx.msk [tilespmem:v42+s17+$0x0], $0xffff;
	[tilespmem:v62+s25+$0x0] =	vst.idx.msk $0xffff, v50;
	v62 =	vor.u32 v13, v35  }
0x5b9: {  	v45 =	vor.u32 v12, v23;
	v58 =	vor.u32 v4, v32;
	[tilespmem:v52+s25+$0x0] =	vst.idx.msk $0xffff, v43;
	v43 =	vld.idx.msk [tilespmem:v53+s17+$0x0], $0xffff  }
0x5ba: {  	v46 =	vld.idx.msk [tilespmem:v63+s17+$0x0], $0xffff;
	v63 =	vor.u32 v13, v39;
	[tilespmem:v60+s25+$0x0] =	vst.idx.msk $0xffff, v44;
	v60 =	vor.u32 v12, v41  }
0x5bb: {  	v57 =	vor.u32 v14, v34;
	v38 =	vor.u32 v14, v38;
	v35 =	vor.u32 v15, v35;
	v54 =	vld.idx.msk [tilespmem:v56+s17+$0x0], $0xffff  }
0x5bc: {  	v50 =	vor.u32 v13, v30;
	[tilespmem:v55+s25+$0x0] =	vst.idx.msk $0xffff, v48;
	v47 =	vld.idx.msk [tilespmem:v47+s17+$0x0], $0xffff;
	v48 =	vor.u32 v13, v37  }
0x5bd: {  	v56 =	vor.u32 v11, v30;
	v49 =	vld.idx.msk [tilespmem:v61+s17+$0x0], $0xffff;
	[tilespmem:v62+s25+$0x0] =	vst.idx.msk $0xffff, v42;
	v61 =	vor.u32 v14, v36  }
0x5be: {  	v45 =	vld.idx.msk [tilespmem:v45+s17+$0x0], $0xffff;
	v55 =	vor.u32 v12, v31;
	v62 =	vor.u32 v3, v33;
	[tilespmem:v51+s25+$0x0] =	vst.idx.msk $0xffff, v43  }
0x5bf: {  	v43 =	vor.u32 $0x10, v19;
	[tilespmem:v63+s25+$0x0] =	vst.idx.msk $0xffff, v46;
	v44 =	vld.idx.msk [tilespmem:v60+s17+$0x0], $0xffff;
	v63 =	vor.u32 v13, v40  }
0x5c0: {  	v41 =	vor.u32 v14, v41;
	v51 =	vld.idx.msk [tilespmem:v57+s17+$0x0], $0xffff;
	v34 =	vshll.u32 v43, $0x1;
	v60 =	vor.u32 v15, v39  }
0x5c1: {  	v52 =	vor.u32 v1, v34;
	v38 =	vld.idx.msk [tilespmem:v38+s17+$0x0], $0xffff;
	[tilespmem:v48+s25+$0x0] =	vst.idx.msk $0xffff, v47;
	v47 =	vor.u32 $0x10, v20  }
0x5c2: {  	[tilespmem:v56+s25+$0x0] =	vst.idx.msk $0xffff, v54;
	v54 =	vor.u32 $0x10, v18;
	v36 =	vshll.u32 v47, $0x1;
	v42 =	vld.idx.msk [tilespmem:v61+s17+$0x0], $0xffff;
	v61 =	vor.u32 v15, v37  }
0x5c3: {  	v53 =	vor.u32 v13, v22;
	[tilespmem:v62+s25+$0x0] =	vst.idx.msk $0xffff, v49;
	v37 =	vshll.u32 v54, $0x1;
	v62 =	vor.u32 v1, v36  }
0x5c4: {  	v46 =	vor.u32 $0x10, v21;
	v55 =	vld.idx.msk [tilespmem:v55+s17+$0x0], $0xffff;
	[tilespmem:v63+s25+$0x0] =	vst.idx.msk $0xffff, v44;
	v63 =	vor.u32 v1, v37  }
0x5c5: {  	v40 =	vor.u32 v15, v40;
	v39 =	vshll.u32 v46, $0x1;
	[tilespmem:v35+s25+$0x0] =	vst.idx.msk $0xffff, v51;
	v35 =	vshll.u32 v43, $0x7;
	v41 =	vld.idx.msk [tilespmem:v41+s17+$0x0], $0xffff  }
0x5c6: {  	v51 =	vor.u32 v0, v35;
	v43 =	vld.idx.msk [tilespmem:v52+s17+$0x0], $0xffff;
	[tilespmem:v60+s25+$0x0] =	vst.idx.msk $0xffff, v38;
	v60 =	vor.u32 v1, v39  }
0x5c7: {  	v56 =	vld.idx.msk [tilespmem:v58+s17+$0x0], $0xffff;
	v38 =	vshll.u32 v47, $0x7;
	[tilespmem:v61+s25+$0x0] =	vst.idx.msk $0xffff, v42;
	v61 =	vor.u32 v2, v34  }
0x5c8: {  	v47 =	vor.u32 v14, v31;
	v31 =	vshll.u32 v54, $0x7;
	v48 =	vld.idx.msk [tilespmem:v62+s17+$0x0], $0xffff;
	v62 =	vor.u32 v0, v38  }
0x5c9: {  	[tilespmem:v53+s25+$0x0] =	vst.idx.msk $0xffff, v45;
	v45 =	vor.u32 v2, v36;
	v53 =	vor.u32 v0, v31;
	v44 =	vld.idx.msk [tilespmem:v63+s17+$0x0], $0xffff  }
0x5ca: {  	v63 =	vor.u32 v2, v37;
	[tilespmem:v40+s25+$0x0] =	vst.idx.msk $0xffff, v41;
	v41 =	vor.u32 v5, v33;
	v40 =	vshll.u32 v46, $0x7  }
0x5cb: {  	v57 =	vor.u32 v6, v32;
	[tilespmem:v51+s25+$0x0] =	vst.idx.msk $0xffff, v43;
	v58 =	vld.idx.msk [tilespmem:v60+s17+$0x0], $0xffff;
	v59 =	vor.u32 v0, v40  }
0x5cc: {  	[tilespmem:v50+s25+$0x0] =	vst.idx.msk $0xffff, v55;
	v60 =	vor.u32 v3, v35;
	v42 =	vld.idx.msk [tilespmem:v61+s17+$0x0], $0xffff;
	v61 =	vor.u32 v2, v39  }
0x5cd: {  	v30 =	vor.u32 v15, v30;
	v47 =	vld.idx.msk [tilespmem:v47+s17+$0x0], $0xffff;
	[tilespmem:v62+s25+$0x0] =	vst.idx.msk $0xffff, v48;
	v62 =	vor.u32 v4, v34  }
0x5ce: {  	v49 =	vor.u32 v3, v38;
	v45 =	vld.idx.msk [tilespmem:v45+s17+$0x0], $0xffff;
	[tilespmem:v53+s25+$0x0] =	vst.idx.msk $0xffff, v44  }
0x5cf: {  	v53 =	vor.u32 v3, v31;
	[tilespmem:v41+s25+$0x0] =	vst.idx.msk $0xffff, v56;
	v41 =	vor.u32 v4, v36;
	v44 =	vld.idx.msk [tilespmem:v63+s17+$0x0], $0xffff  }
0x5d0: {  	v55 =	vor.u32 v4, v37;
	v63 =	vor.u32 v7, v33;
	v43 =	vld.idx.msk [tilespmem:v57+s17+$0x0], $0xffff;
	[tilespmem:v59+s25+$0x0] =	vst.idx.msk $0xffff, v58  }
0x5d1: {  	v57 =	vor.u32 v8, v32;
	v58 =	vor.u32 v3, v40;
	[tilespmem:v60+s25+$0x0] =	vst.idx.msk $0xffff, v42;
	v56 =	vld.idx.msk [tilespmem:v61+s17+$0x0], $0xffff  }
0x5d2: {  	[tilespmem:v30+s25+$0x0] =	vst.idx.msk $0xffff, v47;
	v60 =	vor.u32 v5, v35;
	v61 =	vor.u32 v4, v39;
	v59 =	vld.idx.msk [tilespmem:v62+s17+$0x0], $0xffff  }
0x5d3: {  	v62 =	vor.u32 v6, v34;
	[tilespmem:v49+s25+$0x0] =	vst.idx.msk $0xffff, v45  }
0x5d4: {  	v45 =	vor.u32 v5, v38;
	v41 =	vld.idx.msk [tilespmem:v41+s17+$0x0], $0xffff;
	[tilespmem:v53+s25+$0x0] =	vst.idx.msk $0xffff, v44  }
0x5d5: {  	v49 =	vor.u32 v5, v31;
	[tilespmem:v63+s25+$0x0] =	vst.idx.msk $0xffff, v43;
	v63 =	vor.u32 v6, v36;
	v44 =	vld.idx.msk [tilespmem:v55+s17+$0x0], $0xffff  }
0x5d6: {  	v52 =	vor.u32 v9, v33;
	v46 =	vld.idx.msk [tilespmem:v57+s17+$0x0], $0xffff;
	v57 =	vor.u32 v6, v37;
	[tilespmem:v58+s25+$0x0] =	vst.idx.msk $0xffff, v56  }
0x5d7: {  	v47 =	vor.u32 v5, v40;
	v58 =	vor.u32 v10, v32;
	[tilespmem:v60+s25+$0x0] =	vst.idx.msk $0xffff, v59;
	v30 =	vld.idx.msk [tilespmem:v61+s17+$0x0], $0xffff  }
0x5d8: {  	v48 =	vor.u32 $0x20, v24;
	v60 =	vor.u32 v7, v35;
	v61 =	vor.u32 v6, v39;
	v59 =	vld.idx.msk [tilespmem:v62+s17+$0x0], $0xffff  }
0x5d9: {  	v24 =	vshll.u32 v48, $0x1;
	v62 =	vor.u32 v8, v34;
	[tilespmem:v45+s25+$0x0] =	vst.idx.msk $0xffff, v41  }
0x5da: {  	v41 =	vor.u32 v1, v24;
	v43 =	vld.idx.msk [tilespmem:v63+s17+$0x0], $0xffff;
	v63 =	vor.u32 v7, v38;
	[tilespmem:v49+s25+$0x0] =	vst.idx.msk $0xffff, v44  }
0x5db: {  	v44 =	vor.u32 v8, v36;
	v49 =	vor.u32 v7, v31;
	[tilespmem:v52+s25+$0x0] =	vst.idx.msk $0xffff, v46;
	v46 =	vld.idx.msk [tilespmem:v57+s17+$0x0], $0xffff  }
0x5dc: {  	v57 =	vor.u32 v11, v33;
	v42 =	vld.idx.msk [tilespmem:v58+s17+$0x0], $0xffff;
	v58 =	vor.u32 v8, v37;
	[tilespmem:v47+s25+$0x0] =	vst.idx.msk $0xffff, v30  }
0x5dd: {  	v47 =	vor.u32 v12, v32;
	[tilespmem:v60+s25+$0x0] =	vst.idx.msk $0xffff, v59;
	v59 =	vld.idx.msk [tilespmem:v61+s17+$0x0], $0xffff;
	v60 =	vor.u32 v7, v40  }
0x5de: {  	v30 =	vshll.u32 v48, $0x7;
	v61 =	vor.u32 v9, v35;
	v48 =	vld.idx.msk [tilespmem:v62+s17+$0x0], $0xffff;
	v62 =	vor.u32 v8, v39  }
0x5df: {  	v41 =	vld.idx.msk [tilespmem:v41+s17+$0x0], $0xffff;
	[tilespmem:v63+s25+$0x0] =	vst.idx.msk $0xffff, v43;
	v43 =	vor.u32 v0, v30;
	v63 =	vor.u32 v10, v34  }
0x5e0: {  	v56 =	vor.u32 v9, v38;
	[tilespmem:v49+s25+$0x0] =	vst.idx.msk $0xffff, v46;
	v44 =	vld.idx.msk [tilespmem:v44+s17+$0x0], $0xffff  }
0x5e1: {  	[tilespmem:v57+s25+$0x0] =	vst.idx.msk $0xffff, v42;
	v57 =	vor.u32 v10, v36;
	v49 =	vld.idx.msk [tilespmem:v58+s17+$0x0], $0xffff;
	v58 =	vor.u32 v9, v31  }
0x5e2: {  	v47 =	vld.idx.msk [tilespmem:v47+s17+$0x0], $0xffff;
	[tilespmem:v60+s25+$0x0] =	vst.idx.msk $0xffff, v59;
	v59 =	vor.u32 v13, v33;
	v60 =	vor.u32 v10, v37  }
0x5e3: {  	[tilespmem:v61+s25+$0x0] =	vst.idx.msk $0xffff, v48;
	v61 =	vld.idx.msk [tilespmem:v62+s17+$0x0], $0xffff;
	v62 =	vor.u32 v9, v40  }
0x5e4: {  	v54 =	vor.u32 v11, v35;
	v55 =	vor.u32 v10, v39;
	[tilespmem:v43+s25+$0x0] =	vst.idx.msk $0xffff, v41;
	v63 =	vld.idx.msk [tilespmem:v63+s17+$0x0], $0xffff  }
0x5e5: {  	[tilespmem:v56+s25+$0x0] =	vst.idx.msk $0xffff, v44;
	v56 =	vor.u32 v12, v34  }
0x5e6: {  	v32 =	vor.u32 v14, v32;
	[tilespmem:v58+s25+$0x0] =	vst.idx.msk $0xffff, v49;
	v42 =	vld.idx.msk [tilespmem:v57+s17+$0x0], $0xffff;
	v57 =	vor.u32 v11, v38  }
0x5e7: {  	v58 =	vor.u32 v12, v36;
	[tilespmem:v59+s25+$0x0] =	vst.idx.msk $0xffff, v47;
	v49 =	vld.idx.msk [tilespmem:v60+s17+$0x0], $0xffff;
	v59 =	vor.u32 v11, v31  }
0x5e8: {  	v25 =	vor.u32 $0x20, v25;
	v51 =	vor.u32 v14, v23;
	v60 =	vor.u32 v12, v37;
	[tilespmem:v62+s25+$0x0] =	vst.idx.msk $0xffff, v61  }
0x5e9: {  	v26 =	vor.u32 $0x20, v26;
	v23 =	vshll.u32 v25, $0x1;
	v61 =	vor.u32 v11, v40;
	[tilespmem:v54+s25+$0x0] =	vst.idx.msk $0xffff, v63;
	v41 =	vld.idx.msk [tilespmem:v55+s17+$0x0], $0xffff  }
0x5ea: {  	v53 =	vor.u32 v2, v23;
	v62 =	vor.u32 v13, v35;
	v63 =	vor.u32 v12, v39;
	v44 =	vld.idx.msk [tilespmem:v56+s17+$0x0], $0xffff  }
0x5eb: {  	v33 =	vor.u32 v15, v33;
	v32 =	vld.idx.msk [tilespmem:v32+s17+$0x0], $0xffff;
	v56 =	vor.u32 v2, v24;
	[tilespmem:v57+s25+$0x0] =	vst.idx.msk $0xffff, v42  }
0x5ec: {  	v45 =	vor.u32 v4, v24;
	v57 =	vor.u32 v1, v23;
	[tilespmem:v59+s25+$0x0] =	vst.idx.msk $0xffff, v49;
	v47 =	vld.idx.msk [tilespmem:v58+s17+$0x0], $0xffff  }
0x5ed: {  	v48 =	vor.u32 v3, v30;
	v34 =	vor.u32 v14, v34;
	v58 =	vor.u32 v13, v38;
	v59 =	vld.idx.msk [tilespmem:v60+s17+$0x0], $0xffff  }
0x5ee: {  	v36 =	vor.u32 v14, v36;
	v60 =	vor.u32 v13, v31;
	[tilespmem:v61+s25+$0x0] =	vst.idx.msk $0xffff, v41;
	v61 =	vld.idx.msk [tilespmem:v51+s17+$0x0], $0xffff  }
0x5ef: {  	v37 =	vor.u32 v14, v37;
	[tilespmem:v62+s25+$0x0] =	vst.idx.msk $0xffff, v44;
	v43 =	vld.idx.msk [tilespmem:v63+s17+$0x0], $0xffff;
	v62 =	vor.u32 v13, v40  }
0x5f0: {  	v39 =	vor.u32 v14, v39;
	[tilespmem:v33+s25+$0x0] =	vst.idx.msk $0xffff, v32;
	v63 =	vor.u32 v15, v22;
	v42 =	vld.idx.msk [tilespmem:v56+s17+$0x0], $0xffff  }
0x5f1: {  	v55 =	vor.u32 v15, v35;
	v38 =	vor.u32 v15, v38;
	v22 =	vshll.u32 v25, $0x7;
	v46 =	vld.idx.msk [tilespmem:v57+s17+$0x0], $0xffff  }
0x5f2: {  	v25 =	vshll.u32 v26, $0x1;
	v40 =	vor.u32 v15, v40;
	v54 =	vld.idx.msk [tilespmem:v34+s17+$0x0], $0xffff;
	v57 =	vor.u32 $0x20, v28;
	[tilespmem:v58+s25+$0x0] =	vst.idx.msk $0xffff, v47  }
0x5f3: {  	v52 =	vor.u32 v0, v22;
	v56 =	vor.u32 v1, v25;
	v28 =	vshll.u32 v57, $0x1;
	[tilespmem:v60+s25+$0x0] =	vst.idx.msk $0xffff, v59  }
0x5f4: {  	v26 =	vshll.u32 v26, $0x7;
	v36 =	vld.idx.msk [tilespmem:v36+s17+$0x0], $0xffff;
	v58 =	vor.u32 v1, v28;
	v60 =	vor.u32 $0x20, v27;
	[tilespmem:v62+s25+$0x0] =	vst.idx.msk $0xffff, v43  }
0x5f5: {  	v59 =	vor.u32 v15, v31;
	v37 =	vld.idx.msk [tilespmem:v37+s17+$0x0], $0xffff;
	v27 =	vshll.u32 v60, $0x1;
	[tilespmem:v63+s25+$0x0] =	vst.idx.msk $0xffff, v61;
	v61 =	vor.u32 $0x20, v29  }
0x5f6: {  	v33 =	vshll.u32 v57, $0x7;
	v62 =	vor.u32 v1, v27;
	[tilespmem:v48+s25+$0x0] =	vst.idx.msk $0xffff, v42;
	v39 =	vld.idx.msk [tilespmem:v39+s17+$0x0], $0xffff;
	v31 =	vshll.u32 v61, $0x1  }
0x5f7: {  	v29 =	vshll.u32 v60, $0x7;
	v50 =	vor.u32 v10, v27;
	[tilespmem:v55+s25+$0x0] =	vst.idx.msk $0xffff, v54;
	v63 =	vor.u32 v1, v31  }
0x5f8: {  	[tilespmem:v52+s25+$0x0] =	vst.idx.msk $0xffff, v46;
	v54 =	vor.u32 v3, v22;
	v55 =	vor.u32 v0, v26;
	v34 =	vld.idx.msk [tilespmem:v56+s17+$0x0], $0xffff  }
0x5f9: {  	v60 =	vor.u32 v0, v29;
	v47 =	vld.idx.msk [tilespmem:v53+s17+$0x0], $0xffff;
	v56 =	vor.u32 v2, v25;
	[tilespmem:v38+s25+$0x0] =	vst.idx.msk $0xffff, v36  }
0x5fa: {  	v38 =	vor.u32 v4, v23;
	[tilespmem:v59+s25+$0x0] =	vst.idx.msk $0xffff, v37;
	v57 =	vld.idx.msk [tilespmem:v58+s17+$0x0], $0xffff;
	v58 =	vor.u32 v0, v33  }
0x5fb: {  	v32 =	vshll.u32 v61, $0x7;
	v59 =	vld.idx.msk [tilespmem:v62+s17+$0x0], $0xffff;
	[tilespmem:v40+s25+$0x0] =	vst.idx.msk $0xffff, v39;
	v39 =	vor.u32 v2, v28  }
0x5fc: {  	v61 =	vor.u32 v2, v27;
	v52 =	vor.u32 v5, v30;
	v62 =	vld.idx.msk [tilespmem:v63+s17+$0x0], $0xffff;
	v63 =	vor.u32 v0, v32  }
0x5fd: {  	v45 =	vld.idx.msk [tilespmem:v45+s17+$0x0], $0xffff;
	v49 =	vor.u32 v9, v29;
	v53 =	vor.u32 v2, v31;
	[tilespmem:v55+s25+$0x0] =	vst.idx.msk $0xffff, v34  }
0x5fe: {  	[tilespmem:v54+s25+$0x0] =	vst.idx.msk $0xffff, v47;
	v54 =	vor.u32 v6, v24;
	v55 =	vor.u32 v3, v26;
	v37 =	vld.idx.msk [tilespmem:v56+s17+$0x0], $0xffff  }
0x5ff: {  	v38 =	vld.idx.msk [tilespmem:v38+s17+$0x0], $0xffff;
	v56 =	vor.u32 v5, v22;
	[tilespmem:v58+s25+$0x0] =	vst.idx.msk $0xffff, v57;
	v57 =	vor.u32 v4, v25  }
0x600: {  	v58 =	vor.u32 v6, v23;
	[tilespmem:v60+s25+$0x0] =	vst.idx.msk $0xffff, v59;
	v59 =	vor.u32 v3, v33;
	v39 =	vld.idx.msk [tilespmem:v39+s17+$0x0], $0xffff  }
0x601: {  	v60 =	vor.u32 v4, v28;
	v41 =	vld.idx.msk [tilespmem:v61+s17+$0x0], $0xffff;
	v61 =	vor.u32 v3, v29;
	[tilespmem:v63+s25+$0x0] =	vst.idx.msk $0xffff, v62  }
0x602: {  	[tilespmem:v52+s25+$0x0] =	vst.idx.msk $0xffff, v45;
	v62 =	vor.u32 v4, v27;
	v63 =	vor.u32 v3, v32;
	v36 =	vld.idx.msk [tilespmem:v53+s17+$0x0], $0xffff  }
0x603: {  	v52 =	vor.u32 v7, v30;
	v47 =	vld.idx.msk [tilespmem:v54+s17+$0x0], $0xffff;
	[tilespmem:v55+s25+$0x0] =	vst.idx.msk $0xffff, v37;
	v53 =	vor.u32 v4, v31  }
0x604: {  	v54 =	vor.u32 v8, v24;
	[tilespmem:v56+s25+$0x0] =	vst.idx.msk $0xffff, v38;
	v56 =	vor.u32 v5, v26;
	v55 =	vld.idx.msk [tilespmem:v57+s17+$0x0], $0xffff  }
0x605: {  	v40 =	vld.idx.msk [tilespmem:v58+s17+$0x0], $0xffff;
	v57 =	vor.u32 v7, v22;
	v58 =	vor.u32 v6, v25;
	[tilespmem:v59+s25+$0x0] =	vst.idx.msk $0xffff, v39  }
0x606: {  	[tilespmem:v61+s25+$0x0] =	vst.idx.msk $0xffff, v41;
	v59 =	vor.u32 v8, v23;
	v42 =	vld.idx.msk [tilespmem:v60+s17+$0x0], $0xffff;
	v60 =	vor.u32 v5, v33  }
0x607: {  	v61 =	vor.u32 v6, v28;
	v34 =	vld.idx.msk [tilespmem:v62+s17+$0x0], $0xffff;
	v62 =	vor.u32 v5, v29;
	[tilespmem:v63+s25+$0x0] =	vst.idx.msk $0xffff, v36  }
0x608: {  	v37 =	vor.u32 v6, v27;
	[tilespmem:v52+s25+$0x0] =	vst.idx.msk $0xffff, v47;
	v52 =	vor.u32 v5, v32;
	v63 =	vld.idx.msk [tilespmem:v53+s17+$0x0], $0xffff  }
0x609: {  	v35 =	vld.idx.msk [tilespmem:v54+s17+$0x0], $0xffff;
	v54 =	vor.u32 v6, v31;
	[tilespmem:v56+s25+$0x0] =	vst.idx.msk $0xffff, v55;
	v53 =	vor.u32 v9, v30  }
0x60a: {  	[tilespmem:v57+s25+$0x0] =	vst.idx.msk $0xffff, v40;
	v55 =	vor.u32 v10, v24;
	v57 =	vor.u32 v7, v26;
	v56 =	vld.idx.msk [tilespmem:v58+s17+$0x0], $0xffff  }
0x60b: {  	v58 =	vor.u32 v9, v22;
	v41 =	vld.idx.msk [tilespmem:v59+s17+$0x0], $0xffff;
	v59 =	vor.u32 v8, v25;
	[tilespmem:v60+s25+$0x0] =	vst.idx.msk $0xffff, v42  }
0x60c: {  	[tilespmem:v62+s25+$0x0] =	vst.idx.msk $0xffff, v34;
	v60 =	vor.u32 v10, v23;
	v36 =	vld.idx.msk [tilespmem:v61+s17+$0x0], $0xffff;
	v61 =	vor.u32 v7, v33  }
0x60d: {  	v62 =	vor.u32 v8, v28;
	v37 =	vld.idx.msk [tilespmem:v37+s17+$0x0], $0xffff;
	[tilespmem:v52+s25+$0x0] =	vst.idx.msk $0xffff, v63;
	v63 =	vor.u32 v7, v29  }
0x60e: {  	[tilespmem:v53+s25+$0x0] =	vst.idx.msk $0xffff, v35;
	v35 =	vor.u32 v8, v27;
	v53 =	vor.u32 v7, v32;
	v52 =	vld.idx.msk [tilespmem:v54+s17+$0x0], $0xffff  }
0x60f: {  	v39 =	vld.idx.msk [tilespmem:v55+s17+$0x0], $0xffff;
	[tilespmem:v57+s25+$0x0] =	vst.idx.msk $0xffff, v56;
	v54 =	vor.u32 v11, v30;
	v55 =	vor.u32 v8, v31  }
0x610: {  	v56 =	vor.u32 v12, v24;
	[tilespmem:v58+s25+$0x0] =	vst.idx.msk $0xffff, v41;
	v57 =	vld.idx.msk [tilespmem:v59+s17+$0x0], $0xffff;
	v58 =	vor.u32 v9, v26  }
0x611: {  	v24 =	vor.u32 v14, v24;
	v59 =	vor.u32 v11, v22;
	[tilespmem:v61+s25+$0x0] =	vst.idx.msk $0xffff, v36  }
0x612: {  	v34 =	vld.idx.msk [tilespmem:v60+s17+$0x0], $0xffff;
	v60 =	vor.u32 v10, v25;
	v61 =	vor.u32 v12, v23;
	[tilespmem:v63+s25+$0x0] =	vst.idx.msk $0xffff, v37  }
0x613: {  	v47 =	vld.idx.msk [tilespmem:v62+s17+$0x0], $0xffff;
	v62 =	vor.u32 v9, v33;
	v63 =	vor.u32 v10, v28;
	[tilespmem:v53+s25+$0x0] =	vst.idx.msk $0xffff, v52  }
0x614: {  	v35 =	vld.idx.msk [tilespmem:v35+s17+$0x0], $0xffff;
	[tilespmem:v54+s25+$0x0] =	vst.idx.msk $0xffff, v39;
	v52 =	vor.u32 v9, v32;
	v53 =	vor.u32 v13, v30  }
0x615: {  	v54 =	vor.u32 v10, v31;
	v30 =	vor.u32 v15, v30;
	v51 =	vld.idx.msk [tilespmem:v55+s17+$0x0], $0xffff;
	[tilespmem:v58+s25+$0x0] =	vst.idx.msk $0xffff, v57  }
0x616: {  	v41 =	vld.idx.msk [tilespmem:v56+s17+$0x0], $0xffff;
	v56 =	vor.u32 v11, v26;
	v57 =	vor.u32 v13, v22;
	v58 =	vor.u32 v12, v25  }
0x617: {  	v25 =	vor.u32 v14, v25;
	[tilespmem:v59+s25+$0x0] =	vst.idx.msk $0xffff, v34;
	v55 =	vld.idx.msk [tilespmem:v60+s17+$0x0], $0xffff;
	v60 =	vor.u32 v11, v33  }
0x618: {  	v37 =	vld.idx.msk [tilespmem:v61+s17+$0x0], $0xffff;
	v61 =	vor.u32 v12, v28;
	v28 =	vor.u32 v14, v28;
	[tilespmem:v62+s25+$0x0] =	vst.idx.msk $0xffff, v47  }
0x619: {  	v62 =	vor.u32 v11, v29;
	[tilespmem:v49+s25+$0x0] =	vst.idx.msk $0xffff, v35;
	v59 =	vld.idx.msk [tilespmem:v63+s17+$0x0], $0xffff;
	v63 =	vor.u32 v12, v27  }
0x61a: {  	v49 =	vor.u32 v11, v32;
	v27 =	vor.u32 v14, v27;
	[tilespmem:v52+s25+$0x0] =	vst.idx.msk $0xffff, v51;
	v39 =	vld.idx.msk [tilespmem:v50+s17+$0x0], $0xffff  }
0x61b: {  	[tilespmem:v53+s25+$0x0] =	vst.idx.msk $0xffff, v41;
	v50 =	vor.u32 v13, v26;
	v51 =	vor.u32 v12, v31;
	v48 =	vld.idx.msk [tilespmem:v54+s17+$0x0], $0xffff  }
0x61c: {  	v16 =	vor.u32 $0x30, v16;
	v52 =	vor.u32 v14, v23;
	v53 =	vor.u32 v13, v33;
	[tilespmem:v56+s25+$0x0] =	vst.idx.msk $0xffff, v55  }
0x61d: {  	v23 =	vshll.u32 v16, $0x1;
	v16 =	vshll.u32 v16, $0x7;
	v31 =	vor.u32 v14, v31;
	v24 =	vld.idx.msk [tilespmem:v24+s17+$0x0], $0xffff;
	[tilespmem:v57+s25+$0x0] =	vst.idx.msk $0xffff, v37  }
0x61e: {  	v26 =	vor.u32 v15, v26;
	v33 =	vor.u32 v15, v33;
	v34 =	vld.idx.msk [tilespmem:v58+s17+$0x0], $0xffff;
	[tilespmem:v60+s25+$0x0] =	vst.idx.msk $0xffff, v59  }
0x61f: {  	v54 =	vor.u32 v13, v29;
	v55 =	vor.u32 v1, v23;
	v38 =	vld.idx.msk [tilespmem:v61+s17+$0x0], $0xffff;
	[tilespmem:v62+s25+$0x0] =	vst.idx.msk $0xffff, v39  }
0x620: {  	v43 =	vor.u32 v0, v16;
	v29 =	vor.u32 v15, v29;
	v39 =	vld.idx.msk [tilespmem:v63+s17+$0x0], $0xffff;
	[tilespmem:v49+s25+$0x0] =	vst.idx.msk $0xffff, v48  }
0x621: {  	v57 =	vor.u32 v13, v32;
	v37 =	vor.u32 v2, v23;
	v58 =	vor.u32 $0x30, v17;
	v56 =	vld.idx.msk [tilespmem:v51+s17+$0x0], $0xffff  }
0x622: {  	v17 =	vshll.u32 v58, $0x1;
	v59 =	vor.u32 $0x30, v19;
	v60 =	vor.u32 v15, v22;
	[tilespmem:v30+s25+$0x0] =	vst.idx.msk $0xffff, v24  }
0x623: {  	v35 =	vld.idx.msk [tilespmem:v52+s17+$0x0], $0xffff;
	v61 =	vor.u32 v1, v17;
	v19 =	vshll.u32 v59, $0x1;
	v52 =	vor.u32 $0x30, v21;
	[tilespmem:v50+s25+$0x0] =	vst.idx.msk $0xffff, v34  }
0x624: {  	v62 =	vor.u32 v1, v19;
	v63 =	vor.u32 $0x30, v20;
	v49 =	vor.u32 $0x30, v18;
	v25 =	vld.idx.msk [tilespmem:v25+s17+$0x0], $0xffff;
	[tilespmem:v53+s25+$0x0] =	vst.idx.msk $0xffff, v38  }
0x625: {  	v18 =	vshll.u32 v58, $0x7;
	v21 =	vshll.u32 v52, $0x1;
	v20 =	vshll.u32 v63, $0x1;
	[tilespmem:v54+s25+$0x0] =	vst.idx.msk $0xffff, v39;
	v28 =	vld.idx.msk [tilespmem:v28+s17+$0x0], $0xffff  }
0x626: {  	v24 =	vshll.u32 v59, $0x7;
	v22 =	vshll.u32 v49, $0x1;
	v48 =	vor.u32 v1, v20;
	[tilespmem:v57+s25+$0x0] =	vst.idx.msk $0xffff, v56;
	v27 =	vld.idx.msk [tilespmem:v27+s17+$0x0], $0xffff  }
0x627: {  	v51 =	vor.u32 v15, v32;
	v44 =	vor.u32 v0, v18;
	v53 =	vor.u32 v1, v22;
	v50 =	vld.idx.msk [tilespmem:v31+s17+$0x0], $0xffff  }
0x628: {  	v42 =	vld.idx.msk [tilespmem:v55+s17+$0x0], $0xffff;
	v55 =	vor.u32 v2, v17;
	[tilespmem:v60+s25+$0x0] =	vst.idx.msk $0xffff, v35;
	v54 =	vor.u32 v1, v21  }
0x629: {  	v59 =	vor.u32 v2, v20;
	v38 =	vor.u32 v0, v24;
	v40 =	vld.idx.msk [tilespmem:v61+s17+$0x0], $0xffff;
	[tilespmem:v26+s25+$0x0] =	vst.idx.msk $0xffff, v25  }
0x62a: {  	v57 =	vor.u32 v2, v19;
	v25 =	vshll.u32 v63, $0x7;
	v56 =	vld.idx.msk [tilespmem:v62+s17+$0x0], $0xffff;
	[tilespmem:v33+s25+$0x0] =	vst.idx.msk $0xffff, v28  }
0x62b: {  	v26 =	vshll.u32 v49, $0x7;
	v58 =	vor.u32 v0, v25;
	[tilespmem:v29+s25+$0x0] =	vst.idx.msk $0xffff, v27;
	v34 =	vld.idx.msk [tilespmem:v48+s17+$0x0], $0xffff  }
0x62c: {  	v61 =	vor.u32 v0, v26;
	v27 =	vshll.u32 v52, $0x7;
	[tilespmem:v51+s25+$0x0] =	vst.idx.msk $0xffff, v50;
	v60 =	vld.idx.msk [tilespmem:v53+s17+$0x0], $0xffff  }
0x62d: {  	[tilespmem:v43+s25+$0x0] =	vst.idx.msk $0xffff, v42;
	v62 =	vor.u32 v2, v22;
	v45 =	vor.u32 v0, v27;
	v63 =	vld.idx.msk [tilespmem:v54+s17+$0x0], $0xffff  }
0x62e: {  	v46 =	vor.u32 v3, v16;
	v47 =	vor.u32 v2, v21;
	v37 =	vld.idx.msk [tilespmem:v37+s17+$0x0], $0xffff;
	[tilespmem:v44+s25+$0x0] =	vst.idx.msk $0xffff, v40  }
0x62f: {  	v49 =	vor.u32 v3, v18;
	v48 =	vor.u32 v4, v23;
	v28 =	vld.idx.msk [tilespmem:v55+s17+$0x0], $0xffff;
	[tilespmem:v38+s25+$0x0] =	vst.idx.msk $0xffff, v56  }
0x630: {  	v50 =	vor.u32 v4, v17;
	v51 =	vor.u32 v3, v24;
	v29 =	vld.idx.msk [tilespmem:v57+s17+$0x0], $0xffff;
	[tilespmem:v58+s25+$0x0] =	vst.idx.msk $0xffff, v34  }
0x631: {  	v52 =	vor.u32 v4, v19;
	v53 =	vor.u32 v3, v25;
	[tilespmem:v61+s25+$0x0] =	vst.idx.msk $0xffff, v60;
	v30 =	vld.idx.msk [tilespmem:v59+s17+$0x0], $0xffff  }
0x632: {  	v55 =	vor.u32 v3, v26;
	v54 =	vor.u32 v4, v20;
	[tilespmem:v45+s25+$0x0] =	vst.idx.msk $0xffff, v63;
	v32 =	vld.idx.msk [tilespmem:v62+s17+$0x0], $0xffff  }
0x633: {  	[tilespmem:v46+s25+$0x0] =	vst.idx.msk $0xffff, v37;
	v56 =	vor.u32 v4, v22;
	v58 =	vor.u32 v3, v27;
	v57 =	vld.idx.msk [tilespmem:v47+s17+$0x0], $0xffff  }
0x634: {  	v33 =	vld.idx.msk [tilespmem:v48+s17+$0x0], $0xffff;
	[tilespmem:v49+s25+$0x0] =	vst.idx.msk $0xffff, v28;
	v59 =	vor.u32 v5, v16;
	v60 =	vor.u32 v4, v21  }
0x635: {  	v61 =	vor.u32 v6, v23;
	v34 =	vld.idx.msk [tilespmem:v50+s17+$0x0], $0xffff;
	v62 =	vor.u32 v5, v18;
	[tilespmem:v51+s25+$0x0] =	vst.idx.msk $0xffff, v29  }
0x636: {  	v63 =	vor.u32 v6, v17;
	v45 =	vor.u32 v5, v24;
	v31 =	vld.idx.msk [tilespmem:v52+s17+$0x0], $0xffff;
	[tilespmem:v53+s25+$0x0] =	vst.idx.msk $0xffff, v30  }
0x637: {  	v46 =	vor.u32 v6, v19;
	v47 =	vor.u32 v5, v25;
	[tilespmem:v55+s25+$0x0] =	vst.idx.msk $0xffff, v32;
	v36 =	vld.idx.msk [tilespmem:v54+s17+$0x0], $0xffff  }
0x638: {  	v48 =	vor.u32 v6, v20;
	v49 =	vor.u32 v5, v26;
	[tilespmem:v58+s25+$0x0] =	vst.idx.msk $0xffff, v57;
	v37 =	vld.idx.msk [tilespmem:v56+s17+$0x0], $0xffff  }
0x639: {  	v50 =	vor.u32 v6, v22;
	v52 =	vor.u32 v5, v27;
	[tilespmem:v59+s25+$0x0] =	vst.idx.msk $0xffff, v33;
	v51 =	vld.idx.msk [tilespmem:v60+s17+$0x0], $0xffff  }
0x63a: {  	v53 =	vor.u32 v7, v16;
	v29 =	vld.idx.msk [tilespmem:v61+s17+$0x0], $0xffff;
	[tilespmem:v62+s25+$0x0] =	vst.idx.msk $0xffff, v34;
	v54 =	vor.u32 v6, v21  }
0x63b: {  	v55 =	vor.u32 v8, v23;
	v30 =	vld.idx.msk [tilespmem:v63+s17+$0x0], $0xffff;
	v56 =	vor.u32 v7, v18;
	[tilespmem:v45+s25+$0x0] =	vst.idx.msk $0xffff, v31  }
0x63c: {  	v57 =	vor.u32 v8, v17;
	v58 =	vor.u32 v7, v24;
	v32 =	vld.idx.msk [tilespmem:v46+s17+$0x0], $0xffff;
	[tilespmem:v47+s25+$0x0] =	vst.idx.msk $0xffff, v36  }
0x63d: {  	v59 =	vor.u32 v8, v19;
	v60 =	vor.u32 v7, v25;
	[tilespmem:v49+s25+$0x0] =	vst.idx.msk $0xffff, v37;
	v40 =	vld.idx.msk [tilespmem:v48+s17+$0x0], $0xffff  }
0x63e: {  	v61 =	vor.u32 v8, v20;
	v62 =	vor.u32 v7, v26;
	[tilespmem:v52+s25+$0x0] =	vst.idx.msk $0xffff, v51;
	v28 =	vld.idx.msk [tilespmem:v50+s17+$0x0], $0xffff  }
0x63f: {  	v63 =	vor.u32 v8, v22;
	v46 =	vor.u32 v7, v27;
	[tilespmem:v53+s25+$0x0] =	vst.idx.msk $0xffff, v29;
	v45 =	vld.idx.msk [tilespmem:v54+s17+$0x0], $0xffff  }
0x640: {  	v47 =	vor.u32 v9, v16;
	v31 =	vld.idx.msk [tilespmem:v55+s17+$0x0], $0xffff;
	[tilespmem:v56+s25+$0x0] =	vst.idx.msk $0xffff, v30;
	v48 =	vor.u32 v8, v21  }
0x641: {  	v49 =	vor.u32 v10, v23;
	v36 =	vld.idx.msk [tilespmem:v57+s17+$0x0], $0xffff;
	v50 =	vor.u32 v9, v18;
	[tilespmem:v58+s25+$0x0] =	vst.idx.msk $0xffff, v32  }
0x642: {  	v51 =	vor.u32 v10, v17;
	v52 =	vor.u32 v9, v24;
	v37 =	vld.idx.msk [tilespmem:v59+s17+$0x0], $0xffff;
	[tilespmem:v60+s25+$0x0] =	vst.idx.msk $0xffff, v40  }
0x643: {  	v53 =	vor.u32 v10, v19;
	v54 =	vor.u32 v9, v25;
	[tilespmem:v62+s25+$0x0] =	vst.idx.msk $0xffff, v28;
	v33 =	vld.idx.msk [tilespmem:v61+s17+$0x0], $0xffff  }
0x644: {  	v55 =	vor.u32 v10, v20;
	v56 =	vor.u32 v9, v26;
	[tilespmem:v46+s25+$0x0] =	vst.idx.msk $0xffff, v45;
	v29 =	vld.idx.msk [tilespmem:v63+s17+$0x0], $0xffff  }
0x645: {  	v57 =	vor.u32 v10, v22;
	v59 =	vor.u32 v9, v27;
	[tilespmem:v47+s25+$0x0] =	vst.idx.msk $0xffff, v31;
	v58 =	vld.idx.msk [tilespmem:v48+s17+$0x0], $0xffff  }
0x646: {  	v60 =	vor.u32 v11, v16;
	v32 =	vld.idx.msk [tilespmem:v49+s17+$0x0], $0xffff;
	[tilespmem:v50+s25+$0x0] =	vst.idx.msk $0xffff, v36;
	v61 =	vor.u32 v10, v21  }
0x647: {  	v62 =	vor.u32 v12, v23;
	v40 =	vld.idx.msk [tilespmem:v51+s17+$0x0], $0xffff;
	v63 =	vor.u32 v11, v18;
	[tilespmem:v52+s25+$0x0] =	vst.idx.msk $0xffff, v37  }
0x648: {  	v45 =	vor.u32 v12, v17;
	v46 =	vor.u32 v11, v24;
	v28 =	vld.idx.msk [tilespmem:v53+s17+$0x0], $0xffff;
	[tilespmem:v54+s25+$0x0] =	vst.idx.msk $0xffff, v33  }
0x649: {  	v47 =	vor.u32 v12, v19;
	v48 =	vor.u32 v11, v25;
	[tilespmem:v56+s25+$0x0] =	vst.idx.msk $0xffff, v29;
	v34 =	vld.idx.msk [tilespmem:v55+s17+$0x0], $0xffff  }
0x64a: {  	v49 =	vor.u32 v12, v20;
	v50 =	vor.u32 v11, v26;
	[tilespmem:v59+s25+$0x0] =	vst.idx.msk $0xffff, v58;
	v30 =	vld.idx.msk [tilespmem:v57+s17+$0x0], $0xffff  }
0x64b: {  	v51 =	vor.u32 v12, v22;
	v53 =	vor.u32 v11, v27;
	[tilespmem:v60+s25+$0x0] =	vst.idx.msk $0xffff, v32;
	v52 =	vld.idx.msk [tilespmem:v61+s17+$0x0], $0xffff  }
0x64c: {  	v54 =	vor.u32 v13, v16;
	v37 =	vld.idx.msk [tilespmem:v62+s17+$0x0], $0xffff;
	[tilespmem:v63+s25+$0x0] =	vst.idx.msk $0xffff, v40;
	v55 =	vor.u32 v12, v21  }
0x64d: {  	v23 =	vor.u32 v14, v23;
	v56 =	vld.idx.msk [tilespmem:v45+s17+$0x0], $0xffff;
	v57 =	vor.u32 v13, v18;
	[tilespmem:v46+s25+$0x0] =	vst.idx.msk $0xffff, v28  }
0x64e: {  	v17 =	vor.u32 v14, v17;
	v58 =	vor.u32 v13, v24;
	v29 =	vld.idx.msk [tilespmem:v47+s17+$0x0], $0xffff;
	[tilespmem:v48+s25+$0x0] =	vst.idx.msk $0xffff, v34  }
0x64f: {  	v19 =	vor.u32 v14, v19;
	v60 =	vor.u32 v13, v25;
	[tilespmem:v50+s25+$0x0] =	vst.idx.msk $0xffff, v30;
	v59 =	vld.idx.msk [tilespmem:v49+s17+$0x0], $0xffff  }
0x650: {  	v20 =	vor.u32 v14, v20;
	v61 =	vor.u32 v13, v26;
	[tilespmem:v53+s25+$0x0] =	vst.idx.msk $0xffff, v52;
	v32 =	vld.idx.msk [tilespmem:v51+s17+$0x0], $0xffff  }
0x651: {  	v22 =	vor.u32 v14, v22;
	v62 =	vor.u32 v13, v27;
	[tilespmem:v54+s25+$0x0] =	vst.idx.msk $0xffff, v37;
	v36 =	vld.idx.msk [tilespmem:v55+s17+$0x0], $0xffff  }
0x652: {  	v16 =	vor.u32 v15, v16;
	v21 =	vor.u32 v14, v21;
	[tilespmem:v57+s25+$0x0] =	vst.idx.msk $0xffff, v56;
	v23 =	vld.idx.msk [tilespmem:v23+s17+$0x0], $0xffff  }
0x653: {  	v18 =	vor.u32 v15, v18;
	v17 =	vld.idx.msk [tilespmem:v17+s17+$0x0], $0xffff;
	[tilespmem:v58+s25+$0x0] =	vst.idx.msk $0xffff, v29  }
0x654: {  	v24 =	vor.u32 v15, v24;
	v19 =	vld.idx.msk [tilespmem:v19+s17+$0x0], $0xffff;
	[tilespmem:v60+s25+$0x0] =	vst.idx.msk $0xffff, v59  }
0x655: {  	v25 =	vor.u32 v15, v25;
	[tilespmem:v61+s25+$0x0] =	vst.idx.msk $0xffff, v32;
	v20 =	vld.idx.msk [tilespmem:v20+s17+$0x0], $0xffff  }
0x656: {  	v26 =	vor.u32 v15, v26;
	[tilespmem:v62+s25+$0x0] =	vst.idx.msk $0xffff, v36;
	v22 =	vld.idx.msk [tilespmem:v22+s17+$0x0], $0xffff  }
0x657: {  	p2 =	por p1, p1;
	v63 =	vor.u32 v15, v27;
	[tilespmem:v16+s25+$0x0] =	vst.idx.msk $0xffff, v23;
	v16 =	vld.idx.msk [tilespmem:v21+s17+$0x0], $0xffff  }
.Ltmp11:
0x658: {  	[tilespmem:v18+s25+$0x0] =	vst.idx.msk $0xffff, v17;
	(pc) =	sbr.rel @p2 .LBB2_16-.Ltmp11, $4  }
0x659: {  	[tilespmem:v24+s25+$0x0] =	vst.idx.msk $0xffff, v19  }
0x65a: {  	[tilespmem:v25+s25+$0x0] =	vst.idx.msk $0xffff, v20  }
0x65b: {  	[tilespmem:v26+s25+$0x0] =	vst.idx.msk $0xffff, v22  }
0x65c: {  	p1 =	por $0x0, $0x0;
	s7 =	simm.s32 $0x8;
	[tilespmem:v63+s25+$0x0] =	vst.idx.msk $0xffff, v16  }
0x65d: {  	s6 =	sshll.u32 s11, $0xA  }
.Ltmp12:
0x65e: {  	p1 =	sgt.u32 s11, $0x1E03;
	s6 =	sadd.s32 s3, s6;
	(pc) =	sbr.rel .LBB2_18-.Ltmp12, $4  }
0x65f: {  	[hbm4b:s6+s4] =	stream.linear.scatter [tilespmem:s25], [sflag:$0x8], $0x2000, $0x38;
	[tilespmem:$0x12000] =	vst v63  }
0x660: {  	s7 =	simm.s32 @!p1 $0x400;
	s6 =	sshll.u32 @!p1 s11, $0x7  }
0x661: {  	s8 =	simm.s32 @!p1 $0x7A1400;
	s9 =	simm.s32 @!p1 $0x6000;
	s6 =	sadd.s32 @!p1 s6, s10  }
0x662: {  	[tilespmem:s9], [sflag:$0x4] =	stream.strided.gather @!p1 [hbm4b:s6+s7], $0x2000, s8, s7, $0x38;
	[tilespmem:$0x12000] =	vst v63  }
.LBB2_19:
0x663: {  	_ =	swait.ge [sflag:s29], $0x2000  }
0x664: {  	[sflag:s29] =	ssyncset.done $0x0  }
0x665: {  	[sflag:s29] =	ssyncadd.s32 $0xFFFFE000  }
0x666: {  	_ =	swait.ge [sflag:s30], $0x2000  }
0x667: {  	[sflag:s30] =	ssyncset.done $0x0  }
0x668: {  	s2 =	simm.s32 $0x7;
	[sflag:s30] =	ssyncadd.s32 $0xFFFFE000  }
0x669: {  	_ =	swait.ge [sflag:s2], $0x2000  }
.Ltmp13:
0x66a: {  	[sflag:s2] =	ssyncset.done $0x0;
	(pc) =	sbr.rel @p0 .LBB2_23-.Ltmp13, $4  }
0x66b: {  	s31 =	simm.s32 $0x8;
	[sflag:s2] =	ssyncadd.s32 $0xFFFFE000  }
0x66c: {  	_ =	swait.ge [sflag:s31], $0x2000  }
0x66d: {  	[sflag:s31] =	ssyncset.done $0x0  }
0x66e: {  	s2 =	rddreg [dreg:$0x5];
	[sflag:s31] =	ssyncadd.s32 $0xFFFFE000  }
0x66f: {  	s18 =	smov.u32 s26;
	s1 =	smov.u32 s14  }
0x670: {  	s14 =	smov.u32 s13;
	s13 =	smov.u32 s12;
	s2 =	simm.s32 $0x0  }
0x671: {  	s12 =	rddreg [dreg:$0x1];
	s6 =	simm.s32 $0x10000;
	s26 =	simm.s32 $0x9  }
0x672: {  	[tilespmem:s6], [sflag:$0x9] =	stream.linear.gather [hbm4b:s12+s2], $0x2000, $0x38;
	[tilespmem:$0x12000] =	vst v63  }
0x673: {  	_ =	swait.ge [sflag:s26], $0x2000  }
0x674: {  	[sflag:s26] =	ssyncset.done $0x0  }
0x675: {  	s11 =	simm.s32 $0x0;
	[sflag:s26] =	ssyncadd.s32 $0xFFFFE000  }
0x676: {  	v16 =	vld [tilespmem:s11+$0x10000];
	_ =	sdelay $0x3  }
0x677: {  	s2 =	simm.s32 $0x8040  }
0x678: {  	[tilespmem:s2+$0xFFFFFFC0] =	vst v16  }
0x679: {  	v16 =	vld [tilespmem:s11+$0x10010]  }
0x67a: {  	s31 =	simm.s32 $0x100  }
0x67b: {  	v17 =	vld [tilespmem:s31+$0x10000];
	_ =	sdelay $0x2  }
0x67c: {  	[tilespmem:s2+$0xFFFFFFD0] =	vst v16  }
0x67d: {  	s7 =	simm.s32 $0x80C0;
	v16 =	vld [tilespmem:s11+$0x10020]  }
0x67e: {  	[tilespmem:s7+$0xFFFFFFC0] =	vst v17  }
0x67f: {  	v17 =	vld [tilespmem:s31+$0x10010]  }
0x680: {  	s9 =	simm.s32 $0x200  }
0x681: {  	v18 =	vld [tilespmem:s9+$0x10000]  }
0x682: {  	[tilespmem:s2+$0xFFFFFFE0] =	vst v16  }
0x683: {  	v16 =	vld [tilespmem:s11+$0x10030]  }
0x684: {  	[tilespmem:s7+$0xFFFFFFD0] =	vst v17  }
0x685: {  	s8 =	simm.s32 $0x8140;
	v17 =	vld [tilespmem:s31+$0x10020]  }
0x686: {  	[tilespmem:s8+$0xFFFFFFC0] =	vst v18  }
0x687: {  	s6 =	simm.s32 $0x300;
	v18 =	vld [tilespmem:s9+$0x10010]  }
0x688: {  	[tilespmem:s2+$0xFFFFFFF0] =	vst v16;
	v16 =	vld [tilespmem:s6+$0x10000]  }
0x689: {  	v19 =	vld [tilespmem:s11+$0x10080]  }
0x68a: {  	[tilespmem:s7+$0xFFFFFFE0] =	vst v17  }
0x68b: {  	v17 =	vld [tilespmem:s31+$0x10030]  }
0x68c: {  	s12 =	simm.s32 $0x81C0;
	[tilespmem:s8+$0xFFFFFFD0] =	vst v18  }
0x68d: {  	v18 =	vld [tilespmem:s9+$0x10020];
	[tilespmem:s12+$0xFFFFFFC0] =	vst v16  }
0x68e: {  	v16 =	vld [tilespmem:s6+$0x10010];
	[tilespmem:s2+$0x0] =	vst v19  }
0x68f: {  	s28 =	simm.s32 $0x400;
	v19 =	vld [tilespmem:s11+$0x10090]  }
0x690: {  	[tilespmem:s7+$0xFFFFFFF0] =	vst v17;
	v17 =	vld [tilespmem:s28+$0x10000]  }
0x691: {  	v20 =	vld [tilespmem:s31+$0x10080]  }
0x692: {  	[tilespmem:s8+$0xFFFFFFE0] =	vst v18  }
0x693: {  	v21 =	vld [tilespmem:s9+$0x10030];
	[tilespmem:s12+$0xFFFFFFD0] =	vst v16  }
0x694: {  	s26 =	simm.s32 $0x8240;
	v18 =	vld [tilespmem:s6+$0x10020];
	[tilespmem:s2+$0x10] =	vst v19  }
0x695: {  	[tilespmem:s26+$0xFFFFFFC0] =	vst v17;
	v16 =	vld [tilespmem:s11+$0x100A0]  }
0x696: {  	[tilespmem:s7+$0x0] =	vst v20;
	v19 =	vld [tilespmem:s28+$0x10010]  }
0x697: {  	s29 =	simm.s32 $0x500;
	v17 =	vld [tilespmem:s31+$0x10090]  }
0x698: {  	s20 =	smov.u32 s0;
	s30 =	simm.s32 $0x1800;
	[tilespmem:s8+$0xFFFFFFF0] =	vst v21;
	v20 =	vld [tilespmem:s29+$0x10000]  }
.LBB2_21:
0x699: {  	p1 =	sne.s32 s30, $0x7C00;
	[tilespmem:s12+$0xFFFFFFE0] =	vst v18;
	v21 =	vld [tilespmem:s9+$0x10080];
	s0 =	smov.u32 s8;
	s8 =	smov.u32 s12  }
0x69a: {  	s12 =	smov.u32 s26;
	v22 =	vld [tilespmem:s6+$0x10030];
	[tilespmem:s2+$0x20] =	vst v16  }
0x69b: {  	[tilespmem:s26+$0xFFFFFFD0] =	vst v19;
	v23 =	vld [tilespmem:s11+$0x100B0];
	s11 =	smov.u32 s31;
	s31 =	smov.u32 s9;
	s9 =	smov.u32 s6  }
.Ltmp14:
0x69c: {  	s26 =	sadd.s32 $0x80, s26;
	s6 =	smov.u32 s28;
	v18 =	vld [tilespmem:s28+$0x10020];
	[tilespmem:s7+$0x10] =	vst v17;
	(pc) =	sbr.rel @p1 .LBB2_21-.Ltmp14, $4  }
0x69d: {  	s28 =	smov.u32 s29;
	[tilespmem:s26+$0xFFFFFFC0] =	vst v20;
	v16 =	vld [tilespmem:s11+$0x100A0]  }
0x69e: {  	v19 =	vld [tilespmem:s28+$0x10010];
	[tilespmem:s0+$0x0] =	vst v21  }
0x69f: {  	s29 =	sshra.s32 s30, $0x2;
	[tilespmem:s8+$0xFFFFFFF0] =	vst v22;
	v17 =	vld [tilespmem:s31+$0x10090]  }
0x6a0: {  	s30 =	sadd.s32 $0x400, s30;
	v20 =	vld [tilespmem:s29+$0x10000];
	[tilespmem:s2+$0x30] =	vst v23;
	s2 =	smov.u32 s7;
	s7 =	smov.u32 s0  }
.Ltmp15:
0x6a1: {  	_ = 	snop;
	(pc) =	sbr.rel .LBB2_22-.Ltmp15, $1  }
0x6a2: {  	_ =	sdelay $0x3  }
.LBB2_24:
0x6a3: {  	_ =	sfence.sel $0x180000  }
0x6a4: {  	[bflag:$0x0] =	sbarrier.arrive $0xFFFF  }
0x6a5: {  	_ =	strace $0x90000047  }
0x6a6: {  	s0 =	stileid.u32;
	[bflag:$0x2] =	sbarrier.arrive $0xFFFF  }
0x6a7: {  	p0 =	sne.s32 s0, $0x0;
	s0 =	rddreg [dreg:$0x3]  }
0x6a8: {  	s0 =	sadd.s32 @!p0 $0x100000, s0  }
0x6a9: {  	[sflag:s0] =	ssyncadd.tile.s32 @!p0 $0x1;
	_ =	shalt  }
.Lfunc_end2:
_tile_overlayer_lowered:
.L_overlay_start_2:
0x6aa: {  	(tag) =	ssettag $0x2  }
0x6ab: {  	s0 =	rddreg [dreg:$0x0];
	s2 =	stileid.u32  }
0x6ac: {  	s1 =	rddreg [dreg:$0x1];
	p0 =	sne.s32 s2, $0x0  }
0x6ad: {  	s3 =	rddreg [dreg:$0x2];
	[bflag:$0x3] =	sbarrier.arrive $0xFFFF;
	s2 =	simm.s32 @!p0 $0x1C09  }
0x6ae: {  	[timem:s3], [sflag:s2] =	dma.local @!p0 [hbm:s0], s1  }
0x6af: {  	s0 =	simm.s32 @!p0 $0x9  }
0x6b0: {  	_ =	swait.ge @!p0 [sflag:s0], s1  }
0x6b1: {  	s1 =	ssub.s32 @!p0 $0x0, s1;
	[sflag:s0] =	ssyncset.done @!p0 $0x0  }
0x6b2: {  	[sflag:s0] =	ssyncadd.s32 @!p0 s1  }
0x6b3: {  	[bflag:$0x3] =	sbarrier.arrive $0xFFFF  }
0x6b4: {  	_ =	shalt  }

</sc_bundles>
